<compile_context>
chip_gen: v7x
topology: tpu7x:2x2x1
jax: 0.10.2.dev20260603
libtpu: 0.0.44.dev20260713+nightly
codegen_flags: <defaults>
</compile_context>

<pallas_src>
import jax
import jax.numpy as jnp
from jax import lax
from jax.experimental import pallas as pl
from jax.experimental.pallas import tpu as pltpu
from jax.experimental.pallas import tpu_sc as plsc

B = 2; N = 10000; T = 24; C = 2; E = 320000
HID = 64; HEADS = 4; CH = 16; TF = 14
NT = B * N
ET = B * E

_NW = 32
_EPW = ET // _NW
_K = 80
_CHUNKS = _EPW // _K
NTP = 20480
_ZROWS = NTP // 16
_W = 80



def _sc_body(src_h, dst_h, w_h, xa_h, adt_h, c_h, z_h, accp_h,
             srcv, dstv, wv, gv, adv, cv, acc_sh, sem):
    cid = lax.axis_index("c")
    sid = lax.axis_index("s")
    wid = cid * 16 + sid
    zbase = sid * _ZROWS
    pltpu.sync_copy(z_h, acc_sh.at[pl.ds(zbase, _ZROWS)])
    pltpu.sync_copy(c_h, cv)
    plsc.subcore_barrier()

    iot = lax.iota(jnp.int32, 16)
    lane_e = iot >> 2
    lane_h = iot & 3
    ctile = plsc.load_gather(cv, [lane_h])

    def chunk_body(ci, carry):
        base = wid * _EPW + ci * _K
        pltpu.sync_copy(src_h.at[pl.ds(base, _K)], srcv)
        pltpu.sync_copy(dst_h.at[pl.ds(base, _K)], dstv)
        pltpu.sync_copy(w_h.at[pl.ds(base, _K)], wv)
        cp_a = pltpu.async_copy(xa_h.at[srcv], gv, sem)
        cp_b = pltpu.async_copy(adt_h.at[dstv], adv, sem)
        cp_a.wait(); cp_b.wait()
        for j in range(_K * 4 // 16):
            rows = lane_e + (j * 4)
            a1 = plsc.load_gather(gv, [rows, lane_h + 64])
            a2 = plsc.load_gather(adv, [rows, lane_h])
            wvals = plsc.load_gather(wv, [rows])
            t = a1 + a2 + wvals * ctile
            al = jnp.exp(jnp.where(t > 0, t, 0.2 * t))
            plsc.store_scatter(gv, [rows, lane_h + 64], al)
        for j in range(_K * 2 // 16):
            flat = iot + j * 16
            rows = flat >> 1
            wvals = plsc.load_gather(wv, [rows])
            v = jnp.where((flat & 1) == 0, 1.0, wvals)
            plsc.store_scatter(gv, [rows, (flat & 1) + 68], v)

        def mb(j2, c2):
            e = j2 >> 2
            h = j2 & 3
            a = plsc.load_gather(gv, [jnp.full((16,), e, jnp.int32),
                                      jnp.full((16,), h + 64, jnp.int32)])
            sl = (e, pl.ds(h * 16, 16))
            gv[sl] = gv[sl] * a
            return c2
        lax.fori_loop(0, _K * 4, mb, None, unroll=16)

        pltpu.sync_copy(gv, acc_sh.at[dstv], add=True)
        return carry

    lax.fori_loop(0, _CHUNKS, chunk_body, None)
    plsc.subcore_barrier()
    pltpu.sync_copy(acc_sh.at[pl.ds(zbase, _ZROWS)],
                    accp_h.at[cid, pl.ds(zbase, _ZROWS)])


_sc_mesh = plsc.VectorSubcoreMesh(core_axis_name="c", subcore_axis_name="s")
_sc_layer = pl.kernel(
    _sc_body,
    out_type=jax.ShapeDtypeStruct((2, NTP, _W), jnp.float32),
    mesh=_sc_mesh,
    compiler_params=pltpu.CompilerParams(
        needs_layout_passes=False, use_tc_tiling_on_sc=False),
    scratch_types=(pltpu.VMEM((_K,), jnp.int32),
                   pltpu.VMEM((_K,), jnp.int32),
                   pltpu.VMEM((_K,), jnp.float32),
                   pltpu.VMEM((_K, _W), jnp.float32),
                   pltpu.VMEM((_K, 16), jnp.float32),
                   pltpu.VMEM((16,), jnp.float32),
                   pltpu.VMEM_SHARED((NTP, _W), jnp.float32),
                   pltpu.SemaphoreType.DMA))



_ROWS = 2000


def _pre0_body(xr_ref, w0m_ref, p0_ref, pd0_ref, swm_ref, sb_ref,
               xa_ref, adt_ref, skip_ref):
    xr = xr_ref[...]
    xp = jnp.dot(xr, w0m_ref[...], preferred_element_type=jnp.float32,
                 precision=lax.Precision.HIGHEST)
    xa_ref[...] = jnp.dot(xp, p0_ref[...], preferred_element_type=jnp.float32,
                 precision=lax.Precision.HIGHEST)
    adt_ref[...] = jnp.dot(xp, pd0_ref[...],
                           preferred_element_type=jnp.float32,
                 precision=lax.Precision.HIGHEST)
    skip_ref[...] = jnp.dot(xr, swm_ref[...],
                            preferred_element_type=jnp.float32,
                 precision=lax.Precision.HIGHEST) + sb_ref[...]


def _pre0(xr, w0m, p0, pd0, swm, skip_b):
    return pl.pallas_call(
        _pre0_body,
        grid=(NT // _ROWS,),
        in_specs=[pl.BlockSpec((_ROWS, T * C), lambda i: (i, 0)),
                  pl.BlockSpec((T * C, HID), lambda i: (0, 0)),
                  pl.BlockSpec((HID, _W), lambda i: (0, 0)),
                  pl.BlockSpec((HID, 16), lambda i: (0, 0)),
                  pl.BlockSpec((T * C, HID), lambda i: (0, 0)),
                  pl.BlockSpec((HID,), lambda i: (0,))],
        out_specs=[pl.BlockSpec((_ROWS, _W), lambda i: (i, 0)),
                   pl.BlockSpec((_ROWS, 16), lambda i: (i, 0)),
                   pl.BlockSpec((_ROWS, HID), lambda i: (i, 0))],
        out_shape=[jax.ShapeDtypeStruct((NT, _W), jnp.float32),
                   jax.ShapeDtypeStruct((NT, 16), jnp.float32),
                   jax.ShapeDtypeStruct((NT, HID), jnp.float32)],
    )(xr, w0m, p0, pd0, swm, skip_b)


def _gat_dense(acc0, acc1, xa, adt, crow, rm, bias, g, b, res):
    num = acc0[:, 0:HID] + acc1[:, 0:HID]
    den = acc0[:, 64:68] + acc1[:, 64:68]
    deg = acc0[:, 68:69] + acc1[:, 68:69]
    ew = acc0[:, 69:70] + acc1[:, 69:70]
    la = ew / jnp.maximum(deg, 1.0)
    t = xa[:, 64:68] + adt[:, 0:4] + la * crow
    al = jnp.exp(jnp.where(t > 0, t, 0.2 * t))
    den = jnp.dot(den + al, rm, precision=lax.Precision.HIGHEST)
    num = num + xa[:, 0:HID] * jnp.dot(al, rm,
                                       precision=lax.Precision.HIGHEST)
    h = num / (den + 1e-16) + bias
    mu = jnp.mean(h, -1, keepdims=True)
    var = jnp.mean((h - mu) ** 2, -1, keepdims=True)
    h = (h - mu) / jnp.sqrt(var + 1e-5) * g + b
    return jnp.maximum(h + res, 0.0)


def _combine0_body(a0_ref, a1_ref, xa_ref, adt_ref, crow_ref, rm_ref,
                   bias_ref, g_ref, b_ref, skip_ref, w1_ref, p1_ref, pd1_ref,
                   h1_ref, xa1_ref, adt1_ref):
    h1 = _gat_dense(a0_ref[...], a1_ref[...], xa_ref[...], adt_ref[...],
                    crow_ref[...], rm_ref[...], bias_ref[...], g_ref[...],
                    b_ref[...], skip_ref[...])
    h1_ref[...] = h1
    xp1 = jnp.dot(h1, w1_ref[...], preferred_element_type=jnp.float32,
                 precision=lax.Precision.HIGHEST)
    xa1_ref[...] = jnp.dot(xp1, p1_ref[...],
                           preferred_element_type=jnp.float32,
                 precision=lax.Precision.HIGHEST)
    adt1_ref[...] = jnp.dot(xp1, pd1_ref[...],
                            preferred_element_type=jnp.float32,
                 precision=lax.Precision.HIGHEST)


def _combine0(a0, a1, xa, adt, crow, rm, bias, g, b, skip, w1, p1, pd1):
    rspec = lambda w: pl.BlockSpec((_ROWS, w), lambda i: (i, 0))
    return pl.pallas_call(
        _combine0_body,
        grid=(NT // _ROWS,),
        in_specs=[rspec(_W), rspec(_W), rspec(_W), rspec(16),
                  pl.BlockSpec((1, 4), lambda i: (0, 0)),
                  pl.BlockSpec((4, HID), lambda i: (0, 0)),
                  pl.BlockSpec((HID,), lambda i: (0,)),
                  pl.BlockSpec((HID,), lambda i: (0,)),
                  pl.BlockSpec((HID,), lambda i: (0,)),
                  rspec(HID),
                  pl.BlockSpec((HID, HID), lambda i: (0, 0)),
                  pl.BlockSpec((HID, _W), lambda i: (0, 0)),
                  pl.BlockSpec((HID, 16), lambda i: (0, 0))],
        out_specs=[rspec(HID), rspec(_W), rspec(16)],
        out_shape=[jax.ShapeDtypeStruct((NT, HID), jnp.float32),
                   jax.ShapeDtypeStruct((NT, _W), jnp.float32),
                   jax.ShapeDtypeStruct((NT, 16), jnp.float32)],
    )(a0, a1, xa, adt, crow, rm, bias, g, b, skip, w1, p1, pd1)


def _combine1_body(a0_ref, a1_ref, xa_ref, adt_ref, crow_ref, rm_ref,
                   bias_ref, g_ref, b_ref, res_ref, hw_ref, hb_ref, out_ref):
    h2 = _gat_dense(a0_ref[...], a1_ref[...], xa_ref[...], adt_ref[...],
                    crow_ref[...], rm_ref[...], bias_ref[...], g_ref[...],
                    b_ref[...], res_ref[...])
    out_ref[...] = jnp.dot(h2, hw_ref[...],
                           preferred_element_type=jnp.float32,
                 precision=lax.Precision.HIGHEST) + hb_ref[...]


def _combine1(a0, a1, xa, adt, crow, rm, bias, g, b, res, hw, hb):
    rspec = lambda w: pl.BlockSpec((_ROWS, w), lambda i: (i, 0))
    return pl.pallas_call(
        _combine1_body,
        grid=(NT // _ROWS,),
        in_specs=[rspec(_W), rspec(_W), rspec(_W), rspec(16),
                  pl.BlockSpec((1, 4), lambda i: (0, 0)),
                  pl.BlockSpec((4, HID), lambda i: (0, 0)),
                  pl.BlockSpec((HID,), lambda i: (0,)),
                  pl.BlockSpec((HID,), lambda i: (0,)),
                  pl.BlockSpec((HID,), lambda i: (0,)),
                  rspec(HID),
                  pl.BlockSpec((HID, 128), lambda i: (0, 0)),
                  pl.BlockSpec((128,), lambda i: (0,))],
        out_specs=rspec(128),
        out_shape=jax.ShapeDtypeStruct((NT, 128), jnp.float32),
    )(a0, a1, xa, adt, crow, rm, bias, g, b, res, hw, hb)



def _fold_mats(att_s, att_d):
    mask = jnp.repeat(jnp.eye(HEADS, dtype=jnp.float32), CH, axis=0)
    p = jnp.zeros((HID, _W), jnp.float32)
    p = p.at[:, :HID].set(jnp.eye(HID, dtype=jnp.float32))
    p = p.at[:, HID:HID + 4].set(att_s.reshape(-1, 1) * mask)
    pd = jnp.zeros((HID, 16), jnp.float32)
    pd = pd.at[:, :4].set(att_d.reshape(-1, 1) * mask)
    return p, pd


def kernel(x_seq, edge_index, edge_weight, lin_W0, att_src0, att_dst0,
           att_edge0, lin_edge_W0, bias0, ln_g0, ln_b0, lin_W1, att_src1,
           att_dst1, att_edge1, lin_edge_W1, bias1, ln_g1, ln_b1, skip_W,
           skip_b, head_W, head_b):
    xr = x_seq.reshape(NT, T * C)
    w0m = jnp.tile(lin_W0, (T, 1)) / T
    swm = jnp.tile(skip_W, (T, 1)) / T
    p0, pd0 = _fold_mats(att_src0, att_dst0)
    p1, pd1 = _fold_mats(att_src1, att_dst1)
    rm = jnp.repeat(jnp.eye(HEADS, dtype=jnp.float32), CH, axis=0).T
    c0 = jnp.zeros((16,), jnp.float32).at[:4].set(
        (lin_edge_W0.reshape(HEADS, CH) * att_edge0).sum(-1))
    c1 = jnp.zeros((16,), jnp.float32).at[:4].set(
        (lin_edge_W1.reshape(HEADS, CH) * att_edge1).sum(-1))
    offsets = (jnp.arange(B, dtype=edge_index.dtype) * N).reshape(-1, 1, 1)
    batch_ei = (edge_index[None, :, :] + offsets).reshape(2, -1)
    src = batch_ei[0]
    dst = batch_ei[1]
    w = jnp.tile(edge_weight, B)
    z = jnp.zeros((_ZROWS, _W), jnp.float32)
    hw = jnp.zeros((HID, 128), jnp.float32).at[:, :TF].set(head_W)
    hb = jnp.zeros((128,), jnp.float32).at[:TF].set(head_b)

    xa0, adt0, skip = _pre0(xr, w0m, p0, pd0, swm, skip_b)
    accp0 = _sc_layer(src, dst, w, xa0, adt0, c0, z)
    h1, xa1, adt1 = _combine0(accp0[0, :NT], accp0[1, :NT], xa0, adt0,
                              c0[:4].reshape(1, 4), rm, bias0, ln_g0, ln_b0,
                              skip, lin_W1, p1, pd1)
    accp1 = _sc_layer(src, dst, w, xa1, adt1, c1, z)
    out = _combine1(accp1[0, :NT], accp1[1, :NT], xa1, adt1,
                    c1[:4].reshape(1, 4), rm, bias1, ln_g1, ln_b1, h1, hw, hb)
    return out[:, :TF].reshape(B, N, TF)

# --- scband reference (transcript-rebuilt; emitter-appended) ---
"""Pipeline reference for scband-spatial-only-gnn-19911468384347 (READ-ONLY COPY).

The authoritative reference and input builder live on the scoring server;
editing this copy changes nothing except your own understanding.
"""

import jax, jax.numpy as jnp
import numpy as np

B = 2; N = 10000; T = 24; C = 2; E = 320000
HID = 64; HEADS = 4; CH = 16; TF = 14


def setup_inputs():
    ks = jax.random.split(jax.random.key(0), 16)
    inp = {}
    inp['x_seq'] = jax.random.normal(ks[0], (B, N, T, C), dtype=jnp.float32)
    inp['edge_index'] = jax.random.randint(ks[1], (2, E), 0, N)
    inp['edge_weight'] = jax.random.uniform(ks[2], (E,), dtype=jnp.float32)
    k = 3
    for i in range(2):
        in_c = C if i == 0 else HID
        inp['lin_W%d' % i] = jax.random.normal(ks[k], (in_c, HEADS * CH), dtype=jnp.float32) / np.sqrt(in_c); k += 1
        inp['att_src%d' % i] = jax.random.normal(ks[k], (HEADS, CH), dtype=jnp.float32) * 0.1; k += 1
        inp['att_dst%d' % i] = jax.random.normal(ks[k], (HEADS, CH), dtype=jnp.float32) * 0.1; k += 1
        inp['att_edge%d' % i] = jax.random.normal(ks[k], (HEADS, CH), dtype=jnp.float32) * 0.1; k += 1
        inp['lin_edge_W%d' % i] = jax.random.normal(ks[k], (1, HEADS * CH), dtype=jnp.float32); k += 1
        inp['bias%d' % i] = jnp.zeros((HEADS * CH,), jnp.float32)
        inp['ln_g%d' % i] = jnp.ones((HID,), jnp.float32)
        inp['ln_b%d' % i] = jnp.zeros((HID,), jnp.float32)
    inp['skip_W'] = jax.random.normal(ks[13], (C, HID), dtype=jnp.float32) / np.sqrt(C)
    inp['skip_b'] = jnp.zeros((HID,), jnp.float32)
    inp['head_W'] = jax.random.normal(ks[14], (HID, TF), dtype=jnp.float32) / np.sqrt(HID)
    inp['head_b'] = jnp.zeros((TF,), jnp.float32)
    return inp


def _layernorm(x, g, b):
    mu = x.mean(-1, keepdims=True)
    var = ((x - mu) ** 2).mean(-1, keepdims=True)
    return (x - mu) / jnp.sqrt(var + 1e-5) * g + b


def _gat(h, src, dst, eattr, lin_W, att_s, att_d, att_e, lin_eW, bias, num_nodes):
    # PyG GATConv defaults: add_self_loops=True with edge_attr fill_value='mean'
    deg = jax.ops.segment_sum(jnp.ones(src.shape[0], jnp.float32), dst, num_segments=num_nodes)
    loop_attr = jax.ops.segment_sum(eattr, dst, num_segments=num_nodes) / jnp.maximum(deg, 1.0)[:, None]
    loop = jnp.arange(num_nodes, dtype=src.dtype)
    src = jnp.concatenate([src, loop])
    dst = jnp.concatenate([dst, loop])
    eattr = jnp.concatenate([eattr, loop_attr], axis=0)
    xp = (h @ lin_W).reshape(-1, HEADS, CH)
    a_s = (xp * att_s).sum(-1)
    a_d = (xp * att_d).sum(-1)
    ep = (eattr @ lin_eW).reshape(-1, HEADS, CH)
    a_e = (ep * att_e).sum(-1)
    alpha = a_s[src] + a_d[dst] + a_e
    alpha = jax.nn.leaky_relu(alpha, 0.2)
    m = jax.ops.segment_max(alpha, dst, num_segments=num_nodes)
    m = jnp.where(jnp.isfinite(m), m, 0.0)
    ex = jnp.exp(alpha - m[dst])
    den = jax.ops.segment_sum(ex, dst, num_segments=num_nodes)
    alpha = ex / (den[dst] + 1e-16)
    msg = xp[src] * alpha[:, :, None]
    out = jax.ops.segment_sum(msg, dst, num_segments=num_nodes)
    return out.reshape(num_nodes, HEADS * CH) + bias


def _forward(x_seq, edge_index, edge_weight, lin_W0, att_src0, att_dst0, att_edge0, lin_edge_W0, bias0, ln_g0, ln_b0, lin_W1, att_src1, att_dst1, att_edge1, lin_edge_W1, bias1, ln_g1, ln_b1, skip_W, skip_b, head_W, head_b):
    x = x_seq.mean(axis=2)
    offsets = (jnp.arange(B, dtype=edge_index.dtype) * N).reshape(-1, 1, 1)
    batch_ei = (edge_index[None, :, :] + offsets).reshape(2, -1)  # faithful to torch reshape semantics
    batch_ew = jnp.tile(edge_weight, B)
    batch_ea = batch_ew[:, None]
    src = batch_ei[0]
    dst = batch_ei[1]
    Nt = B * N
    h = x.reshape(Nt, C)
    skip = h @ skip_W + skip_b
    params = [
        (lin_W0, att_src0, att_dst0, att_edge0, lin_edge_W0, bias0, ln_g0, ln_b0),
        (lin_W1, att_src1, att_dst1, att_edge1, lin_edge_W1, bias1, ln_g1, ln_b1),
    ]
    for i, p in enumerate(params):
        h_in = h
        h = _gat(h, src, dst, batch_ea, p[0], p[1], p[2], p[3], p[4], p[5], Nt)
        h = _layernorm(h, p[6], p[7])
        h = h + (skip if i == 0 else h_in)
        h = jax.nn.relu(h)
        # dropout is identity in eval mode
    out = h @ head_W + head_b
    return out.reshape(B, N, TF)


def reference(x_seq, edge_index, edge_weight, lin_W0, att_src0, att_dst0, att_edge0, lin_edge_W0, bias0, ln_g0, ln_b0, lin_W1, att_src1, att_dst1, att_edge1, lin_edge_W1, bias1, ln_g1, ln_b1, skip_W, skip_b, head_W, head_b):
    return _forward(x_seq, edge_index, edge_weight, lin_W0, att_src0, att_dst0, att_edge0, lin_edge_W0, bias0, ln_g0, ln_b0, lin_W1, att_src1, att_dst1, att_edge1, lin_edge_W1, bias1, ln_g1, ln_b1, skip_W, skip_b, head_W, head_b)

if __name__ == "__main__":
    import jax
    _d = setup_inputs()
    print(jax.jit(kernel)(*tuple(_d.values())))

</pallas_src>

<mosaic_0001>
#map = affine_map<(d0, d1) -> (0)>
#map1 = affine_map<(d0, d1) -> (0, 0)>
#map2 = affine_map<(d0, d1) -> (0, 0, 0)>
module attributes {stable_mosaic.version = 14 : i64} {
  func.func @_sc_body(%arg0: i32, %arg1: i32, %arg2: memref<640000xi32, #tpu.memory_space<hbm>>, %arg3: memref<640000xi32, #tpu.memory_space<hbm>>, %arg4: memref<640000xf32, #tpu.memory_space<hbm>>, %arg5: memref<20000x80xf32, #tpu.memory_space<hbm>>, %arg6: memref<20000x16xf32, #tpu.memory_space<hbm>>, %arg7: memref<16xf32, #tpu.memory_space<hbm>>, %arg8: memref<1280x80xf32, #tpu.memory_space<hbm>>, %arg9: memref<2x20480x80xf32, #tpu.memory_space<hbm>>, %arg10: memref<80xi32, #tpu.memory_space<vmem>>, %arg11: memref<80xi32, #tpu.memory_space<vmem>>, %arg12: memref<80xf32, #tpu.memory_space<vmem>>, %arg13: memref<80x80xf32, #tpu.memory_space<vmem>>, %arg14: memref<80x16xf32, #tpu.memory_space<vmem>>, %arg15: memref<16xf32, #tpu.memory_space<vmem>>, %arg16: memref<20480x80xf32, #tpu.memory_space<vmem_shared>>, %arg17: memref<!tpu.dma_semaphore, #tpu.memory_space<semaphore_mem>>) attributes {dimension_semantics = [#tpu.dimension_semantics<core_parallel>, #tpu.dimension_semantics<subcore_parallel>], iteration_bounds = array<i64: 2, 16>, scalar_prefetch = 0 : i64, scratch_operands = 8 : i64, tpu.core_type = #tpu.core_type<sc_vector_subcore>, window_params = [{transform_indices = #map}, {transform_indices = #map}, {transform_indices = #map}, {transform_indices = #map1}, {transform_indices = #map1}, {transform_indices = #map}, {transform_indices = #map1}, {transform_indices = #map2}]} {
    %mul3A = arith.constant 16 : i32
    %mul3A_0 = arith.muli %arg0, %mul3A : i32
    %add3A = arith.addi %mul3A_0, %arg1 : i32
    %mul3A_1 = arith.constant 1280 : i32
    %mul3A_2 = arith.muli %arg1, %mul3A_1 : i32
    "tpu.region"() ({
      %run_scoped3A = tpu.sem_alloc : memref<!tpu.dma_semaphore, #tpu.memory_space<semaphore_mem>>
      %dma_start3A = arith.constant 0 : i32
      %dma_start3A_12 = tpu.memref_slice %arg16[%mul3A_2, %dma_start3A] : memref<20480x80xf32, #tpu.memory_space<vmem_shared>> -> memref<1280x80xf32, #tpu.memory_space<vmem_shared>>
      tpu.enqueue_dma source(%arg8 : memref<1280x80xf32, #tpu.memory_space<hbm>>) target(%dma_start3A_12 : memref<1280x80xf32, #tpu.memory_space<vmem_shared>>) target_semaphore(%run_scoped3A : memref<!tpu.dma_semaphore, #tpu.memory_space<semaphore_mem>>)
      %dma_wait3A = arith.constant 0 : i32
      %dma_wait3A_13 = tpu.memref_slice %arg16[%mul3A_2, %dma_wait3A] : memref<20480x80xf32, #tpu.memory_space<vmem_shared>> -> memref<1280x80xf32, #tpu.memory_space<vmem_shared>>
      tpu.wait_dma2 semaphore(%run_scoped3A : memref<!tpu.dma_semaphore, #tpu.memory_space<semaphore_mem>>) src(%arg8 : memref<1280x80xf32, #tpu.memory_space<hbm>>) dst(%dma_wait3A_13 : memref<1280x80xf32, #tpu.memory_space<vmem_shared>>)
      tpu.yield
    }) : () -> ()
    "tpu.region"() ({
      %run_scoped3A = tpu.sem_alloc : memref<!tpu.dma_semaphore, #tpu.memory_space<semaphore_mem>>
      tpu.enqueue_dma source(%arg7 : memref<16xf32, #tpu.memory_space<hbm>>) target(%arg15 : memref<16xf32, #tpu.memory_space<vmem>>) target_semaphore(%run_scoped3A : memref<!tpu.dma_semaphore, #tpu.memory_space<semaphore_mem>>)
      tpu.wait_dma2 semaphore(%run_scoped3A : memref<!tpu.dma_semaphore, #tpu.memory_space<semaphore_mem>>) src(%arg7 : memref<16xf32, #tpu.memory_space<hbm>>) dst(%arg15 : memref<16xf32, #tpu.memory_space<vmem>>)
      tpu.yield
    }) : () -> ()
    %barrier3A = arith.constant 0 : index
    tpu.barrier barrier_id(%barrier3A)
    %iota3A = tpu.iota {dimensions = array<i32: 0>} : vector<16xi32>
    %shift_right_arithmetic3A = arith.constant 2 : i32
    %shift_right_arithmetic3A_3 = vector.broadcast %shift_right_arithmetic3A : i32 to vector<16xi32>
    %shift_right_arithmetic3A_4 = arith.shrsi %iota3A, %shift_right_arithmetic3A_3 : vector<16xi32>
    %and3A = arith.constant 3 : i32
    %and3A_5 = vector.broadcast %and3A : i32 to vector<16xi32>
    %and3A_6 = arith.andi %iota3A, %and3A_5 : vector<16xi32>
    %gather3A = tpu.vector_load_idx %arg15[%and3A_6] : memref<16xf32, #tpu.memory_space<vmem>>[vector<16xi32>], vector<16xf32>,
    %scan3A = arith.constant 0 : i32
    %scan3A_7 = arith.constant 250 : i32
    %scan3A_8 = arith.addi %scan3A, %scan3A_7 : i32
    %scan3A_9 = arith.constant 1 : i32
    scf.for %scan3A_12 = %scan3A to %scan3A_8 step %scan3A_9  : i32 {
      %mul3A_13 = arith.constant 20000 : i32
      %mul3A_14 = arith.muli %add3A, %mul3A_13 : i32
      %mul3A_15 = arith.constant 80 : i32
      %mul3A_16 = arith.muli %scan3A_12, %mul3A_15 : i32
      %add3A_17 = arith.addi %mul3A_14, %mul3A_16 : i32
      "tpu.region"() ({
        %run_scoped3A = tpu.sem_alloc : memref<!tpu.dma_semaphore, #tpu.memory_space<semaphore_mem>>
        %dma_start3A_707 = tpu.memref_slice %arg2[%add3A_17] : memref<640000xi32, #tpu.memory_space<hbm>> -> memref<80xi32, #tpu.memory_space<hbm>>
        %dma_start3A_708 = tpu.memref_slice %arg2[%add3A_17] : memref<640000xi32, #tpu.memory_space<hbm>> -> memref<80xi32, #tpu.memory_space<hbm>>
        tpu.enqueue_dma source(%dma_start3A_708 : memref<80xi32, #tpu.memory_space<hbm>>) target(%arg10 : memref<80xi32, #tpu.memory_space<vmem>>) target_semaphore(%run_scoped3A : memref<!tpu.dma_semaphore, #tpu.memory_space<semaphore_mem>>)
        %dma_wait3A_709 = tpu.memref_slice %arg2[%add3A_17] : memref<640000xi32, #tpu.memory_space<hbm>> -> memref<80xi32, #tpu.memory_space<hbm>>
        %dma_wait3A_710 = tpu.memref_slice %arg2[%add3A_17] : memref<640000xi32, #tpu.memory_space<hbm>> -> memref<80xi32, #tpu.memory_space<hbm>>
        tpu.wait_dma2 semaphore(%run_scoped3A : memref<!tpu.dma_semaphore, #tpu.memory_space<semaphore_mem>>) src(%dma_wait3A_710 : memref<80xi32, #tpu.memory_space<hbm>>) dst(%arg10 : memref<80xi32, #tpu.memory_space<vmem>>)
        tpu.yield
      }) : () -> ()
      "tpu.region"() ({
        %run_scoped3A = tpu.sem_alloc : memref<!tpu.dma_semaphore, #tpu.memory_space<semaphore_mem>>
        %dma_start3A_707 = tpu.memref_slice %arg3[%add3A_17] : memref<640000xi32, #tpu.memory_space<hbm>> -> memref<80xi32, #tpu.memory_space<hbm>>
        %dma_start3A_708 = tpu.memref_slice %arg3[%add3A_17] : memref<640000xi32, #tpu.memory_space<hbm>> -> memref<80xi32, #tpu.memory_space<hbm>>
        tpu.enqueue_dma source(%dma_start3A_708 : memref<80xi32, #tpu.memory_space<hbm>>) target(%arg11 : memref<80xi32, #tpu.memory_space<vmem>>) target_semaphore(%run_scoped3A : memref<!tpu.dma_semaphore, #tpu.memory_space<semaphore_mem>>)
        %dma_wait3A_709 = tpu.memref_slice %arg3[%add3A_17] : memref<640000xi32, #tpu.memory_space<hbm>> -> memref<80xi32, #tpu.memory_space<hbm>>
        %dma_wait3A_710 = tpu.memref_slice %arg3[%add3A_17] : memref<640000xi32, #tpu.memory_space<hbm>> -> memref<80xi32, #tpu.memory_space<hbm>>
        tpu.wait_dma2 semaphore(%run_scoped3A : memref<!tpu.dma_semaphore, #tpu.memory_space<semaphore_mem>>) src(%dma_wait3A_710 : memref<80xi32, #tpu.memory_space<hbm>>) dst(%arg11 : memref<80xi32, #tpu.memory_space<vmem>>)
        tpu.yield
      }) : () -> ()
      "tpu.region"() ({
        %run_scoped3A = tpu.sem_alloc : memref<!tpu.dma_semaphore, #tpu.memory_space<semaphore_mem>>
        %dma_start3A_707 = tpu.memref_slice %arg4[%add3A_17] : memref<640000xf32, #tpu.memory_space<hbm>> -> memref<80xf32, #tpu.memory_space<hbm>>
        %dma_start3A_708 = tpu.memref_slice %arg4[%add3A_17] : memref<640000xf32, #tpu.memory_space<hbm>> -> memref<80xf32, #tpu.memory_space<hbm>>
        tpu.enqueue_dma source(%dma_start3A_708 : memref<80xf32, #tpu.memory_space<hbm>>) target(%arg12 : memref<80xf32, #tpu.memory_space<vmem>>) target_semaphore(%run_scoped3A : memref<!tpu.dma_semaphore, #tpu.memory_space<semaphore_mem>>)
        %dma_wait3A_709 = tpu.memref_slice %arg4[%add3A_17] : memref<640000xf32, #tpu.memory_space<hbm>> -> memref<80xf32, #tpu.memory_space<hbm>>
        %dma_wait3A_710 = tpu.memref_slice %arg4[%add3A_17] : memref<640000xf32, #tpu.memory_space<hbm>> -> memref<80xf32, #tpu.memory_space<hbm>>
        tpu.wait_dma2 semaphore(%run_scoped3A : memref<!tpu.dma_semaphore, #tpu.memory_space<semaphore_mem>>) src(%dma_wait3A_710 : memref<80xf32, #tpu.memory_space<hbm>>) dst(%arg12 : memref<80xf32, #tpu.memory_space<vmem>>)
        tpu.yield
      }) : () -> ()
      %dma_start3A = arith.constant 0 : i32
      %dma_start3A_18 = arith.constant 0 : i32
      %dma_start3A_19 = tpu.memref_slice %arg5[%dma_start3A, %dma_start3A_18] : memref<20000x80xf32, #tpu.memory_space<hbm>> -> memref<20000x80xf32, #tpu.memory_space<hbm>>
      tpu.enqueue_indirect_dma source(%dma_start3A_19 : memref<20000x80xf32, #tpu.memory_space<hbm>>) target(%arg13 : memref<80x80xf32, #tpu.memory_space<vmem>>) offsets(%arg10 : memref<80xi32, #tpu.memory_space<vmem>>) semaphore(%arg17 : memref<!tpu.dma_semaphore, #tpu.memory_space<semaphore_mem>>)
      %dma_start3A_20 = arith.constant 0 : i32
      %dma_start3A_21 = arith.constant 0 : i32
      %dma_start3A_22 = tpu.memref_slice %arg6[%dma_start3A_20, %dma_start3A_21] : memref<20000x16xf32, #tpu.memory_space<hbm>> -> memref<20000x16xf32, #tpu.memory_space<hbm>>
      tpu.enqueue_indirect_dma source(%dma_start3A_22 : memref<20000x16xf32, #tpu.memory_space<hbm>>) target(%arg14 : memref<80x16xf32, #tpu.memory_space<vmem>>) offsets(%arg11 : memref<80xi32, #tpu.memory_space<vmem>>) semaphore(%arg17 : memref<!tpu.dma_semaphore, #tpu.memory_space<semaphore_mem>>)
      %dma_wait3A = arith.constant 0 : i32
      %dma_wait3A_23 = arith.constant 0 : i32
      %dma_wait3A_24 = tpu.memref_slice %arg5[%dma_wait3A, %dma_wait3A_23] : memref<20000x80xf32, #tpu.memory_space<hbm>> -> memref<20000x80xf32, #tpu.memory_space<hbm>>
      tpu.wait_indirect_dma semaphore(%arg17 : memref<!tpu.dma_semaphore, #tpu.memory_space<semaphore_mem>>) src(%dma_wait3A_24 : memref<20000x80xf32, #tpu.memory_space<hbm>>) dst(%arg13 : memref<80x80xf32, #tpu.memory_space<vmem>>)
      %dma_wait3A_25 = arith.constant 0 : i32
      %dma_wait3A_26 = arith.constant 0 : i32
      %dma_wait3A_27 = tpu.memref_slice %arg6[%dma_wait3A_25, %dma_wait3A_26] : memref<20000x16xf32, #tpu.memory_space<hbm>> -> memref<20000x16xf32, #tpu.memory_space<hbm>>
      tpu.wait_indirect_dma semaphore(%arg17 : memref<!tpu.dma_semaphore, #tpu.memory_space<semaphore_mem>>) src(%dma_wait3A_27 : memref<20000x16xf32, #tpu.memory_space<hbm>>) dst(%arg14 : memref<80x16xf32, #tpu.memory_space<vmem>>)
      %add3A_28 = arith.constant 0 : i32
      %add3A_29 = vector.broadcast %add3A_28 : i32 to vector<16xi32>
      %add3A_30 = arith.addi %shift_right_arithmetic3A_4, %add3A_29 : vector<16xi32>
      %add3A_31 = arith.constant 64 : i32
      %add3A_32 = vector.broadcast %add3A_31 : i32 to vector<16xi32>
      %add3A_33 = arith.addi %and3A_6, %add3A_32 : vector<16xi32>
      %gather3A_34 = tpu.vector_load_idx %arg13[%add3A_30, %add3A_33] : memref<80x80xf32, #tpu.memory_space<vmem>>[vector<16xi32>, vector<16xi32>], vector<16xf32>,
      %gather3A_35 = tpu.vector_load_idx %arg14[%add3A_30, %and3A_6] : memref<80x16xf32, #tpu.memory_space<vmem>>[vector<16xi32>, vector<16xi32>], vector<16xf32>,
      %gather3A_36 = tpu.vector_load_idx %arg12[%add3A_30] : memref<80xf32, #tpu.memory_space<vmem>>[vector<16xi32>], vector<16xf32>,
      %add3A_37 = arith.addf %gather3A_34, %gather3A_35 : vector<16xf32>
      %mul3A_38 = arith.mulf %gather3A_36, %gather3A : vector<16xf32>
      %add3A_39 = arith.addf %add3A_37, %mul3A_38 : vector<16xf32>
      %gt3A = arith.constant 0.000000e+00 : f32
      %gt3A_40 = vector.broadcast %gt3A : f32 to vector<16xf32>
      %gt3A_41 = arith.cmpf ogt, %add3A_39, %gt3A_40 : vector<16xf32>
      %mul3A_42 = arith.constant 2.000000e-01 : f32
      %mul3A_43 = vector.broadcast %mul3A_42 : f32 to vector<16xf32>
      %mul3A_44 = arith.mulf %mul3A_43, %add3A_39 : vector<16xf32>
      %select_n3A = arith.select %gt3A_41, %add3A_39, %mul3A_44 : vector<16xi1>, vector<16xf32>
      %exp3A = math.exp %select_n3A : vector<16xf32>
      %add3A_45 = arith.constant 64 : i32
      %add3A_46 = vector.broadcast %add3A_45 : i32 to vector<16xi32>
      %add3A_47 = arith.addi %and3A_6, %add3A_46 : vector<16xi32>
      tpu.vector_store_idx %arg13[%add3A_30, %add3A_47], %exp3A : memref<80x80xf32, #tpu.memory_space<vmem>>[vector<16xi32>, vector<16xi32>], vector<16xf32>,
      %add3A_48 = arith.constant 4 : i32
      %add3A_49 = vector.broadcast %add3A_48 : i32 to vector<16xi32>
      %add3A_50 = arith.addi %shift_right_arithmetic3A_4, %add3A_49 : vector<16xi32>
      %add3A_51 = arith.constant 64 : i32
      %add3A_52 = vector.broadcast %add3A_51 : i32 to vector<16xi32>
      %add3A_53 = arith.addi %and3A_6, %add3A_52 : vector<16xi32>
      %gather3A_54 = tpu.vector_load_idx %arg13[%add3A_50, %add3A_53] : memref<80x80xf32, #tpu.memory_space<vmem>>[vector<16xi32>, vector<16xi32>], vector<16xf32>,
      %gather3A_55 = tpu.vector_load_idx %arg14[%add3A_50, %and3A_6] : memref<80x16xf32, #tpu.memory_space<vmem>>[vector<16xi32>, vector<16xi32>], vector<16xf32>,
      %gather3A_56 = tpu.vector_load_idx %arg12[%add3A_50] : memref<80xf32, #tpu.memory_space<vmem>>[vector<16xi32>], vector<16xf32>,
      %add3A_57 = arith.addf %gather3A_54, %gather3A_55 : vector<16xf32>
      %mul3A_58 = arith.mulf %gather3A_56, %gather3A : vector<16xf32>
      %add3A_59 = arith.addf %add3A_57, %mul3A_58 : vector<16xf32>
      %gt3A_60 = arith.constant 0.000000e+00 : f32
      %gt3A_61 = vector.broadcast %gt3A_60 : f32 to vector<16xf32>
      %gt3A_62 = arith.cmpf ogt, %add3A_59, %gt3A_61 : vector<16xf32>
      %mul3A_63 = arith.constant 2.000000e-01 : f32
      %mul3A_64 = vector.broadcast %mul3A_63 : f32 to vector<16xf32>
      %mul3A_65 = arith.mulf %mul3A_64, %add3A_59 : vector<16xf32>
      %select_n3A_66 = arith.select %gt3A_62, %add3A_59, %mul3A_65 : vector<16xi1>, vector<16xf32>
      %exp3A_67 = math.exp %select_n3A_66 : vector<16xf32>
      %add3A_68 = arith.constant 64 : i32
      %add3A_69 = vector.broadcast %add3A_68 : i32 to vector<16xi32>
      %add3A_70 = arith.addi %and3A_6, %add3A_69 : vector<16xi32>
      tpu.vector_store_idx %arg13[%add3A_50, %add3A_70], %exp3A_67 : memref<80x80xf32, #tpu.memory_space<vmem>>[vector<16xi32>, vector<16xi32>], vector<16xf32>,
      %add3A_71 = arith.constant 8 : i32
      %add3A_72 = vector.broadcast %add3A_71 : i32 to vector<16xi32>
      %add3A_73 = arith.addi %shift_right_arithmetic3A_4, %add3A_72 : vector<16xi32>
      %add3A_74 = arith.constant 64 : i32
      %add3A_75 = vector.broadcast %add3A_74 : i32 to vector<16xi32>
      %add3A_76 = arith.addi %and3A_6, %add3A_75 : vector<16xi32>
      %gather3A_77 = tpu.vector_load_idx %arg13[%add3A_73, %add3A_76] : memref<80x80xf32, #tpu.memory_space<vmem>>[vector<16xi32>, vector<16xi32>], vector<16xf32>,
      %gather3A_78 = tpu.vector_load_idx %arg14[%add3A_73, %and3A_6] : memref<80x16xf32, #tpu.memory_space<vmem>>[vector<16xi32>, vector<16xi32>], vector<16xf32>,
      %gather3A_79 = tpu.vector_load_idx %arg12[%add3A_73] : memref<80xf32, #tpu.memory_space<vmem>>[vector<16xi32>], vector<16xf32>,
      %add3A_80 = arith.addf %gather3A_77, %gather3A_78 : vector<16xf32>
      %mul3A_81 = arith.mulf %gather3A_79, %gather3A : vector<16xf32>
      %add3A_82 = arith.addf %add3A_80, %mul3A_81 : vector<16xf32>
      %gt3A_83 = arith.constant 0.000000e+00 : f32
      %gt3A_84 = vector.broadcast %gt3A_83 : f32 to vector<16xf32>
      %gt3A_85 = arith.cmpf ogt, %add3A_82, %gt3A_84 : vector<16xf32>
      %mul3A_86 = arith.constant 2.000000e-01 : f32
      %mul3A_87 = vector.broadcast %mul3A_86 : f32 to vector<16xf32>
      %mul3A_88 = arith.mulf %mul3A_87, %add3A_82 : vector<16xf32>
      %select_n3A_89 = arith.select %gt3A_85, %add3A_82, %mul3A_88 : vector<16xi1>, vector<16xf32>
      %exp3A_90 = math.exp %select_n3A_89 : vector<16xf32>
      %add3A_91 = arith.constant 64 : i32
      %add3A_92 = vector.broadcast %add3A_91 : i32 to vector<16xi32>
      %add3A_93 = arith.addi %and3A_6, %add3A_92 : vector<16xi32>
      tpu.vector_store_idx %arg13[%add3A_73, %add3A_93], %exp3A_90 : memref<80x80xf32, #tpu.memory_space<vmem>>[vector<16xi32>, vector<16xi32>], vector<16xf32>,
      %add3A_94 = arith.constant 12 : i32
      %add3A_95 = vector.broadcast %add3A_94 : i32 to vector<16xi32>
      %add3A_96 = arith.addi %shift_right_arithmetic3A_4, %add3A_95 : vector<16xi32>
      %add3A_97 = arith.constant 64 : i32
      %add3A_98 = vector.broadcast %add3A_97 : i32 to vector<16xi32>
      %add3A_99 = arith.addi %and3A_6, %add3A_98 : vector<16xi32>
      %gather3A_100 = tpu.vector_load_idx %arg13[%add3A_96, %add3A_99] : memref<80x80xf32, #tpu.memory_space<vmem>>[vector<16xi32>, vector<16xi32>], vector<16xf32>,
      %gather3A_101 = tpu.vector_load_idx %arg14[%add3A_96, %and3A_6] : memref<80x16xf32, #tpu.memory_space<vmem>>[vector<16xi32>, vector<16xi32>], vector<16xf32>,
      %gather3A_102 = tpu.vector_load_idx %arg12[%add3A_96] : memref<80xf32, #tpu.memory_space<vmem>>[vector<16xi32>], vector<16xf32>,
      %add3A_103 = arith.addf %gather3A_100, %gather3A_101 : vector<16xf32>
      %mul3A_104 = arith.mulf %gather3A_102, %gather3A : vector<16xf32>
      %add3A_105 = arith.addf %add3A_103, %mul3A_104 : vector<16xf32>
      %gt3A_106 = arith.constant 0.000000e+00 : f32
      %gt3A_107 = vector.broadcast %gt3A_106 : f32 to vector<16xf32>
      %gt3A_108 = arith.cmpf ogt, %add3A_105, %gt3A_107 : vector<16xf32>
      %mul3A_109 = arith.constant 2.000000e-01 : f32
      %mul3A_110 = vector.broadcast %mul3A_109 : f32 to vector<16xf32>
      %mul3A_111 = arith.mulf %mul3A_110, %add3A_105 : vector<16xf32>
      %select_n3A_112 = arith.select %gt3A_108, %add3A_105, %mul3A_111 : vector<16xi1>, vector<16xf32>
      %exp3A_113 = math.exp %select_n3A_112 : vector<16xf32>
      %add3A_114 = arith.constant 64 : i32
      %add3A_115 = vector.broadcast %add3A_114 : i32 to vector<16xi32>
      %add3A_116 = arith.addi %and3A_6, %add3A_115 : vector<16xi32>
      tpu.vector_store_idx %arg13[%add3A_96, %add3A_116], %exp3A_113 : memref<80x80xf32, #tpu.memory_space<vmem>>[vector<16xi32>, vector<16xi32>], vector<16xf32>,
      %add3A_117 = arith.constant 16 : i32
      %add3A_118 = vector.broadcast %add3A_117 : i32 to vector<16xi32>
      %add3A_119 = arith.addi %shift_right_arithmetic3A_4, %add3A_118 : vector<16xi32>
      %add3A_120 = arith.constant 64 : i32
      %add3A_121 = vector.broadcast %add3A_120 : i32 to vector<16xi32>
      %add3A_122 = arith.addi %and3A_6, %add3A_121 : vector<16xi32>
      %gather3A_123 = tpu.vector_load_idx %arg13[%add3A_119, %add3A_122] : memref<80x80xf32, #tpu.memory_space<vmem>>[vector<16xi32>, vector<16xi32>], vector<16xf32>,
      %gather3A_124 = tpu.vector_load_idx %arg14[%add3A_119, %and3A_6] : memref<80x16xf32, #tpu.memory_space<vmem>>[vector<16xi32>, vector<16xi32>], vector<16xf32>,
      %gather3A_125 = tpu.vector_load_idx %arg12[%add3A_119] : memref<80xf32, #tpu.memory_space<vmem>>[vector<16xi32>], vector<16xf32>,
      %add3A_126 = arith.addf %gather3A_123, %gather3A_124 : vector<16xf32>
      %mul3A_127 = arith.mulf %gather3A_125, %gather3A : vector<16xf32>
      %add3A_128 = arith.addf %add3A_126, %mul3A_127 : vector<16xf32>
      %gt3A_129 = arith.constant 0.000000e+00 : f32
      %gt3A_130 = vector.broadcast %gt3A_129 : f32 to vector<16xf32>
      %gt3A_131 = arith.cmpf ogt, %add3A_128, %gt3A_130 : vector<16xf32>
      %mul3A_132 = arith.constant 2.000000e-01 : f32
      %mul3A_133 = vector.broadcast %mul3A_132 : f32 to vector<16xf32>
      %mul3A_134 = arith.mulf %mul3A_133, %add3A_128 : vector<16xf32>
      %select_n3A_135 = arith.select %gt3A_131, %add3A_128, %mul3A_134 : vector<16xi1>, vector<16xf32>
      %exp3A_136 = math.exp %select_n3A_135 : vector<16xf32>
      %add3A_137 = arith.constant 64 : i32
      %add3A_138 = vector.broadcast %add3A_137 : i32 to vector<16xi32>
      %add3A_139 = arith.addi %and3A_6, %add3A_138 : vector<16xi32>
      tpu.vector_store_idx %arg13[%add3A_119, %add3A_139], %exp3A_136 : memref<80x80xf32, #tpu.memory_space<vmem>>[vector<16xi32>, vector<16xi32>], vector<16xf32>,
      %add3A_140 = arith.constant 20 : i32
      %add3A_141 = vector.broadcast %add3A_140 : i32 to vector<16xi32>
      %add3A_142 = arith.addi %shift_right_arithmetic3A_4, %add3A_141 : vector<16xi32>
      %add3A_143 = arith.constant 64 : i32
      %add3A_144 = vector.broadcast %add3A_143 : i32 to vector<16xi32>
      %add3A_145 = arith.addi %and3A_6, %add3A_144 : vector<16xi32>
      %gather3A_146 = tpu.vector_load_idx %arg13[%add3A_142, %add3A_145] : memref<80x80xf32, #tpu.memory_space<vmem>>[vector<16xi32>, vector<16xi32>], vector<16xf32>,
      %gather3A_147 = tpu.vector_load_idx %arg14[%add3A_142, %and3A_6] : memref<80x16xf32, #tpu.memory_space<vmem>>[vector<16xi32>, vector<16xi32>], vector<16xf32>,
      %gather3A_148 = tpu.vector_load_idx %arg12[%add3A_142] : memref<80xf32, #tpu.memory_space<vmem>>[vector<16xi32>], vector<16xf32>,
      %add3A_149 = arith.addf %gather3A_146, %gather3A_147 : vector<16xf32>
      %mul3A_150 = arith.mulf %gather3A_148, %gather3A : vector<16xf32>
      %add3A_151 = arith.addf %add3A_149, %mul3A_150 : vector<16xf32>
      %gt3A_152 = arith.constant 0.000000e+00 : f32
      %gt3A_153 = vector.broadcast %gt3A_152 : f32 to vector<16xf32>
      %gt3A_154 = arith.cmpf ogt, %add3A_151, %gt3A_153 : vector<16xf32>
      %mul3A_155 = arith.constant 2.000000e-01 : f32
      %mul3A_156 = vector.broadcast %mul3A_155 : f32 to vector<16xf32>
      %mul3A_157 = arith.mulf %mul3A_156, %add3A_151 : vector<16xf32>
      %select_n3A_158 = arith.select %gt3A_154, %add3A_151, %mul3A_157 : vector<16xi1>, vector<16xf32>
      %exp3A_159 = math.exp %select_n3A_158 : vector<16xf32>
      %add3A_160 = arith.constant 64 : i32
      %add3A_161 = vector.broadcast %add3A_160 : i32 to vector<16xi32>
      %add3A_162 = arith.addi %and3A_6, %add3A_161 : vector<16xi32>
      tpu.vector_store_idx %arg13[%add3A_142, %add3A_162], %exp3A_159 : memref<80x80xf32, #tpu.memory_space<vmem>>[vector<16xi32>, vector<16xi32>], vector<16xf32>,
      %add3A_163 = arith.constant 24 : i32
      %add3A_164 = vector.broadcast %add3A_163 : i32 to vector<16xi32>
      %add3A_165 = arith.addi %shift_right_arithmetic3A_4, %add3A_164 : vector<16xi32>
      %add3A_166 = arith.constant 64 : i32
      %add3A_167 = vector.broadcast %add3A_166 : i32 to vector<16xi32>
      %add3A_168 = arith.addi %and3A_6, %add3A_167 : vector<16xi32>
      %gather3A_169 = tpu.vector_load_idx %arg13[%add3A_165, %add3A_168] : memref<80x80xf32, #tpu.memory_space<vmem>>[vector<16xi32>, vector<16xi32>], vector<16xf32>,
      %gather3A_170 = tpu.vector_load_idx %arg14[%add3A_165, %and3A_6] : memref<80x16xf32, #tpu.memory_space<vmem>>[vector<16xi32>, vector<16xi32>], vector<16xf32>,
      %gather3A_171 = tpu.vector_load_idx %arg12[%add3A_165] : memref<80xf32, #tpu.memory_space<vmem>>[vector<16xi32>], vector<16xf32>,
      %add3A_172 = arith.addf %gather3A_169, %gather3A_170 : vector<16xf32>
      %mul3A_173 = arith.mulf %gather3A_171, %gather3A : vector<16xf32>
      %add3A_174 = arith.addf %add3A_172, %mul3A_173 : vector<16xf32>
      %gt3A_175 = arith.constant 0.000000e+00 : f32
      %gt3A_176 = vector.broadcast %gt3A_175 : f32 to vector<16xf32>
      %gt3A_177 = arith.cmpf ogt, %add3A_174, %gt3A_176 : vector<16xf32>
      %mul3A_178 = arith.constant 2.000000e-01 : f32
      %mul3A_179 = vector.broadcast %mul3A_178 : f32 to vector<16xf32>
      %mul3A_180 = arith.mulf %mul3A_179, %add3A_174 : vector<16xf32>
      %select_n3A_181 = arith.select %gt3A_177, %add3A_174, %mul3A_180 : vector<16xi1>, vector<16xf32>
      %exp3A_182 = math.exp %select_n3A_181 : vector<16xf32>
      %add3A_183 = arith.constant 64 : i32
      %add3A_184 = vector.broadcast %add3A_183 : i32 to vector<16xi32>
      %add3A_185 = arith.addi %and3A_6, %add3A_184 : vector<16xi32>
      tpu.vector_store_idx %arg13[%add3A_165, %add3A_185], %exp3A_182 : memref<80x80xf32, #tpu.memory_space<vmem>>[vector<16xi32>, vector<16xi32>], vector<16xf32>,
      %add3A_186 = arith.constant 28 : i32
      %add3A_187 = vector.broadcast %add3A_186 : i32 to vector<16xi32>
      %add3A_188 = arith.addi %shift_right_arithmetic3A_4, %add3A_187 : vector<16xi32>
      %add3A_189 = arith.constant 64 : i32
      %add3A_190 = vector.broadcast %add3A_189 : i32 to vector<16xi32>
      %add3A_191 = arith.addi %and3A_6, %add3A_190 : vector<16xi32>
      %gather3A_192 = tpu.vector_load_idx %arg13[%add3A_188, %add3A_191] : memref<80x80xf32, #tpu.memory_space<vmem>>[vector<16xi32>, vector<16xi32>], vector<16xf32>,
      %gather3A_193 = tpu.vector_load_idx %arg14[%add3A_188, %and3A_6] : memref<80x16xf32, #tpu.memory_space<vmem>>[vector<16xi32>, vector<16xi32>], vector<16xf32>,
      %gather3A_194 = tpu.vector_load_idx %arg12[%add3A_188] : memref<80xf32, #tpu.memory_space<vmem>>[vector<16xi32>], vector<16xf32>,
      %add3A_195 = arith.addf %gather3A_192, %gather3A_193 : vector<16xf32>
      %mul3A_196 = arith.mulf %gather3A_194, %gather3A : vector<16xf32>
      %add3A_197 = arith.addf %add3A_195, %mul3A_196 : vector<16xf32>
      %gt3A_198 = arith.constant 0.000000e+00 : f32
      %gt3A_199 = vector.broadcast %gt3A_198 : f32 to vector<16xf32>
      %gt3A_200 = arith.cmpf ogt, %add3A_197, %gt3A_199 : vector<16xf32>
      %mul3A_201 = arith.constant 2.000000e-01 : f32
      %mul3A_202 = vector.broadcast %mul3A_201 : f32 to vector<16xf32>
      %mul3A_203 = arith.mulf %mul3A_202, %add3A_197 : vector<16xf32>
      %select_n3A_204 = arith.select %gt3A_200, %add3A_197, %mul3A_203 : vector<16xi1>, vector<16xf32>
      %exp3A_205 = math.exp %select_n3A_204 : vector<16xf32>
      %add3A_206 = arith.constant 64 : i32
      %add3A_207 = vector.broadcast %add3A_206 : i32 to vector<16xi32>
      %add3A_208 = arith.addi %and3A_6, %add3A_207 : vector<16xi32>
      tpu.vector_store_idx %arg13[%add3A_188, %add3A_208], %exp3A_205 : memref<80x80xf32, #tpu.memory_space<vmem>>[vector<16xi32>, vector<16xi32>], vector<16xf32>,
      %add3A_209 = arith.constant 32 : i32
      %add3A_210 = vector.broadcast %add3A_209 : i32 to vector<16xi32>
      %add3A_211 = arith.addi %shift_right_arithmetic3A_4, %add3A_210 : vector<16xi32>
      %add3A_212 = arith.constant 64 : i32
      %add3A_213 = vector.broadcast %add3A_212 : i32 to vector<16xi32>
      %add3A_214 = arith.addi %and3A_6, %add3A_213 : vector<16xi32>
      %gather3A_215 = tpu.vector_load_idx %arg13[%add3A_211, %add3A_214] : memref<80x80xf32, #tpu.memory_space<vmem>>[vector<16xi32>, vector<16xi32>], vector<16xf32>,
      %gather3A_216 = tpu.vector_load_idx %arg14[%add3A_211, %and3A_6] : memref<80x16xf32, #tpu.memory_space<vmem>>[vector<16xi32>, vector<16xi32>], vector<16xf32>,
      %gather3A_217 = tpu.vector_load_idx %arg12[%add3A_211] : memref<80xf32, #tpu.memory_space<vmem>>[vector<16xi32>], vector<16xf32>,
      %add3A_218 = arith.addf %gather3A_215, %gather3A_216 : vector<16xf32>
      %mul3A_219 = arith.mulf %gather3A_217, %gather3A : vector<16xf32>
      %add3A_220 = arith.addf %add3A_218, %mul3A_219 : vector<16xf32>
      %gt3A_221 = arith.constant 0.000000e+00 : f32
      %gt3A_222 = vector.broadcast %gt3A_221 : f32 to vector<16xf32>
      %gt3A_223 = arith.cmpf ogt, %add3A_220, %gt3A_222 : vector<16xf32>
      %mul3A_224 = arith.constant 2.000000e-01 : f32
      %mul3A_225 = vector.broadcast %mul3A_224 : f32 to vector<16xf32>
      %mul3A_226 = arith.mulf %mul3A_225, %add3A_220 : vector<16xf32>
      %select_n3A_227 = arith.select %gt3A_223, %add3A_220, %mul3A_226 : vector<16xi1>, vector<16xf32>
      %exp3A_228 = math.exp %select_n3A_227 : vector<16xf32>
      %add3A_229 = arith.constant 64 : i32
      %add3A_230 = vector.broadcast %add3A_229 : i32 to vector<16xi32>
      %add3A_231 = arith.addi %and3A_6, %add3A_230 : vector<16xi32>
      tpu.vector_store_idx %arg13[%add3A_211, %add3A_231], %exp3A_228 : memref<80x80xf32, #tpu.memory_space<vmem>>[vector<16xi32>, vector<16xi32>], vector<16xf32>,
      %add3A_232 = arith.constant 36 : i32
      %add3A_233 = vector.broadcast %add3A_232 : i32 to vector<16xi32>
      %add3A_234 = arith.addi %shift_right_arithmetic3A_4, %add3A_233 : vector<16xi32>
      %add3A_235 = arith.constant 64 : i32
      %add3A_236 = vector.broadcast %add3A_235 : i32 to vector<16xi32>
      %add3A_237 = arith.addi %and3A_6, %add3A_236 : vector<16xi32>
      %gather3A_238 = tpu.vector_load_idx %arg13[%add3A_234, %add3A_237] : memref<80x80xf32, #tpu.memory_space<vmem>>[vector<16xi32>, vector<16xi32>], vector<16xf32>,
      %gather3A_239 = tpu.vector_load_idx %arg14[%add3A_234, %and3A_6] : memref<80x16xf32, #tpu.memory_space<vmem>>[vector<16xi32>, vector<16xi32>], vector<16xf32>,
      %gather3A_240 = tpu.vector_load_idx %arg12[%add3A_234] : memref<80xf32, #tpu.memory_space<vmem>>[vector<16xi32>], vector<16xf32>,
      %add3A_241 = arith.addf %gather3A_238, %gather3A_239 : vector<16xf32>
      %mul3A_242 = arith.mulf %gather3A_240, %gather3A : vector<16xf32>
      %add3A_243 = arith.addf %add3A_241, %mul3A_242 : vector<16xf32>
      %gt3A_244 = arith.constant 0.000000e+00 : f32
      %gt3A_245 = vector.broadcast %gt3A_244 : f32 to vector<16xf32>
      %gt3A_246 = arith.cmpf ogt, %add3A_243, %gt3A_245 : vector<16xf32>
      %mul3A_247 = arith.constant 2.000000e-01 : f32
      %mul3A_248 = vector.broadcast %mul3A_247 : f32 to vector<16xf32>
      %mul3A_249 = arith.mulf %mul3A_248, %add3A_243 : vector<16xf32>
      %select_n3A_250 = arith.select %gt3A_246, %add3A_243, %mul3A_249 : vector<16xi1>, vector<16xf32>
      %exp3A_251 = math.exp %select_n3A_250 : vector<16xf32>
      %add3A_252 = arith.constant 64 : i32
      %add3A_253 = vector.broadcast %add3A_252 : i32 to vector<16xi32>
      %add3A_254 = arith.addi %and3A_6, %add3A_253 : vector<16xi32>
      tpu.vector_store_idx %arg13[%add3A_234, %add3A_254], %exp3A_251 : memref<80x80xf32, #tpu.memory_space<vmem>>[vector<16xi32>, vector<16xi32>], vector<16xf32>,
      %add3A_255 = arith.constant 40 : i32
      %add3A_256 = vector.broadcast %add3A_255 : i32 to vector<16xi32>
      %add3A_257 = arith.addi %shift_right_arithmetic3A_4, %add3A_256 : vector<16xi32>
      %add3A_258 = arith.constant 64 : i32
      %add3A_259 = vector.broadcast %add3A_258 : i32 to vector<16xi32>
      %add3A_260 = arith.addi %and3A_6, %add3A_259 : vector<16xi32>
      %gather3A_261 = tpu.vector_load_idx %arg13[%add3A_257, %add3A_260] : memref<80x80xf32, #tpu.memory_space<vmem>>[vector<16xi32>, vector<16xi32>], vector<16xf32>,
      %gather3A_262 = tpu.vector_load_idx %arg14[%add3A_257, %and3A_6] : memref<80x16xf32, #tpu.memory_space<vmem>>[vector<16xi32>, vector<16xi32>], vector<16xf32>,
      %gather3A_263 = tpu.vector_load_idx %arg12[%add3A_257] : memref<80xf32, #tpu.memory_space<vmem>>[vector<16xi32>], vector<16xf32>,
      %add3A_264 = arith.addf %gather3A_261, %gather3A_262 : vector<16xf32>
      %mul3A_265 = arith.mulf %gather3A_263, %gather3A : vector<16xf32>
      %add3A_266 = arith.addf %add3A_264, %mul3A_265 : vector<16xf32>
      %gt3A_267 = arith.constant 0.000000e+00 : f32
      %gt3A_268 = vector.broadcast %gt3A_267 : f32 to vector<16xf32>
      %gt3A_269 = arith.cmpf ogt, %add3A_266, %gt3A_268 : vector<16xf32>
      %mul3A_270 = arith.constant 2.000000e-01 : f32
      %mul3A_271 = vector.broadcast %mul3A_270 : f32 to vector<16xf32>
      %mul3A_272 = arith.mulf %mul3A_271, %add3A_266 : vector<16xf32>
      %select_n3A_273 = arith.select %gt3A_269, %add3A_266, %mul3A_272 : vector<16xi1>, vector<16xf32>
      %exp3A_274 = math.exp %select_n3A_273 : vector<16xf32>
      %add3A_275 = arith.constant 64 : i32
      %add3A_276 = vector.broadcast %add3A_275 : i32 to vector<16xi32>
      %add3A_277 = arith.addi %and3A_6, %add3A_276 : vector<16xi32>
      tpu.vector_store_idx %arg13[%add3A_257, %add3A_277], %exp3A_274 : memref<80x80xf32, #tpu.memory_space<vmem>>[vector<16xi32>, vector<16xi32>], vector<16xf32>,
      %add3A_278 = arith.constant 44 : i32
      %add3A_279 = vector.broadcast %add3A_278 : i32 to vector<16xi32>
      %add3A_280 = arith.addi %shift_right_arithmetic3A_4, %add3A_279 : vector<16xi32>
      %add3A_281 = arith.constant 64 : i32
      %add3A_282 = vector.broadcast %add3A_281 : i32 to vector<16xi32>
      %add3A_283 = arith.addi %and3A_6, %add3A_282 : vector<16xi32>
      %gather3A_284 = tpu.vector_load_idx %arg13[%add3A_280, %add3A_283] : memref<80x80xf32, #tpu.memory_space<vmem>>[vector<16xi32>, vector<16xi32>], vector<16xf32>,
      %gather3A_285 = tpu.vector_load_idx %arg14[%add3A_280, %and3A_6] : memref<80x16xf32, #tpu.memory_space<vmem>>[vector<16xi32>, vector<16xi32>], vector<16xf32>,
      %gather3A_286 = tpu.vector_load_idx %arg12[%add3A_280] : memref<80xf32, #tpu.memory_space<vmem>>[vector<16xi32>], vector<16xf32>,
      %add3A_287 = arith.addf %gather3A_284, %gather3A_285 : vector<16xf32>
      %mul3A_288 = arith.mulf %gather3A_286, %gather3A : vector<16xf32>
      %add3A_289 = arith.addf %add3A_287, %mul3A_288 : vector<16xf32>
      %gt3A_290 = arith.constant 0.000000e+00 : f32
      %gt3A_291 = vector.broadcast %gt3A_290 : f32 to vector<16xf32>
      %gt3A_292 = arith.cmpf ogt, %add3A_289, %gt3A_291 : vector<16xf32>
      %mul3A_293 = arith.constant 2.000000e-01 : f32
      %mul3A_294 = vector.broadcast %mul3A_293 : f32 to vector<16xf32>
      %mul3A_295 = arith.mulf %mul3A_294, %add3A_289 : vector<16xf32>
      %select_n3A_296 = arith.select %gt3A_292, %add3A_289, %mul3A_295 : vector<16xi1>, vector<16xf32>
      %exp3A_297 = math.exp %select_n3A_296 : vector<16xf32>
      %add3A_298 = arith.constant 64 : i32
      %add3A_299 = vector.broadcast %add3A_298 : i32 to vector<16xi32>
      %add3A_300 = arith.addi %and3A_6, %add3A_299 : vector<16xi32>
      tpu.vector_store_idx %arg13[%add3A_280, %add3A_300], %exp3A_297 : memref<80x80xf32, #tpu.memory_space<vmem>>[vector<16xi32>, vector<16xi32>], vector<16xf32>,
      %add3A_301 = arith.constant 48 : i32
      %add3A_302 = vector.broadcast %add3A_301 : i32 to vector<16xi32>
      %add3A_303 = arith.addi %shift_right_arithmetic3A_4, %add3A_302 : vector<16xi32>
      %add3A_304 = arith.constant 64 : i32
      %add3A_305 = vector.broadcast %add3A_304 : i32 to vector<16xi32>
      %add3A_306 = arith.addi %and3A_6, %add3A_305 : vector<16xi32>
      %gather3A_307 = tpu.vector_load_idx %arg13[%add3A_303, %add3A_306] : memref<80x80xf32, #tpu.memory_space<vmem>>[vector<16xi32>, vector<16xi32>], vector<16xf32>,
      %gather3A_308 = tpu.vector_load_idx %arg14[%add3A_303, %and3A_6] : memref<80x16xf32, #tpu.memory_space<vmem>>[vector<16xi32>, vector<16xi32>], vector<16xf32>,
      %gather3A_309 = tpu.vector_load_idx %arg12[%add3A_303] : memref<80xf32, #tpu.memory_space<vmem>>[vector<16xi32>], vector<16xf32>,
      %add3A_310 = arith.addf %gather3A_307, %gather3A_308 : vector<16xf32>
      %mul3A_311 = arith.mulf %gather3A_309, %gather3A : vector<16xf32>
      %add3A_312 = arith.addf %add3A_310, %mul3A_311 : vector<16xf32>
      %gt3A_313 = arith.constant 0.000000e+00 : f32
      %gt3A_314 = vector.broadcast %gt3A_313 : f32 to vector<16xf32>
      %gt3A_315 = arith.cmpf ogt, %add3A_312, %gt3A_314 : vector<16xf32>
      %mul3A_316 = arith.constant 2.000000e-01 : f32
      %mul3A_317 = vector.broadcast %mul3A_316 : f32 to vector<16xf32>
      %mul3A_318 = arith.mulf %mul3A_317, %add3A_312 : vector<16xf32>
      %select_n3A_319 = arith.select %gt3A_315, %add3A_312, %mul3A_318 : vector<16xi1>, vector<16xf32>
      %exp3A_320 = math.exp %select_n3A_319 : vector<16xf32>
      %add3A_321 = arith.constant 64 : i32
      %add3A_322 = vector.broadcast %add3A_321 : i32 to vector<16xi32>
      %add3A_323 = arith.addi %and3A_6, %add3A_322 : vector<16xi32>
      tpu.vector_store_idx %arg13[%add3A_303, %add3A_323], %exp3A_320 : memref<80x80xf32, #tpu.memory_space<vmem>>[vector<16xi32>, vector<16xi32>], vector<16xf32>,
      %add3A_324 = arith.constant 52 : i32
      %add3A_325 = vector.broadcast %add3A_324 : i32 to vector<16xi32>
      %add3A_326 = arith.addi %shift_right_arithmetic3A_4, %add3A_325 : vector<16xi32>
      %add3A_327 = arith.constant 64 : i32
      %add3A_328 = vector.broadcast %add3A_327 : i32 to vector<16xi32>
      %add3A_329 = arith.addi %and3A_6, %add3A_328 : vector<16xi32>
      %gather3A_330 = tpu.vector_load_idx %arg13[%add3A_326, %add3A_329] : memref<80x80xf32, #tpu.memory_space<vmem>>[vector<16xi32>, vector<16xi32>], vector<16xf32>,
      %gather3A_331 = tpu.vector_load_idx %arg14[%add3A_326, %and3A_6] : memref<80x16xf32, #tpu.memory_space<vmem>>[vector<16xi32>, vector<16xi32>], vector<16xf32>,
      %gather3A_332 = tpu.vector_load_idx %arg12[%add3A_326] : memref<80xf32, #tpu.memory_space<vmem>>[vector<16xi32>], vector<16xf32>,
      %add3A_333 = arith.addf %gather3A_330, %gather3A_331 : vector<16xf32>
      %mul3A_334 = arith.mulf %gather3A_332, %gather3A : vector<16xf32>
      %add3A_335 = arith.addf %add3A_333, %mul3A_334 : vector<16xf32>
      %gt3A_336 = arith.constant 0.000000e+00 : f32
      %gt3A_337 = vector.broadcast %gt3A_336 : f32 to vector<16xf32>
      %gt3A_338 = arith.cmpf ogt, %add3A_335, %gt3A_337 : vector<16xf32>
      %mul3A_339 = arith.constant 2.000000e-01 : f32
      %mul3A_340 = vector.broadcast %mul3A_339 : f32 to vector<16xf32>
      %mul3A_341 = arith.mulf %mul3A_340, %add3A_335 : vector<16xf32>
      %select_n3A_342 = arith.select %gt3A_338, %add3A_335, %mul3A_341 : vector<16xi1>, vector<16xf32>
      %exp3A_343 = math.exp %select_n3A_342 : vector<16xf32>
      %add3A_344 = arith.constant 64 : i32
      %add3A_345 = vector.broadcast %add3A_344 : i32 to vector<16xi32>
      %add3A_346 = arith.addi %and3A_6, %add3A_345 : vector<16xi32>
      tpu.vector_store_idx %arg13[%add3A_326, %add3A_346], %exp3A_343 : memref<80x80xf32, #tpu.memory_space<vmem>>[vector<16xi32>, vector<16xi32>], vector<16xf32>,
      %add3A_347 = arith.constant 56 : i32
      %add3A_348 = vector.broadcast %add3A_347 : i32 to vector<16xi32>
      %add3A_349 = arith.addi %shift_right_arithmetic3A_4, %add3A_348 : vector<16xi32>
      %add3A_350 = arith.constant 64 : i32
      %add3A_351 = vector.broadcast %add3A_350 : i32 to vector<16xi32>
      %add3A_352 = arith.addi %and3A_6, %add3A_351 : vector<16xi32>
      %gather3A_353 = tpu.vector_load_idx %arg13[%add3A_349, %add3A_352] : memref<80x80xf32, #tpu.memory_space<vmem>>[vector<16xi32>, vector<16xi32>], vector<16xf32>,
      %gather3A_354 = tpu.vector_load_idx %arg14[%add3A_349, %and3A_6] : memref<80x16xf32, #tpu.memory_space<vmem>>[vector<16xi32>, vector<16xi32>], vector<16xf32>,
      %gather3A_355 = tpu.vector_load_idx %arg12[%add3A_349] : memref<80xf32, #tpu.memory_space<vmem>>[vector<16xi32>], vector<16xf32>,
      %add3A_356 = arith.addf %gather3A_353, %gather3A_354 : vector<16xf32>
      %mul3A_357 = arith.mulf %gather3A_355, %gather3A : vector<16xf32>
      %add3A_358 = arith.addf %add3A_356, %mul3A_357 : vector<16xf32>
      %gt3A_359 = arith.constant 0.000000e+00 : f32
      %gt3A_360 = vector.broadcast %gt3A_359 : f32 to vector<16xf32>
      %gt3A_361 = arith.cmpf ogt, %add3A_358, %gt3A_360 : vector<16xf32>
      %mul3A_362 = arith.constant 2.000000e-01 : f32
      %mul3A_363 = vector.broadcast %mul3A_362 : f32 to vector<16xf32>
      %mul3A_364 = arith.mulf %mul3A_363, %add3A_358 : vector<16xf32>
      %select_n3A_365 = arith.select %gt3A_361, %add3A_358, %mul3A_364 : vector<16xi1>, vector<16xf32>
      %exp3A_366 = math.exp %select_n3A_365 : vector<16xf32>
      %add3A_367 = arith.constant 64 : i32
      %add3A_368 = vector.broadcast %add3A_367 : i32 to vector<16xi32>
      %add3A_369 = arith.addi %and3A_6, %add3A_368 : vector<16xi32>
      tpu.vector_store_idx %arg13[%add3A_349, %add3A_369], %exp3A_366 : memref<80x80xf32, #tpu.memory_space<vmem>>[vector<16xi32>, vector<16xi32>], vector<16xf32>,
      %add3A_370 = arith.constant 60 : i32
      %add3A_371 = vector.broadcast %add3A_370 : i32 to vector<16xi32>
      %add3A_372 = arith.addi %shift_right_arithmetic3A_4, %add3A_371 : vector<16xi32>
      %add3A_373 = arith.constant 64 : i32
      %add3A_374 = vector.broadcast %add3A_373 : i32 to vector<16xi32>
      %add3A_375 = arith.addi %and3A_6, %add3A_374 : vector<16xi32>
      %gather3A_376 = tpu.vector_load_idx %arg13[%add3A_372, %add3A_375] : memref<80x80xf32, #tpu.memory_space<vmem>>[vector<16xi32>, vector<16xi32>], vector<16xf32>,
      %gather3A_377 = tpu.vector_load_idx %arg14[%add3A_372, %and3A_6] : memref<80x16xf32, #tpu.memory_space<vmem>>[vector<16xi32>, vector<16xi32>], vector<16xf32>,
      %gather3A_378 = tpu.vector_load_idx %arg12[%add3A_372] : memref<80xf32, #tpu.memory_space<vmem>>[vector<16xi32>], vector<16xf32>,
      %add3A_379 = arith.addf %gather3A_376, %gather3A_377 : vector<16xf32>
      %mul3A_380 = arith.mulf %gather3A_378, %gather3A : vector<16xf32>
      %add3A_381 = arith.addf %add3A_379, %mul3A_380 : vector<16xf32>
      %gt3A_382 = arith.constant 0.000000e+00 : f32
      %gt3A_383 = vector.broadcast %gt3A_382 : f32 to vector<16xf32>
      %gt3A_384 = arith.cmpf ogt, %add3A_381, %gt3A_383 : vector<16xf32>
      %mul3A_385 = arith.constant 2.000000e-01 : f32
      %mul3A_386 = vector.broadcast %mul3A_385 : f32 to vector<16xf32>
      %mul3A_387 = arith.mulf %mul3A_386, %add3A_381 : vector<16xf32>
      %select_n3A_388 = arith.select %gt3A_384, %add3A_381, %mul3A_387 : vector<16xi1>, vector<16xf32>
      %exp3A_389 = math.exp %select_n3A_388 : vector<16xf32>
      %add3A_390 = arith.constant 64 : i32
      %add3A_391 = vector.broadcast %add3A_390 : i32 to vector<16xi32>
      %add3A_392 = arith.addi %and3A_6, %add3A_391 : vector<16xi32>
      tpu.vector_store_idx %arg13[%add3A_372, %add3A_392], %exp3A_389 : memref<80x80xf32, #tpu.memory_space<vmem>>[vector<16xi32>, vector<16xi32>], vector<16xf32>,
      %add3A_393 = arith.constant 64 : i32
      %add3A_394 = vector.broadcast %add3A_393 : i32 to vector<16xi32>
      %add3A_395 = arith.addi %shift_right_arithmetic3A_4, %add3A_394 : vector<16xi32>
      %add3A_396 = arith.constant 64 : i32
      %add3A_397 = vector.broadcast %add3A_396 : i32 to vector<16xi32>
      %add3A_398 = arith.addi %and3A_6, %add3A_397 : vector<16xi32>
      %gather3A_399 = tpu.vector_load_idx %arg13[%add3A_395, %add3A_398] : memref<80x80xf32, #tpu.memory_space<vmem>>[vector<16xi32>, vector<16xi32>], vector<16xf32>,
      %gather3A_400 = tpu.vector_load_idx %arg14[%add3A_395, %and3A_6] : memref<80x16xf32, #tpu.memory_space<vmem>>[vector<16xi32>, vector<16xi32>], vector<16xf32>,
      %gather3A_401 = tpu.vector_load_idx %arg12[%add3A_395] : memref<80xf32, #tpu.memory_space<vmem>>[vector<16xi32>], vector<16xf32>,
      %add3A_402 = arith.addf %gather3A_399, %gather3A_400 : vector<16xf32>
      %mul3A_403 = arith.mulf %gather3A_401, %gather3A : vector<16xf32>
      %add3A_404 = arith.addf %add3A_402, %mul3A_403 : vector<16xf32>
      %gt3A_405 = arith.constant 0.000000e+00 : f32
      %gt3A_406 = vector.broadcast %gt3A_405 : f32 to vector<16xf32>
      %gt3A_407 = arith.cmpf ogt, %add3A_404, %gt3A_406 : vector<16xf32>
      %mul3A_408 = arith.constant 2.000000e-01 : f32
      %mul3A_409 = vector.broadcast %mul3A_408 : f32 to vector<16xf32>
      %mul3A_410 = arith.mulf %mul3A_409, %add3A_404 : vector<16xf32>
      %select_n3A_411 = arith.select %gt3A_407, %add3A_404, %mul3A_410 : vector<16xi1>, vector<16xf32>
      %exp3A_412 = math.exp %select_n3A_411 : vector<16xf32>
      %add3A_413 = arith.constant 64 : i32
      %add3A_414 = vector.broadcast %add3A_413 : i32 to vector<16xi32>
      %add3A_415 = arith.addi %and3A_6, %add3A_414 : vector<16xi32>
      tpu.vector_store_idx %arg13[%add3A_395, %add3A_415], %exp3A_412 : memref<80x80xf32, #tpu.memory_space<vmem>>[vector<16xi32>, vector<16xi32>], vector<16xf32>,
      %add3A_416 = arith.constant 68 : i32
      %add3A_417 = vector.broadcast %add3A_416 : i32 to vector<16xi32>
      %add3A_418 = arith.addi %shift_right_arithmetic3A_4, %add3A_417 : vector<16xi32>
      %add3A_419 = arith.constant 64 : i32
      %add3A_420 = vector.broadcast %add3A_419 : i32 to vector<16xi32>
      %add3A_421 = arith.addi %and3A_6, %add3A_420 : vector<16xi32>
      %gather3A_422 = tpu.vector_load_idx %arg13[%add3A_418, %add3A_421] : memref<80x80xf32, #tpu.memory_space<vmem>>[vector<16xi32>, vector<16xi32>], vector<16xf32>,
      %gather3A_423 = tpu.vector_load_idx %arg14[%add3A_418, %and3A_6] : memref<80x16xf32, #tpu.memory_space<vmem>>[vector<16xi32>, vector<16xi32>], vector<16xf32>,
      %gather3A_424 = tpu.vector_load_idx %arg12[%add3A_418] : memref<80xf32, #tpu.memory_space<vmem>>[vector<16xi32>], vector<16xf32>,
      %add3A_425 = arith.addf %gather3A_422, %gather3A_423 : vector<16xf32>
      %mul3A_426 = arith.mulf %gather3A_424, %gather3A : vector<16xf32>
      %add3A_427 = arith.addf %add3A_425, %mul3A_426 : vector<16xf32>
      %gt3A_428 = arith.constant 0.000000e+00 : f32
      %gt3A_429 = vector.broadcast %gt3A_428 : f32 to vector<16xf32>
      %gt3A_430 = arith.cmpf ogt, %add3A_427, %gt3A_429 : vector<16xf32>
      %mul3A_431 = arith.constant 2.000000e-01 : f32
      %mul3A_432 = vector.broadcast %mul3A_431 : f32 to vector<16xf32>
      %mul3A_433 = arith.mulf %mul3A_432, %add3A_427 : vector<16xf32>
      %select_n3A_434 = arith.select %gt3A_430, %add3A_427, %mul3A_433 : vector<16xi1>, vector<16xf32>
      %exp3A_435 = math.exp %select_n3A_434 : vector<16xf32>
      %add3A_436 = arith.constant 64 : i32
      %add3A_437 = vector.broadcast %add3A_436 : i32 to vector<16xi32>
      %add3A_438 = arith.addi %and3A_6, %add3A_437 : vector<16xi32>
      tpu.vector_store_idx %arg13[%add3A_418, %add3A_438], %exp3A_435 : memref<80x80xf32, #tpu.memory_space<vmem>>[vector<16xi32>, vector<16xi32>], vector<16xf32>,
      %add3A_439 = arith.constant 72 : i32
      %add3A_440 = vector.broadcast %add3A_439 : i32 to vector<16xi32>
      %add3A_441 = arith.addi %shift_right_arithmetic3A_4, %add3A_440 : vector<16xi32>
      %add3A_442 = arith.constant 64 : i32
      %add3A_443 = vector.broadcast %add3A_442 : i32 to vector<16xi32>
      %add3A_444 = arith.addi %and3A_6, %add3A_443 : vector<16xi32>
      %gather3A_445 = tpu.vector_load_idx %arg13[%add3A_441, %add3A_444] : memref<80x80xf32, #tpu.memory_space<vmem>>[vector<16xi32>, vector<16xi32>], vector<16xf32>,
      %gather3A_446 = tpu.vector_load_idx %arg14[%add3A_441, %and3A_6] : memref<80x16xf32, #tpu.memory_space<vmem>>[vector<16xi32>, vector<16xi32>], vector<16xf32>,
      %gather3A_447 = tpu.vector_load_idx %arg12[%add3A_441] : memref<80xf32, #tpu.memory_space<vmem>>[vector<16xi32>], vector<16xf32>,
      %add3A_448 = arith.addf %gather3A_445, %gather3A_446 : vector<16xf32>
      %mul3A_449 = arith.mulf %gather3A_447, %gather3A : vector<16xf32>
      %add3A_450 = arith.addf %add3A_448, %mul3A_449 : vector<16xf32>
      %gt3A_451 = arith.constant 0.000000e+00 : f32
      %gt3A_452 = vector.broadcast %gt3A_451 : f32 to vector<16xf32>
      %gt3A_453 = arith.cmpf ogt, %add3A_450, %gt3A_452 : vector<16xf32>
      %mul3A_454 = arith.constant 2.000000e-01 : f32
      %mul3A_455 = vector.broadcast %mul3A_454 : f32 to vector<16xf32>
      %mul3A_456 = arith.mulf %mul3A_455, %add3A_450 : vector<16xf32>
      %select_n3A_457 = arith.select %gt3A_453, %add3A_450, %mul3A_456 : vector<16xi1>, vector<16xf32>
      %exp3A_458 = math.exp %select_n3A_457 : vector<16xf32>
      %add3A_459 = arith.constant 64 : i32
      %add3A_460 = vector.broadcast %add3A_459 : i32 to vector<16xi32>
      %add3A_461 = arith.addi %and3A_6, %add3A_460 : vector<16xi32>
      tpu.vector_store_idx %arg13[%add3A_441, %add3A_461], %exp3A_458 : memref<80x80xf32, #tpu.memory_space<vmem>>[vector<16xi32>, vector<16xi32>], vector<16xf32>,
      %add3A_462 = arith.constant 76 : i32
      %add3A_463 = vector.broadcast %add3A_462 : i32 to vector<16xi32>
      %add3A_464 = arith.addi %shift_right_arithmetic3A_4, %add3A_463 : vector<16xi32>
      %add3A_465 = arith.constant 64 : i32
      %add3A_466 = vector.broadcast %add3A_465 : i32 to vector<16xi32>
      %add3A_467 = arith.addi %and3A_6, %add3A_466 : vector<16xi32>
      %gather3A_468 = tpu.vector_load_idx %arg13[%add3A_464, %add3A_467] : memref<80x80xf32, #tpu.memory_space<vmem>>[vector<16xi32>, vector<16xi32>], vector<16xf32>,
      %gather3A_469 = tpu.vector_load_idx %arg14[%add3A_464, %and3A_6] : memref<80x16xf32, #tpu.memory_space<vmem>>[vector<16xi32>, vector<16xi32>], vector<16xf32>,
      %gather3A_470 = tpu.vector_load_idx %arg12[%add3A_464] : memref<80xf32, #tpu.memory_space<vmem>>[vector<16xi32>], vector<16xf32>,
      %add3A_471 = arith.addf %gather3A_468, %gather3A_469 : vector<16xf32>
      %mul3A_472 = arith.mulf %gather3A_470, %gather3A : vector<16xf32>
      %add3A_473 = arith.addf %add3A_471, %mul3A_472 : vector<16xf32>
      %gt3A_474 = arith.constant 0.000000e+00 : f32
      %gt3A_475 = vector.broadcast %gt3A_474 : f32 to vector<16xf32>
      %gt3A_476 = arith.cmpf ogt, %add3A_473, %gt3A_475 : vector<16xf32>
      %mul3A_477 = arith.constant 2.000000e-01 : f32
      %mul3A_478 = vector.broadcast %mul3A_477 : f32 to vector<16xf32>
      %mul3A_479 = arith.mulf %mul3A_478, %add3A_473 : vector<16xf32>
      %select_n3A_480 = arith.select %gt3A_476, %add3A_473, %mul3A_479 : vector<16xi1>, vector<16xf32>
      %exp3A_481 = math.exp %select_n3A_480 : vector<16xf32>
      %add3A_482 = arith.constant 64 : i32
      %add3A_483 = vector.broadcast %add3A_482 : i32 to vector<16xi32>
      %add3A_484 = arith.addi %and3A_6, %add3A_483 : vector<16xi32>
      tpu.vector_store_idx %arg13[%add3A_464, %add3A_484], %exp3A_481 : memref<80x80xf32, #tpu.memory_space<vmem>>[vector<16xi32>, vector<16xi32>], vector<16xf32>,
      %add3A_485 = arith.constant 0 : i32
      %add3A_486 = vector.broadcast %add3A_485 : i32 to vector<16xi32>
      %add3A_487 = arith.addi %iota3A, %add3A_486 : vector<16xi32>
      %shift_right_arithmetic3A_488 = arith.constant 1 : i32
      %shift_right_arithmetic3A_489 = vector.broadcast %shift_right_arithmetic3A_488 : i32 to vector<16xi32>
      %shift_right_arithmetic3A_490 = arith.shrsi %add3A_487, %shift_right_arithmetic3A_489 : vector<16xi32>
      %gather3A_491 = tpu.vector_load_idx %arg12[%shift_right_arithmetic3A_490] : memref<80xf32, #tpu.memory_space<vmem>>[vector<16xi32>], vector<16xf32>,
      %and3A_492 = arith.constant 1 : i32
      %and3A_493 = vector.broadcast %and3A_492 : i32 to vector<16xi32>
      %and3A_494 = arith.andi %add3A_487, %and3A_493 : vector<16xi32>
      %eq3A = arith.constant 0 : i32
      %eq3A_495 = vector.broadcast %eq3A : i32 to vector<16xi32>
      %eq3A_496 = arith.cmpi eq, %and3A_494, %eq3A_495 : vector<16xi32>
      %jit3A = arith.constant 1.000000e+00 : f32
      %broadcast_in_dim3A = vector.broadcast %jit3A : f32 to vector<16xf32>
      %select_n3A_497 = arith.select %eq3A_496, %broadcast_in_dim3A, %gather3A_491 : vector<16xi1>, vector<16xf32>
      %and3A_498 = arith.constant 1 : i32
      %and3A_499 = vector.broadcast %and3A_498 : i32 to vector<16xi32>
      %and3A_500 = arith.andi %add3A_487, %and3A_499 : vector<16xi32>
      %add3A_501 = arith.constant 68 : i32
      %add3A_502 = vector.broadcast %add3A_501 : i32 to vector<16xi32>
      %add3A_503 = arith.addi %and3A_500, %add3A_502 : vector<16xi32>
      tpu.vector_store_idx %arg13[%shift_right_arithmetic3A_490, %add3A_503], %select_n3A_497 : memref<80x80xf32, #tpu.memory_space<vmem>>[vector<16xi32>, vector<16xi32>], vector<16xf32>,
      %add3A_504 = arith.constant 16 : i32
      %add3A_505 = vector.broadcast %add3A_504 : i32 to vector<16xi32>
      %add3A_506 = arith.addi %iota3A, %add3A_505 : vector<16xi32>
      %shift_right_arithmetic3A_507 = arith.constant 1 : i32
      %shift_right_arithmetic3A_508 = vector.broadcast %shift_right_arithmetic3A_507 : i32 to vector<16xi32>
      %shift_right_arithmetic3A_509 = arith.shrsi %add3A_506, %shift_right_arithmetic3A_508 : vector<16xi32>
      %gather3A_510 = tpu.vector_load_idx %arg12[%shift_right_arithmetic3A_509] : memref<80xf32, #tpu.memory_space<vmem>>[vector<16xi32>], vector<16xf32>,
      %and3A_511 = arith.constant 1 : i32
      %and3A_512 = vector.broadcast %and3A_511 : i32 to vector<16xi32>
      %and3A_513 = arith.andi %add3A_506, %and3A_512 : vector<16xi32>
      %eq3A_514 = arith.constant 0 : i32
      %eq3A_515 = vector.broadcast %eq3A_514 : i32 to vector<16xi32>
      %eq3A_516 = arith.cmpi eq, %and3A_513, %eq3A_515 : vector<16xi32>
      %jit3A_517 = arith.constant 1.000000e+00 : f32
      %broadcast_in_dim3A_518 = vector.broadcast %jit3A_517 : f32 to vector<16xf32>
      %select_n3A_519 = arith.select %eq3A_516, %broadcast_in_dim3A_518, %gather3A_510 : vector<16xi1>, vector<16xf32>
      %and3A_520 = arith.constant 1 : i32
      %and3A_521 = vector.broadcast %and3A_520 : i32 to vector<16xi32>
      %and3A_522 = arith.andi %add3A_506, %and3A_521 : vector<16xi32>
      %add3A_523 = arith.constant 68 : i32
      %add3A_524 = vector.broadcast %add3A_523 : i32 to vector<16xi32>
      %add3A_525 = arith.addi %and3A_522, %add3A_524 : vector<16xi32>
      tpu.vector_store_idx %arg13[%shift_right_arithmetic3A_509, %add3A_525], %select_n3A_519 : memref<80x80xf32, #tpu.memory_space<vmem>>[vector<16xi32>, vector<16xi32>], vector<16xf32>,
      %add3A_526 = arith.constant 32 : i32
      %add3A_527 = vector.broadcast %add3A_526 : i32 to vector<16xi32>
      %add3A_528 = arith.addi %iota3A, %add3A_527 : vector<16xi32>
      %shift_right_arithmetic3A_529 = arith.constant 1 : i32
      %shift_right_arithmetic3A_530 = vector.broadcast %shift_right_arithmetic3A_529 : i32 to vector<16xi32>
      %shift_right_arithmetic3A_531 = arith.shrsi %add3A_528, %shift_right_arithmetic3A_530 : vector<16xi32>
      %gather3A_532 = tpu.vector_load_idx %arg12[%shift_right_arithmetic3A_531] : memref<80xf32, #tpu.memory_space<vmem>>[vector<16xi32>], vector<16xf32>,
      %and3A_533 = arith.constant 1 : i32
      %and3A_534 = vector.broadcast %and3A_533 : i32 to vector<16xi32>
      %and3A_535 = arith.andi %add3A_528, %and3A_534 : vector<16xi32>
      %eq3A_536 = arith.constant 0 : i32
      %eq3A_537 = vector.broadcast %eq3A_536 : i32 to vector<16xi32>
      %eq3A_538 = arith.cmpi eq, %and3A_535, %eq3A_537 : vector<16xi32>
      %jit3A_539 = arith.constant 1.000000e+00 : f32
      %broadcast_in_dim3A_540 = vector.broadcast %jit3A_539 : f32 to vector<16xf32>
      %select_n3A_541 = arith.select %eq3A_538, %broadcast_in_dim3A_540, %gather3A_532 : vector<16xi1>, vector<16xf32>
      %and3A_542 = arith.constant 1 : i32
      %and3A_543 = vector.broadcast %and3A_542 : i32 to vector<16xi32>
      %and3A_544 = arith.andi %add3A_528, %and3A_543 : vector<16xi32>
      %add3A_545 = arith.constant 68 : i32
      %add3A_546 = vector.broadcast %add3A_545 : i32 to vector<16xi32>
      %add3A_547 = arith.addi %and3A_544, %add3A_546 : vector<16xi32>
      tpu.vector_store_idx %arg13[%shift_right_arithmetic3A_531, %add3A_547], %select_n3A_541 : memref<80x80xf32, #tpu.memory_space<vmem>>[vector<16xi32>, vector<16xi32>], vector<16xf32>,
      %add3A_548 = arith.constant 48 : i32
      %add3A_549 = vector.broadcast %add3A_548 : i32 to vector<16xi32>
      %add3A_550 = arith.addi %iota3A, %add3A_549 : vector<16xi32>
      %shift_right_arithmetic3A_551 = arith.constant 1 : i32
      %shift_right_arithmetic3A_552 = vector.broadcast %shift_right_arithmetic3A_551 : i32 to vector<16xi32>
      %shift_right_arithmetic3A_553 = arith.shrsi %add3A_550, %shift_right_arithmetic3A_552 : vector<16xi32>
      %gather3A_554 = tpu.vector_load_idx %arg12[%shift_right_arithmetic3A_553] : memref<80xf32, #tpu.memory_space<vmem>>[vector<16xi32>], vector<16xf32>,
      %and3A_555 = arith.constant 1 : i32
      %and3A_556 = vector.broadcast %and3A_555 : i32 to vector<16xi32>
      %and3A_557 = arith.andi %add3A_550, %and3A_556 : vector<16xi32>
      %eq3A_558 = arith.constant 0 : i32
      %eq3A_559 = vector.broadcast %eq3A_558 : i32 to vector<16xi32>
      %eq3A_560 = arith.cmpi eq, %and3A_557, %eq3A_559 : vector<16xi32>
      %jit3A_561 = arith.constant 1.000000e+00 : f32
      %broadcast_in_dim3A_562 = vector.broadcast %jit3A_561 : f32 to vector<16xf32>
      %select_n3A_563 = arith.select %eq3A_560, %broadcast_in_dim3A_562, %gather3A_554 : vector<16xi1>, vector<16xf32>
      %and3A_564 = arith.constant 1 : i32
      %and3A_565 = vector.broadcast %and3A_564 : i32 to vector<16xi32>
      %and3A_566 = arith.andi %add3A_550, %and3A_565 : vector<16xi32>
      %add3A_567 = arith.constant 68 : i32
      %add3A_568 = vector.broadcast %add3A_567 : i32 to vector<16xi32>
      %add3A_569 = arith.addi %and3A_566, %add3A_568 : vector<16xi32>
      tpu.vector_store_idx %arg13[%shift_right_arithmetic3A_553, %add3A_569], %select_n3A_563 : memref<80x80xf32, #tpu.memory_space<vmem>>[vector<16xi32>, vector<16xi32>], vector<16xf32>,
      %add3A_570 = arith.constant 64 : i32
      %add3A_571 = vector.broadcast %add3A_570 : i32 to vector<16xi32>
      %add3A_572 = arith.addi %iota3A, %add3A_571 : vector<16xi32>
      %shift_right_arithmetic3A_573 = arith.constant 1 : i32
      %shift_right_arithmetic3A_574 = vector.broadcast %shift_right_arithmetic3A_573 : i32 to vector<16xi32>
      %shift_right_arithmetic3A_575 = arith.shrsi %add3A_572, %shift_right_arithmetic3A_574 : vector<16xi32>
      %gather3A_576 = tpu.vector_load_idx %arg12[%shift_right_arithmetic3A_575] : memref<80xf32, #tpu.memory_space<vmem>>[vector<16xi32>], vector<16xf32>,
      %and3A_577 = arith.constant 1 : i32
      %and3A_578 = vector.broadcast %and3A_577 : i32 to vector<16xi32>
      %and3A_579 = arith.andi %add3A_572, %and3A_578 : vector<16xi32>
      %eq3A_580 = arith.constant 0 : i32
      %eq3A_581 = vector.broadcast %eq3A_580 : i32 to vector<16xi32>
      %eq3A_582 = arith.cmpi eq, %and3A_579, %eq3A_581 : vector<16xi32>
      %jit3A_583 = arith.constant 1.000000e+00 : f32
      %broadcast_in_dim3A_584 = vector.broadcast %jit3A_583 : f32 to vector<16xf32>
      %select_n3A_585 = arith.select %eq3A_582, %broadcast_in_dim3A_584, %gather3A_576 : vector<16xi1>, vector<16xf32>
      %and3A_586 = arith.constant 1 : i32
      %and3A_587 = vector.broadcast %and3A_586 : i32 to vector<16xi32>
      %and3A_588 = arith.andi %add3A_572, %and3A_587 : vector<16xi32>
      %add3A_589 = arith.constant 68 : i32
      %add3A_590 = vector.broadcast %add3A_589 : i32 to vector<16xi32>
      %add3A_591 = arith.addi %and3A_588, %add3A_590 : vector<16xi32>
      tpu.vector_store_idx %arg13[%shift_right_arithmetic3A_575, %add3A_591], %select_n3A_585 : memref<80x80xf32, #tpu.memory_space<vmem>>[vector<16xi32>, vector<16xi32>], vector<16xf32>,
      %add3A_592 = arith.constant 80 : i32
      %add3A_593 = vector.broadcast %add3A_592 : i32 to vector<16xi32>
      %add3A_594 = arith.addi %iota3A, %add3A_593 : vector<16xi32>
      %shift_right_arithmetic3A_595 = arith.constant 1 : i32
      %shift_right_arithmetic3A_596 = vector.broadcast %shift_right_arithmetic3A_595 : i32 to vector<16xi32>
      %shift_right_arithmetic3A_597 = arith.shrsi %add3A_594, %shift_right_arithmetic3A_596 : vector<16xi32>
      %gather3A_598 = tpu.vector_load_idx %arg12[%shift_right_arithmetic3A_597] : memref<80xf32, #tpu.memory_space<vmem>>[vector<16xi32>], vector<16xf32>,
      %and3A_599 = arith.constant 1 : i32
      %and3A_600 = vector.broadcast %and3A_599 : i32 to vector<16xi32>
      %and3A_601 = arith.andi %add3A_594, %and3A_600 : vector<16xi32>
      %eq3A_602 = arith.constant 0 : i32
      %eq3A_603 = vector.broadcast %eq3A_602 : i32 to vector<16xi32>
      %eq3A_604 = arith.cmpi eq, %and3A_601, %eq3A_603 : vector<16xi32>
      %jit3A_605 = arith.constant 1.000000e+00 : f32
      %broadcast_in_dim3A_606 = vector.broadcast %jit3A_605 : f32 to vector<16xf32>
      %select_n3A_607 = arith.select %eq3A_604, %broadcast_in_dim3A_606, %gather3A_598 : vector<16xi1>, vector<16xf32>
      %and3A_608 = arith.constant 1 : i32
      %and3A_609 = vector.broadcast %and3A_608 : i32 to vector<16xi32>
      %and3A_610 = arith.andi %add3A_594, %and3A_609 : vector<16xi32>
      %add3A_611 = arith.constant 68 : i32
      %add3A_612 = vector.broadcast %add3A_611 : i32 to vector<16xi32>
      %add3A_613 = arith.addi %and3A_610, %add3A_612 : vector<16xi32>
      tpu.vector_store_idx %arg13[%shift_right_arithmetic3A_597, %add3A_613], %select_n3A_607 : memref<80x80xf32, #tpu.memory_space<vmem>>[vector<16xi32>, vector<16xi32>], vector<16xf32>,
      %add3A_614 = arith.constant 96 : i32
      %add3A_615 = vector.broadcast %add3A_614 : i32 to vector<16xi32>
      %add3A_616 = arith.addi %iota3A, %add3A_615 : vector<16xi32>
      %shift_right_arithmetic3A_617 = arith.constant 1 : i32
      %shift_right_arithmetic3A_618 = vector.broadcast %shift_right_arithmetic3A_617 : i32 to vector<16xi32>
      %shift_right_arithmetic3A_619 = arith.shrsi %add3A_616, %shift_right_arithmetic3A_618 : vector<16xi32>
      %gather3A_620 = tpu.vector_load_idx %arg12[%shift_right_arithmetic3A_619] : memref<80xf32, #tpu.memory_space<vmem>>[vector<16xi32>], vector<16xf32>,
      %and3A_621 = arith.constant 1 : i32
      %and3A_622 = vector.broadcast %and3A_621 : i32 to vector<16xi32>
      %and3A_623 = arith.andi %add3A_616, %and3A_622 : vector<16xi32>
      %eq3A_624 = arith.constant 0 : i32
      %eq3A_625 = vector.broadcast %eq3A_624 : i32 to vector<16xi32>
      %eq3A_626 = arith.cmpi eq, %and3A_623, %eq3A_625 : vector<16xi32>
      %jit3A_627 = arith.constant 1.000000e+00 : f32
      %broadcast_in_dim3A_628 = vector.broadcast %jit3A_627 : f32 to vector<16xf32>
      %select_n3A_629 = arith.select %eq3A_626, %broadcast_in_dim3A_628, %gather3A_620 : vector<16xi1>, vector<16xf32>
      %and3A_630 = arith.constant 1 : i32
      %and3A_631 = vector.broadcast %and3A_630 : i32 to vector<16xi32>
      %and3A_632 = arith.andi %add3A_616, %and3A_631 : vector<16xi32>
      %add3A_633 = arith.constant 68 : i32
      %add3A_634 = vector.broadcast %add3A_633 : i32 to vector<16xi32>
      %add3A_635 = arith.addi %and3A_632, %add3A_634 : vector<16xi32>
      tpu.vector_store_idx %arg13[%shift_right_arithmetic3A_619, %add3A_635], %select_n3A_629 : memref<80x80xf32, #tpu.memory_space<vmem>>[vector<16xi32>, vector<16xi32>], vector<16xf32>,
      %add3A_636 = arith.constant 112 : i32
      %add3A_637 = vector.broadcast %add3A_636 : i32 to vector<16xi32>
      %add3A_638 = arith.addi %iota3A, %add3A_637 : vector<16xi32>
      %shift_right_arithmetic3A_639 = arith.constant 1 : i32
      %shift_right_arithmetic3A_640 = vector.broadcast %shift_right_arithmetic3A_639 : i32 to vector<16xi32>
      %shift_right_arithmetic3A_641 = arith.shrsi %add3A_638, %shift_right_arithmetic3A_640 : vector<16xi32>
      %gather3A_642 = tpu.vector_load_idx %arg12[%shift_right_arithmetic3A_641] : memref<80xf32, #tpu.memory_space<vmem>>[vector<16xi32>], vector<16xf32>,
      %and3A_643 = arith.constant 1 : i32
      %and3A_644 = vector.broadcast %and3A_643 : i32 to vector<16xi32>
      %and3A_645 = arith.andi %add3A_638, %and3A_644 : vector<16xi32>
      %eq3A_646 = arith.constant 0 : i32
      %eq3A_647 = vector.broadcast %eq3A_646 : i32 to vector<16xi32>
      %eq3A_648 = arith.cmpi eq, %and3A_645, %eq3A_647 : vector<16xi32>
      %jit3A_649 = arith.constant 1.000000e+00 : f32
      %broadcast_in_dim3A_650 = vector.broadcast %jit3A_649 : f32 to vector<16xf32>
      %select_n3A_651 = arith.select %eq3A_648, %broadcast_in_dim3A_650, %gather3A_642 : vector<16xi1>, vector<16xf32>
      %and3A_652 = arith.constant 1 : i32
      %and3A_653 = vector.broadcast %and3A_652 : i32 to vector<16xi32>
      %and3A_654 = arith.andi %add3A_638, %and3A_653 : vector<16xi32>
      %add3A_655 = arith.constant 68 : i32
      %add3A_656 = vector.broadcast %add3A_655 : i32 to vector<16xi32>
      %add3A_657 = arith.addi %and3A_654, %add3A_656 : vector<16xi32>
      tpu.vector_store_idx %arg13[%shift_right_arithmetic3A_641, %add3A_657], %select_n3A_651 : memref<80x80xf32, #tpu.memory_space<vmem>>[vector<16xi32>, vector<16xi32>], vector<16xf32>,
      %add3A_658 = arith.constant 128 : i32
      %add3A_659 = vector.broadcast %add3A_658 : i32 to vector<16xi32>
      %add3A_660 = arith.addi %iota3A, %add3A_659 : vector<16xi32>
      %shift_right_arithmetic3A_661 = arith.constant 1 : i32
      %shift_right_arithmetic3A_662 = vector.broadcast %shift_right_arithmetic3A_661 : i32 to vector<16xi32>
      %shift_right_arithmetic3A_663 = arith.shrsi %add3A_660, %shift_right_arithmetic3A_662 : vector<16xi32>
      %gather3A_664 = tpu.vector_load_idx %arg12[%shift_right_arithmetic3A_663] : memref<80xf32, #tpu.memory_space<vmem>>[vector<16xi32>], vector<16xf32>,
      %and3A_665 = arith.constant 1 : i32
      %and3A_666 = vector.broadcast %and3A_665 : i32 to vector<16xi32>
      %and3A_667 = arith.andi %add3A_660, %and3A_666 : vector<16xi32>
      %eq3A_668 = arith.constant 0 : i32
      %eq3A_669 = vector.broadcast %eq3A_668 : i32 to vector<16xi32>
      %eq3A_670 = arith.cmpi eq, %and3A_667, %eq3A_669 : vector<16xi32>
      %jit3A_671 = arith.constant 1.000000e+00 : f32
      %broadcast_in_dim3A_672 = vector.broadcast %jit3A_671 : f32 to vector<16xf32>
      %select_n3A_673 = arith.select %eq3A_670, %broadcast_in_dim3A_672, %gather3A_664 : vector<16xi1>, vector<16xf32>
      %and3A_674 = arith.constant 1 : i32
      %and3A_675 = vector.broadcast %and3A_674 : i32 to vector<16xi32>
      %and3A_676 = arith.andi %add3A_660, %and3A_675 : vector<16xi32>
      %add3A_677 = arith.constant 68 : i32
      %add3A_678 = vector.broadcast %add3A_677 : i32 to vector<16xi32>
      %add3A_679 = arith.addi %and3A_676, %add3A_678 : vector<16xi32>
      tpu.vector_store_idx %arg13[%shift_right_arithmetic3A_663, %add3A_679], %select_n3A_673 : memref<80x80xf32, #tpu.memory_space<vmem>>[vector<16xi32>, vector<16xi32>], vector<16xf32>,
      %add3A_680 = arith.constant 144 : i32
      %add3A_681 = vector.broadcast %add3A_680 : i32 to vector<16xi32>
      %add3A_682 = arith.addi %iota3A, %add3A_681 : vector<16xi32>
      %shift_right_arithmetic3A_683 = arith.constant 1 : i32
      %shift_right_arithmetic3A_684 = vector.broadcast %shift_right_arithmetic3A_683 : i32 to vector<16xi32>
      %shift_right_arithmetic3A_685 = arith.shrsi %add3A_682, %shift_right_arithmetic3A_684 : vector<16xi32>
      %gather3A_686 = tpu.vector_load_idx %arg12[%shift_right_arithmetic3A_685] : memref<80xf32, #tpu.memory_space<vmem>>[vector<16xi32>], vector<16xf32>,
      %and3A_687 = arith.constant 1 : i32
      %and3A_688 = vector.broadcast %and3A_687 : i32 to vector<16xi32>
      %and3A_689 = arith.andi %add3A_682, %and3A_688 : vector<16xi32>
      %eq3A_690 = arith.constant 0 : i32
      %eq3A_691 = vector.broadcast %eq3A_690 : i32 to vector<16xi32>
      %eq3A_692 = arith.cmpi eq, %and3A_689, %eq3A_691 : vector<16xi32>
      %jit3A_693 = arith.constant 1.000000e+00 : f32
      %broadcast_in_dim3A_694 = vector.broadcast %jit3A_693 : f32 to vector<16xf32>
      %select_n3A_695 = arith.select %eq3A_692, %broadcast_in_dim3A_694, %gather3A_686 : vector<16xi1>, vector<16xf32>
      %and3A_696 = arith.constant 1 : i32
      %and3A_697 = vector.broadcast %and3A_696 : i32 to vector<16xi32>
      %and3A_698 = arith.andi %add3A_682, %and3A_697 : vector<16xi32>
      %add3A_699 = arith.constant 68 : i32
      %add3A_700 = vector.broadcast %add3A_699 : i32 to vector<16xi32>
      %add3A_701 = arith.addi %and3A_698, %add3A_700 : vector<16xi32>
      tpu.vector_store_idx %arg13[%shift_right_arithmetic3A_685, %add3A_701], %select_n3A_695 : memref<80x80xf32, #tpu.memory_space<vmem>>[vector<16xi32>, vector<16xi32>], vector<16xf32>,
      %scan3A_702 = arith.constant 0 : i32
      %scan3A_703 = arith.constant 320 : i32
      %scan3A_704 = arith.addi %scan3A_702, %scan3A_703 : i32
      %scan3A_705 = arith.constant 16 : i32
      scf.for %scan3A_707 = %scan3A_702 to %scan3A_704 step %scan3A_705  : i32 {
        %shift_right_arithmetic3A_708 = arith.constant 2 : i32
        %shift_right_arithmetic3A_709 = arith.shrsi %scan3A_707, %shift_right_arithmetic3A_708 : i32
        %and3A_710 = arith.constant 3 : i32
        %and3A_711 = arith.andi %scan3A_707, %and3A_710 : i32
        %broadcast_in_dim3A_712 = vector.broadcast %shift_right_arithmetic3A_709 : i32 to vector<16xi32>
        %add3A_713 = arith.constant 64 : i32
        %add3A_714 = arith.addi %and3A_711, %add3A_713 : i32
        %broadcast_in_dim3A_715 = vector.broadcast %add3A_714 : i32 to vector<16xi32>
        %gather3A_716 = tpu.vector_load_idx %arg13[%broadcast_in_dim3A_712, %broadcast_in_dim3A_715] : memref<80x80xf32, #tpu.memory_space<vmem>>[vector<16xi32>, vector<16xi32>], vector<16xf32>,
        %mul3A_717 = arith.constant 16 : i32
        %mul3A_718 = arith.muli %and3A_711, %mul3A_717 : i32
        %get3A = arith.index_cast %shift_right_arithmetic3A_709 : i32 to index
        %get3A_719 = arith.index_cast %mul3A_718 : i32 to index
        %get3A_720 = tpu.vector_load %arg13[%get3A, %get3A_719] {strides = array<i32>} : memref<80x80xf32, #tpu.memory_space<vmem>>, vector<16xf32>,
        %mul3A_721 = arith.mulf %get3A_720, %gather3A_716 : vector<16xf32>
        %swap3A = arith.index_cast %shift_right_arithmetic3A_709 : i32 to index
        %swap3A_722 = arith.index_cast %mul3A_718 : i32 to index
        %swap3A_723 = tpu.vector_load %arg13[%swap3A, %swap3A_722] {strides = array<i32>} : memref<80x80xf32, #tpu.memory_space<vmem>>, vector<16xf32>,
        tpu.vector_store %arg13[%swap3A, %swap3A_722], %mul3A_721 {strides = array<i32>} : memref<80x80xf32, #tpu.memory_space<vmem>>, vector<16xf32>,
        %scan3A_724 = arith.constant 1 : i32
        %scan3A_725 = arith.addi %scan3A_707, %scan3A_724 : i32
        %shift_right_arithmetic3A_726 = arith.constant 2 : i32
        %shift_right_arithmetic3A_727 = arith.shrsi %scan3A_725, %shift_right_arithmetic3A_726 : i32
        %and3A_728 = arith.constant 3 : i32
        %and3A_729 = arith.andi %scan3A_725, %and3A_728 : i32
        %broadcast_in_dim3A_730 = vector.broadcast %shift_right_arithmetic3A_727 : i32 to vector<16xi32>
        %add3A_731 = arith.constant 64 : i32
        %add3A_732 = arith.addi %and3A_729, %add3A_731 : i32
        %broadcast_in_dim3A_733 = vector.broadcast %add3A_732 : i32 to vector<16xi32>
        %gather3A_734 = tpu.vector_load_idx %arg13[%broadcast_in_dim3A_730, %broadcast_in_dim3A_733] : memref<80x80xf32, #tpu.memory_space<vmem>>[vector<16xi32>, vector<16xi32>], vector<16xf32>,
        %mul3A_735 = arith.constant 16 : i32
        %mul3A_736 = arith.muli %and3A_729, %mul3A_735 : i32
        %get3A_737 = arith.index_cast %shift_right_arithmetic3A_727 : i32 to index
        %get3A_738 = arith.index_cast %mul3A_736 : i32 to index
        %get3A_739 = tpu.vector_load %arg13[%get3A_737, %get3A_738] {strides = array<i32>} : memref<80x80xf32, #tpu.memory_space<vmem>>, vector<16xf32>,
        %mul3A_740 = arith.mulf %get3A_739, %gather3A_734 : vector<16xf32>
        %swap3A_741 = arith.index_cast %shift_right_arithmetic3A_727 : i32 to index
        %swap3A_742 = arith.index_cast %mul3A_736 : i32 to index
        %swap3A_743 = tpu.vector_load %arg13[%swap3A_741, %swap3A_742] {strides = array<i32>} : memref<80x80xf32, #tpu.memory_space<vmem>>, vector<16xf32>,
        tpu.vector_store %arg13[%swap3A_741, %swap3A_742], %mul3A_740 {strides = array<i32>} : memref<80x80xf32, #tpu.memory_space<vmem>>, vector<16xf32>,
        %scan3A_744 = arith.constant 2 : i32
        %scan3A_745 = arith.addi %scan3A_707, %scan3A_744 : i32
        %shift_right_arithmetic3A_746 = arith.constant 2 : i32
        %shift_right_arithmetic3A_747 = arith.shrsi %scan3A_745, %shift_right_arithmetic3A_746 : i32
        %and3A_748 = arith.constant 3 : i32
        %and3A_749 = arith.andi %scan3A_745, %and3A_748 : i32
        %broadcast_in_dim3A_750 = vector.broadcast %shift_right_arithmetic3A_747 : i32 to vector<16xi32>
        %add3A_751 = arith.constant 64 : i32
        %add3A_752 = arith.addi %and3A_749, %add3A_751 : i32
        %broadcast_in_dim3A_753 = vector.broadcast %add3A_752 : i32 to vector<16xi32>
        %gather3A_754 = tpu.vector_load_idx %arg13[%broadcast_in_dim3A_750, %broadcast_in_dim3A_753] : memref<80x80xf32, #tpu.memory_space<vmem>>[vector<16xi32>, vector<16xi32>], vector<16xf32>,
        %mul3A_755 = arith.constant 16 : i32
        %mul3A_756 = arith.muli %and3A_749, %mul3A_755 : i32
        %get3A_757 = arith.index_cast %shift_right_arithmetic3A_747 : i32 to index
        %get3A_758 = arith.index_cast %mul3A_756 : i32 to index
        %get3A_759 = tpu.vector_load %arg13[%get3A_757, %get3A_758] {strides = array<i32>} : memref<80x80xf32, #tpu.memory_space<vmem>>, vector<16xf32>,
        %mul3A_760 = arith.mulf %get3A_759, %gather3A_754 : vector<16xf32>
        %swap3A_761 = arith.index_cast %shift_right_arithmetic3A_747 : i32 to index
        %swap3A_762 = arith.index_cast %mul3A_756 : i32 to index
        %swap3A_763 = tpu.vector_load %arg13[%swap3A_761, %swap3A_762] {strides = array<i32>} : memref<80x80xf32, #tpu.memory_space<vmem>>, vector<16xf32>,
        tpu.vector_store %arg13[%swap3A_761, %swap3A_762], %mul3A_760 {strides = array<i32>} : memref<80x80xf32, #tpu.memory_space<vmem>>, vector<16xf32>,
        %scan3A_764 = arith.constant 3 : i32
        %scan3A_765 = arith.addi %scan3A_707, %scan3A_764 : i32
        %shift_right_arithmetic3A_766 = arith.constant 2 : i32
        %shift_right_arithmetic3A_767 = arith.shrsi %scan3A_765, %shift_right_arithmetic3A_766 : i32
        %and3A_768 = arith.constant 3 : i32
        %and3A_769 = arith.andi %scan3A_765, %and3A_768 : i32
        %broadcast_in_dim3A_770 = vector.broadcast %shift_right_arithmetic3A_767 : i32 to vector<16xi32>
        %add3A_771 = arith.constant 64 : i32
        %add3A_772 = arith.addi %and3A_769, %add3A_771 : i32
        %broadcast_in_dim3A_773 = vector.broadcast %add3A_772 : i32 to vector<16xi32>
        %gather3A_774 = tpu.vector_load_idx %arg13[%broadcast_in_dim3A_770, %broadcast_in_dim3A_773] : memref<80x80xf32, #tpu.memory_space<vmem>>[vector<16xi32>, vector<16xi32>], vector<16xf32>,
        %mul3A_775 = arith.constant 16 : i32
        %mul3A_776 = arith.muli %and3A_769, %mul3A_775 : i32
        %get3A_777 = arith.index_cast %shift_right_arithmetic3A_767 : i32 to index
        %get3A_778 = arith.index_cast %mul3A_776 : i32 to index
        %get3A_779 = tpu.vector_load %arg13[%get3A_777, %get3A_778] {strides = array<i32>} : memref<80x80xf32, #tpu.memory_space<vmem>>, vector<16xf32>,
        %mul3A_780 = arith.mulf %get3A_779, %gather3A_774 : vector<16xf32>
        %swap3A_781 = arith.index_cast %shift_right_arithmetic3A_767 : i32 to index
        %swap3A_782 = arith.index_cast %mul3A_776 : i32 to index
        %swap3A_783 = tpu.vector_load %arg13[%swap3A_781, %swap3A_782] {strides = array<i32>} : memref<80x80xf32, #tpu.memory_space<vmem>>, vector<16xf32>,
        tpu.vector_store %arg13[%swap3A_781, %swap3A_782], %mul3A_780 {strides = array<i32>} : memref<80x80xf32, #tpu.memory_space<vmem>>, vector<16xf32>,
        %scan3A_784 = arith.constant 4 : i32
        %scan3A_785 = arith.addi %scan3A_707, %scan3A_784 : i32
        %shift_right_arithmetic3A_786 = arith.constant 2 : i32
        %shift_right_arithmetic3A_787 = arith.shrsi %scan3A_785, %shift_right_arithmetic3A_786 : i32
        %and3A_788 = arith.constant 3 : i32
        %and3A_789 = arith.andi %scan3A_785, %and3A_788 : i32
        %broadcast_in_dim3A_790 = vector.broadcast %shift_right_arithmetic3A_787 : i32 to vector<16xi32>
        %add3A_791 = arith.constant 64 : i32
        %add3A_792 = arith.addi %and3A_789, %add3A_791 : i32
        %broadcast_in_dim3A_793 = vector.broadcast %add3A_792 : i32 to vector<16xi32>
        %gather3A_794 = tpu.vector_load_idx %arg13[%broadcast_in_dim3A_790, %broadcast_in_dim3A_793] : memref<80x80xf32, #tpu.memory_space<vmem>>[vector<16xi32>, vector<16xi32>], vector<16xf32>,
        %mul3A_795 = arith.constant 16 : i32
        %mul3A_796 = arith.muli %and3A_789, %mul3A_795 : i32
        %get3A_797 = arith.index_cast %shift_right_arithmetic3A_787 : i32 to index
        %get3A_798 = arith.index_cast %mul3A_796 : i32 to index
        %get3A_799 = tpu.vector_load %arg13[%get3A_797, %get3A_798] {strides = array<i32>} : memref<80x80xf32, #tpu.memory_space<vmem>>, vector<16xf32>,
        %mul3A_800 = arith.mulf %get3A_799, %gather3A_794 : vector<16xf32>
        %swap3A_801 = arith.index_cast %shift_right_arithmetic3A_787 : i32 to index
        %swap3A_802 = arith.index_cast %mul3A_796 : i32 to index
        %swap3A_803 = tpu.vector_load %arg13[%swap3A_801, %swap3A_802] {strides = array<i32>} : memref<80x80xf32, #tpu.memory_space<vmem>>, vector<16xf32>,
        tpu.vector_store %arg13[%swap3A_801, %swap3A_802], %mul3A_800 {strides = array<i32>} : memref<80x80xf32, #tpu.memory_space<vmem>>, vector<16xf32>,
        %scan3A_804 = arith.constant 5 : i32
        %scan3A_805 = arith.addi %scan3A_707, %scan3A_804 : i32
        %shift_right_arithmetic3A_806 = arith.constant 2 : i32
        %shift_right_arithmetic3A_807 = arith.shrsi %scan3A_805, %shift_right_arithmetic3A_806 : i32
        %and3A_808 = arith.constant 3 : i32
        %and3A_809 = arith.andi %scan3A_805, %and3A_808 : i32
        %broadcast_in_dim3A_810 = vector.broadcast %shift_right_arithmetic3A_807 : i32 to vector<16xi32>
        %add3A_811 = arith.constant 64 : i32
        %add3A_812 = arith.addi %and3A_809, %add3A_811 : i32
        %broadcast_in_dim3A_813 = vector.broadcast %add3A_812 : i32 to vector<16xi32>
        %gather3A_814 = tpu.vector_load_idx %arg13[%broadcast_in_dim3A_810, %broadcast_in_dim3A_813] : memref<80x80xf32, #tpu.memory_space<vmem>>[vector<16xi32>, vector<16xi32>], vector<16xf32>,
        %mul3A_815 = arith.constant 16 : i32
        %mul3A_816 = arith.muli %and3A_809, %mul3A_815 : i32
        %get3A_817 = arith.index_cast %shift_right_arithmetic3A_807 : i32 to index
        %get3A_818 = arith.index_cast %mul3A_816 : i32 to index
        %get3A_819 = tpu.vector_load %arg13[%get3A_817, %get3A_818] {strides = array<i32>} : memref<80x80xf32, #tpu.memory_space<vmem>>, vector<16xf32>,
        %mul3A_820 = arith.mulf %get3A_819, %gather3A_814 : vector<16xf32>
        %swap3A_821 = arith.index_cast %shift_right_arithmetic3A_807 : i32 to index
        %swap3A_822 = arith.index_cast %mul3A_816 : i32 to index
        %swap3A_823 = tpu.vector_load %arg13[%swap3A_821, %swap3A_822] {strides = array<i32>} : memref<80x80xf32, #tpu.memory_space<vmem>>, vector<16xf32>,
        tpu.vector_store %arg13[%swap3A_821, %swap3A_822], %mul3A_820 {strides = array<i32>} : memref<80x80xf32, #tpu.memory_space<vmem>>, vector<16xf32>,
        %scan3A_824 = arith.constant 6 : i32
        %scan3A_825 = arith.addi %scan3A_707, %scan3A_824 : i32
        %shift_right_arithmetic3A_826 = arith.constant 2 : i32
        %shift_right_arithmetic3A_827 = arith.shrsi %scan3A_825, %shift_right_arithmetic3A_826 : i32
        %and3A_828 = arith.constant 3 : i32
        %and3A_829 = arith.andi %scan3A_825, %and3A_828 : i32
        %broadcast_in_dim3A_830 = vector.broadcast %shift_right_arithmetic3A_827 : i32 to vector<16xi32>
        %add3A_831 = arith.constant 64 : i32
        %add3A_832 = arith.addi %and3A_829, %add3A_831 : i32
        %broadcast_in_dim3A_833 = vector.broadcast %add3A_832 : i32 to vector<16xi32>
        %gather3A_834 = tpu.vector_load_idx %arg13[%broadcast_in_dim3A_830, %broadcast_in_dim3A_833] : memref<80x80xf32, #tpu.memory_space<vmem>>[vector<16xi32>, vector<16xi32>], vector<16xf32>,
        %mul3A_835 = arith.constant 16 : i32
        %mul3A_836 = arith.muli %and3A_829, %mul3A_835 : i32
        %get3A_837 = arith.index_cast %shift_right_arithmetic3A_827 : i32 to index
        %get3A_838 = arith.index_cast %mul3A_836 : i32 to index
        %get3A_839 = tpu.vector_load %arg13[%get3A_837, %get3A_838] {strides = array<i32>} : memref<80x80xf32, #tpu.memory_space<vmem>>, vector<16xf32>,
        %mul3A_840 = arith.mulf %get3A_839, %gather3A_834 : vector<16xf32>
        %swap3A_841 = arith.index_cast %shift_right_arithmetic3A_827 : i32 to index
        %swap3A_842 = arith.index_cast %mul3A_836 : i32 to index
        %swap3A_843 = tpu.vector_load %arg13[%swap3A_841, %swap3A_842] {strides = array<i32>} : memref<80x80xf32, #tpu.memory_space<vmem>>, vector<16xf32>,
        tpu.vector_store %arg13[%swap3A_841, %swap3A_842], %mul3A_840 {strides = array<i32>} : memref<80x80xf32, #tpu.memory_space<vmem>>, vector<16xf32>,
        %scan3A_844 = arith.constant 7 : i32
        %scan3A_845 = arith.addi %scan3A_707, %scan3A_844 : i32
        %shift_right_arithmetic3A_846 = arith.constant 2 : i32
        %shift_right_arithmetic3A_847 = arith.shrsi %scan3A_845, %shift_right_arithmetic3A_846 : i32
        %and3A_848 = arith.constant 3 : i32
        %and3A_849 = arith.andi %scan3A_845, %and3A_848 : i32
        %broadcast_in_dim3A_850 = vector.broadcast %shift_right_arithmetic3A_847 : i32 to vector<16xi32>
        %add3A_851 = arith.constant 64 : i32
        %add3A_852 = arith.addi %and3A_849, %add3A_851 : i32
        %broadcast_in_dim3A_853 = vector.broadcast %add3A_852 : i32 to vector<16xi32>
        %gather3A_854 = tpu.vector_load_idx %arg13[%broadcast_in_dim3A_850, %broadcast_in_dim3A_853] : memref<80x80xf32, #tpu.memory_space<vmem>>[vector<16xi32>, vector<16xi32>], vector<16xf32>,
        %mul3A_855 = arith.constant 16 : i32
        %mul3A_856 = arith.muli %and3A_849, %mul3A_855 : i32
        %get3A_857 = arith.index_cast %shift_right_arithmetic3A_847 : i32 to index
        %get3A_858 = arith.index_cast %mul3A_856 : i32 to index
        %get3A_859 = tpu.vector_load %arg13[%get3A_857, %get3A_858] {strides = array<i32>} : memref<80x80xf32, #tpu.memory_space<vmem>>, vector<16xf32>,
        %mul3A_860 = arith.mulf %get3A_859, %gather3A_854 : vector<16xf32>
        %swap3A_861 = arith.index_cast %shift_right_arithmetic3A_847 : i32 to index
        %swap3A_862 = arith.index_cast %mul3A_856 : i32 to index
        %swap3A_863 = tpu.vector_load %arg13[%swap3A_861, %swap3A_862] {strides = array<i32>} : memref<80x80xf32, #tpu.memory_space<vmem>>, vector<16xf32>,
        tpu.vector_store %arg13[%swap3A_861, %swap3A_862], %mul3A_860 {strides = array<i32>} : memref<80x80xf32, #tpu.memory_space<vmem>>, vector<16xf32>,
        %scan3A_864 = arith.constant 8 : i32
        %scan3A_865 = arith.addi %scan3A_707, %scan3A_864 : i32
        %shift_right_arithmetic3A_866 = arith.constant 2 : i32
        %shift_right_arithmetic3A_867 = arith.shrsi %scan3A_865, %shift_right_arithmetic3A_866 : i32
        %and3A_868 = arith.constant 3 : i32
        %and3A_869 = arith.andi %scan3A_865, %and3A_868 : i32
        %broadcast_in_dim3A_870 = vector.broadcast %shift_right_arithmetic3A_867 : i32 to vector<16xi32>
        %add3A_871 = arith.constant 64 : i32
        %add3A_872 = arith.addi %and3A_869, %add3A_871 : i32
        %broadcast_in_dim3A_873 = vector.broadcast %add3A_872 : i32 to vector<16xi32>
        %gather3A_874 = tpu.vector_load_idx %arg13[%broadcast_in_dim3A_870, %broadcast_in_dim3A_873] : memref<80x80xf32, #tpu.memory_space<vmem>>[vector<16xi32>, vector<16xi32>], vector<16xf32>,
        %mul3A_875 = arith.constant 16 : i32
        %mul3A_876 = arith.muli %and3A_869, %mul3A_875 : i32
        %get3A_877 = arith.index_cast %shift_right_arithmetic3A_867 : i32 to index
        %get3A_878 = arith.index_cast %mul3A_876 : i32 to index
        %get3A_879 = tpu.vector_load %arg13[%get3A_877, %get3A_878] {strides = array<i32>} : memref<80x80xf32, #tpu.memory_space<vmem>>, vector<16xf32>,
        %mul3A_880 = arith.mulf %get3A_879, %gather3A_874 : vector<16xf32>
        %swap3A_881 = arith.index_cast %shift_right_arithmetic3A_867 : i32 to index
        %swap3A_882 = arith.index_cast %mul3A_876 : i32 to index
        %swap3A_883 = tpu.vector_load %arg13[%swap3A_881, %swap3A_882] {strides = array<i32>} : memref<80x80xf32, #tpu.memory_space<vmem>>, vector<16xf32>,
        tpu.vector_store %arg13[%swap3A_881, %swap3A_882], %mul3A_880 {strides = array<i32>} : memref<80x80xf32, #tpu.memory_space<vmem>>, vector<16xf32>,
        %scan3A_884 = arith.constant 9 : i32
        %scan3A_885 = arith.addi %scan3A_707, %scan3A_884 : i32
        %shift_right_arithmetic3A_886 = arith.constant 2 : i32
        %shift_right_arithmetic3A_887 = arith.shrsi %scan3A_885, %shift_right_arithmetic3A_886 : i32
        %and3A_888 = arith.constant 3 : i32
        %and3A_889 = arith.andi %scan3A_885, %and3A_888 : i32
        %broadcast_in_dim3A_890 = vector.broadcast %shift_right_arithmetic3A_887 : i32 to vector<16xi32>
        %add3A_891 = arith.constant 64 : i32
        %add3A_892 = arith.addi %and3A_889, %add3A_891 : i32
        %broadcast_in_dim3A_893 = vector.broadcast %add3A_892 : i32 to vector<16xi32>
        %gather3A_894 = tpu.vector_load_idx %arg13[%broadcast_in_dim3A_890, %broadcast_in_dim3A_893] : memref<80x80xf32, #tpu.memory_space<vmem>>[vector<16xi32>, vector<16xi32>], vector<16xf32>,
        %mul3A_895 = arith.constant 16 : i32
        %mul3A_896 = arith.muli %and3A_889, %mul3A_895 : i32
        %get3A_897 = arith.index_cast %shift_right_arithmetic3A_887 : i32 to index
        %get3A_898 = arith.index_cast %mul3A_896 : i32 to index
        %get3A_899 = tpu.vector_load %arg13[%get3A_897, %get3A_898] {strides = array<i32>} : memref<80x80xf32, #tpu.memory_space<vmem>>, vector<16xf32>,
        %mul3A_900 = arith.mulf %get3A_899, %gather3A_894 : vector<16xf32>
        %swap3A_901 = arith.index_cast %shift_right_arithmetic3A_887 : i32 to index
        %swap3A_902 = arith.index_cast %mul3A_896 : i32 to index
        %swap3A_903 = tpu.vector_load %arg13[%swap3A_901, %swap3A_902] {strides = array<i32>} : memref<80x80xf32, #tpu.memory_space<vmem>>, vector<16xf32>,
        tpu.vector_store %arg13[%swap3A_901, %swap3A_902], %mul3A_900 {strides = array<i32>} : memref<80x80xf32, #tpu.memory_space<vmem>>, vector<16xf32>,
        %scan3A_904 = arith.constant 10 : i32
        %scan3A_905 = arith.addi %scan3A_707, %scan3A_904 : i32
        %shift_right_arithmetic3A_906 = arith.constant 2 : i32
        %shift_right_arithmetic3A_907 = arith.shrsi %scan3A_905, %shift_right_arithmetic3A_906 : i32
        %and3A_908 = arith.constant 3 : i32
        %and3A_909 = arith.andi %scan3A_905, %and3A_908 : i32
        %broadcast_in_dim3A_910 = vector.broadcast %shift_right_arithmetic3A_907 : i32 to vector<16xi32>
        %add3A_911 = arith.constant 64 : i32
        %add3A_912 = arith.addi %and3A_909, %add3A_911 : i32
        %broadcast_in_dim3A_913 = vector.broadcast %add3A_912 : i32 to vector<16xi32>
        %gather3A_914 = tpu.vector_load_idx %arg13[%broadcast_in_dim3A_910, %broadcast_in_dim3A_913] : memref<80x80xf32, #tpu.memory_space<vmem>>[vector<16xi32>, vector<16xi32>], vector<16xf32>,
        %mul3A_915 = arith.constant 16 : i32
        %mul3A_916 = arith.muli %and3A_909, %mul3A_915 : i32
        %get3A_917 = arith.index_cast %shift_right_arithmetic3A_907 : i32 to index
        %get3A_918 = arith.index_cast %mul3A_916 : i32 to index
        %get3A_919 = tpu.vector_load %arg13[%get3A_917, %get3A_918] {strides = array<i32>} : memref<80x80xf32, #tpu.memory_space<vmem>>, vector<16xf32>,
        %mul3A_920 = arith.mulf %get3A_919, %gather3A_914 : vector<16xf32>
        %swap3A_921 = arith.index_cast %shift_right_arithmetic3A_907 : i32 to index
        %swap3A_922 = arith.index_cast %mul3A_916 : i32 to index
        %swap3A_923 = tpu.vector_load %arg13[%swap3A_921, %swap3A_922] {strides = array<i32>} : memref<80x80xf32, #tpu.memory_space<vmem>>, vector<16xf32>,
        tpu.vector_store %arg13[%swap3A_921, %swap3A_922], %mul3A_920 {strides = array<i32>} : memref<80x80xf32, #tpu.memory_space<vmem>>, vector<16xf32>,
        %scan3A_924 = arith.constant 11 : i32
        %scan3A_925 = arith.addi %scan3A_707, %scan3A_924 : i32
        %shift_right_arithmetic3A_926 = arith.constant 2 : i32
        %shift_right_arithmetic3A_927 = arith.shrsi %scan3A_925, %shift_right_arithmetic3A_926 : i32
        %and3A_928 = arith.constant 3 : i32
        %and3A_929 = arith.andi %scan3A_925, %and3A_928 : i32
        %broadcast_in_dim3A_930 = vector.broadcast %shift_right_arithmetic3A_927 : i32 to vector<16xi32>
        %add3A_931 = arith.constant 64 : i32
        %add3A_932 = arith.addi %and3A_929, %add3A_931 : i32
        %broadcast_in_dim3A_933 = vector.broadcast %add3A_932 : i32 to vector<16xi32>
        %gather3A_934 = tpu.vector_load_idx %arg13[%broadcast_in_dim3A_930, %broadcast_in_dim3A_933] : memref<80x80xf32, #tpu.memory_space<vmem>>[vector<16xi32>, vector<16xi32>], vector<16xf32>,
        %mul3A_935 = arith.constant 16 : i32
        %mul3A_936 = arith.muli %and3A_929, %mul3A_935 : i32
        %get3A_937 = arith.index_cast %shift_right_arithmetic3A_927 : i32 to index
        %get3A_938 = arith.index_cast %mul3A_936 : i32 to index
        %get3A_939 = tpu.vector_load %arg13[%get3A_937, %get3A_938] {strides = array<i32>} : memref<80x80xf32, #tpu.memory_space<vmem>>, vector<16xf32>,
        %mul3A_940 = arith.mulf %get3A_939, %gather3A_934 : vector<16xf32>
        %swap3A_941 = arith.index_cast %shift_right_arithmetic3A_927 : i32 to index
        %swap3A_942 = arith.index_cast %mul3A_936 : i32 to index
        %swap3A_943 = tpu.vector_load %arg13[%swap3A_941, %swap3A_942] {strides = array<i32>} : memref<80x80xf32, #tpu.memory_space<vmem>>, vector<16xf32>,
        tpu.vector_store %arg13[%swap3A_941, %swap3A_942], %mul3A_940 {strides = array<i32>} : memref<80x80xf32, #tpu.memory_space<vmem>>, vector<16xf32>,
        %scan3A_944 = arith.constant 12 : i32
        %scan3A_945 = arith.addi %scan3A_707, %scan3A_944 : i32
        %shift_right_arithmetic3A_946 = arith.constant 2 : i32
        %shift_right_arithmetic3A_947 = arith.shrsi %scan3A_945, %shift_right_arithmetic3A_946 : i32
        %and3A_948 = arith.constant 3 : i32
        %and3A_949 = arith.andi %scan3A_945, %and3A_948 : i32
        %broadcast_in_dim3A_950 = vector.broadcast %shift_right_arithmetic3A_947 : i32 to vector<16xi32>
        %add3A_951 = arith.constant 64 : i32
        %add3A_952 = arith.addi %and3A_949, %add3A_951 : i32
        %broadcast_in_dim3A_953 = vector.broadcast %add3A_952 : i32 to vector<16xi32>
        %gather3A_954 = tpu.vector_load_idx %arg13[%broadcast_in_dim3A_950, %broadcast_in_dim3A_953] : memref<80x80xf32, #tpu.memory_space<vmem>>[vector<16xi32>, vector<16xi32>], vector<16xf32>,
        %mul3A_955 = arith.constant 16 : i32
        %mul3A_956 = arith.muli %and3A_949, %mul3A_955 : i32
        %get3A_957 = arith.index_cast %shift_right_arithmetic3A_947 : i32 to index
        %get3A_958 = arith.index_cast %mul3A_956 : i32 to index
        %get3A_959 = tpu.vector_load %arg13[%get3A_957, %get3A_958] {strides = array<i32>} : memref<80x80xf32, #tpu.memory_space<vmem>>, vector<16xf32>,
        %mul3A_960 = arith.mulf %get3A_959, %gather3A_954 : vector<16xf32>
        %swap3A_961 = arith.index_cast %shift_right_arithmetic3A_947 : i32 to index
        %swap3A_962 = arith.index_cast %mul3A_956 : i32 to index
        %swap3A_963 = tpu.vector_load %arg13[%swap3A_961, %swap3A_962] {strides = array<i32>} : memref<80x80xf32, #tpu.memory_space<vmem>>, vector<16xf32>,
        tpu.vector_store %arg13[%swap3A_961, %swap3A_962], %mul3A_960 {strides = array<i32>} : memref<80x80xf32, #tpu.memory_space<vmem>>, vector<16xf32>,
        %scan3A_964 = arith.constant 13 : i32
        %scan3A_965 = arith.addi %scan3A_707, %scan3A_964 : i32
        %shift_right_arithmetic3A_966 = arith.constant 2 : i32
        %shift_right_arithmetic3A_967 = arith.shrsi %scan3A_965, %shift_right_arithmetic3A_966 : i32
        %and3A_968 = arith.constant 3 : i32
        %and3A_969 = arith.andi %scan3A_965, %and3A_968 : i32
        %broadcast_in_dim3A_970 = vector.broadcast %shift_right_arithmetic3A_967 : i32 to vector<16xi32>
        %add3A_971 = arith.constant 64 : i32
        %add3A_972 = arith.addi %and3A_969, %add3A_971 : i32
        %broadcast_in_dim3A_973 = vector.broadcast %add3A_972 : i32 to vector<16xi32>
        %gather3A_974 = tpu.vector_load_idx %arg13[%broadcast_in_dim3A_970, %broadcast_in_dim3A_973] : memref<80x80xf32, #tpu.memory_space<vmem>>[vector<16xi32>, vector<16xi32>], vector<16xf32>,
        %mul3A_975 = arith.constant 16 : i32
        %mul3A_976 = arith.muli %and3A_969, %mul3A_975 : i32
        %get3A_977 = arith.index_cast %shift_right_arithmetic3A_967 : i32 to index
        %get3A_978 = arith.index_cast %mul3A_976 : i32 to index
        %get3A_979 = tpu.vector_load %arg13[%get3A_977, %get3A_978] {strides = array<i32>} : memref<80x80xf32, #tpu.memory_space<vmem>>, vector<16xf32>,
        %mul3A_980 = arith.mulf %get3A_979, %gather3A_974 : vector<16xf32>
        %swap3A_981 = arith.index_cast %shift_right_arithmetic3A_967 : i32 to index
        %swap3A_982 = arith.index_cast %mul3A_976 : i32 to index
        %swap3A_983 = tpu.vector_load %arg13[%swap3A_981, %swap3A_982] {strides = array<i32>} : memref<80x80xf32, #tpu.memory_space<vmem>>, vector<16xf32>,
        tpu.vector_store %arg13[%swap3A_981, %swap3A_982], %mul3A_980 {strides = array<i32>} : memref<80x80xf32, #tpu.memory_space<vmem>>, vector<16xf32>,
        %scan3A_984 = arith.constant 14 : i32
        %scan3A_985 = arith.addi %scan3A_707, %scan3A_984 : i32
        %shift_right_arithmetic3A_986 = arith.constant 2 : i32
        %shift_right_arithmetic3A_987 = arith.shrsi %scan3A_985, %shift_right_arithmetic3A_986 : i32
        %and3A_988 = arith.constant 3 : i32
        %and3A_989 = arith.andi %scan3A_985, %and3A_988 : i32
        %broadcast_in_dim3A_990 = vector.broadcast %shift_right_arithmetic3A_987 : i32 to vector<16xi32>
        %add3A_991 = arith.constant 64 : i32
        %add3A_992 = arith.addi %and3A_989, %add3A_991 : i32
        %broadcast_in_dim3A_993 = vector.broadcast %add3A_992 : i32 to vector<16xi32>
        %gather3A_994 = tpu.vector_load_idx %arg13[%broadcast_in_dim3A_990, %broadcast_in_dim3A_993] : memref<80x80xf32, #tpu.memory_space<vmem>>[vector<16xi32>, vector<16xi32>], vector<16xf32>,
        %mul3A_995 = arith.constant 16 : i32
        %mul3A_996 = arith.muli %and3A_989, %mul3A_995 : i32
        %get3A_997 = arith.index_cast %shift_right_arithmetic3A_987 : i32 to index
        %get3A_998 = arith.index_cast %mul3A_996 : i32 to index
        %get3A_999 = tpu.vector_load %arg13[%get3A_997, %get3A_998] {strides = array<i32>} : memref<80x80xf32, #tpu.memory_space<vmem>>, vector<16xf32>,
        %mul3A_1000 = arith.mulf %get3A_999, %gather3A_994 : vector<16xf32>
        %swap3A_1001 = arith.index_cast %shift_right_arithmetic3A_987 : i32 to index
        %swap3A_1002 = arith.index_cast %mul3A_996 : i32 to index
        %swap3A_1003 = tpu.vector_load %arg13[%swap3A_1001, %swap3A_1002] {strides = array<i32>} : memref<80x80xf32, #tpu.memory_space<vmem>>, vector<16xf32>,
        tpu.vector_store %arg13[%swap3A_1001, %swap3A_1002], %mul3A_1000 {strides = array<i32>} : memref<80x80xf32, #tpu.memory_space<vmem>>, vector<16xf32>,
        %scan3A_1004 = arith.constant 15 : i32
        %scan3A_1005 = arith.addi %scan3A_707, %scan3A_1004 : i32
        %shift_right_arithmetic3A_1006 = arith.constant 2 : i32
        %shift_right_arithmetic3A_1007 = arith.shrsi %scan3A_1005, %shift_right_arithmetic3A_1006 : i32
        %and3A_1008 = arith.constant 3 : i32
        %and3A_1009 = arith.andi %scan3A_1005, %and3A_1008 : i32
        %broadcast_in_dim3A_1010 = vector.broadcast %shift_right_arithmetic3A_1007 : i32 to vector<16xi32>
        %add3A_1011 = arith.constant 64 : i32
        %add3A_1012 = arith.addi %and3A_1009, %add3A_1011 : i32
        %broadcast_in_dim3A_1013 = vector.broadcast %add3A_1012 : i32 to vector<16xi32>
        %gather3A_1014 = tpu.vector_load_idx %arg13[%broadcast_in_dim3A_1010, %broadcast_in_dim3A_1013] : memref<80x80xf32, #tpu.memory_space<vmem>>[vector<16xi32>, vector<16xi32>], vector<16xf32>,
        %mul3A_1015 = arith.constant 16 : i32
        %mul3A_1016 = arith.muli %and3A_1009, %mul3A_1015 : i32
        %get3A_1017 = arith.index_cast %shift_right_arithmetic3A_1007 : i32 to index
        %get3A_1018 = arith.index_cast %mul3A_1016 : i32 to index
        %get3A_1019 = tpu.vector_load %arg13[%get3A_1017, %get3A_1018] {strides = array<i32>} : memref<80x80xf32, #tpu.memory_space<vmem>>, vector<16xf32>,
        %mul3A_1020 = arith.mulf %get3A_1019, %gather3A_1014 : vector<16xf32>
        %swap3A_1021 = arith.index_cast %shift_right_arithmetic3A_1007 : i32 to index
        %swap3A_1022 = arith.index_cast %mul3A_1016 : i32 to index
        %swap3A_1023 = tpu.vector_load %arg13[%swap3A_1021, %swap3A_1022] {strides = array<i32>} : memref<80x80xf32, #tpu.memory_space<vmem>>, vector<16xf32>,
        tpu.vector_store %arg13[%swap3A_1021, %swap3A_1022], %mul3A_1020 {strides = array<i32>} : memref<80x80xf32, #tpu.memory_space<vmem>>, vector<16xf32>,
      }
      %scan3A_706 = arith.constant 320 : i32
      "tpu.region"() ({
        %run_scoped3A = tpu.sem_alloc : memref<!tpu.dma_semaphore, #tpu.memory_space<semaphore_mem>>
        %dma_start3A_707 = arith.constant 0 : i32
        %dma_start3A_708 = arith.constant 0 : i32
        %dma_start3A_709 = tpu.memref_slice %arg16[%dma_start3A_707, %dma_start3A_708] : memref<20480x80xf32, #tpu.memory_space<vmem_shared>> -> memref<20480x80xf32, #tpu.memory_space<vmem_shared>>
        tpu.enqueue_indirect_dma source(%arg13 : memref<80x80xf32, #tpu.memory_space<vmem>>) target(%dma_start3A_709 : memref<20480x80xf32, #tpu.memory_space<vmem_shared>>) offsets(%arg11 : memref<80xi32, #tpu.memory_space<vmem>>) semaphore(%run_scoped3A : memref<!tpu.dma_semaphore, #tpu.memory_space<semaphore_mem>>) {add = true}
        %dma_wait3A_710 = arith.constant 0 : i32
        %dma_wait3A_711 = arith.constant 0 : i32
        %dma_wait3A_712 = tpu.memref_slice %arg16[%dma_wait3A_710, %dma_wait3A_711] : memref<20480x80xf32, #tpu.memory_space<vmem_shared>> -> memref<20480x80xf32, #tpu.memory_space<vmem_shared>>
        tpu.wait_indirect_dma semaphore(%run_scoped3A : memref<!tpu.dma_semaphore, #tpu.memory_space<semaphore_mem>>) src(%arg13 : memref<80x80xf32, #tpu.memory_space<vmem>>) dst(%dma_wait3A_712 : memref<20480x80xf32, #tpu.memory_space<vmem_shared>>)
        tpu.yield
      }) : () -> ()
    }
    %scan3A_10 = arith.constant 250 : i32
    %barrier3A_11 = arith.constant 0 : index
    tpu.barrier barrier_id(%barrier3A_11)
    "tpu.region"() ({
      %run_scoped3A = tpu.sem_alloc : memref<!tpu.dma_semaphore, #tpu.memory_space<semaphore_mem>>
      %dma_start3A = arith.constant 0 : i32
      %dma_start3A_12 = tpu.memref_slice %arg9[%arg0, %mul3A_2, %dma_start3A] : memref<2x20480x80xf32, #tpu.memory_space<hbm>> -> memref<1x1280x80xf32, #tpu.memory_space<hbm>>
      %dma_start3A_13 = tpu.memref_squeeze %dma_start3A_12 : memref<1x1280x80xf32, #tpu.memory_space<hbm>> -> memref<1280x80xf32, #tpu.memory_space<hbm>>
      %dma_start3A_14 = arith.constant 0 : i32
      %dma_start3A_15 = tpu.memref_slice %arg16[%mul3A_2, %dma_start3A_14] : memref<20480x80xf32, #tpu.memory_space<vmem_shared>> -> memref<1280x80xf32, #tpu.memory_space<vmem_shared>>
      tpu.enqueue_dma source(%dma_start3A_15 : memref<1280x80xf32, #tpu.memory_space<vmem_shared>>) target(%dma_start3A_13 : memref<1280x80xf32, #tpu.memory_space<hbm>>) target_semaphore(%run_scoped3A : memref<!tpu.dma_semaphore, #tpu.memory_space<semaphore_mem>>)
      %dma_wait3A = arith.constant 0 : i32
      %dma_wait3A_16 = tpu.memref_slice %arg9[%arg0, %mul3A_2, %dma_wait3A] : memref<2x20480x80xf32, #tpu.memory_space<hbm>> -> memref<1x1280x80xf32, #tpu.memory_space<hbm>>
      %dma_wait3A_17 = tpu.memref_squeeze %dma_wait3A_16 : memref<1x1280x80xf32, #tpu.memory_space<hbm>> -> memref<1280x80xf32, #tpu.memory_space<hbm>>
      %dma_wait3A_18 = arith.constant 0 : i32
      %dma_wait3A_19 = tpu.memref_slice %arg16[%mul3A_2, %dma_wait3A_18] : memref<20480x80xf32, #tpu.memory_space<vmem_shared>> -> memref<1280x80xf32, #tpu.memory_space<vmem_shared>>
      tpu.wait_dma2 semaphore(%run_scoped3A : memref<!tpu.dma_semaphore, #tpu.memory_space<semaphore_mem>>) src(%dma_wait3A_19 : memref<1280x80xf32, #tpu.memory_space<vmem_shared>>) dst(%dma_wait3A_17 : memref<1280x80xf32, #tpu.memory_space<hbm>>)
      tpu.yield
    }) : () -> ()
    return
  }
}

#map = affine_map<(d0, d1) -> (0)>
#map1 = affine_map<(d0, d1) -> (0, 0)>
#map2 = affine_map<(d0, d1) -> (0, 0, 0)>
module attributes {stable_mosaic.version = 14 : i64} {
  func.func @_sc_body(%arg0: i32, %arg1: i32, %arg2: memref<640000xi32, #tpu.memory_space<hbm>>, %arg3: memref<640000xi32, #tpu.memory_space<hbm>>, %arg4: memref<640000xf32, #tpu.memory_space<hbm>>, %arg5: memref<20000x80xf32, #tpu.memory_space<hbm>>, %arg6: memref<20000x16xf32, #tpu.memory_space<hbm>>, %arg7: memref<16xf32, #tpu.memory_space<hbm>>, %arg8: memref<1280x80xf32, #tpu.memory_space<hbm>>, %arg9: memref<2x20480x80xf32, #tpu.memory_space<hbm>>, %arg10: memref<80xi32, #tpu.memory_space<vmem>>, %arg11: memref<80xi32, #tpu.memory_space<vmem>>, %arg12: memref<80xf32, #tpu.memory_space<vmem>>, %arg13: memref<80x80xf32, #tpu.memory_space<vmem>>, %arg14: memref<80x16xf32, #tpu.memory_space<vmem>>, %arg15: memref<16xf32, #tpu.memory_space<vmem>>, %arg16: memref<20480x80xf32, #tpu.memory_space<vmem_shared>>, %arg17: memref<!tpu.dma_semaphore, #tpu.memory_space<semaphore_mem>>) attributes {dimension_semantics = [#tpu.dimension_semantics<core_parallel>, #tpu.dimension_semantics<subcore_parallel>], iteration_bounds = array<i64: 2, 16>, scalar_prefetch = 0 : i64, scratch_operands = 8 : i64, tpu.core_type = #tpu.core_type<sc_vector_subcore>, window_params = [{transform_indices = #map}, {transform_indices = #map}, {transform_indices = #map}, {transform_indices = #map1}, {transform_indices = #map1}, {transform_indices = #map}, {transform_indices = #map1}, {transform_indices = #map2}]} {
    %mul3A = arith.constant 16 : i32
    %mul3A_0 = arith.muli %arg0, %mul3A : i32
    %add3A = arith.addi %mul3A_0, %arg1 : i32
    %mul3A_1 = arith.constant 1280 : i32
    %mul3A_2 = arith.muli %arg1, %mul3A_1 : i32
    "tpu.region"() ({
      %run_scoped3A = tpu.sem_alloc : memref<!tpu.dma_semaphore, #tpu.memory_space<semaphore_mem>>
      %dma_start3A = arith.constant 0 : i32
      %dma_start3A_12 = tpu.memref_slice %arg16[%mul3A_2, %dma_start3A] : memref<20480x80xf32, #tpu.memory_space<vmem_shared>> -> memref<1280x80xf32, #tpu.memory_space<vmem_shared>>
      tpu.enqueue_dma source(%arg8 : memref<1280x80xf32, #tpu.memory_space<hbm>>) target(%dma_start3A_12 : memref<1280x80xf32, #tpu.memory_space<vmem_shared>>) target_semaphore(%run_scoped3A : memref<!tpu.dma_semaphore, #tpu.memory_space<semaphore_mem>>)
      %dma_wait3A = arith.constant 0 : i32
      %dma_wait3A_13 = tpu.memref_slice %arg16[%mul3A_2, %dma_wait3A] : memref<20480x80xf32, #tpu.memory_space<vmem_shared>> -> memref<1280x80xf32, #tpu.memory_space<vmem_shared>>
      tpu.wait_dma2 semaphore(%run_scoped3A : memref<!tpu.dma_semaphore, #tpu.memory_space<semaphore_mem>>) src(%arg8 : memref<1280x80xf32, #tpu.memory_space<hbm>>) dst(%dma_wait3A_13 : memref<1280x80xf32, #tpu.memory_space<vmem_shared>>)
      tpu.yield
    }) : () -> ()
    "tpu.region"() ({
      %run_scoped3A = tpu.sem_alloc : memref<!tpu.dma_semaphore, #tpu.memory_space<semaphore_mem>>
      tpu.enqueue_dma source(%arg7 : memref<16xf32, #tpu.memory_space<hbm>>) target(%arg15 : memref<16xf32, #tpu.memory_space<vmem>>) target_semaphore(%run_scoped3A : memref<!tpu.dma_semaphore, #tpu.memory_space<semaphore_mem>>)
      tpu.wait_dma2 semaphore(%run_scoped3A : memref<!tpu.dma_semaphore, #tpu.memory_space<semaphore_mem>>) src(%arg7 : memref<16xf32, #tpu.memory_space<hbm>>) dst(%arg15 : memref<16xf32, #tpu.memory_space<vmem>>)
      tpu.yield
    }) : () -> ()
    %barrier3A = arith.constant 0 : index
    tpu.barrier barrier_id(%barrier3A)
    %iota3A = tpu.iota {dimensions = array<i32: 0>} : vector<16xi32>
    %shift_right_arithmetic3A = arith.constant 2 : i32
    %shift_right_arithmetic3A_3 = vector.broadcast %shift_right_arithmetic3A : i32 to vector<16xi32>
    %shift_right_arithmetic3A_4 = arith.shrsi %iota3A, %shift_right_arithmetic3A_3 : vector<16xi32>
    %and3A = arith.constant 3 : i32
    %and3A_5 = vector.broadcast %and3A : i32 to vector<16xi32>
    %and3A_6 = arith.andi %iota3A, %and3A_5 : vector<16xi32>
    %gather3A = tpu.vector_load_idx %arg15[%and3A_6] : memref<16xf32, #tpu.memory_space<vmem>>[vector<16xi32>], vector<16xf32>,
    %scan3A = arith.constant 0 : i32
    %scan3A_7 = arith.constant 250 : i32
    %scan3A_8 = arith.addi %scan3A, %scan3A_7 : i32
    %scan3A_9 = arith.constant 1 : i32
    scf.for %scan3A_12 = %scan3A to %scan3A_8 step %scan3A_9  : i32 {
      %mul3A_13 = arith.constant 20000 : i32
      %mul3A_14 = arith.muli %add3A, %mul3A_13 : i32
      %mul3A_15 = arith.constant 80 : i32
      %mul3A_16 = arith.muli %scan3A_12, %mul3A_15 : i32
      %add3A_17 = arith.addi %mul3A_14, %mul3A_16 : i32
      "tpu.region"() ({
        %run_scoped3A = tpu.sem_alloc : memref<!tpu.dma_semaphore, #tpu.memory_space<semaphore_mem>>
        %dma_start3A_707 = tpu.memref_slice %arg2[%add3A_17] : memref<640000xi32, #tpu.memory_space<hbm>> -> memref<80xi32, #tpu.memory_space<hbm>>
        %dma_start3A_708 = tpu.memref_slice %arg2[%add3A_17] : memref<640000xi32, #tpu.memory_space<hbm>> -> memref<80xi32, #tpu.memory_space<hbm>>
        tpu.enqueue_dma source(%dma_start3A_708 : memref<80xi32, #tpu.memory_space<hbm>>) target(%arg10 : memref<80xi32, #tpu.memory_space<vmem>>) target_semaphore(%run_scoped3A : memref<!tpu.dma_semaphore, #tpu.memory_space<semaphore_mem>>)
        %dma_wait3A_709 = tpu.memref_slice %arg2[%add3A_17] : memref<640000xi32, #tpu.memory_space<hbm>> -> memref<80xi32, #tpu.memory_space<hbm>>
        %dma_wait3A_710 = tpu.memref_slice %arg2[%add3A_17] : memref<640000xi32, #tpu.memory_space<hbm>> -> memref<80xi32, #tpu.memory_space<hbm>>
        tpu.wait_dma2 semaphore(%run_scoped3A : memref<!tpu.dma_semaphore, #tpu.memory_space<semaphore_mem>>) src(%dma_wait3A_710 : memref<80xi32, #tpu.memory_space<hbm>>) dst(%arg10 : memref<80xi32, #tpu.memory_space<vmem>>)
        tpu.yield
      }) : () -> ()
      "tpu.region"() ({
        %run_scoped3A = tpu.sem_alloc : memref<!tpu.dma_semaphore, #tpu.memory_space<semaphore_mem>>
        %dma_start3A_707 = tpu.memref_slice %arg3[%add3A_17] : memref<640000xi32, #tpu.memory_space<hbm>> -> memref<80xi32, #tpu.memory_space<hbm>>
        %dma_start3A_708 = tpu.memref_slice %arg3[%add3A_17] : memref<640000xi32, #tpu.memory_space<hbm>> -> memref<80xi32, #tpu.memory_space<hbm>>
        tpu.enqueue_dma source(%dma_start3A_708 : memref<80xi32, #tpu.memory_space<hbm>>) target(%arg11 : memref<80xi32, #tpu.memory_space<vmem>>) target_semaphore(%run_scoped3A : memref<!tpu.dma_semaphore, #tpu.memory_space<semaphore_mem>>)
        %dma_wait3A_709 = tpu.memref_slice %arg3[%add3A_17] : memref<640000xi32, #tpu.memory_space<hbm>> -> memref<80xi32, #tpu.memory_space<hbm>>
        %dma_wait3A_710 = tpu.memref_slice %arg3[%add3A_17] : memref<640000xi32, #tpu.memory_space<hbm>> -> memref<80xi32, #tpu.memory_space<hbm>>
        tpu.wait_dma2 semaphore(%run_scoped3A : memref<!tpu.dma_semaphore, #tpu.memory_space<semaphore_mem>>) src(%dma_wait3A_710 : memref<80xi32, #tpu.memory_space<hbm>>) dst(%arg11 : memref<80xi32, #tpu.memory_space<vmem>>)
        tpu.yield
      }) : () -> ()
      "tpu.region"() ({
        %run_scoped3A = tpu.sem_alloc : memref<!tpu.dma_semaphore, #tpu.memory_space<semaphore_mem>>
        %dma_start3A_707 = tpu.memref_slice %arg4[%add3A_17] : memref<640000xf32, #tpu.memory_space<hbm>> -> memref<80xf32, #tpu.memory_space<hbm>>
        %dma_start3A_708 = tpu.memref_slice %arg4[%add3A_17] : memref<640000xf32, #tpu.memory_space<hbm>> -> memref<80xf32, #tpu.memory_space<hbm>>
        tpu.enqueue_dma source(%dma_start3A_708 : memref<80xf32, #tpu.memory_space<hbm>>) target(%arg12 : memref<80xf32, #tpu.memory_space<vmem>>) target_semaphore(%run_scoped3A : memref<!tpu.dma_semaphore, #tpu.memory_space<semaphore_mem>>)
        %dma_wait3A_709 = tpu.memref_slice %arg4[%add3A_17] : memref<640000xf32, #tpu.memory_space<hbm>> -> memref<80xf32, #tpu.memory_space<hbm>>
        %dma_wait3A_710 = tpu.memref_slice %arg4[%add3A_17] : memref<640000xf32, #tpu.memory_space<hbm>> -> memref<80xf32, #tpu.memory_space<hbm>>
        tpu.wait_dma2 semaphore(%run_scoped3A : memref<!tpu.dma_semaphore, #tpu.memory_space<semaphore_mem>>) src(%dma_wait3A_710 : memref<80xf32, #tpu.memory_space<hbm>>) dst(%arg12 : memref<80xf32, #tpu.memory_space<vmem>>)
        tpu.yield
      }) : () -> ()
      %dma_start3A = arith.constant 0 : i32
      %dma_start3A_18 = arith.constant 0 : i32
      %dma_start3A_19 = tpu.memref_slice %arg5[%dma_start3A, %dma_start3A_18] : memref<20000x80xf32, #tpu.memory_space<hbm>> -> memref<20000x80xf32, #tpu.memory_space<hbm>>
      tpu.enqueue_indirect_dma source(%dma_start3A_19 : memref<20000x80xf32, #tpu.memory_space<hbm>>) target(%arg13 : memref<80x80xf32, #tpu.memory_space<vmem>>) offsets(%arg10 : memref<80xi32, #tpu.memory_space<vmem>>) semaphore(%arg17 : memref<!tpu.dma_semaphore, #tpu.memory_space<semaphore_mem>>)
      %dma_start3A_20 = arith.constant 0 : i32
      %dma_start3A_21 = arith.constant 0 : i32
      %dma_start3A_22 = tpu.memref_slice %arg6[%dma_start3A_20, %dma_start3A_21] : memref<20000x16xf32, #tpu.memory_space<hbm>> -> memref<20000x16xf32, #tpu.memory_space<hbm>>
      tpu.enqueue_indirect_dma source(%dma_start3A_22 : memref<20000x16xf32, #tpu.memory_space<hbm>>) target(%arg14 : memref<80x16xf32, #tpu.memory_space<vmem>>) offsets(%arg11 : memref<80xi32, #tpu.memory_space<vmem>>) semaphore(%arg17 : memref<!tpu.dma_semaphore, #tpu.memory_space<semaphore_mem>>)
      %dma_wait3A = arith.constant 0 : i32
      %dma_wait3A_23 = arith.constant 0 : i32
      %dma_wait3A_24 = tpu.memref_slice %arg5[%dma_wait3A, %dma_wait3A_23] : memref<20000x80xf32, #tpu.memory_space<hbm>> -> memref<20000x80xf32, #tpu.memory_space<hbm>>
      tpu.wait_indirect_dma semaphore(%arg17 : memref<!tpu.dma_semaphore, #tpu.memory_space<semaphore_mem>>) src(%dma_wait3A_24 : memref<20000x80xf32, #tpu.memory_space<hbm>>) dst(%arg13 : memref<80x80xf32, #tpu.memory_space<vmem>>)
      %dma_wait3A_25 = arith.constant 0 : i32
      %dma_wait3A_26 = arith.constant 0 : i32
      %dma_wait3A_27 = tpu.memref_slice %arg6[%dma_wait3A_25, %dma_wait3A_26] : memref<20000x16xf32, #tpu.memory_space<hbm>> -> memref<20000x16xf32, #tpu.memory_space<hbm>>
      tpu.wait_indirect_dma semaphore(%arg17 : memref<!tpu.dma_semaphore, #tpu.memory_space<semaphore_mem>>) src(%dma_wait3A_27 : memref<20000x16xf32, #tpu.memory_space<hbm>>) dst(%arg14 : memref<80x16xf32, #tpu.memory_space<vmem>>)
      %add3A_28 = arith.constant 0 : i32
      %add3A_29 = vector.broadcast %add3A_28 : i32 to vector<16xi32>
      %add3A_30 = arith.addi %shift_right_arithmetic3A_4, %add3A_29 : vector<16xi32>
      %add3A_31 = arith.constant 64 : i32
      %add3A_32 = vector.broadcast %add3A_31 : i32 to vector<16xi32>
      %add3A_33 = arith.addi %and3A_6, %add3A_32 : vector<16xi32>
      %gather3A_34 = tpu.vector_load_idx %arg13[%add3A_30, %add3A_33] : memref<80x80xf32, #tpu.memory_space<vmem>>[vector<16xi32>, vector<16xi32>], vector<16xf32>,
      %gather3A_35 = tpu.vector_load_idx %arg14[%add3A_30, %and3A_6] : memref<80x16xf32, #tpu.memory_space<vmem>>[vector<16xi32>, vector<16xi32>], vector<16xf32>,
      %gather3A_36 = tpu.vector_load_idx %arg12[%add3A_30] : memref<80xf32, #tpu.memory_space<vmem>>[vector<16xi32>], vector<16xf32>,
      %add3A_37 = arith.addf %gather3A_34, %gather3A_35 : vector<16xf32>
      %mul3A_38 = arith.mulf %gather3A_36, %gather3A : vector<16xf32>
      %add3A_39 = arith.addf %add3A_37, %mul3A_38 : vector<16xf32>
      %gt3A = arith.constant 0.000000e+00 : f32
      %gt3A_40 = vector.broadcast %gt3A : f32 to vector<16xf32>
      %gt3A_41 = arith.cmpf ogt, %add3A_39, %gt3A_40 : vector<16xf32>
      %mul3A_42 = arith.constant 2.000000e-01 : f32
      %mul3A_43 = vector.broadcast %mul3A_42 : f32 to vector<16xf32>
      %mul3A_44 = arith.mulf %mul3A_43, %add3A_39 : vector<16xf32>
      %select_n3A = arith.select %gt3A_41, %add3A_39, %mul3A_44 : vector<16xi1>, vector<16xf32>
      %exp3A = math.exp %select_n3A : vector<16xf32>
      %add3A_45 = arith.constant 64 : i32
      %add3A_46 = vector.broadcast %add3A_45 : i32 to vector<16xi32>
      %add3A_47 = arith.addi %and3A_6, %add3A_46 : vector<16xi32>
      tpu.vector_store_idx %arg13[%add3A_30, %add3A_47], %exp3A : memref<80x80xf32, #tpu.memory_space<vmem>>[vector<16xi32>, vector<16xi32>], vector<16xf32>,
      %add3A_48 = arith.constant 4 : i32
      %add3A_49 = vector.broadcast %add3A_48 : i32 to vector<16xi32>
      %add3A_50 = arith.addi %shift_right_arithmetic3A_4, %add3A_49 : vector<16xi32>
      %add3A_51 = arith.constant 64 : i32
      %add3A_52 = vector.broadcast %add3A_51 : i32 to vector<16xi32>
      %add3A_53 = arith.addi %and3A_6, %add3A_52 : vector<16xi32>
      %gather3A_54 = tpu.vector_load_idx %arg13[%add3A_50, %add3A_53] : memref<80x80xf32, #tpu.memory_space<vmem>>[vector<16xi32>, vector<16xi32>], vector<16xf32>,
      %gather3A_55 = tpu.vector_load_idx %arg14[%add3A_50, %and3A_6] : memref<80x16xf32, #tpu.memory_space<vmem>>[vector<16xi32>, vector<16xi32>], vector<16xf32>,
      %gather3A_56 = tpu.vector_load_idx %arg12[%add3A_50] : memref<80xf32, #tpu.memory_space<vmem>>[vector<16xi32>], vector<16xf32>,
      %add3A_57 = arith.addf %gather3A_54, %gather3A_55 : vector<16xf32>
      %mul3A_58 = arith.mulf %gather3A_56, %gather3A : vector<16xf32>
      %add3A_59 = arith.addf %add3A_57, %mul3A_58 : vector<16xf32>
      %gt3A_60 = arith.constant 0.000000e+00 : f32
      %gt3A_61 = vector.broadcast %gt3A_60 : f32 to vector<16xf32>
      %gt3A_62 = arith.cmpf ogt, %add3A_59, %gt3A_61 : vector<16xf32>
      %mul3A_63 = arith.constant 2.000000e-01 : f32
      %mul3A_64 = vector.broadcast %mul3A_63 : f32 to vector<16xf32>
      %mul3A_65 = arith.mulf %mul3A_64, %add3A_59 : vector<16xf32>
      %select_n3A_66 = arith.select %gt3A_62, %add3A_59, %mul3A_65 : vector<16xi1>, vector<16xf32>
      %exp3A_67 = math.exp %select_n3A_66 : vector<16xf32>
      %add3A_68 = arith.constant 64 : i32
      %add3A_69 = vector.broadcast %add3A_68 : i32 to vector<16xi32>
      %add3A_70 = arith.addi %and3A_6, %add3A_69 : vector<16xi32>
      tpu.vector_store_idx %arg13[%add3A_50, %add3A_70], %exp3A_67 : memref<80x80xf32, #tpu.memory_space<vmem>>[vector<16xi32>, vector<16xi32>], vector<16xf32>,
      %add3A_71 = arith.constant 8 : i32
      %add3A_72 = vector.broadcast %add3A_71 : i32 to vector<16xi32>
      %add3A_73 = arith.addi %shift_right_arithmetic3A_4, %add3A_72 : vector<16xi32>
      %add3A_74 = arith.constant 64 : i32
      %add3A_75 = vector.broadcast %add3A_74 : i32 to vector<16xi32>
      %add3A_76 = arith.addi %and3A_6, %add3A_75 : vector<16xi32>
      %gather3A_77 = tpu.vector_load_idx %arg13[%add3A_73, %add3A_76] : memref<80x80xf32, #tpu.memory_space<vmem>>[vector<16xi32>, vector<16xi32>], vector<16xf32>,
      %gather3A_78 = tpu.vector_load_idx %arg14[%add3A_73, %and3A_6] : memref<80x16xf32, #tpu.memory_space<vmem>>[vector<16xi32>, vector<16xi32>], vector<16xf32>,
      %gather3A_79 = tpu.vector_load_idx %arg12[%add3A_73] : memref<80xf32, #tpu.memory_space<vmem>>[vector<16xi32>], vector<16xf32>,
      %add3A_80 = arith.addf %gather3A_77, %gather3A_78 : vector<16xf32>
      %mul3A_81 = arith.mulf %gather3A_79, %gather3A : vector<16xf32>
      %add3A_82 = arith.addf %add3A_80, %mul3A_81 : vector<16xf32>
      %gt3A_83 = arith.constant 0.000000e+00 : f32
      %gt3A_84 = vector.broadcast %gt3A_83 : f32 to vector<16xf32>
      %gt3A_85 = arith.cmpf ogt, %add3A_82, %gt3A_84 : vector<16xf32>
      %mul3A_86 = arith.constant 2.000000e-01 : f32
      %mul3A_87 = vector.broadcast %mul3A_86 : f32 to vector<16xf32>
      %mul3A_88 = arith.mulf %mul3A_87, %add3A_82 : vector<16xf32>
      %select_n3A_89 = arith.select %gt3A_85, %add3A_82, %mul3A_88 : vector<16xi1>, vector<16xf32>
      %exp3A_90 = math.exp %select_n3A_89 : vector<16xf32>
      %add3A_91 = arith.constant 64 : i32
      %add3A_92 = vector.broadcast %add3A_91 : i32 to vector<16xi32>
      %add3A_93 = arith.addi %and3A_6, %add3A_92 : vector<16xi32>
      tpu.vector_store_idx %arg13[%add3A_73, %add3A_93], %exp3A_90 : memref<80x80xf32, #tpu.memory_space<vmem>>[vector<16xi32>, vector<16xi32>], vector<16xf32>,
      %add3A_94 = arith.constant 12 : i32
      %add3A_95 = vector.broadcast %add3A_94 : i32 to vector<16xi32>
      %add3A_96 = arith.addi %shift_right_arithmetic3A_4, %add3A_95 : vector<16xi32>
      %add3A_97 = arith.constant 64 : i32
      %add3A_98 = vector.broadcast %add3A_97 : i32 to vector<16xi32>
      %add3A_99 = arith.addi %and3A_6, %add3A_98 : vector<16xi32>
      %gather3A_100 = tpu.vector_load_idx %arg13[%add3A_96, %add3A_99] : memref<80x80xf32, #tpu.memory_space<vmem>>[vector<16xi32>, vector<16xi32>], vector<16xf32>,
      %gather3A_101 = tpu.vector_load_idx %arg14[%add3A_96, %and3A_6] : memref<80x16xf32, #tpu.memory_space<vmem>>[vector<16xi32>, vector<16xi32>], vector<16xf32>,
      %gather3A_102 = tpu.vector_load_idx %arg12[%add3A_96] : memref<80xf32, #tpu.memory_space<vmem>>[vector<16xi32>], vector<16xf32>,
      %add3A_103 = arith.addf %gather3A_100, %gather3A_101 : vector<16xf32>
      %mul3A_104 = arith.mulf %gather3A_102, %gather3A : vector<16xf32>
      %add3A_105 = arith.addf %add3A_103, %mul3A_104 : vector<16xf32>
      %gt3A_106 = arith.constant 0.000000e+00 : f32
      %gt3A_107 = vector.broadcast %gt3A_106 : f32 to vector<16xf32>
      %gt3A_108 = arith.cmpf ogt, %add3A_105, %gt3A_107 : vector<16xf32>
      %mul3A_109 = arith.constant 2.000000e-01 : f32
      %mul3A_110 = vector.broadcast %mul3A_109 : f32 to vector<16xf32>
      %mul3A_111 = arith.mulf %mul3A_110, %add3A_105 : vector<16xf32>
      %select_n3A_112 = arith.select %gt3A_108, %add3A_105, %mul3A_111 : vector<16xi1>, vector<16xf32>
      %exp3A_113 = math.exp %select_n3A_112 : vector<16xf32>
      %add3A_114 = arith.constant 64 : i32
      %add3A_115 = vector.broadcast %add3A_114 : i32 to vector<16xi32>
      %add3A_116 = arith.addi %and3A_6, %add3A_115 : vector<16xi32>
      tpu.vector_store_idx %arg13[%add3A_96, %add3A_116], %exp3A_113 : memref<80x80xf32, #tpu.memory_space<vmem>>[vector<16xi32>, vector<16xi32>], vector<16xf32>,
      %add3A_117 = arith.constant 16 : i32
      %add3A_118 = vector.broadcast %add3A_117 : i32 to vector<16xi32>
      %add3A_119 = arith.addi %shift_right_arithmetic3A_4, %add3A_118 : vector<16xi32>
      %add3A_120 = arith.constant 64 : i32
      %add3A_121 = vector.broadcast %add3A_120 : i32 to vector<16xi32>
      %add3A_122 = arith.addi %and3A_6, %add3A_121 : vector<16xi32>
      %gather3A_123 = tpu.vector_load_idx %arg13[%add3A_119, %add3A_122] : memref<80x80xf32, #tpu.memory_space<vmem>>[vector<16xi32>, vector<16xi32>], vector<16xf32>,
      %gather3A_124 = tpu.vector_load_idx %arg14[%add3A_119, %and3A_6] : memref<80x16xf32, #tpu.memory_space<vmem>>[vector<16xi32>, vector<16xi32>], vector<16xf32>,
      %gather3A_125 = tpu.vector_load_idx %arg12[%add3A_119] : memref<80xf32, #tpu.memory_space<vmem>>[vector<16xi32>], vector<16xf32>,
      %add3A_126 = arith.addf %gather3A_123, %gather3A_124 : vector<16xf32>
      %mul3A_127 = arith.mulf %gather3A_125, %gather3A : vector<16xf32>
      %add3A_128 = arith.addf %add3A_126, %mul3A_127 : vector<16xf32>
      %gt3A_129 = arith.constant 0.000000e+00 : f32
      %gt3A_130 = vector.broadcast %gt3A_129 : f32 to vector<16xf32>
      %gt3A_131 = arith.cmpf ogt, %add3A_128, %gt3A_130 : vector<16xf32>
      %mul3A_132 = arith.constant 2.000000e-01 : f32
      %mul3A_133 = vector.broadcast %mul3A_132 : f32 to vector<16xf32>
      %mul3A_134 = arith.mulf %mul3A_133, %add3A_128 : vector<16xf32>
      %select_n3A_135 = arith.select %gt3A_131, %add3A_128, %mul3A_134 : vector<16xi1>, vector<16xf32>
      %exp3A_136 = math.exp %select_n3A_135 : vector<16xf32>
      %add3A_137 = arith.constant 64 : i32
      %add3A_138 = vector.broadcast %add3A_137 : i32 to vector<16xi32>
      %add3A_139 = arith.addi %and3A_6, %add3A_138 : vector<16xi32>
      tpu.vector_store_idx %arg13[%add3A_119, %add3A_139], %exp3A_136 : memref<80x80xf32, #tpu.memory_space<vmem>>[vector<16xi32>, vector<16xi32>], vector<16xf32>,
      %add3A_140 = arith.constant 20 : i32
      %add3A_141 = vector.broadcast %add3A_140 : i32 to vector<16xi32>
      %add3A_142 = arith.addi %shift_right_arithmetic3A_4, %add3A_141 : vector<16xi32>
      %add3A_143 = arith.constant 64 : i32
      %add3A_144 = vector.broadcast %add3A_143 : i32 to vector<16xi32>
      %add3A_145 = arith.addi %and3A_6, %add3A_144 : vector<16xi32>
      %gather3A_146 = tpu.vector_load_idx %arg13[%add3A_142, %add3A_145] : memref<80x80xf32, #tpu.memory_space<vmem>>[vector<16xi32>, vector<16xi32>], vector<16xf32>,
      %gather3A_147 = tpu.vector_load_idx %arg14[%add3A_142, %and3A_6] : memref<80x16xf32, #tpu.memory_space<vmem>>[vector<16xi32>, vector<16xi32>], vector<16xf32>,
      %gather3A_148 = tpu.vector_load_idx %arg12[%add3A_142] : memref<80xf32, #tpu.memory_space<vmem>>[vector<16xi32>], vector<16xf32>,
      %add3A_149 = arith.addf %gather3A_146, %gather3A_147 : vector<16xf32>
      %mul3A_150 = arith.mulf %gather3A_148, %gather3A : vector<16xf32>
      %add3A_151 = arith.addf %add3A_149, %mul3A_150 : vector<16xf32>
      %gt3A_152 = arith.constant 0.000000e+00 : f32
      %gt3A_153 = vector.broadcast %gt3A_152 : f32 to vector<16xf32>
      %gt3A_154 = arith.cmpf ogt, %add3A_151, %gt3A_153 : vector<16xf32>
      %mul3A_155 = arith.constant 2.000000e-01 : f32
      %mul3A_156 = vector.broadcast %mul3A_155 : f32 to vector<16xf32>
      %mul3A_157 = arith.mulf %mul3A_156, %add3A_151 : vector<16xf32>
      %select_n3A_158 = arith.select %gt3A_154, %add3A_151, %mul3A_157 : vector<16xi1>, vector<16xf32>
      %exp3A_159 = math.exp %select_n3A_158 : vector<16xf32>
      %add3A_160 = arith.constant 64 : i32
      %add3A_161 = vector.broadcast %add3A_160 : i32 to vector<16xi32>
      %add3A_162 = arith.addi %and3A_6, %add3A_161 : vector<16xi32>
      tpu.vector_store_idx %arg13[%add3A_142, %add3A_162], %exp3A_159 : memref<80x80xf32, #tpu.memory_space<vmem>>[vector<16xi32>, vector<16xi32>], vector<16xf32>,
      %add3A_163 = arith.constant 24 : i32
      %add3A_164 = vector.broadcast %add3A_163 : i32 to vector<16xi32>
      %add3A_165 = arith.addi %shift_right_arithmetic3A_4, %add3A_164 : vector<16xi32>
      %add3A_166 = arith.constant 64 : i32
      %add3A_167 = vector.broadcast %add3A_166 : i32 to vector<16xi32>
      %add3A_168 = arith.addi %and3A_6, %add3A_167 : vector<16xi32>
      %gather3A_169 = tpu.vector_load_idx %arg13[%add3A_165, %add3A_168] : memref<80x80xf32, #tpu.memory_space<vmem>>[vector<16xi32>, vector<16xi32>], vector<16xf32>,
      %gather3A_170 = tpu.vector_load_idx %arg14[%add3A_165, %and3A_6] : memref<80x16xf32, #tpu.memory_space<vmem>>[vector<16xi32>, vector<16xi32>], vector<16xf32>,
      %gather3A_171 = tpu.vector_load_idx %arg12[%add3A_165] : memref<80xf32, #tpu.memory_space<vmem>>[vector<16xi32>], vector<16xf32>,
      %add3A_172 = arith.addf %gather3A_169, %gather3A_170 : vector<16xf32>
      %mul3A_173 = arith.mulf %gather3A_171, %gather3A : vector<16xf32>
      %add3A_174 = arith.addf %add3A_172, %mul3A_173 : vector<16xf32>
      %gt3A_175 = arith.constant 0.000000e+00 : f32
      %gt3A_176 = vector.broadcast %gt3A_175 : f32 to vector<16xf32>
      %gt3A_177 = arith.cmpf ogt, %add3A_174, %gt3A_176 : vector<16xf32>
      %mul3A_178 = arith.constant 2.000000e-01 : f32
      %mul3A_179 = vector.broadcast %mul3A_178 : f32 to vector<16xf32>
      %mul3A_180 = arith.mulf %mul3A_179, %add3A_174 : vector<16xf32>
      %select_n3A_181 = arith.select %gt3A_177, %add3A_174, %mul3A_180 : vector<16xi1>, vector<16xf32>
      %exp3A_182 = math.exp %select_n3A_181 : vector<16xf32>
      %add3A_183 = arith.constant 64 : i32
      %add3A_184 = vector.broadcast %add3A_183 : i32 to vector<16xi32>
      %add3A_185 = arith.addi %and3A_6, %add3A_184 : vector<16xi32>
      tpu.vector_store_idx %arg13[%add3A_165, %add3A_185], %exp3A_182 : memref<80x80xf32, #tpu.memory_space<vmem>>[vector<16xi32>, vector<16xi32>], vector<16xf32>,
      %add3A_186 = arith.constant 28 : i32
      %add3A_187 = vector.broadcast %add3A_186 : i32 to vector<16xi32>
      %add3A_188 = arith.addi %shift_right_arithmetic3A_4, %add3A_187 : vector<16xi32>
      %add3A_189 = arith.constant 64 : i32
      %add3A_190 = vector.broadcast %add3A_189 : i32 to vector<16xi32>
      %add3A_191 = arith.addi %and3A_6, %add3A_190 : vector<16xi32>
      %gather3A_192 = tpu.vector_load_idx %arg13[%add3A_188, %add3A_191] : memref<80x80xf32, #tpu.memory_space<vmem>>[vector<16xi32>, vector<16xi32>], vector<16xf32>,
      %gather3A_193 = tpu.vector_load_idx %arg14[%add3A_188, %and3A_6] : memref<80x16xf32, #tpu.memory_space<vmem>>[vector<16xi32>, vector<16xi32>], vector<16xf32>,
      %gather3A_194 = tpu.vector_load_idx %arg12[%add3A_188] : memref<80xf32, #tpu.memory_space<vmem>>[vector<16xi32>], vector<16xf32>,
      %add3A_195 = arith.addf %gather3A_192, %gather3A_193 : vector<16xf32>
      %mul3A_196 = arith.mulf %gather3A_194, %gather3A : vector<16xf32>
      %add3A_197 = arith.addf %add3A_195, %mul3A_196 : vector<16xf32>
      %gt3A_198 = arith.constant 0.000000e+00 : f32
      %gt3A_199 = vector.broadcast %gt3A_198 : f32 to vector<16xf32>
      %gt3A_200 = arith.cmpf ogt, %add3A_197, %gt3A_199 : vector<16xf32>
      %mul3A_201 = arith.constant 2.000000e-01 : f32
      %mul3A_202 = vector.broadcast %mul3A_201 : f32 to vector<16xf32>
      %mul3A_203 = arith.mulf %mul3A_202, %add3A_197 : vector<16xf32>
      %select_n3A_204 = arith.select %gt3A_200, %add3A_197, %mul3A_203 : vector<16xi1>, vector<16xf32>
      %exp3A_205 = math.exp %select_n3A_204 : vector<16xf32>
      %add3A_206 = arith.constant 64 : i32
      %add3A_207 = vector.broadcast %add3A_206 : i32 to vector<16xi32>
      %add3A_208 = arith.addi %and3A_6, %add3A_207 : vector<16xi32>
      tpu.vector_store_idx %arg13[%add3A_188, %add3A_208], %exp3A_205 : memref<80x80xf32, #tpu.memory_space<vmem>>[vector<16xi32>, vector<16xi32>], vector<16xf32>,
      %add3A_209 = arith.constant 32 : i32
      %add3A_210 = vector.broadcast %add3A_209 : i32 to vector<16xi32>
      %add3A_211 = arith.addi %shift_right_arithmetic3A_4, %add3A_210 : vector<16xi32>
      %add3A_212 = arith.constant 64 : i32
      %add3A_213 = vector.broadcast %add3A_212 : i32 to vector<16xi32>
      %add3A_214 = arith.addi %and3A_6, %add3A_213 : vector<16xi32>
      %gather3A_215 = tpu.vector_load_idx %arg13[%add3A_211, %add3A_214] : memref<80x80xf32, #tpu.memory_space<vmem>>[vector<16xi32>, vector<16xi32>], vector<16xf32>,
      %gather3A_216 = tpu.vector_load_idx %arg14[%add3A_211, %and3A_6] : memref<80x16xf32, #tpu.memory_space<vmem>>[vector<16xi32>, vector<16xi32>], vector<16xf32>,
      %gather3A_217 = tpu.vector_load_idx %arg12[%add3A_211] : memref<80xf32, #tpu.memory_space<vmem>>[vector<16xi32>], vector<16xf32>,
      %add3A_218 = arith.addf %gather3A_215, %gather3A_216 : vector<16xf32>
      %mul3A_219 = arith.mulf %gather3A_217, %gather3A : vector<16xf32>
      %add3A_220 = arith.addf %add3A_218, %mul3A_219 : vector<16xf32>
      %gt3A_221 = arith.constant 0.000000e+00 : f32
      %gt3A_222 = vector.broadcast %gt3A_221 : f32 to vector<16xf32>
      %gt3A_223 = arith.cmpf ogt, %add3A_220, %gt3A_222 : vector<16xf32>
      %mul3A_224 = arith.constant 2.000000e-01 : f32
      %mul3A_225 = vector.broadcast %mul3A_224 : f32 to vector<16xf32>
      %mul3A_226 = arith.mulf %mul3A_225, %add3A_220 : vector<16xf32>
      %select_n3A_227 = arith.select %gt3A_223, %add3A_220, %mul3A_226 : vector<16xi1>, vector<16xf32>
      %exp3A_228 = math.exp %select_n3A_227 : vector<16xf32>
      %add3A_229 = arith.constant 64 : i32
      %add3A_230 = vector.broadcast %add3A_229 : i32 to vector<16xi32>
      %add3A_231 = arith.addi %and3A_6, %add3A_230 : vector<16xi32>
      tpu.vector_store_idx %arg13[%add3A_211, %add3A_231], %exp3A_228 : memref<80x80xf32, #tpu.memory_space<vmem>>[vector<16xi32>, vector<16xi32>], vector<16xf32>,
      %add3A_232 = arith.constant 36 : i32
      %add3A_233 = vector.broadcast %add3A_232 : i32 to vector<16xi32>
      %add3A_234 = arith.addi %shift_right_arithmetic3A_4, %add3A_233 : vector<16xi32>
      %add3A_235 = arith.constant 64 : i32
      %add3A_236 = vector.broadcast %add3A_235 : i32 to vector<16xi32>
      %add3A_237 = arith.addi %and3A_6, %add3A_236 : vector<16xi32>
      %gather3A_238 = tpu.vector_load_idx %arg13[%add3A_234, %add3A_237] : memref<80x80xf32, #tpu.memory_space<vmem>>[vector<16xi32>, vector<16xi32>], vector<16xf32>,
      %gather3A_239 = tpu.vector_load_idx %arg14[%add3A_234, %and3A_6] : memref<80x16xf32, #tpu.memory_space<vmem>>[vector<16xi32>, vector<16xi32>], vector<16xf32>,
      %gather3A_240 = tpu.vector_load_idx %arg12[%add3A_234] : memref<80xf32, #tpu.memory_space<vmem>>[vector<16xi32>], vector<16xf32>,
      %add3A_241 = arith.addf %gather3A_238, %gather3A_239 : vector<16xf32>
      %mul3A_242 = arith.mulf %gather3A_240, %gather3A : vector<16xf32>
      %add3A_243 = arith.addf %add3A_241, %mul3A_242 : vector<16xf32>
      %gt3A_244 = arith.constant 0.000000e+00 : f32
      %gt3A_245 = vector.broadcast %gt3A_244 : f32 to vector<16xf32>
      %gt3A_246 = arith.cmpf ogt, %add3A_243, %gt3A_245 : vector<16xf32>
      %mul3A_247 = arith.constant 2.000000e-01 : f32
      %mul3A_248 = vector.broadcast %mul3A_247 : f32 to vector<16xf32>
      %mul3A_249 = arith.mulf %mul3A_248, %add3A_243 : vector<16xf32>
      %select_n3A_250 = arith.select %gt3A_246, %add3A_243, %mul3A_249 : vector<16xi1>, vector<16xf32>
      %exp3A_251 = math.exp %select_n3A_250 : vector<16xf32>
      %add3A_252 = arith.constant 64 : i32
      %add3A_253 = vector.broadcast %add3A_252 : i32 to vector<16xi32>
      %add3A_254 = arith.addi %and3A_6, %add3A_253 : vector<16xi32>
      tpu.vector_store_idx %arg13[%add3A_234, %add3A_254], %exp3A_251 : memref<80x80xf32, #tpu.memory_space<vmem>>[vector<16xi32>, vector<16xi32>], vector<16xf32>,
      %add3A_255 = arith.constant 40 : i32
      %add3A_256 = vector.broadcast %add3A_255 : i32 to vector<16xi32>
      %add3A_257 = arith.addi %shift_right_arithmetic3A_4, %add3A_256 : vector<16xi32>
      %add3A_258 = arith.constant 64 : i32
      %add3A_259 = vector.broadcast %add3A_258 : i32 to vector<16xi32>
      %add3A_260 = arith.addi %and3A_6, %add3A_259 : vector<16xi32>
      %gather3A_261 = tpu.vector_load_idx %arg13[%add3A_257, %add3A_260] : memref<80x80xf32, #tpu.memory_space<vmem>>[vector<16xi32>, vector<16xi32>], vector<16xf32>,
      %gather3A_262 = tpu.vector_load_idx %arg14[%add3A_257, %and3A_6] : memref<80x16xf32, #tpu.memory_space<vmem>>[vector<16xi32>, vector<16xi32>], vector<16xf32>,
      %gather3A_263 = tpu.vector_load_idx %arg12[%add3A_257] : memref<80xf32, #tpu.memory_space<vmem>>[vector<16xi32>], vector<16xf32>,
      %add3A_264 = arith.addf %gather3A_261, %gather3A_262 : vector<16xf32>
      %mul3A_265 = arith.mulf %gather3A_263, %gather3A : vector<16xf32>
      %add3A_266 = arith.addf %add3A_264, %mul3A_265 : vector<16xf32>
      %gt3A_267 = arith.constant 0.000000e+00 : f32
      %gt3A_268 = vector.broadcast %gt3A_267 : f32 to vector<16xf32>
      %gt3A_269 = arith.cmpf ogt, %add3A_266, %gt3A_268 : vector<16xf32>
      %mul3A_270 = arith.constant 2.000000e-01 : f32
      %mul3A_271 = vector.broadcast %mul3A_270 : f32 to vector<16xf32>
      %mul3A_272 = arith.mulf %mul3A_271, %add3A_266 : vector<16xf32>
      %select_n3A_273 = arith.select %gt3A_269, %add3A_266, %mul3A_272 : vector<16xi1>, vector<16xf32>
      %exp3A_274 = math.exp %select_n3A_273 : vector<16xf32>
      %add3A_275 = arith.constant 64 : i32
      %add3A_276 = vector.broadcast %add3A_275 : i32 to vector<16xi32>
      %add3A_277 = arith.addi %and3A_6, %add3A_276 : vector<16xi32>
      tpu.vector_store_idx %arg13[%add3A_257, %add3A_277], %exp3A_274 : memref<80x80xf32, #tpu.memory_space<vmem>>[vector<16xi32>, vector<16xi32>], vector<16xf32>,
      %add3A_278 = arith.constant 44 : i32
      %add3A_279 = vector.broadcast %add3A_278 : i32 to vector<16xi32>
      %add3A_280 = arith.addi %shift_right_arithmetic3A_4, %add3A_279 : vector<16xi32>
      %add3A_281 = arith.constant 64 : i32
      %add3A_282 = vector.broadcast %add3A_281 : i32 to vector<16xi32>
      %add3A_283 = arith.addi %and3A_6, %add3A_282 : vector<16xi32>
      %gather3A_284 = tpu.vector_load_idx %arg13[%add3A_280, %add3A_283] : memref<80x80xf32, #tpu.memory_space<vmem>>[vector<16xi32>, vector<16xi32>], vector<16xf32>,
      %gather3A_285 = tpu.vector_load_idx %arg14[%add3A_280, %and3A_6] : memref<80x16xf32, #tpu.memory_space<vmem>>[vector<16xi32>, vector<16xi32>], vector<16xf32>,
      %gather3A_286 = tpu.vector_load_idx %arg12[%add3A_280] : memref<80xf32, #tpu.memory_space<vmem>>[vector<16xi32>], vector<16xf32>,
      %add3A_287 = arith.addf %gather3A_284, %gather3A_285 : vector<16xf32>
      %mul3A_288 = arith.mulf %gather3A_286, %gather3A : vector<16xf32>
      %add3A_289 = arith.addf %add3A_287, %mul3A_288 : vector<16xf32>
      %gt3A_290 = arith.constant 0.000000e+00 : f32
      %gt3A_291 = vector.broadcast %gt3A_290 : f32 to vector<16xf32>
      %gt3A_292 = arith.cmpf ogt, %add3A_289, %gt3A_291 : vector<16xf32>
      %mul3A_293 = arith.constant 2.000000e-01 : f32
      %mul3A_294 = vector.broadcast %mul3A_293 : f32 to vector<16xf32>
      %mul3A_295 = arith.mulf %mul3A_294, %add3A_289 : vector<16xf32>
      %select_n3A_296 = arith.select %gt3A_292, %add3A_289, %mul3A_295 : vector<16xi1>, vector<16xf32>
      %exp3A_297 = math.exp %select_n3A_296 : vector<16xf32>
      %add3A_298 = arith.constant 64 : i32
      %add3A_299 = vector.broadcast %add3A_298 : i32 to vector<16xi32>
      %add3A_300 = arith.addi %and3A_6, %add3A_299 : vector<16xi32>
      tpu.vector_store_idx %arg13[%add3A_280, %add3A_300], %exp3A_297 : memref<80x80xf32, #tpu.memory_space<vmem>>[vector<16xi32>, vector<16xi32>], vector<16xf32>,
      %add3A_301 = arith.constant 48 : i32
      %add3A_302 = vector.broadcast %add3A_301 : i32 to vector<16xi32>
      %add3A_303 = arith.addi %shift_right_arithmetic3A_4, %add3A_302 : vector<16xi32>
      %add3A_304 = arith.constant 64 : i32
      %add3A_305 = vector.broadcast %add3A_304 : i32 to vector<16xi32>
      %add3A_306 = arith.addi %and3A_6, %add3A_305 : vector<16xi32>
      %gather3A_307 = tpu.vector_load_idx %arg13[%add3A_303, %add3A_306] : memref<80x80xf32, #tpu.memory_space<vmem>>[vector<16xi32>, vector<16xi32>], vector<16xf32>,
      %gather3A_308 = tpu.vector_load_idx %arg14[%add3A_303, %and3A_6] : memref<80x16xf32, #tpu.memory_space<vmem>>[vector<16xi32>, vector<16xi32>], vector<16xf32>,
      %gather3A_309 = tpu.vector_load_idx %arg12[%add3A_303] : memref<80xf32, #tpu.memory_space<vmem>>[vector<16xi32>], vector<16xf32>,
      %add3A_310 = arith.addf %gather3A_307, %gather3A_308 : vector<16xf32>
      %mul3A_311 = arith.mulf %gather3A_309, %gather3A : vector<16xf32>
      %add3A_312 = arith.addf %add3A_310, %mul3A_311 : vector<16xf32>
      %gt3A_313 = arith.constant 0.000000e+00 : f32
      %gt3A_314 = vector.broadcast %gt3A_313 : f32 to vector<16xf32>
      %gt3A_315 = arith.cmpf ogt, %add3A_312, %gt3A_314 : vector<16xf32>
      %mul3A_316 = arith.constant 2.000000e-01 : f32
      %mul3A_317 = vector.broadcast %mul3A_316 : f32 to vector<16xf32>
      %mul3A_318 = arith.mulf %mul3A_317, %add3A_312 : vector<16xf32>
      %select_n3A_319 = arith.select %gt3A_315, %add3A_312, %mul3A_318 : vector<16xi1>, vector<16xf32>
      %exp3A_320 = math.exp %select_n3A_319 : vector<16xf32>
      %add3A_321 = arith.constant 64 : i32
      %add3A_322 = vector.broadcast %add3A_321 : i32 to vector<16xi32>
      %add3A_323 = arith.addi %and3A_6, %add3A_322 : vector<16xi32>
      tpu.vector_store_idx %arg13[%add3A_303, %add3A_323], %exp3A_320 : memref<80x80xf32, #tpu.memory_space<vmem>>[vector<16xi32>, vector<16xi32>], vector<16xf32>,
      %add3A_324 = arith.constant 52 : i32
      %add3A_325 = vector.broadcast %add3A_324 : i32 to vector<16xi32>
      %add3A_326 = arith.addi %shift_right_arithmetic3A_4, %add3A_325 : vector<16xi32>
      %add3A_327 = arith.constant 64 : i32
      %add3A_328 = vector.broadcast %add3A_327 : i32 to vector<16xi32>
      %add3A_329 = arith.addi %and3A_6, %add3A_328 : vector<16xi32>
      %gather3A_330 = tpu.vector_load_idx %arg13[%add3A_326, %add3A_329] : memref<80x80xf32, #tpu.memory_space<vmem>>[vector<16xi32>, vector<16xi32>], vector<16xf32>,
      %gather3A_331 = tpu.vector_load_idx %arg14[%add3A_326, %and3A_6] : memref<80x16xf32, #tpu.memory_space<vmem>>[vector<16xi32>, vector<16xi32>], vector<16xf32>,
      %gather3A_332 = tpu.vector_load_idx %arg12[%add3A_326] : memref<80xf32, #tpu.memory_space<vmem>>[vector<16xi32>], vector<16xf32>,
      %add3A_333 = arith.addf %gather3A_330, %gather3A_331 : vector<16xf32>
      %mul3A_334 = arith.mulf %gather3A_332, %gather3A : vector<16xf32>
      %add3A_335 = arith.addf %add3A_333, %mul3A_334 : vector<16xf32>
      %gt3A_336 = arith.constant 0.000000e+00 : f32
      %gt3A_337 = vector.broadcast %gt3A_336 : f32 to vector<16xf32>
      %gt3A_338 = arith.cmpf ogt, %add3A_335, %gt3A_337 : vector<16xf32>
      %mul3A_339 = arith.constant 2.000000e-01 : f32
      %mul3A_340 = vector.broadcast %mul3A_339 : f32 to vector<16xf32>
      %mul3A_341 = arith.mulf %mul3A_340, %add3A_335 : vector<16xf32>
      %select_n3A_342 = arith.select %gt3A_338, %add3A_335, %mul3A_341 : vector<16xi1>, vector<16xf32>
      %exp3A_343 = math.exp %select_n3A_342 : vector<16xf32>
      %add3A_344 = arith.constant 64 : i32
      %add3A_345 = vector.broadcast %add3A_344 : i32 to vector<16xi32>
      %add3A_346 = arith.addi %and3A_6, %add3A_345 : vector<16xi32>
      tpu.vector_store_idx %arg13[%add3A_326, %add3A_346], %exp3A_343 : memref<80x80xf32, #tpu.memory_space<vmem>>[vector<16xi32>, vector<16xi32>], vector<16xf32>,
      %add3A_347 = arith.constant 56 : i32
      %add3A_348 = vector.broadcast %add3A_347 : i32 to vector<16xi32>
      %add3A_349 = arith.addi %shift_right_arithmetic3A_4, %add3A_348 : vector<16xi32>
      %add3A_350 = arith.constant 64 : i32
      %add3A_351 = vector.broadcast %add3A_350 : i32 to vector<16xi32>
      %add3A_352 = arith.addi %and3A_6, %add3A_351 : vector<16xi32>
      %gather3A_353 = tpu.vector_load_idx %arg13[%add3A_349, %add3A_352] : memref<80x80xf32, #tpu.memory_space<vmem>>[vector<16xi32>, vector<16xi32>], vector<16xf32>,
      %gather3A_354 = tpu.vector_load_idx %arg14[%add3A_349, %and3A_6] : memref<80x16xf32, #tpu.memory_space<vmem>>[vector<16xi32>, vector<16xi32>], vector<16xf32>,
      %gather3A_355 = tpu.vector_load_idx %arg12[%add3A_349] : memref<80xf32, #tpu.memory_space<vmem>>[vector<16xi32>], vector<16xf32>,
      %add3A_356 = arith.addf %gather3A_353, %gather3A_354 : vector<16xf32>
      %mul3A_357 = arith.mulf %gather3A_355, %gather3A : vector<16xf32>
      %add3A_358 = arith.addf %add3A_356, %mul3A_357 : vector<16xf32>
      %gt3A_359 = arith.constant 0.000000e+00 : f32
      %gt3A_360 = vector.broadcast %gt3A_359 : f32 to vector<16xf32>
      %gt3A_361 = arith.cmpf ogt, %add3A_358, %gt3A_360 : vector<16xf32>
      %mul3A_362 = arith.constant 2.000000e-01 : f32
      %mul3A_363 = vector.broadcast %mul3A_362 : f32 to vector<16xf32>
      %mul3A_364 = arith.mulf %mul3A_363, %add3A_358 : vector<16xf32>
      %select_n3A_365 = arith.select %gt3A_361, %add3A_358, %mul3A_364 : vector<16xi1>, vector<16xf32>
      %exp3A_366 = math.exp %select_n3A_365 : vector<16xf32>
      %add3A_367 = arith.constant 64 : i32
      %add3A_368 = vector.broadcast %add3A_367 : i32 to vector<16xi32>
      %add3A_369 = arith.addi %and3A_6, %add3A_368 : vector<16xi32>
      tpu.vector_store_idx %arg13[%add3A_349, %add3A_369], %exp3A_366 : memref<80x80xf32, #tpu.memory_space<vmem>>[vector<16xi32>, vector<16xi32>], vector<16xf32>,
      %add3A_370 = arith.constant 60 : i32
      %add3A_371 = vector.broadcast %add3A_370 : i32 to vector<16xi32>
      %add3A_372 = arith.addi %shift_right_arithmetic3A_4, %add3A_371 : vector<16xi32>
      %add3A_373 = arith.constant 64 : i32
      %add3A_374 = vector.broadcast %add3A_373 : i32 to vector<16xi32>
      %add3A_375 = arith.addi %and3A_6, %add3A_374 : vector<16xi32>
      %gather3A_376 = tpu.vector_load_idx %arg13[%add3A_372, %add3A_375] : memref<80x80xf32, #tpu.memory_space<vmem>>[vector<16xi32>, vector<16xi32>], vector<16xf32>,
      %gather3A_377 = tpu.vector_load_idx %arg14[%add3A_372, %and3A_6] : memref<80x16xf32, #tpu.memory_space<vmem>>[vector<16xi32>, vector<16xi32>], vector<16xf32>,
      %gather3A_378 = tpu.vector_load_idx %arg12[%add3A_372] : memref<80xf32, #tpu.memory_space<vmem>>[vector<16xi32>], vector<16xf32>,
      %add3A_379 = arith.addf %gather3A_376, %gather3A_377 : vector<16xf32>
      %mul3A_380 = arith.mulf %gather3A_378, %gather3A : vector<16xf32>
      %add3A_381 = arith.addf %add3A_379, %mul3A_380 : vector<16xf32>
      %gt3A_382 = arith.constant 0.000000e+00 : f32
      %gt3A_383 = vector.broadcast %gt3A_382 : f32 to vector<16xf32>
      %gt3A_384 = arith.cmpf ogt, %add3A_381, %gt3A_383 : vector<16xf32>
      %mul3A_385 = arith.constant 2.000000e-01 : f32
      %mul3A_386 = vector.broadcast %mul3A_385 : f32 to vector<16xf32>
      %mul3A_387 = arith.mulf %mul3A_386, %add3A_381 : vector<16xf32>
      %select_n3A_388 = arith.select %gt3A_384, %add3A_381, %mul3A_387 : vector<16xi1>, vector<16xf32>
      %exp3A_389 = math.exp %select_n3A_388 : vector<16xf32>
      %add3A_390 = arith.constant 64 : i32
      %add3A_391 = vector.broadcast %add3A_390 : i32 to vector<16xi32>
      %add3A_392 = arith.addi %and3A_6, %add3A_391 : vector<16xi32>
      tpu.vector_store_idx %arg13[%add3A_372, %add3A_392], %exp3A_389 : memref<80x80xf32, #tpu.memory_space<vmem>>[vector<16xi32>, vector<16xi32>], vector<16xf32>,
      %add3A_393 = arith.constant 64 : i32
      %add3A_394 = vector.broadcast %add3A_393 : i32 to vector<16xi32>
      %add3A_395 = arith.addi %shift_right_arithmetic3A_4, %add3A_394 : vector<16xi32>
      %add3A_396 = arith.constant 64 : i32
      %add3A_397 = vector.broadcast %add3A_396 : i32 to vector<16xi32>
      %add3A_398 = arith.addi %and3A_6, %add3A_397 : vector<16xi32>
      %gather3A_399 = tpu.vector_load_idx %arg13[%add3A_395, %add3A_398] : memref<80x80xf32, #tpu.memory_space<vmem>>[vector<16xi32>, vector<16xi32>], vector<16xf32>,
      %gather3A_400 = tpu.vector_load_idx %arg14[%add3A_395, %and3A_6] : memref<80x16xf32, #tpu.memory_space<vmem>>[vector<16xi32>, vector<16xi32>], vector<16xf32>,
      %gather3A_401 = tpu.vector_load_idx %arg12[%add3A_395] : memref<80xf32, #tpu.memory_space<vmem>>[vector<16xi32>], vector<16xf32>,
      %add3A_402 = arith.addf %gather3A_399, %gather3A_400 : vector<16xf32>
      %mul3A_403 = arith.mulf %gather3A_401, %gather3A : vector<16xf32>
      %add3A_404 = arith.addf %add3A_402, %mul3A_403 : vector<16xf32>
      %gt3A_405 = arith.constant 0.000000e+00 : f32
      %gt3A_406 = vector.broadcast %gt3A_405 : f32 to vector<16xf32>
      %gt3A_407 = arith.cmpf ogt, %add3A_404, %gt3A_406 : vector<16xf32>
      %mul3A_408 = arith.constant 2.000000e-01 : f32
      %mul3A_409 = vector.broadcast %mul3A_408 : f32 to vector<16xf32>
      %mul3A_410 = arith.mulf %mul3A_409, %add3A_404 : vector<16xf32>
      %select_n3A_411 = arith.select %gt3A_407, %add3A_404, %mul3A_410 : vector<16xi1>, vector<16xf32>
      %exp3A_412 = math.exp %select_n3A_411 : vector<16xf32>
      %add3A_413 = arith.constant 64 : i32
      %add3A_414 = vector.broadcast %add3A_413 : i32 to vector<16xi32>
      %add3A_415 = arith.addi %and3A_6, %add3A_414 : vector<16xi32>
      tpu.vector_store_idx %arg13[%add3A_395, %add3A_415], %exp3A_412 : memref<80x80xf32, #tpu.memory_space<vmem>>[vector<16xi32>, vector<16xi32>], vector<16xf32>,
      %add3A_416 = arith.constant 68 : i32
      %add3A_417 = vector.broadcast %add3A_416 : i32 to vector<16xi32>
      %add3A_418 = arith.addi %shift_right_arithmetic3A_4, %add3A_417 : vector<16xi32>
      %add3A_419 = arith.constant 64 : i32
      %add3A_420 = vector.broadcast %add3A_419 : i32 to vector<16xi32>
      %add3A_421 = arith.addi %and3A_6, %add3A_420 : vector<16xi32>
      %gather3A_422 = tpu.vector_load_idx %arg13[%add3A_418, %add3A_421] : memref<80x80xf32, #tpu.memory_space<vmem>>[vector<16xi32>, vector<16xi32>], vector<16xf32>,
      %gather3A_423 = tpu.vector_load_idx %arg14[%add3A_418, %and3A_6] : memref<80x16xf32, #tpu.memory_space<vmem>>[vector<16xi32>, vector<16xi32>], vector<16xf32>,
      %gather3A_424 = tpu.vector_load_idx %arg12[%add3A_418] : memref<80xf32, #tpu.memory_space<vmem>>[vector<16xi32>], vector<16xf32>,
      %add3A_425 = arith.addf %gather3A_422, %gather3A_423 : vector<16xf32>
      %mul3A_426 = arith.mulf %gather3A_424, %gather3A : vector<16xf32>
      %add3A_427 = arith.addf %add3A_425, %mul3A_426 : vector<16xf32>
      %gt3A_428 = arith.constant 0.000000e+00 : f32
      %gt3A_429 = vector.broadcast %gt3A_428 : f32 to vector<16xf32>
      %gt3A_430 = arith.cmpf ogt, %add3A_427, %gt3A_429 : vector<16xf32>
      %mul3A_431 = arith.constant 2.000000e-01 : f32
      %mul3A_432 = vector.broadcast %mul3A_431 : f32 to vector<16xf32>
      %mul3A_433 = arith.mulf %mul3A_432, %add3A_427 : vector<16xf32>
      %select_n3A_434 = arith.select %gt3A_430, %add3A_427, %mul3A_433 : vector<16xi1>, vector<16xf32>
      %exp3A_435 = math.exp %select_n3A_434 : vector<16xf32>
      %add3A_436 = arith.constant 64 : i32
      %add3A_437 = vector.broadcast %add3A_436 : i32 to vector<16xi32>
      %add3A_438 = arith.addi %and3A_6, %add3A_437 : vector<16xi32>
      tpu.vector_store_idx %arg13[%add3A_418, %add3A_438], %exp3A_435 : memref<80x80xf32, #tpu.memory_space<vmem>>[vector<16xi32>, vector<16xi32>], vector<16xf32>,
      %add3A_439 = arith.constant 72 : i32
      %add3A_440 = vector.broadcast %add3A_439 : i32 to vector<16xi32>
      %add3A_441 = arith.addi %shift_right_arithmetic3A_4, %add3A_440 : vector<16xi32>
      %add3A_442 = arith.constant 64 : i32
      %add3A_443 = vector.broadcast %add3A_442 : i32 to vector<16xi32>
      %add3A_444 = arith.addi %and3A_6, %add3A_443 : vector<16xi32>
      %gather3A_445 = tpu.vector_load_idx %arg13[%add3A_441, %add3A_444] : memref<80x80xf32, #tpu.memory_space<vmem>>[vector<16xi32>, vector<16xi32>], vector<16xf32>,
      %gather3A_446 = tpu.vector_load_idx %arg14[%add3A_441, %and3A_6] : memref<80x16xf32, #tpu.memory_space<vmem>>[vector<16xi32>, vector<16xi32>], vector<16xf32>,
      %gather3A_447 = tpu.vector_load_idx %arg12[%add3A_441] : memref<80xf32, #tpu.memory_space<vmem>>[vector<16xi32>], vector<16xf32>,
      %add3A_448 = arith.addf %gather3A_445, %gather3A_446 : vector<16xf32>
      %mul3A_449 = arith.mulf %gather3A_447, %gather3A : vector<16xf32>
      %add3A_450 = arith.addf %add3A_448, %mul3A_449 : vector<16xf32>
      %gt3A_451 = arith.constant 0.000000e+00 : f32
      %gt3A_452 = vector.broadcast %gt3A_451 : f32 to vector<16xf32>
      %gt3A_453 = arith.cmpf ogt, %add3A_450, %gt3A_452 : vector<16xf32>
      %mul3A_454 = arith.constant 2.000000e-01 : f32
      %mul3A_455 = vector.broadcast %mul3A_454 : f32 to vector<16xf32>
      %mul3A_456 = arith.mulf %mul3A_455, %add3A_450 : vector<16xf32>
      %select_n3A_457 = arith.select %gt3A_453, %add3A_450, %mul3A_456 : vector<16xi1>, vector<16xf32>
      %exp3A_458 = math.exp %select_n3A_457 : vector<16xf32>
      %add3A_459 = arith.constant 64 : i32
      %add3A_460 = vector.broadcast %add3A_459 : i32 to vector<16xi32>
      %add3A_461 = arith.addi %and3A_6, %add3A_460 : vector<16xi32>
      tpu.vector_store_idx %arg13[%add3A_441, %add3A_461], %exp3A_458 : memref<80x80xf32, #tpu.memory_space<vmem>>[vector<16xi32>, vector<16xi32>], vector<16xf32>,
      %add3A_462 = arith.constant 76 : i32
      %add3A_463 = vector.broadcast %add3A_462 : i32 to vector<16xi32>
      %add3A_464 = arith.addi %shift_right_arithmetic3A_4, %add3A_463 : vector<16xi32>
      %add3A_465 = arith.constant 64 : i32
      %add3A_466 = vector.broadcast %add3A_465 : i32 to vector<16xi32>
      %add3A_467 = arith.addi %and3A_6, %add3A_466 : vector<16xi32>
      %gather3A_468 = tpu.vector_load_idx %arg13[%add3A_464, %add3A_467] : memref<80x80xf32, #tpu.memory_space<vmem>>[vector<16xi32>, vector<16xi32>], vector<16xf32>,
      %gather3A_469 = tpu.vector_load_idx %arg14[%add3A_464, %and3A_6] : memref<80x16xf32, #tpu.memory_space<vmem>>[vector<16xi32>, vector<16xi32>], vector<16xf32>,
      %gather3A_470 = tpu.vector_load_idx %arg12[%add3A_464] : memref<80xf32, #tpu.memory_space<vmem>>[vector<16xi32>], vector<16xf32>,
      %add3A_471 = arith.addf %gather3A_468, %gather3A_469 : vector<16xf32>
      %mul3A_472 = arith.mulf %gather3A_470, %gather3A : vector<16xf32>
      %add3A_473 = arith.addf %add3A_471, %mul3A_472 : vector<16xf32>
      %gt3A_474 = arith.constant 0.000000e+00 : f32
      %gt3A_475 = vector.broadcast %gt3A_474 : f32 to vector<16xf32>
      %gt3A_476 = arith.cmpf ogt, %add3A_473, %gt3A_475 : vector<16xf32>
      %mul3A_477 = arith.constant 2.000000e-01 : f32
      %mul3A_478 = vector.broadcast %mul3A_477 : f32 to vector<16xf32>
      %mul3A_479 = arith.mulf %mul3A_478, %add3A_473 : vector<16xf32>
      %select_n3A_480 = arith.select %gt3A_476, %add3A_473, %mul3A_479 : vector<16xi1>, vector<16xf32>
      %exp3A_481 = math.exp %select_n3A_480 : vector<16xf32>
      %add3A_482 = arith.constant 64 : i32
      %add3A_483 = vector.broadcast %add3A_482 : i32 to vector<16xi32>
      %add3A_484 = arith.addi %and3A_6, %add3A_483 : vector<16xi32>
      tpu.vector_store_idx %arg13[%add3A_464, %add3A_484], %exp3A_481 : memref<80x80xf32, #tpu.memory_space<vmem>>[vector<16xi32>, vector<16xi32>], vector<16xf32>,
      %add3A_485 = arith.constant 0 : i32
      %add3A_486 = vector.broadcast %add3A_485 : i32 to vector<16xi32>
      %add3A_487 = arith.addi %iota3A, %add3A_486 : vector<16xi32>
      %shift_right_arithmetic3A_488 = arith.constant 1 : i32
      %shift_right_arithmetic3A_489 = vector.broadcast %shift_right_arithmetic3A_488 : i32 to vector<16xi32>
      %shift_right_arithmetic3A_490 = arith.shrsi %add3A_487, %shift_right_arithmetic3A_489 : vector<16xi32>
      %gather3A_491 = tpu.vector_load_idx %arg12[%shift_right_arithmetic3A_490] : memref<80xf32, #tpu.memory_space<vmem>>[vector<16xi32>], vector<16xf32>,
      %and3A_492 = arith.constant 1 : i32
      %and3A_493 = vector.broadcast %and3A_492 : i32 to vector<16xi32>
      %and3A_494 = arith.andi %add3A_487, %and3A_493 : vector<16xi32>
      %eq3A = arith.constant 0 : i32
      %eq3A_495 = vector.broadcast %eq3A : i32 to vector<16xi32>
      %eq3A_496 = arith.cmpi eq, %and3A_494, %eq3A_495 : vector<16xi32>
      %jit3A = arith.constant 1.000000e+00 : f32
      %broadcast_in_dim3A = vector.broadcast %jit3A : f32 to vector<16xf32>
      %select_n3A_497 = arith.select %eq3A_496, %broadcast_in_dim3A, %gather3A_491 : vector<16xi1>, vector<16xf32>
      %and3A_498 = arith.constant 1 : i32
      %and3A_499 = vector.broadcast %and3A_498 : i32 to vector<16xi32>
      %and3A_500 = arith.andi %add3A_487, %and3A_499 : vector<16xi32>
      %add3A_501 = arith.constant 68 : i32
      %add3A_502 = vector.broadcast %add3A_501 : i32 to vector<16xi32>
      %add3A_503 = arith.addi %and3A_500, %add3A_502 : vector<16xi32>
      tpu.vector_store_idx %arg13[%shift_right_arithmetic3A_490, %add3A_503], %select_n3A_497 : memref<80x80xf32, #tpu.memory_space<vmem>>[vector<16xi32>, vector<16xi32>], vector<16xf32>,
      %add3A_504 = arith.constant 16 : i32
      %add3A_505 = vector.broadcast %add3A_504 : i32 to vector<16xi32>
      %add3A_506 = arith.addi %iota3A, %add3A_505 : vector<16xi32>
      %shift_right_arithmetic3A_507 = arith.constant 1 : i32
      %shift_right_arithmetic3A_508 = vector.broadcast %shift_right_arithmetic3A_507 : i32 to vector<16xi32>
      %shift_right_arithmetic3A_509 = arith.shrsi %add3A_506, %shift_right_arithmetic3A_508 : vector<16xi32>
      %gather3A_510 = tpu.vector_load_idx %arg12[%shift_right_arithmetic3A_509] : memref<80xf32, #tpu.memory_space<vmem>>[vector<16xi32>], vector<16xf32>,
      %and3A_511 = arith.constant 1 : i32
      %and3A_512 = vector.broadcast %and3A_511 : i32 to vector<16xi32>
      %and3A_513 = arith.andi %add3A_506, %and3A_512 : vector<16xi32>
      %eq3A_514 = arith.constant 0 : i32
      %eq3A_515 = vector.broadcast %eq3A_514 : i32 to vector<16xi32>
      %eq3A_516 = arith.cmpi eq, %and3A_513, %eq3A_515 : vector<16xi32>
      %jit3A_517 = arith.constant 1.000000e+00 : f32
      %broadcast_in_dim3A_518 = vector.broadcast %jit3A_517 : f32 to vector<16xf32>
      %select_n3A_519 = arith.select %eq3A_516, %broadcast_in_dim3A_518, %gather3A_510 : vector<16xi1>, vector<16xf32>
      %and3A_520 = arith.constant 1 : i32
      %and3A_521 = vector.broadcast %and3A_520 : i32 to vector<16xi32>
      %and3A_522 = arith.andi %add3A_506, %and3A_521 : vector<16xi32>
      %add3A_523 = arith.constant 68 : i32
      %add3A_524 = vector.broadcast %add3A_523 : i32 to vector<16xi32>
      %add3A_525 = arith.addi %and3A_522, %add3A_524 : vector<16xi32>
      tpu.vector_store_idx %arg13[%shift_right_arithmetic3A_509, %add3A_525], %select_n3A_519 : memref<80x80xf32, #tpu.memory_space<vmem>>[vector<16xi32>, vector<16xi32>], vector<16xf32>,
      %add3A_526 = arith.constant 32 : i32
      %add3A_527 = vector.broadcast %add3A_526 : i32 to vector<16xi32>
      %add3A_528 = arith.addi %iota3A, %add3A_527 : vector<16xi32>
      %shift_right_arithmetic3A_529 = arith.constant 1 : i32
      %shift_right_arithmetic3A_530 = vector.broadcast %shift_right_arithmetic3A_529 : i32 to vector<16xi32>
      %shift_right_arithmetic3A_531 = arith.shrsi %add3A_528, %shift_right_arithmetic3A_530 : vector<16xi32>
      %gather3A_532 = tpu.vector_load_idx %arg12[%shift_right_arithmetic3A_531] : memref<80xf32, #tpu.memory_space<vmem>>[vector<16xi32>], vector<16xf32>,
      %and3A_533 = arith.constant 1 : i32
      %and3A_534 = vector.broadcast %and3A_533 : i32 to vector<16xi32>
      %and3A_535 = arith.andi %add3A_528, %and3A_534 : vector<16xi32>
      %eq3A_536 = arith.constant 0 : i32
      %eq3A_537 = vector.broadcast %eq3A_536 : i32 to vector<16xi32>
      %eq3A_538 = arith.cmpi eq, %and3A_535, %eq3A_537 : vector<16xi32>
      %jit3A_539 = arith.constant 1.000000e+00 : f32
      %broadcast_in_dim3A_540 = vector.broadcast %jit3A_539 : f32 to vector<16xf32>
      %select_n3A_541 = arith.select %eq3A_538, %broadcast_in_dim3A_540, %gather3A_532 : vector<16xi1>, vector<16xf32>
      %and3A_542 = arith.constant 1 : i32
      %and3A_543 = vector.broadcast %and3A_542 : i32 to vector<16xi32>
      %and3A_544 = arith.andi %add3A_528, %and3A_543 : vector<16xi32>
      %add3A_545 = arith.constant 68 : i32
      %add3A_546 = vector.broadcast %add3A_545 : i32 to vector<16xi32>
      %add3A_547 = arith.addi %and3A_544, %add3A_546 : vector<16xi32>
      tpu.vector_store_idx %arg13[%shift_right_arithmetic3A_531, %add3A_547], %select_n3A_541 : memref<80x80xf32, #tpu.memory_space<vmem>>[vector<16xi32>, vector<16xi32>], vector<16xf32>,
      %add3A_548 = arith.constant 48 : i32
      %add3A_549 = vector.broadcast %add3A_548 : i32 to vector<16xi32>
      %add3A_550 = arith.addi %iota3A, %add3A_549 : vector<16xi32>
      %shift_right_arithmetic3A_551 = arith.constant 1 : i32
      %shift_right_arithmetic3A_552 = vector.broadcast %shift_right_arithmetic3A_551 : i32 to vector<16xi32>
      %shift_right_arithmetic3A_553 = arith.shrsi %add3A_550, %shift_right_arithmetic3A_552 : vector<16xi32>
      %gather3A_554 = tpu.vector_load_idx %arg12[%shift_right_arithmetic3A_553] : memref<80xf32, #tpu.memory_space<vmem>>[vector<16xi32>], vector<16xf32>,
      %and3A_555 = arith.constant 1 : i32
      %and3A_556 = vector.broadcast %and3A_555 : i32 to vector<16xi32>
      %and3A_557 = arith.andi %add3A_550, %and3A_556 : vector<16xi32>
      %eq3A_558 = arith.constant 0 : i32
      %eq3A_559 = vector.broadcast %eq3A_558 : i32 to vector<16xi32>
      %eq3A_560 = arith.cmpi eq, %and3A_557, %eq3A_559 : vector<16xi32>
      %jit3A_561 = arith.constant 1.000000e+00 : f32
      %broadcast_in_dim3A_562 = vector.broadcast %jit3A_561 : f32 to vector<16xf32>
      %select_n3A_563 = arith.select %eq3A_560, %broadcast_in_dim3A_562, %gather3A_554 : vector<16xi1>, vector<16xf32>
      %and3A_564 = arith.constant 1 : i32
      %and3A_565 = vector.broadcast %and3A_564 : i32 to vector<16xi32>
      %and3A_566 = arith.andi %add3A_550, %and3A_565 : vector<16xi32>
      %add3A_567 = arith.constant 68 : i32
      %add3A_568 = vector.broadcast %add3A_567 : i32 to vector<16xi32>
      %add3A_569 = arith.addi %and3A_566, %add3A_568 : vector<16xi32>
      tpu.vector_store_idx %arg13[%shift_right_arithmetic3A_553, %add3A_569], %select_n3A_563 : memref<80x80xf32, #tpu.memory_space<vmem>>[vector<16xi32>, vector<16xi32>], vector<16xf32>,
      %add3A_570 = arith.constant 64 : i32
      %add3A_571 = vector.broadcast %add3A_570 : i32 to vector<16xi32>
      %add3A_572 = arith.addi %iota3A, %add3A_571 : vector<16xi32>
      %shift_right_arithmetic3A_573 = arith.constant 1 : i32
      %shift_right_arithmetic3A_574 = vector.broadcast %shift_right_arithmetic3A_573 : i32 to vector<16xi32>
      %shift_right_arithmetic3A_575 = arith.shrsi %add3A_572, %shift_right_arithmetic3A_574 : vector<16xi32>
      %gather3A_576 = tpu.vector_load_idx %arg12[%shift_right_arithmetic3A_575] : memref<80xf32, #tpu.memory_space<vmem>>[vector<16xi32>], vector<16xf32>,
      %and3A_577 = arith.constant 1 : i32
      %and3A_578 = vector.broadcast %and3A_577 : i32 to vector<16xi32>
      %and3A_579 = arith.andi %add3A_572, %and3A_578 : vector<16xi32>
      %eq3A_580 = arith.constant 0 : i32
      %eq3A_581 = vector.broadcast %eq3A_580 : i32 to vector<16xi32>
      %eq3A_582 = arith.cmpi eq, %and3A_579, %eq3A_581 : vector<16xi32>
      %jit3A_583 = arith.constant 1.000000e+00 : f32
      %broadcast_in_dim3A_584 = vector.broadcast %jit3A_583 : f32 to vector<16xf32>
      %select_n3A_585 = arith.select %eq3A_582, %broadcast_in_dim3A_584, %gather3A_576 : vector<16xi1>, vector<16xf32>
      %and3A_586 = arith.constant 1 : i32
      %and3A_587 = vector.broadcast %and3A_586 : i32 to vector<16xi32>
      %and3A_588 = arith.andi %add3A_572, %and3A_587 : vector<16xi32>
      %add3A_589 = arith.constant 68 : i32
      %add3A_590 = vector.broadcast %add3A_589 : i32 to vector<16xi32>
      %add3A_591 = arith.addi %and3A_588, %add3A_590 : vector<16xi32>
      tpu.vector_store_idx %arg13[%shift_right_arithmetic3A_575, %add3A_591], %select_n3A_585 : memref<80x80xf32, #tpu.memory_space<vmem>>[vector<16xi32>, vector<16xi32>], vector<16xf32>,
      %add3A_592 = arith.constant 80 : i32
      %add3A_593 = vector.broadcast %add3A_592 : i32 to vector<16xi32>
      %add3A_594 = arith.addi %iota3A, %add3A_593 : vector<16xi32>
      %shift_right_arithmetic3A_595 = arith.constant 1 : i32
      %shift_right_arithmetic3A_596 = vector.broadcast %shift_right_arithmetic3A_595 : i32 to vector<16xi32>
      %shift_right_arithmetic3A_597 = arith.shrsi %add3A_594, %shift_right_arithmetic3A_596 : vector<16xi32>
      %gather3A_598 = tpu.vector_load_idx %arg12[%shift_right_arithmetic3A_597] : memref<80xf32, #tpu.memory_space<vmem>>[vector<16xi32>], vector<16xf32>,
      %and3A_599 = arith.constant 1 : i32
      %and3A_600 = vector.broadcast %and3A_599 : i32 to vector<16xi32>
      %and3A_601 = arith.andi %add3A_594, %and3A_600 : vector<16xi32>
      %eq3A_602 = arith.constant 0 : i32
      %eq3A_603 = vector.broadcast %eq3A_602 : i32 to vector<16xi32>
      %eq3A_604 = arith.cmpi eq, %and3A_601, %eq3A_603 : vector<16xi32>
      %jit3A_605 = arith.constant 1.000000e+00 : f32
      %broadcast_in_dim3A_606 = vector.broadcast %jit3A_605 : f32 to vector<16xf32>
      %select_n3A_607 = arith.select %eq3A_604, %broadcast_in_dim3A_606, %gather3A_598 : vector<16xi1>, vector<16xf32>
      %and3A_608 = arith.constant 1 : i32
      %and3A_609 = vector.broadcast %and3A_608 : i32 to vector<16xi32>
      %and3A_610 = arith.andi %add3A_594, %and3A_609 : vector<16xi32>
      %add3A_611 = arith.constant 68 : i32
      %add3A_612 = vector.broadcast %add3A_611 : i32 to vector<16xi32>
      %add3A_613 = arith.addi %and3A_610, %add3A_612 : vector<16xi32>
      tpu.vector_store_idx %arg13[%shift_right_arithmetic3A_597, %add3A_613], %select_n3A_607 : memref<80x80xf32, #tpu.memory_space<vmem>>[vector<16xi32>, vector<16xi32>], vector<16xf32>,
      %add3A_614 = arith.constant 96 : i32
      %add3A_615 = vector.broadcast %add3A_614 : i32 to vector<16xi32>
      %add3A_616 = arith.addi %iota3A, %add3A_615 : vector<16xi32>
      %shift_right_arithmetic3A_617 = arith.constant 1 : i32
      %shift_right_arithmetic3A_618 = vector.broadcast %shift_right_arithmetic3A_617 : i32 to vector<16xi32>
      %shift_right_arithmetic3A_619 = arith.shrsi %add3A_616, %shift_right_arithmetic3A_618 : vector<16xi32>
      %gather3A_620 = tpu.vector_load_idx %arg12[%shift_right_arithmetic3A_619] : memref<80xf32, #tpu.memory_space<vmem>>[vector<16xi32>], vector<16xf32>,
      %and3A_621 = arith.constant 1 : i32
      %and3A_622 = vector.broadcast %and3A_621 : i32 to vector<16xi32>
      %and3A_623 = arith.andi %add3A_616, %and3A_622 : vector<16xi32>
      %eq3A_624 = arith.constant 0 : i32
      %eq3A_625 = vector.broadcast %eq3A_624 : i32 to vector<16xi32>
      %eq3A_626 = arith.cmpi eq, %and3A_623, %eq3A_625 : vector<16xi32>
      %jit3A_627 = arith.constant 1.000000e+00 : f32
      %broadcast_in_dim3A_628 = vector.broadcast %jit3A_627 : f32 to vector<16xf32>
      %select_n3A_629 = arith.select %eq3A_626, %broadcast_in_dim3A_628, %gather3A_620 : vector<16xi1>, vector<16xf32>
      %and3A_630 = arith.constant 1 : i32
      %and3A_631 = vector.broadcast %and3A_630 : i32 to vector<16xi32>
      %and3A_632 = arith.andi %add3A_616, %and3A_631 : vector<16xi32>
      %add3A_633 = arith.constant 68 : i32
      %add3A_634 = vector.broadcast %add3A_633 : i32 to vector<16xi32>
      %add3A_635 = arith.addi %and3A_632, %add3A_634 : vector<16xi32>
      tpu.vector_store_idx %arg13[%shift_right_arithmetic3A_619, %add3A_635], %select_n3A_629 : memref<80x80xf32, #tpu.memory_space<vmem>>[vector<16xi32>, vector<16xi32>], vector<16xf32>,
      %add3A_636 = arith.constant 112 : i32
      %add3A_637 = vector.broadcast %add3A_636 : i32 to vector<16xi32>
      %add3A_638 = arith.addi %iota3A, %add3A_637 : vector<16xi32>
      %shift_right_arithmetic3A_639 = arith.constant 1 : i32
      %shift_right_arithmetic3A_640 = vector.broadcast %shift_right_arithmetic3A_639 : i32 to vector<16xi32>
      %shift_right_arithmetic3A_641 = arith.shrsi %add3A_638, %shift_right_arithmetic3A_640 : vector<16xi32>
      %gather3A_642 = tpu.vector_load_idx %arg12[%shift_right_arithmetic3A_641] : memref<80xf32, #tpu.memory_space<vmem>>[vector<16xi32>], vector<16xf32>,
      %and3A_643 = arith.constant 1 : i32
      %and3A_644 = vector.broadcast %and3A_643 : i32 to vector<16xi32>
      %and3A_645 = arith.andi %add3A_638, %and3A_644 : vector<16xi32>
      %eq3A_646 = arith.constant 0 : i32
      %eq3A_647 = vector.broadcast %eq3A_646 : i32 to vector<16xi32>
      %eq3A_648 = arith.cmpi eq, %and3A_645, %eq3A_647 : vector<16xi32>
      %jit3A_649 = arith.constant 1.000000e+00 : f32
      %broadcast_in_dim3A_650 = vector.broadcast %jit3A_649 : f32 to vector<16xf32>
      %select_n3A_651 = arith.select %eq3A_648, %broadcast_in_dim3A_650, %gather3A_642 : vector<16xi1>, vector<16xf32>
      %and3A_652 = arith.constant 1 : i32
      %and3A_653 = vector.broadcast %and3A_652 : i32 to vector<16xi32>
      %and3A_654 = arith.andi %add3A_638, %and3A_653 : vector<16xi32>
      %add3A_655 = arith.constant 68 : i32
      %add3A_656 = vector.broadcast %add3A_655 : i32 to vector<16xi32>
      %add3A_657 = arith.addi %and3A_654, %add3A_656 : vector<16xi32>
      tpu.vector_store_idx %arg13[%shift_right_arithmetic3A_641, %add3A_657], %select_n3A_651 : memref<80x80xf32, #tpu.memory_space<vmem>>[vector<16xi32>, vector<16xi32>], vector<16xf32>,
      %add3A_658 = arith.constant 128 : i32
      %add3A_659 = vector.broadcast %add3A_658 : i32 to vector<16xi32>
      %add3A_660 = arith.addi %iota3A, %add3A_659 : vector<16xi32>
      %shift_right_arithmetic3A_661 = arith.constant 1 : i32
      %shift_right_arithmetic3A_662 = vector.broadcast %shift_right_arithmetic3A_661 : i32 to vector<16xi32>
      %shift_right_arithmetic3A_663 = arith.shrsi %add3A_660, %shift_right_arithmetic3A_662 : vector<16xi32>
      %gather3A_664 = tpu.vector_load_idx %arg12[%shift_right_arithmetic3A_663] : memref<80xf32, #tpu.memory_space<vmem>>[vector<16xi32>], vector<16xf32>,
      %and3A_665 = arith.constant 1 : i32
      %and3A_666 = vector.broadcast %and3A_665 : i32 to vector<16xi32>
      %and3A_667 = arith.andi %add3A_660, %and3A_666 : vector<16xi32>
      %eq3A_668 = arith.constant 0 : i32
      %eq3A_669 = vector.broadcast %eq3A_668 : i32 to vector<16xi32>
      %eq3A_670 = arith.cmpi eq, %and3A_667, %eq3A_669 : vector<16xi32>
      %jit3A_671 = arith.constant 1.000000e+00 : f32
      %broadcast_in_dim3A_672 = vector.broadcast %jit3A_671 : f32 to vector<16xf32>
      %select_n3A_673 = arith.select %eq3A_670, %broadcast_in_dim3A_672, %gather3A_664 : vector<16xi1>, vector<16xf32>
      %and3A_674 = arith.constant 1 : i32
      %and3A_675 = vector.broadcast %and3A_674 : i32 to vector<16xi32>
      %and3A_676 = arith.andi %add3A_660, %and3A_675 : vector<16xi32>
      %add3A_677 = arith.constant 68 : i32
      %add3A_678 = vector.broadcast %add3A_677 : i32 to vector<16xi32>
      %add3A_679 = arith.addi %and3A_676, %add3A_678 : vector<16xi32>
      tpu.vector_store_idx %arg13[%shift_right_arithmetic3A_663, %add3A_679], %select_n3A_673 : memref<80x80xf32, #tpu.memory_space<vmem>>[vector<16xi32>, vector<16xi32>], vector<16xf32>,
      %add3A_680 = arith.constant 144 : i32
      %add3A_681 = vector.broadcast %add3A_680 : i32 to vector<16xi32>
      %add3A_682 = arith.addi %iota3A, %add3A_681 : vector<16xi32>
      %shift_right_arithmetic3A_683 = arith.constant 1 : i32
      %shift_right_arithmetic3A_684 = vector.broadcast %shift_right_arithmetic3A_683 : i32 to vector<16xi32>
      %shift_right_arithmetic3A_685 = arith.shrsi %add3A_682, %shift_right_arithmetic3A_684 : vector<16xi32>
      %gather3A_686 = tpu.vector_load_idx %arg12[%shift_right_arithmetic3A_685] : memref<80xf32, #tpu.memory_space<vmem>>[vector<16xi32>], vector<16xf32>,
      %and3A_687 = arith.constant 1 : i32
      %and3A_688 = vector.broadcast %and3A_687 : i32 to vector<16xi32>
      %and3A_689 = arith.andi %add3A_682, %and3A_688 : vector<16xi32>
      %eq3A_690 = arith.constant 0 : i32
      %eq3A_691 = vector.broadcast %eq3A_690 : i32 to vector<16xi32>
      %eq3A_692 = arith.cmpi eq, %and3A_689, %eq3A_691 : vector<16xi32>
      %jit3A_693 = arith.constant 1.000000e+00 : f32
      %broadcast_in_dim3A_694 = vector.broadcast %jit3A_693 : f32 to vector<16xf32>
      %select_n3A_695 = arith.select %eq3A_692, %broadcast_in_dim3A_694, %gather3A_686 : vector<16xi1>, vector<16xf32>
      %and3A_696 = arith.constant 1 : i32
      %and3A_697 = vector.broadcast %and3A_696 : i32 to vector<16xi32>
      %and3A_698 = arith.andi %add3A_682, %and3A_697 : vector<16xi32>
      %add3A_699 = arith.constant 68 : i32
      %add3A_700 = vector.broadcast %add3A_699 : i32 to vector<16xi32>
      %add3A_701 = arith.addi %and3A_698, %add3A_700 : vector<16xi32>
      tpu.vector_store_idx %arg13[%shift_right_arithmetic3A_685, %add3A_701], %select_n3A_695 : memref<80x80xf32, #tpu.memory_space<vmem>>[vector<16xi32>, vector<16xi32>], vector<16xf32>,
      %scan3A_702 = arith.constant 0 : i32
      %scan3A_703 = arith.constant 320 : i32
      %scan3A_704 = arith.addi %scan3A_702, %scan3A_703 : i32
      %scan3A_705 = arith.constant 16 : i32
      scf.for %scan3A_707 = %scan3A_702 to %scan3A_704 step %scan3A_705  : i32 {
        %shift_right_arithmetic3A_708 = arith.constant 2 : i32
        %shift_right_arithmetic3A_709 = arith.shrsi %scan3A_707, %shift_right_arithmetic3A_708 : i32
        %and3A_710 = arith.constant 3 : i32
        %and3A_711 = arith.andi %scan3A_707, %and3A_710 : i32
        %broadcast_in_dim3A_712 = vector.broadcast %shift_right_arithmetic3A_709 : i32 to vector<16xi32>
        %add3A_713 = arith.constant 64 : i32
        %add3A_714 = arith.addi %and3A_711, %add3A_713 : i32
        %broadcast_in_dim3A_715 = vector.broadcast %add3A_714 : i32 to vector<16xi32>
        %gather3A_716 = tpu.vector_load_idx %arg13[%broadcast_in_dim3A_712, %broadcast_in_dim3A_715] : memref<80x80xf32, #tpu.memory_space<vmem>>[vector<16xi32>, vector<16xi32>], vector<16xf32>,
        %mul3A_717 = arith.constant 16 : i32
        %mul3A_718 = arith.muli %and3A_711, %mul3A_717 : i32
        %get3A = arith.index_cast %shift_right_arithmetic3A_709 : i32 to index
        %get3A_719 = arith.index_cast %mul3A_718 : i32 to index
        %get3A_720 = tpu.vector_load %arg13[%get3A, %get3A_719] {strides = array<i32>} : memref<80x80xf32, #tpu.memory_space<vmem>>, vector<16xf32>,
        %mul3A_721 = arith.mulf %get3A_720, %gather3A_716 : vector<16xf32>
        %swap3A = arith.index_cast %shift_right_arithmetic3A_709 : i32 to index
        %swap3A_722 = arith.index_cast %mul3A_718 : i32 to index
        %swap3A_723 = tpu.vector_load %arg13[%swap3A, %swap3A_722] {strides = array<i32>} : memref<80x80xf32, #tpu.memory_space<vmem>>, vector<16xf32>,
        tpu.vector_store %arg13[%swap3A, %swap3A_722], %mul3A_721 {strides = array<i32>} : memref<80x80xf32, #tpu.memory_space<vmem>>, vector<16xf32>,
        %scan3A_724 = arith.constant 1 : i32
        %scan3A_725 = arith.addi %scan3A_707, %scan3A_724 : i32
        %shift_right_arithmetic3A_726 = arith.constant 2 : i32
        %shift_right_arithmetic3A_727 = arith.shrsi %scan3A_725, %shift_right_arithmetic3A_726 : i32
        %and3A_728 = arith.constant 3 : i32
        %and3A_729 = arith.andi %scan3A_725, %and3A_728 : i32
        %broadcast_in_dim3A_730 = vector.broadcast %shift_right_arithmetic3A_727 : i32 to vector<16xi32>
        %add3A_731 = arith.constant 64 : i32
        %add3A_732 = arith.addi %and3A_729, %add3A_731 : i32
        %broadcast_in_dim3A_733 = vector.broadcast %add3A_732 : i32 to vector<16xi32>
        %gather3A_734 = tpu.vector_load_idx %arg13[%broadcast_in_dim3A_730, %broadcast_in_dim3A_733] : memref<80x80xf32, #tpu.memory_space<vmem>>[vector<16xi32>, vector<16xi32>], vector<16xf32>,
        %mul3A_735 = arith.constant 16 : i32
        %mul3A_736 = arith.muli %and3A_729, %mul3A_735 : i32
        %get3A_737 = arith.index_cast %shift_right_arithmetic3A_727 : i32 to index
        %get3A_738 = arith.index_cast %mul3A_736 : i32 to index
        %get3A_739 = tpu.vector_load %arg13[%get3A_737, %get3A_738] {strides = array<i32>} : memref<80x80xf32, #tpu.memory_space<vmem>>, vector<16xf32>,
        %mul3A_740 = arith.mulf %get3A_739, %gather3A_734 : vector<16xf32>
        %swap3A_741 = arith.index_cast %shift_right_arithmetic3A_727 : i32 to index
        %swap3A_742 = arith.index_cast %mul3A_736 : i32 to index
        %swap3A_743 = tpu.vector_load %arg13[%swap3A_741, %swap3A_742] {strides = array<i32>} : memref<80x80xf32, #tpu.memory_space<vmem>>, vector<16xf32>,
        tpu.vector_store %arg13[%swap3A_741, %swap3A_742], %mul3A_740 {strides = array<i32>} : memref<80x80xf32, #tpu.memory_space<vmem>>, vector<16xf32>,
        %scan3A_744 = arith.constant 2 : i32
        %scan3A_745 = arith.addi %scan3A_707, %scan3A_744 : i32
        %shift_right_arithmetic3A_746 = arith.constant 2 : i32
        %shift_right_arithmetic3A_747 = arith.shrsi %scan3A_745, %shift_right_arithmetic3A_746 : i32
        %and3A_748 = arith.constant 3 : i32
        %and3A_749 = arith.andi %scan3A_745, %and3A_748 : i32
        %broadcast_in_dim3A_750 = vector.broadcast %shift_right_arithmetic3A_747 : i32 to vector<16xi32>
        %add3A_751 = arith.constant 64 : i32
        %add3A_752 = arith.addi %and3A_749, %add3A_751 : i32
        %broadcast_in_dim3A_753 = vector.broadcast %add3A_752 : i32 to vector<16xi32>
        %gather3A_754 = tpu.vector_load_idx %arg13[%broadcast_in_dim3A_750, %broadcast_in_dim3A_753] : memref<80x80xf32, #tpu.memory_space<vmem>>[vector<16xi32>, vector<16xi32>], vector<16xf32>,
        %mul3A_755 = arith.constant 16 : i32
        %mul3A_756 = arith.muli %and3A_749, %mul3A_755 : i32
        %get3A_757 = arith.index_cast %shift_right_arithmetic3A_747 : i32 to index
        %get3A_758 = arith.index_cast %mul3A_756 : i32 to index
        %get3A_759 = tpu.vector_load %arg13[%get3A_757, %get3A_758] {strides = array<i32>} : memref<80x80xf32, #tpu.memory_space<vmem>>, vector<16xf32>,
        %mul3A_760 = arith.mulf %get3A_759, %gather3A_754 : vector<16xf32>
        %swap3A_761 = arith.index_cast %shift_right_arithmetic3A_747 : i32 to index
        %swap3A_762 = arith.index_cast %mul3A_756 : i32 to index
        %swap3A_763 = tpu.vector_load %arg13[%swap3A_761, %swap3A_762] {strides = array<i32>} : memref<80x80xf32, #tpu.memory_space<vmem>>, vector<16xf32>,
        tpu.vector_store %arg13[%swap3A_761, %swap3A_762], %mul3A_760 {strides = array<i32>} : memref<80x80xf32, #tpu.memory_space<vmem>>, vector<16xf32>,
        %scan3A_764 = arith.constant 3 : i32
        %scan3A_765 = arith.addi %scan3A_707, %scan3A_764 : i32
        %shift_right_arithmetic3A_766 = arith.constant 2 : i32
        %shift_right_arithmetic3A_767 = arith.shrsi %scan3A_765, %shift_right_arithmetic3A_766 : i32
        %and3A_768 = arith.constant 3 : i32
        %and3A_769 = arith.andi %scan3A_765, %and3A_768 : i32
        %broadcast_in_dim3A_770 = vector.broadcast %shift_right_arithmetic3A_767 : i32 to vector<16xi32>
        %add3A_771 = arith.constant 64 : i32
        %add3A_772 = arith.addi %and3A_769, %add3A_771 : i32
        %broadcast_in_dim3A_773 = vector.broadcast %add3A_772 : i32 to vector<16xi32>
        %gather3A_774 = tpu.vector_load_idx %arg13[%broadcast_in_dim3A_770, %broadcast_in_dim3A_773] : memref<80x80xf32, #tpu.memory_space<vmem>>[vector<16xi32>, vector<16xi32>], vector<16xf32>,
        %mul3A_775 = arith.constant 16 : i32
        %mul3A_776 = arith.muli %and3A_769, %mul3A_775 : i32
        %get3A_777 = arith.index_cast %shift_right_arithmetic3A_767 : i32 to index
        %get3A_778 = arith.index_cast %mul3A_776 : i32 to index
        %get3A_779 = tpu.vector_load %arg13[%get3A_777, %get3A_778] {strides = array<i32>} : memref<80x80xf32, #tpu.memory_space<vmem>>, vector<16xf32>,
        %mul3A_780 = arith.mulf %get3A_779, %gather3A_774 : vector<16xf32>
        %swap3A_781 = arith.index_cast %shift_right_arithmetic3A_767 : i32 to index
        %swap3A_782 = arith.index_cast %mul3A_776 : i32 to index
        %swap3A_783 = tpu.vector_load %arg13[%swap3A_781, %swap3A_782] {strides = array<i32>} : memref<80x80xf32, #tpu.memory_space<vmem>>, vector<16xf32>,
        tpu.vector_store %arg13[%swap3A_781, %swap3A_782], %mul3A_780 {strides = array<i32>} : memref<80x80xf32, #tpu.memory_space<vmem>>, vector<16xf32>,
        %scan3A_784 = arith.constant 4 : i32
        %scan3A_785 = arith.addi %scan3A_707, %scan3A_784 : i32
        %shift_right_arithmetic3A_786 = arith.constant 2 : i32
        %shift_right_arithmetic3A_787 = arith.shrsi %scan3A_785, %shift_right_arithmetic3A_786 : i32
        %and3A_788 = arith.constant 3 : i32
        %and3A_789 = arith.andi %scan3A_785, %and3A_788 : i32
        %broadcast_in_dim3A_790 = vector.broadcast %shift_right_arithmetic3A_787 : i32 to vector<16xi32>
        %add3A_791 = arith.constant 64 : i32
        %add3A_792 = arith.addi %and3A_789, %add3A_791 : i32
        %broadcast_in_dim3A_793 = vector.broadcast %add3A_792 : i32 to vector<16xi32>
        %gather3A_794 = tpu.vector_load_idx %arg13[%broadcast_in_dim3A_790, %broadcast_in_dim3A_793] : memref<80x80xf32, #tpu.memory_space<vmem>>[vector<16xi32>, vector<16xi32>], vector<16xf32>,
        %mul3A_795 = arith.constant 16 : i32
        %mul3A_796 = arith.muli %and3A_789, %mul3A_795 : i32
        %get3A_797 = arith.index_cast %shift_right_arithmetic3A_787 : i32 to index
        %get3A_798 = arith.index_cast %mul3A_796 : i32 to index
        %get3A_799 = tpu.vector_load %arg13[%get3A_797, %get3A_798] {strides = array<i32>} : memref<80x80xf32, #tpu.memory_space<vmem>>, vector<16xf32>,
        %mul3A_800 = arith.mulf %get3A_799, %gather3A_794 : vector<16xf32>
        %swap3A_801 = arith.index_cast %shift_right_arithmetic3A_787 : i32 to index
        %swap3A_802 = arith.index_cast %mul3A_796 : i32 to index
        %swap3A_803 = tpu.vector_load %arg13[%swap3A_801, %swap3A_802] {strides = array<i32>} : memref<80x80xf32, #tpu.memory_space<vmem>>, vector<16xf32>,
        tpu.vector_store %arg13[%swap3A_801, %swap3A_802], %mul3A_800 {strides = array<i32>} : memref<80x80xf32, #tpu.memory_space<vmem>>, vector<16xf32>,
        %scan3A_804 = arith.constant 5 : i32
        %scan3A_805 = arith.addi %scan3A_707, %scan3A_804 : i32
        %shift_right_arithmetic3A_806 = arith.constant 2 : i32
        %shift_right_arithmetic3A_807 = arith.shrsi %scan3A_805, %shift_right_arithmetic3A_806 : i32
        %and3A_808 = arith.constant 3 : i32
        %and3A_809 = arith.andi %scan3A_805, %and3A_808 : i32
        %broadcast_in_dim3A_810 = vector.broadcast %shift_right_arithmetic3A_807 : i32 to vector<16xi32>
        %add3A_811 = arith.constant 64 : i32
        %add3A_812 = arith.addi %and3A_809, %add3A_811 : i32
        %broadcast_in_dim3A_813 = vector.broadcast %add3A_812 : i32 to vector<16xi32>
        %gather3A_814 = tpu.vector_load_idx %arg13[%broadcast_in_dim3A_810, %broadcast_in_dim3A_813] : memref<80x80xf32, #tpu.memory_space<vmem>>[vector<16xi32>, vector<16xi32>], vector<16xf32>,
        %mul3A_815 = arith.constant 16 : i32
        %mul3A_816 = arith.muli %and3A_809, %mul3A_815 : i32
        %get3A_817 = arith.index_cast %shift_right_arithmetic3A_807 : i32 to index
        %get3A_818 = arith.index_cast %mul3A_816 : i32 to index
        %get3A_819 = tpu.vector_load %arg13[%get3A_817, %get3A_818] {strides = array<i32>} : memref<80x80xf32, #tpu.memory_space<vmem>>, vector<16xf32>,
        %mul3A_820 = arith.mulf %get3A_819, %gather3A_814 : vector<16xf32>
        %swap3A_821 = arith.index_cast %shift_right_arithmetic3A_807 : i32 to index
        %swap3A_822 = arith.index_cast %mul3A_816 : i32 to index
        %swap3A_823 = tpu.vector_load %arg13[%swap3A_821, %swap3A_822] {strides = array<i32>} : memref<80x80xf32, #tpu.memory_space<vmem>>, vector<16xf32>,
        tpu.vector_store %arg13[%swap3A_821, %swap3A_822], %mul3A_820 {strides = array<i32>} : memref<80x80xf32, #tpu.memory_space<vmem>>, vector<16xf32>,
        %scan3A_824 = arith.constant 6 : i32
        %scan3A_825 = arith.addi %scan3A_707, %scan3A_824 : i32
        %shift_right_arithmetic3A_826 = arith.constant 2 : i32
        %shift_right_arithmetic3A_827 = arith.shrsi %scan3A_825, %shift_right_arithmetic3A_826 : i32
        %and3A_828 = arith.constant 3 : i32
        %and3A_829 = arith.andi %scan3A_825, %and3A_828 : i32
        %broadcast_in_dim3A_830 = vector.broadcast %shift_right_arithmetic3A_827 : i32 to vector<16xi32>
        %add3A_831 = arith.constant 64 : i32
        %add3A_832 = arith.addi %and3A_829, %add3A_831 : i32
        %broadcast_in_dim3A_833 = vector.broadcast %add3A_832 : i32 to vector<16xi32>
        %gather3A_834 = tpu.vector_load_idx %arg13[%broadcast_in_dim3A_830, %broadcast_in_dim3A_833] : memref<80x80xf32, #tpu.memory_space<vmem>>[vector<16xi32>, vector<16xi32>], vector<16xf32>,
        %mul3A_835 = arith.constant 16 : i32
        %mul3A_836 = arith.muli %and3A_829, %mul3A_835 : i32
        %get3A_837 = arith.index_cast %shift_right_arithmetic3A_827 : i32 to index
        %get3A_838 = arith.index_cast %mul3A_836 : i32 to index
        %get3A_839 = tpu.vector_load %arg13[%get3A_837, %get3A_838] {strides = array<i32>} : memref<80x80xf32, #tpu.memory_space<vmem>>, vector<16xf32>,
        %mul3A_840 = arith.mulf %get3A_839, %gather3A_834 : vector<16xf32>
        %swap3A_841 = arith.index_cast %shift_right_arithmetic3A_827 : i32 to index
        %swap3A_842 = arith.index_cast %mul3A_836 : i32 to index
        %swap3A_843 = tpu.vector_load %arg13[%swap3A_841, %swap3A_842] {strides = array<i32>} : memref<80x80xf32, #tpu.memory_space<vmem>>, vector<16xf32>,
        tpu.vector_store %arg13[%swap3A_841, %swap3A_842], %mul3A_840 {strides = array<i32>} : memref<80x80xf32, #tpu.memory_space<vmem>>, vector<16xf32>,
        %scan3A_844 = arith.constant 7 : i32
        %scan3A_845 = arith.addi %scan3A_707, %scan3A_844 : i32
        %shift_right_arithmetic3A_846 = arith.constant 2 : i32
        %shift_right_arithmetic3A_847 = arith.shrsi %scan3A_845, %shift_right_arithmetic3A_846 : i32
        %and3A_848 = arith.constant 3 : i32
        %and3A_849 = arith.andi %scan3A_845, %and3A_848 : i32
        %broadcast_in_dim3A_850 = vector.broadcast %shift_right_arithmetic3A_847 : i32 to vector<16xi32>
        %add3A_851 = arith.constant 64 : i32
        %add3A_852 = arith.addi %and3A_849, %add3A_851 : i32
        %broadcast_in_dim3A_853 = vector.broadcast %add3A_852 : i32 to vector<16xi32>
        %gather3A_854 = tpu.vector_load_idx %arg13[%broadcast_in_dim3A_850, %broadcast_in_dim3A_853] : memref<80x80xf32, #tpu.memory_space<vmem>>[vector<16xi32>, vector<16xi32>], vector<16xf32>,
        %mul3A_855 = arith.constant 16 : i32
        %mul3A_856 = arith.muli %and3A_849, %mul3A_855 : i32
        %get3A_857 = arith.index_cast %shift_right_arithmetic3A_847 : i32 to index
        %get3A_858 = arith.index_cast %mul3A_856 : i32 to index
        %get3A_859 = tpu.vector_load %arg13[%get3A_857, %get3A_858] {strides = array<i32>} : memref<80x80xf32, #tpu.memory_space<vmem>>, vector<16xf32>,
        %mul3A_860 = arith.mulf %get3A_859, %gather3A_854 : vector<16xf32>
        %swap3A_861 = arith.index_cast %shift_right_arithmetic3A_847 : i32 to index
        %swap3A_862 = arith.index_cast %mul3A_856 : i32 to index
        %swap3A_863 = tpu.vector_load %arg13[%swap3A_861, %swap3A_862] {strides = array<i32>} : memref<80x80xf32, #tpu.memory_space<vmem>>, vector<16xf32>,
        tpu.vector_store %arg13[%swap3A_861, %swap3A_862], %mul3A_860 {strides = array<i32>} : memref<80x80xf32, #tpu.memory_space<vmem>>, vector<16xf32>,
        %scan3A_864 = arith.constant 8 : i32
        %scan3A_865 = arith.addi %scan3A_707, %scan3A_864 : i32
        %shift_right_arithmetic3A_866 = arith.constant 2 : i32
        %shift_right_arithmetic3A_867 = arith.shrsi %scan3A_865, %shift_right_arithmetic3A_866 : i32
        %and3A_868 = arith.constant 3 : i32
        %and3A_869 = arith.andi %scan3A_865, %and3A_868 : i32
        %broadcast_in_dim3A_870 = vector.broadcast %shift_right_arithmetic3A_867 : i32 to vector<16xi32>
        %add3A_871 = arith.constant 64 : i32
        %add3A_872 = arith.addi %and3A_869, %add3A_871 : i32
        %broadcast_in_dim3A_873 = vector.broadcast %add3A_872 : i32 to vector<16xi32>
        %gather3A_874 = tpu.vector_load_idx %arg13[%broadcast_in_dim3A_870, %broadcast_in_dim3A_873] : memref<80x80xf32, #tpu.memory_space<vmem>>[vector<16xi32>, vector<16xi32>], vector<16xf32>,
        %mul3A_875 = arith.constant 16 : i32
        %mul3A_876 = arith.muli %and3A_869, %mul3A_875 : i32
        %get3A_877 = arith.index_cast %shift_right_arithmetic3A_867 : i32 to index
        %get3A_878 = arith.index_cast %mul3A_876 : i32 to index
        %get3A_879 = tpu.vector_load %arg13[%get3A_877, %get3A_878] {strides = array<i32>} : memref<80x80xf32, #tpu.memory_space<vmem>>, vector<16xf32>,
        %mul3A_880 = arith.mulf %get3A_879, %gather3A_874 : vector<16xf32>
        %swap3A_881 = arith.index_cast %shift_right_arithmetic3A_867 : i32 to index
        %swap3A_882 = arith.index_cast %mul3A_876 : i32 to index
        %swap3A_883 = tpu.vector_load %arg13[%swap3A_881, %swap3A_882] {strides = array<i32>} : memref<80x80xf32, #tpu.memory_space<vmem>>, vector<16xf32>,
        tpu.vector_store %arg13[%swap3A_881, %swap3A_882], %mul3A_880 {strides = array<i32>} : memref<80x80xf32, #tpu.memory_space<vmem>>, vector<16xf32>,
        %scan3A_884 = arith.constant 9 : i32
        %scan3A_885 = arith.addi %scan3A_707, %scan3A_884 : i32
        %shift_right_arithmetic3A_886 = arith.constant 2 : i32
        %shift_right_arithmetic3A_887 = arith.shrsi %scan3A_885, %shift_right_arithmetic3A_886 : i32
        %and3A_888 = arith.constant 3 : i32
        %and3A_889 = arith.andi %scan3A_885, %and3A_888 : i32
        %broadcast_in_dim3A_890 = vector.broadcast %shift_right_arithmetic3A_887 : i32 to vector<16xi32>
        %add3A_891 = arith.constant 64 : i32
        %add3A_892 = arith.addi %and3A_889, %add3A_891 : i32
        %broadcast_in_dim3A_893 = vector.broadcast %add3A_892 : i32 to vector<16xi32>
        %gather3A_894 = tpu.vector_load_idx %arg13[%broadcast_in_dim3A_890, %broadcast_in_dim3A_893] : memref<80x80xf32, #tpu.memory_space<vmem>>[vector<16xi32>, vector<16xi32>], vector<16xf32>,
        %mul3A_895 = arith.constant 16 : i32
        %mul3A_896 = arith.muli %and3A_889, %mul3A_895 : i32
        %get3A_897 = arith.index_cast %shift_right_arithmetic3A_887 : i32 to index
        %get3A_898 = arith.index_cast %mul3A_896 : i32 to index
        %get3A_899 = tpu.vector_load %arg13[%get3A_897, %get3A_898] {strides = array<i32>} : memref<80x80xf32, #tpu.memory_space<vmem>>, vector<16xf32>,
        %mul3A_900 = arith.mulf %get3A_899, %gather3A_894 : vector<16xf32>
        %swap3A_901 = arith.index_cast %shift_right_arithmetic3A_887 : i32 to index
        %swap3A_902 = arith.index_cast %mul3A_896 : i32 to index
        %swap3A_903 = tpu.vector_load %arg13[%swap3A_901, %swap3A_902] {strides = array<i32>} : memref<80x80xf32, #tpu.memory_space<vmem>>, vector<16xf32>,
        tpu.vector_store %arg13[%swap3A_901, %swap3A_902], %mul3A_900 {strides = array<i32>} : memref<80x80xf32, #tpu.memory_space<vmem>>, vector<16xf32>,
        %scan3A_904 = arith.constant 10 : i32
        %scan3A_905 = arith.addi %scan3A_707, %scan3A_904 : i32
        %shift_right_arithmetic3A_906 = arith.constant 2 : i32
        %shift_right_arithmetic3A_907 = arith.shrsi %scan3A_905, %shift_right_arithmetic3A_906 : i32
        %and3A_908 = arith.constant 3 : i32
        %and3A_909 = arith.andi %scan3A_905, %and3A_908 : i32
        %broadcast_in_dim3A_910 = vector.broadcast %shift_right_arithmetic3A_907 : i32 to vector<16xi32>
        %add3A_911 = arith.constant 64 : i32
        %add3A_912 = arith.addi %and3A_909, %add3A_911 : i32
        %broadcast_in_dim3A_913 = vector.broadcast %add3A_912 : i32 to vector<16xi32>
        %gather3A_914 = tpu.vector_load_idx %arg13[%broadcast_in_dim3A_910, %broadcast_in_dim3A_913] : memref<80x80xf32, #tpu.memory_space<vmem>>[vector<16xi32>, vector<16xi32>], vector<16xf32>,
        %mul3A_915 = arith.constant 16 : i32
        %mul3A_916 = arith.muli %and3A_909, %mul3A_915 : i32
        %get3A_917 = arith.index_cast %shift_right_arithmetic3A_907 : i32 to index
        %get3A_918 = arith.index_cast %mul3A_916 : i32 to index
        %get3A_919 = tpu.vector_load %arg13[%get3A_917, %get3A_918] {strides = array<i32>} : memref<80x80xf32, #tpu.memory_space<vmem>>, vector<16xf32>,
        %mul3A_920 = arith.mulf %get3A_919, %gather3A_914 : vector<16xf32>
        %swap3A_921 = arith.index_cast %shift_right_arithmetic3A_907 : i32 to index
        %swap3A_922 = arith.index_cast %mul3A_916 : i32 to index
        %swap3A_923 = tpu.vector_load %arg13[%swap3A_921, %swap3A_922] {strides = array<i32>} : memref<80x80xf32, #tpu.memory_space<vmem>>, vector<16xf32>,
        tpu.vector_store %arg13[%swap3A_921, %swap3A_922], %mul3A_920 {strides = array<i32>} : memref<80x80xf32, #tpu.memory_space<vmem>>, vector<16xf32>,
        %scan3A_924 = arith.constant 11 : i32
        %scan3A_925 = arith.addi %scan3A_707, %scan3A_924 : i32
        %shift_right_arithmetic3A_926 = arith.constant 2 : i32
        %shift_right_arithmetic3A_927 = arith.shrsi %scan3A_925, %shift_right_arithmetic3A_926 : i32
        %and3A_928 = arith.constant 3 : i32
        %and3A_929 = arith.andi %scan3A_925, %and3A_928 : i32
        %broadcast_in_dim3A_930 = vector.broadcast %shift_right_arithmetic3A_927 : i32 to vector<16xi32>
        %add3A_931 = arith.constant 64 : i32
        %add3A_932 = arith.addi %and3A_929, %add3A_931 : i32
        %broadcast_in_dim3A_933 = vector.broadcast %add3A_932 : i32 to vector<16xi32>
        %gather3A_934 = tpu.vector_load_idx %arg13[%broadcast_in_dim3A_930, %broadcast_in_dim3A_933] : memref<80x80xf32, #tpu.memory_space<vmem>>[vector<16xi32>, vector<16xi32>], vector<16xf32>,
        %mul3A_935 = arith.constant 16 : i32
        %mul3A_936 = arith.muli %and3A_929, %mul3A_935 : i32
        %get3A_937 = arith.index_cast %shift_right_arithmetic3A_927 : i32 to index
        %get3A_938 = arith.index_cast %mul3A_936 : i32 to index
        %get3A_939 = tpu.vector_load %arg13[%get3A_937, %get3A_938] {strides = array<i32>} : memref<80x80xf32, #tpu.memory_space<vmem>>, vector<16xf32>,
        %mul3A_940 = arith.mulf %get3A_939, %gather3A_934 : vector<16xf32>
        %swap3A_941 = arith.index_cast %shift_right_arithmetic3A_927 : i32 to index
        %swap3A_942 = arith.index_cast %mul3A_936 : i32 to index
        %swap3A_943 = tpu.vector_load %arg13[%swap3A_941, %swap3A_942] {strides = array<i32>} : memref<80x80xf32, #tpu.memory_space<vmem>>, vector<16xf32>,
        tpu.vector_store %arg13[%swap3A_941, %swap3A_942], %mul3A_940 {strides = array<i32>} : memref<80x80xf32, #tpu.memory_space<vmem>>, vector<16xf32>,
        %scan3A_944 = arith.constant 12 : i32
        %scan3A_945 = arith.addi %scan3A_707, %scan3A_944 : i32
        %shift_right_arithmetic3A_946 = arith.constant 2 : i32
        %shift_right_arithmetic3A_947 = arith.shrsi %scan3A_945, %shift_right_arithmetic3A_946 : i32
        %and3A_948 = arith.constant 3 : i32
        %and3A_949 = arith.andi %scan3A_945, %and3A_948 : i32
        %broadcast_in_dim3A_950 = vector.broadcast %shift_right_arithmetic3A_947 : i32 to vector<16xi32>
        %add3A_951 = arith.constant 64 : i32
        %add3A_952 = arith.addi %and3A_949, %add3A_951 : i32
        %broadcast_in_dim3A_953 = vector.broadcast %add3A_952 : i32 to vector<16xi32>
        %gather3A_954 = tpu.vector_load_idx %arg13[%broadcast_in_dim3A_950, %broadcast_in_dim3A_953] : memref<80x80xf32, #tpu.memory_space<vmem>>[vector<16xi32>, vector<16xi32>], vector<16xf32>,
        %mul3A_955 = arith.constant 16 : i32
        %mul3A_956 = arith.muli %and3A_949, %mul3A_955 : i32
        %get3A_957 = arith.index_cast %shift_right_arithmetic3A_947 : i32 to index
        %get3A_958 = arith.index_cast %mul3A_956 : i32 to index
        %get3A_959 = tpu.vector_load %arg13[%get3A_957, %get3A_958] {strides = array<i32>} : memref<80x80xf32, #tpu.memory_space<vmem>>, vector<16xf32>,
        %mul3A_960 = arith.mulf %get3A_959, %gather3A_954 : vector<16xf32>
        %swap3A_961 = arith.index_cast %shift_right_arithmetic3A_947 : i32 to index
        %swap3A_962 = arith.index_cast %mul3A_956 : i32 to index
        %swap3A_963 = tpu.vector_load %arg13[%swap3A_961, %swap3A_962] {strides = array<i32>} : memref<80x80xf32, #tpu.memory_space<vmem>>, vector<16xf32>,
        tpu.vector_store %arg13[%swap3A_961, %swap3A_962], %mul3A_960 {strides = array<i32>} : memref<80x80xf32, #tpu.memory_space<vmem>>, vector<16xf32>,
        %scan3A_964 = arith.constant 13 : i32
        %scan3A_965 = arith.addi %scan3A_707, %scan3A_964 : i32
        %shift_right_arithmetic3A_966 = arith.constant 2 : i32
        %shift_right_arithmetic3A_967 = arith.shrsi %scan3A_965, %shift_right_arithmetic3A_966 : i32
        %and3A_968 = arith.constant 3 : i32
        %and3A_969 = arith.andi %scan3A_965, %and3A_968 : i32
        %broadcast_in_dim3A_970 = vector.broadcast %shift_right_arithmetic3A_967 : i32 to vector<16xi32>
        %add3A_971 = arith.constant 64 : i32
        %add3A_972 = arith.addi %and3A_969, %add3A_971 : i32
        %broadcast_in_dim3A_973 = vector.broadcast %add3A_972 : i32 to vector<16xi32>
        %gather3A_974 = tpu.vector_load_idx %arg13[%broadcast_in_dim3A_970, %broadcast_in_dim3A_973] : memref<80x80xf32, #tpu.memory_space<vmem>>[vector<16xi32>, vector<16xi32>], vector<16xf32>,
        %mul3A_975 = arith.constant 16 : i32
        %mul3A_976 = arith.muli %and3A_969, %mul3A_975 : i32
        %get3A_977 = arith.index_cast %shift_right_arithmetic3A_967 : i32 to index
        %get3A_978 = arith.index_cast %mul3A_976 : i32 to index
        %get3A_979 = tpu.vector_load %arg13[%get3A_977, %get3A_978] {strides = array<i32>} : memref<80x80xf32, #tpu.memory_space<vmem>>, vector<16xf32>,
        %mul3A_980 = arith.mulf %get3A_979, %gather3A_974 : vector<16xf32>
        %swap3A_981 = arith.index_cast %shift_right_arithmetic3A_967 : i32 to index
        %swap3A_982 = arith.index_cast %mul3A_976 : i32 to index
        %swap3A_983 = tpu.vector_load %arg13[%swap3A_981, %swap3A_982] {strides = array<i32>} : memref<80x80xf32, #tpu.memory_space<vmem>>, vector<16xf32>,
        tpu.vector_store %arg13[%swap3A_981, %swap3A_982], %mul3A_980 {strides = array<i32>} : memref<80x80xf32, #tpu.memory_space<vmem>>, vector<16xf32>,
        %scan3A_984 = arith.constant 14 : i32
        %scan3A_985 = arith.addi %scan3A_707, %scan3A_984 : i32
        %shift_right_arithmetic3A_986 = arith.constant 2 : i32
        %shift_right_arithmetic3A_987 = arith.shrsi %scan3A_985, %shift_right_arithmetic3A_986 : i32
        %and3A_988 = arith.constant 3 : i32
        %and3A_989 = arith.andi %scan3A_985, %and3A_988 : i32
        %broadcast_in_dim3A_990 = vector.broadcast %shift_right_arithmetic3A_987 : i32 to vector<16xi32>
        %add3A_991 = arith.constant 64 : i32
        %add3A_992 = arith.addi %and3A_989, %add3A_991 : i32
        %broadcast_in_dim3A_993 = vector.broadcast %add3A_992 : i32 to vector<16xi32>
        %gather3A_994 = tpu.vector_load_idx %arg13[%broadcast_in_dim3A_990, %broadcast_in_dim3A_993] : memref<80x80xf32, #tpu.memory_space<vmem>>[vector<16xi32>, vector<16xi32>], vector<16xf32>,
        %mul3A_995 = arith.constant 16 : i32
        %mul3A_996 = arith.muli %and3A_989, %mul3A_995 : i32
        %get3A_997 = arith.index_cast %shift_right_arithmetic3A_987 : i32 to index
        %get3A_998 = arith.index_cast %mul3A_996 : i32 to index
        %get3A_999 = tpu.vector_load %arg13[%get3A_997, %get3A_998] {strides = array<i32>} : memref<80x80xf32, #tpu.memory_space<vmem>>, vector<16xf32>,
        %mul3A_1000 = arith.mulf %get3A_999, %gather3A_994 : vector<16xf32>
        %swap3A_1001 = arith.index_cast %shift_right_arithmetic3A_987 : i32 to index
        %swap3A_1002 = arith.index_cast %mul3A_996 : i32 to index
        %swap3A_1003 = tpu.vector_load %arg13[%swap3A_1001, %swap3A_1002] {strides = array<i32>} : memref<80x80xf32, #tpu.memory_space<vmem>>, vector<16xf32>,
        tpu.vector_store %arg13[%swap3A_1001, %swap3A_1002], %mul3A_1000 {strides = array<i32>} : memref<80x80xf32, #tpu.memory_space<vmem>>, vector<16xf32>,
        %scan3A_1004 = arith.constant 15 : i32
        %scan3A_1005 = arith.addi %scan3A_707, %scan3A_1004 : i32
        %shift_right_arithmetic3A_1006 = arith.constant 2 : i32
        %shift_right_arithmetic3A_1007 = arith.shrsi %scan3A_1005, %shift_right_arithmetic3A_1006 : i32
        %and3A_1008 = arith.constant 3 : i32
        %and3A_1009 = arith.andi %scan3A_1005, %and3A_1008 : i32
        %broadcast_in_dim3A_1010 = vector.broadcast %shift_right_arithmetic3A_1007 : i32 to vector<16xi32>
        %add3A_1011 = arith.constant 64 : i32
        %add3A_1012 = arith.addi %and3A_1009, %add3A_1011 : i32
        %broadcast_in_dim3A_1013 = vector.broadcast %add3A_1012 : i32 to vector<16xi32>
        %gather3A_1014 = tpu.vector_load_idx %arg13[%broadcast_in_dim3A_1010, %broadcast_in_dim3A_1013] : memref<80x80xf32, #tpu.memory_space<vmem>>[vector<16xi32>, vector<16xi32>], vector<16xf32>,
        %mul3A_1015 = arith.constant 16 : i32
        %mul3A_1016 = arith.muli %and3A_1009, %mul3A_1015 : i32
        %get3A_1017 = arith.index_cast %shift_right_arithmetic3A_1007 : i32 to index
        %get3A_1018 = arith.index_cast %mul3A_1016 : i32 to index
        %get3A_1019 = tpu.vector_load %arg13[%get3A_1017, %get3A_1018] {strides = array<i32>} : memref<80x80xf32, #tpu.memory_space<vmem>>, vector<16xf32>,
        %mul3A_1020 = arith.mulf %get3A_1019, %gather3A_1014 : vector<16xf32>
        %swap3A_1021 = arith.index_cast %shift_right_arithmetic3A_1007 : i32 to index
        %swap3A_1022 = arith.index_cast %mul3A_1016 : i32 to index
        %swap3A_1023 = tpu.vector_load %arg13[%swap3A_1021, %swap3A_1022] {strides = array<i32>} : memref<80x80xf32, #tpu.memory_space<vmem>>, vector<16xf32>,
        tpu.vector_store %arg13[%swap3A_1021, %swap3A_1022], %mul3A_1020 {strides = array<i32>} : memref<80x80xf32, #tpu.memory_space<vmem>>, vector<16xf32>,
      }
      %scan3A_706 = arith.constant 320 : i32
      "tpu.region"() ({
        %run_scoped3A = tpu.sem_alloc : memref<!tpu.dma_semaphore, #tpu.memory_space<semaphore_mem>>
        %dma_start3A_707 = arith.constant 0 : i32
        %dma_start3A_708 = arith.constant 0 : i32
        %dma_start3A_709 = tpu.memref_slice %arg16[%dma_start3A_707, %dma_start3A_708] : memref<20480x80xf32, #tpu.memory_space<vmem_shared>> -> memref<20480x80xf32, #tpu.memory_space<vmem_shared>>
        tpu.enqueue_indirect_dma source(%arg13 : memref<80x80xf32, #tpu.memory_space<vmem>>) target(%dma_start3A_709 : memref<20480x80xf32, #tpu.memory_space<vmem_shared>>) offsets(%arg11 : memref<80xi32, #tpu.memory_space<vmem>>) semaphore(%run_scoped3A : memref<!tpu.dma_semaphore, #tpu.memory_space<semaphore_mem>>) {add = true}
        %dma_wait3A_710 = arith.constant 0 : i32
        %dma_wait3A_711 = arith.constant 0 : i32
        %dma_wait3A_712 = tpu.memref_slice %arg16[%dma_wait3A_710, %dma_wait3A_711] : memref<20480x80xf32, #tpu.memory_space<vmem_shared>> -> memref<20480x80xf32, #tpu.memory_space<vmem_shared>>
        tpu.wait_indirect_dma semaphore(%run_scoped3A : memref<!tpu.dma_semaphore, #tpu.memory_space<semaphore_mem>>) src(%arg13 : memref<80x80xf32, #tpu.memory_space<vmem>>) dst(%dma_wait3A_712 : memref<20480x80xf32, #tpu.memory_space<vmem_shared>>)
        tpu.yield
      }) : () -> ()
    }
    %scan3A_10 = arith.constant 250 : i32
    %barrier3A_11 = arith.constant 0 : index
    tpu.barrier barrier_id(%barrier3A_11)
    "tpu.region"() ({
      %run_scoped3A = tpu.sem_alloc : memref<!tpu.dma_semaphore, #tpu.memory_space<semaphore_mem>>
      %dma_start3A = arith.constant 0 : i32
      %dma_start3A_12 = tpu.memref_slice %arg9[%arg0, %mul3A_2, %dma_start3A] : memref<2x20480x80xf32, #tpu.memory_space<hbm>> -> memref<1x1280x80xf32, #tpu.memory_space<hbm>>
      %dma_start3A_13 = tpu.memref_squeeze %dma_start3A_12 : memref<1x1280x80xf32, #tpu.memory_space<hbm>> -> memref<1280x80xf32, #tpu.memory_space<hbm>>
      %dma_start3A_14 = arith.constant 0 : i32
      %dma_start3A_15 = tpu.memref_slice %arg16[%mul3A_2, %dma_start3A_14] : memref<20480x80xf32, #tpu.memory_space<vmem_shared>> -> memref<1280x80xf32, #tpu.memory_space<vmem_shared>>
      tpu.enqueue_dma source(%dma_start3A_15 : memref<1280x80xf32, #tpu.memory_space<vmem_shared>>) target(%dma_start3A_13 : memref<1280x80xf32, #tpu.memory_space<hbm>>) target_semaphore(%run_scoped3A : memref<!tpu.dma_semaphore, #tpu.memory_space<semaphore_mem>>)
      %dma_wait3A = arith.constant 0 : i32
      %dma_wait3A_16 = tpu.memref_slice %arg9[%arg0, %mul3A_2, %dma_wait3A] : memref<2x20480x80xf32, #tpu.memory_space<hbm>> -> memref<1x1280x80xf32, #tpu.memory_space<hbm>>
      %dma_wait3A_17 = tpu.memref_squeeze %dma_wait3A_16 : memref<1x1280x80xf32, #tpu.memory_space<hbm>> -> memref<1280x80xf32, #tpu.memory_space<hbm>>
      %dma_wait3A_18 = arith.constant 0 : i32
      %dma_wait3A_19 = tpu.memref_slice %arg16[%mul3A_2, %dma_wait3A_18] : memref<20480x80xf32, #tpu.memory_space<vmem_shared>> -> memref<1280x80xf32, #tpu.memory_space<vmem_shared>>
      tpu.wait_dma2 semaphore(%run_scoped3A : memref<!tpu.dma_semaphore, #tpu.memory_space<semaphore_mem>>) src(%dma_wait3A_19 : memref<1280x80xf32, #tpu.memory_space<vmem_shared>>) dst(%dma_wait3A_17 : memref<1280x80xf32, #tpu.memory_space<hbm>>)
      tpu.yield
    }) : () -> ()
    return
  }
}

module attributes {stable_mosaic.version = 14 : i64} {
  func.func @_pre0_body(%arg0: i32, %arg1: memref<2000x48xf32, #tpu.memory_space<vmem>>, %arg2: memref<48x64xf32, #tpu.memory_space<vmem>>, %arg3: memref<64x80xf32, #tpu.memory_space<vmem>>, %arg4: memref<64x16xf32, #tpu.memory_space<vmem>>, %arg5: memref<48x64xf32, #tpu.memory_space<vmem>>, %arg6: memref<64xf32, #tpu.memory_space<vmem>>, %arg7: memref<2000x80xf32, #tpu.memory_space<vmem>>, %arg8: memref<2000x16xf32, #tpu.memory_space<vmem>>, %arg9: memref<2000x64xf32, #tpu.memory_space<vmem>>) attributes {dimension_semantics = [#tpu.dimension_semantics<arbitrary>], iteration_bounds = array<i64: 10>, scalar_prefetch = 0 : i64, scratch_operands = 0 : i64, tpu.core_type = #tpu.core_type<tc>, window_params = [{transform_indices = @transform_0, window_bounds = array<i64: 2000, 48>}, {pipeline_mode = #tpu.pipeline_mode<synchronous>, transform_indices = @transform_1, window_bounds = array<i64: 48, 64>}, {pipeline_mode = #tpu.pipeline_mode<synchronous>, transform_indices = @transform_2, window_bounds = array<i64: 64, 80>}, {pipeline_mode = #tpu.pipeline_mode<synchronous>, transform_indices = @transform_3, window_bounds = array<i64: 64, 16>}, {pipeline_mode = #tpu.pipeline_mode<synchronous>, transform_indices = @transform_4, window_bounds = array<i64: 48, 64>}, {pipeline_mode = #tpu.pipeline_mode<synchronous>, transform_indices = @transform_5, window_bounds = array<i64: 64>}, {transform_indices = @transform_6, window_bounds = array<i64: 2000, 80>}, {transform_indices = @transform_7, window_bounds = array<i64: 2000, 16>}, {transform_indices = @transform_8, window_bounds = array<i64: 2000, 64>}]} {
    %get3A = arith.constant 0 : index
    %get3A_0 = arith.constant 0 : index
    %get3A_1 = vector.load %arg1[%get3A, %get3A_0] : memref<2000x48xf32, #tpu.memory_space<vmem>>, vector<2000x48xf32>
    %get3A_2 = arith.constant 0 : index
    %get3A_3 = arith.constant 0 : index
    %get3A_4 = vector.load %arg2[%get3A_2, %get3A_3] : memref<48x64xf32, #tpu.memory_space<vmem>>, vector<48x64xf32>
    %dot_general3A = arith.constant dense<0.000000e+00> : vector<2000x64xf32>
    %dot_general3A_5 = tpu.matmul %get3A_1, %get3A_4, %dot_general3A {dimension_numbers = #tpu.dot_dimension_numbers<[1], [0], [0], [1], [0, 0, 1, 1], [], []>, precision = #tpu.contract_precision<fp32>, transpose_lhs_hint = false} : vector<2000x48xf32>, vector<48x64xf32>, vector<2000x64xf32> -> vector<2000x64xf32>
    %get3A_6 = arith.constant 0 : index
    %get3A_7 = arith.constant 0 : index
    %get3A_8 = vector.load %arg3[%get3A_6, %get3A_7] : memref<64x80xf32, #tpu.memory_space<vmem>>, vector<64x80xf32>
    %dot_general3A_9 = arith.constant dense<0.000000e+00> : vector<2000x80xf32>
    %dot_general3A_10 = tpu.matmul %dot_general3A_5, %get3A_8, %dot_general3A_9 {dimension_numbers = #tpu.dot_dimension_numbers<[1], [0], [0], [1], [0, 0, 1, 1], [], []>, precision = #tpu.contract_precision<fp32>, transpose_lhs_hint = false} : vector<2000x64xf32>, vector<64x80xf32>, vector<2000x80xf32> -> vector<2000x80xf32>
    %swap3A = arith.constant 0 : index
    %swap3A_11 = arith.constant 0 : index
    %swap3A_12 = vector.load %arg7[%swap3A, %swap3A_11] : memref<2000x80xf32, #tpu.memory_space<vmem>>, vector<2000x80xf32>
    tpu.vector_store %arg7[%swap3A, %swap3A_11], %dot_general3A_10 {strides = array<i32>} : memref<2000x80xf32, #tpu.memory_space<vmem>>, vector<2000x80xf32>,
    %get3A_13 = arith.constant 0 : index
    %get3A_14 = arith.constant 0 : index
    %get3A_15 = vector.load %arg4[%get3A_13, %get3A_14] : memref<64x16xf32, #tpu.memory_space<vmem>>, vector<64x16xf32>
    %dot_general3A_16 = arith.constant dense<0.000000e+00> : vector<2000x16xf32>
    %dot_general3A_17 = tpu.matmul %dot_general3A_5, %get3A_15, %dot_general3A_16 {dimension_numbers = #tpu.dot_dimension_numbers<[1], [0], [0], [1], [0, 0, 1, 1], [], []>, precision = #tpu.contract_precision<fp32>, transpose_lhs_hint = false} : vector<2000x64xf32>, vector<64x16xf32>, vector<2000x16xf32> -> vector<2000x16xf32>
    %swap3A_18 = arith.constant 0 : index
    %swap3A_19 = arith.constant 0 : index
    %swap3A_20 = vector.load %arg8[%swap3A_18, %swap3A_19] : memref<2000x16xf32, #tpu.memory_space<vmem>>, vector<2000x16xf32>
    tpu.vector_store %arg8[%swap3A_18, %swap3A_19], %dot_general3A_17 {strides = array<i32>} : memref<2000x16xf32, #tpu.memory_space<vmem>>, vector<2000x16xf32>,
    %get3A_21 = arith.constant 0 : index
    %get3A_22 = arith.constant 0 : index
    %get3A_23 = vector.load %arg5[%get3A_21, %get3A_22] : memref<48x64xf32, #tpu.memory_space<vmem>>, vector<48x64xf32>
    %dot_general3A_24 = arith.constant dense<0.000000e+00> : vector<2000x64xf32>
    %dot_general3A_25 = tpu.matmul %get3A_1, %get3A_23, %dot_general3A_24 {dimension_numbers = #tpu.dot_dimension_numbers<[1], [0], [0], [1], [0, 0, 1, 1], [], []>, precision = #tpu.contract_precision<fp32>, transpose_lhs_hint = false} : vector<2000x48xf32>, vector<48x64xf32>, vector<2000x64xf32> -> vector<2000x64xf32>
    %get3A_26 = arith.constant 0 : index
    %get3A_27 = vector.load %arg6[%get3A_26] : memref<64xf32, #tpu.memory_space<vmem>>, vector<64xf32>
    %broadcast_in_dim3A = vector.shape_cast %get3A_27 : vector<64xf32> to vector<1x64xf32>
    %add3A = vector.broadcast %broadcast_in_dim3A : vector<1x64xf32> to vector<2000x64xf32>
    %add3A_28 = arith.addf %dot_general3A_25, %add3A : vector<2000x64xf32>
    %swap3A_29 = arith.constant 0 : index
    %swap3A_30 = arith.constant 0 : index
    %swap3A_31 = vector.load %arg9[%swap3A_29, %swap3A_30] : memref<2000x64xf32, #tpu.memory_space<vmem>>, vector<2000x64xf32>
    tpu.vector_store %arg9[%swap3A_29, %swap3A_30], %add3A_28 {strides = array<i32>} : memref<2000x64xf32, #tpu.memory_space<vmem>>, vector<2000x64xf32>,
    return
  }
  func.func @transform_0(%arg0: i32) -> (i32, i32) {
    %c0_i32 = arith.constant 0 : i32
    %c0_i32_0 = arith.constant 0 : i32
    return %arg0, %c0_i32 : i32, i32
  }
  func.func @transform_1(%arg0: i32) -> (i32, i32) {
    %c0_i32 = arith.constant 0 : i32
    %c0_i32_0 = arith.constant 0 : i32
    %c0_i32_1 = arith.constant 0 : i32
    return %c0_i32, %c0_i32_0 : i32, i32
  }
  func.func @transform_2(%arg0: i32) -> (i32, i32) {
    %c0_i32 = arith.constant 0 : i32
    %c0_i32_0 = arith.constant 0 : i32
    %c0_i32_1 = arith.constant 0 : i32
    return %c0_i32, %c0_i32_0 : i32, i32
  }
  func.func @transform_3(%arg0: i32) -> (i32, i32) {
    %c0_i32 = arith.constant 0 : i32
    %c0_i32_0 = arith.constant 0 : i32
    %c0_i32_1 = arith.constant 0 : i32
    return %c0_i32, %c0_i32_0 : i32, i32
  }
  func.func @transform_4(%arg0: i32) -> (i32, i32) {
    %c0_i32 = arith.constant 0 : i32
    %c0_i32_0 = arith.constant 0 : i32
    %c0_i32_1 = arith.constant 0 : i32
    return %c0_i32, %c0_i32_0 : i32, i32
  }
  func.func @transform_5(%arg0: i32) -> i32 {
    %c0_i32 = arith.constant 0 : i32
    %c0_i32_0 = arith.constant 0 : i32
    return %c0_i32 : i32
  }
  func.func @transform_6(%arg0: i32) -> (i32, i32) {
    %c0_i32 = arith.constant 0 : i32
    %c0_i32_0 = arith.constant 0 : i32
    return %arg0, %c0_i32 : i32, i32
  }
  func.func @transform_7(%arg0: i32) -> (i32, i32) {
    %c0_i32 = arith.constant 0 : i32
    %c0_i32_0 = arith.constant 0 : i32
    return %arg0, %c0_i32 : i32, i32
  }
  func.func @transform_8(%arg0: i32) -> (i32, i32) {
    %c0_i32 = arith.constant 0 : i32
    %c0_i32_0 = arith.constant 0 : i32
    return %arg0, %c0_i32 : i32, i32
  }
}

module attributes {stable_mosaic.version = 14 : i64} {
  func.func @_combine0_body(%arg0: i32, %arg1: memref<2000x80xf32, #tpu.memory_space<vmem>>, %arg2: memref<2000x80xf32, #tpu.memory_space<vmem>>, %arg3: memref<2000x80xf32, #tpu.memory_space<vmem>>, %arg4: memref<2000x16xf32, #tpu.memory_space<vmem>>, %arg5: memref<1x4xf32, #tpu.memory_space<vmem>>, %arg6: memref<4x64xf32, #tpu.memory_space<vmem>>, %arg7: memref<64xf32, #tpu.memory_space<vmem>>, %arg8: memref<64xf32, #tpu.memory_space<vmem>>, %arg9: memref<64xf32, #tpu.memory_space<vmem>>, %arg10: memref<2000x64xf32, #tpu.memory_space<vmem>>, %arg11: memref<64x64xf32, #tpu.memory_space<vmem>>, %arg12: memref<64x80xf32, #tpu.memory_space<vmem>>, %arg13: memref<64x16xf32, #tpu.memory_space<vmem>>, %arg14: memref<2000x64xf32, #tpu.memory_space<vmem>>, %arg15: memref<2000x80xf32, #tpu.memory_space<vmem>>, %arg16: memref<2000x16xf32, #tpu.memory_space<vmem>>) attributes {dimension_semantics = [#tpu.dimension_semantics<arbitrary>], iteration_bounds = array<i64: 10>, scalar_prefetch = 0 : i64, scratch_operands = 0 : i64, tpu.core_type = #tpu.core_type<tc>, window_params = [{transform_indices = @transform_0, window_bounds = array<i64: 2000, 80>}, {transform_indices = @transform_1, window_bounds = array<i64: 2000, 80>}, {transform_indices = @transform_2, window_bounds = array<i64: 2000, 80>}, {transform_indices = @transform_3, window_bounds = array<i64: 2000, 16>}, {pipeline_mode = #tpu.pipeline_mode<synchronous>, transform_indices = @transform_4, window_bounds = array<i64: 1, 4>}, {pipeline_mode = #tpu.pipeline_mode<synchronous>, transform_indices = @transform_5, window_bounds = array<i64: 4, 64>}, {pipeline_mode = #tpu.pipeline_mode<synchronous>, transform_indices = @transform_6, window_bounds = array<i64: 64>}, {pipeline_mode = #tpu.pipeline_mode<synchronous>, transform_indices = @transform_7, window_bounds = array<i64: 64>}, {pipeline_mode = #tpu.pipeline_mode<synchronous>, transform_indices = @transform_8, window_bounds = array<i64: 64>}, {transform_indices = @transform_9, window_bounds = array<i64: 2000, 64>}, {pipeline_mode = #tpu.pipeline_mode<synchronous>, transform_indices = @transform_10, window_bounds = array<i64: 64, 64>}, {pipeline_mode = #tpu.pipeline_mode<synchronous>, transform_indices = @transform_11, window_bounds = array<i64: 64, 80>}, {pipeline_mode = #tpu.pipeline_mode<synchronous>, transform_indices = @transform_12, window_bounds = array<i64: 64, 16>}, {transform_indices = @transform_13, window_bounds = array<i64: 2000, 64>}, {transform_indices = @transform_14, window_bounds = array<i64: 2000, 80>}, {transform_indices = @transform_15, window_bounds = array<i64: 2000, 16>}]} {
    %get3A = arith.constant 0 : index
    %get3A_0 = arith.constant 0 : index
    %get3A_1 = vector.load %arg1[%get3A, %get3A_0] : memref<2000x80xf32, #tpu.memory_space<vmem>>, vector<2000x80xf32>
    %get3A_2 = arith.constant 0 : index
    %get3A_3 = arith.constant 0 : index
    %get3A_4 = vector.load %arg2[%get3A_2, %get3A_3] : memref<2000x80xf32, #tpu.memory_space<vmem>>, vector<2000x80xf32>
    %get3A_5 = arith.constant 0 : index
    %get3A_6 = arith.constant 0 : index
    %get3A_7 = vector.load %arg3[%get3A_5, %get3A_6] : memref<2000x80xf32, #tpu.memory_space<vmem>>, vector<2000x80xf32>
    %get3A_8 = arith.constant 0 : index
    %get3A_9 = arith.constant 0 : index
    %get3A_10 = vector.load %arg4[%get3A_8, %get3A_9] : memref<2000x16xf32, #tpu.memory_space<vmem>>, vector<2000x16xf32>
    %get3A_11 = arith.constant 0 : index
    %get3A_12 = arith.constant 0 : index
    %get3A_13 = vector.load %arg5[%get3A_11, %get3A_12] : memref<1x4xf32, #tpu.memory_space<vmem>>, vector<1x4xf32>
    %get3A_14 = arith.constant 0 : index
    %get3A_15 = arith.constant 0 : index
    %get3A_16 = vector.load %arg6[%get3A_14, %get3A_15] : memref<4x64xf32, #tpu.memory_space<vmem>>, vector<4x64xf32>
    %get3A_17 = arith.constant 0 : index
    %get3A_18 = vector.load %arg7[%get3A_17] : memref<64xf32, #tpu.memory_space<vmem>>, vector<64xf32>
    %get3A_19 = arith.constant 0 : index
    %get3A_20 = vector.load %arg8[%get3A_19] : memref<64xf32, #tpu.memory_space<vmem>>, vector<64xf32>
    %get3A_21 = arith.constant 0 : index
    %get3A_22 = vector.load %arg9[%get3A_21] : memref<64xf32, #tpu.memory_space<vmem>>, vector<64xf32>
    %get3A_23 = arith.constant 0 : index
    %get3A_24 = arith.constant 0 : index
    %get3A_25 = vector.load %arg10[%get3A_23, %get3A_24] : memref<2000x64xf32, #tpu.memory_space<vmem>>, vector<2000x64xf32>
    %slice3A = vector.extract_strided_slice %get3A_1 {offsets = [0, 0], sizes = [2000, 64], strides = [1, 1]} : vector<2000x80xf32> to vector<2000x64xf32>
    %slice3A_26 = vector.extract_strided_slice %get3A_4 {offsets = [0, 0], sizes = [2000, 64], strides = [1, 1]} : vector<2000x80xf32> to vector<2000x64xf32>
    %add3A = arith.addf %slice3A, %slice3A_26 : vector<2000x64xf32>
    %slice3A_27 = vector.extract_strided_slice %get3A_1 {offsets = [0, 64], sizes = [2000, 4], strides = [1, 1]} : vector<2000x80xf32> to vector<2000x4xf32>
    %slice3A_28 = vector.extract_strided_slice %get3A_4 {offsets = [0, 64], sizes = [2000, 4], strides = [1, 1]} : vector<2000x80xf32> to vector<2000x4xf32>
    %add3A_29 = arith.addf %slice3A_27, %slice3A_28 : vector<2000x4xf32>
    %slice3A_30 = vector.extract_strided_slice %get3A_1 {offsets = [0, 68], sizes = [2000, 1], strides = [1, 1]} : vector<2000x80xf32> to vector<2000x1xf32>
    %slice3A_31 = vector.extract_strided_slice %get3A_4 {offsets = [0, 68], sizes = [2000, 1], strides = [1, 1]} : vector<2000x80xf32> to vector<2000x1xf32>
    %add3A_32 = arith.addf %slice3A_30, %slice3A_31 : vector<2000x1xf32>
    %slice3A_33 = vector.extract_strided_slice %get3A_1 {offsets = [0, 69], sizes = [2000, 1], strides = [1, 1]} : vector<2000x80xf32> to vector<2000x1xf32>
    %slice3A_34 = vector.extract_strided_slice %get3A_4 {offsets = [0, 69], sizes = [2000, 1], strides = [1, 1]} : vector<2000x80xf32> to vector<2000x1xf32>
    %add3A_35 = arith.addf %slice3A_33, %slice3A_34 : vector<2000x1xf32>
    %max3A = arith.constant 1.000000e+00 : f32
    %max3A_36 = vector.broadcast %max3A : f32 to vector<2000x1xf32>
    %max3A_37 = arith.maximumf %add3A_32, %max3A_36 : vector<2000x1xf32>
    %div3A = arith.divf %add3A_35, %max3A_37 : vector<2000x1xf32>
    %slice3A_38 = vector.extract_strided_slice %get3A_7 {offsets = [0, 64], sizes = [2000, 4], strides = [1, 1]} : vector<2000x80xf32> to vector<2000x4xf32>
    %slice3A_39 = vector.extract_strided_slice %get3A_10 {offsets = [0, 0], sizes = [2000, 4], strides = [1, 1]} : vector<2000x16xf32> to vector<2000x4xf32>
    %add3A_40 = arith.addf %slice3A_38, %slice3A_39 : vector<2000x4xf32>
    %mul3A = vector.broadcast %div3A : vector<2000x1xf32> to vector<2000x4xf32>
    %mul3A_41 = vector.broadcast %get3A_13 : vector<1x4xf32> to vector<2000x4xf32>
    %mul3A_42 = arith.mulf %mul3A, %mul3A_41 : vector<2000x4xf32>
    %add3A_43 = arith.addf %add3A_40, %mul3A_42 : vector<2000x4xf32>
    %gt3A = arith.constant 0.000000e+00 : f32
    %gt3A_44 = vector.broadcast %gt3A : f32 to vector<2000x4xf32>
    %gt3A_45 = arith.cmpf ogt, %add3A_43, %gt3A_44 : vector<2000x4xf32>
    %mul3A_46 = arith.constant 2.000000e-01 : f32
    %mul3A_47 = vector.broadcast %mul3A_46 : f32 to vector<2000x4xf32>
    %mul3A_48 = arith.mulf %mul3A_47, %add3A_43 : vector<2000x4xf32>
    %select_n3A = arith.select %gt3A_45, %add3A_43, %mul3A_48 : vector<2000x4xi1>, vector<2000x4xf32>
    %exp3A = math.exp %select_n3A : vector<2000x4xf32>
    %add3A_49 = arith.addf %add3A_29, %exp3A : vector<2000x4xf32>
    %dot_general3A = arith.constant dense<0.000000e+00> : vector<2000x64xf32>
    %dot_general3A_50 = tpu.matmul %add3A_49, %get3A_16, %dot_general3A {dimension_numbers = #tpu.dot_dimension_numbers<[1], [0], [0], [1], [0, 0, 1, 1], [], []>, precision = #tpu.contract_precision<fp32>, transpose_lhs_hint = false} : vector<2000x4xf32>, vector<4x64xf32>, vector<2000x64xf32> -> vector<2000x64xf32>
    %slice3A_51 = vector.extract_strided_slice %get3A_7 {offsets = [0, 0], sizes = [2000, 64], strides = [1, 1]} : vector<2000x80xf32> to vector<2000x64xf32>
    %dot_general3A_52 = arith.constant dense<0.000000e+00> : vector<2000x64xf32>
    %dot_general3A_53 = tpu.matmul %exp3A, %get3A_16, %dot_general3A_52 {dimension_numbers = #tpu.dot_dimension_numbers<[1], [0], [0], [1], [0, 0, 1, 1], [], []>, precision = #tpu.contract_precision<fp32>, transpose_lhs_hint = false} : vector<2000x4xf32>, vector<4x64xf32>, vector<2000x64xf32> -> vector<2000x64xf32>
    %mul3A_54 = arith.mulf %slice3A_51, %dot_general3A_53 : vector<2000x64xf32>
    %add3A_55 = arith.addf %add3A, %mul3A_54 : vector<2000x64xf32>
    %add3A_56 = arith.constant 1.000000e-16 : f32
    %add3A_57 = vector.broadcast %add3A_56 : f32 to vector<2000x64xf32>
    %add3A_58 = arith.addf %dot_general3A_50, %add3A_57 : vector<2000x64xf32>
    %div3A_59 = arith.divf %add3A_55, %add3A_58 : vector<2000x64xf32>
    %broadcast_in_dim3A = vector.shape_cast %get3A_18 : vector<64xf32> to vector<1x64xf32>
    %add3A_60 = vector.broadcast %broadcast_in_dim3A : vector<1x64xf32> to vector<2000x64xf32>
    %add3A_61 = arith.addf %div3A_59, %add3A_60 : vector<2000x64xf32>
    %reduce_sum3A = arith.constant dense<0.000000e+00> : vector<2000xf32>
    %reduce_sum3A_62 = vector.multi_reduction <add>, %add3A_61, %reduce_sum3A [1] : vector<2000x64xf32> to vector<2000xf32>
    %broadcast_in_dim3A_63 = vector.shape_cast %reduce_sum3A_62 : vector<2000xf32> to vector<2000x1xf32>
    %div3A_64 = arith.constant 6.400000e+01 : f32
    %div3A_65 = vector.broadcast %div3A_64 : f32 to vector<2000x1xf32>
    %div3A_66 = arith.divf %broadcast_in_dim3A_63, %div3A_65 : vector<2000x1xf32>
    %sub3A = vector.broadcast %div3A_66 : vector<2000x1xf32> to vector<2000x64xf32>
    %sub3A_67 = arith.subf %add3A_61, %sub3A : vector<2000x64xf32>
    %integer_pow3A = arith.mulf %sub3A_67, %sub3A_67 : vector<2000x64xf32>
    %reduce_sum3A_68 = arith.constant dense<0.000000e+00> : vector<2000xf32>
    %reduce_sum3A_69 = vector.multi_reduction <add>, %integer_pow3A, %reduce_sum3A_68 [1] : vector<2000x64xf32> to vector<2000xf32>
    %broadcast_in_dim3A_70 = vector.shape_cast %reduce_sum3A_69 : vector<2000xf32> to vector<2000x1xf32>
    %div3A_71 = arith.constant 6.400000e+01 : f32
    %div3A_72 = vector.broadcast %div3A_71 : f32 to vector<2000x1xf32>
    %div3A_73 = arith.divf %broadcast_in_dim3A_70, %div3A_72 : vector<2000x1xf32>
    %sub3A_74 = vector.broadcast %div3A_66 : vector<2000x1xf32> to vector<2000x64xf32>
    %sub3A_75 = arith.subf %add3A_61, %sub3A_74 : vector<2000x64xf32>
    %add3A_76 = arith.constant 9.99999974E-6 : f32
    %add3A_77 = vector.broadcast %add3A_76 : f32 to vector<2000x1xf32>
    %add3A_78 = arith.addf %div3A_73, %add3A_77 : vector<2000x1xf32>
    %sqrt3A = math.sqrt %add3A_78 : vector<2000x1xf32>
    %div3A_79 = vector.broadcast %sqrt3A : vector<2000x1xf32> to vector<2000x64xf32>
    %div3A_80 = arith.divf %sub3A_75, %div3A_79 : vector<2000x64xf32>
    %broadcast_in_dim3A_81 = vector.shape_cast %get3A_20 : vector<64xf32> to vector<1x64xf32>
    %mul3A_82 = vector.broadcast %broadcast_in_dim3A_81 : vector<1x64xf32> to vector<2000x64xf32>
    %mul3A_83 = arith.mulf %div3A_80, %mul3A_82 : vector<2000x64xf32>
    %broadcast_in_dim3A_84 = vector.shape_cast %get3A_22 : vector<64xf32> to vector<1x64xf32>
    %add3A_85 = vector.broadcast %broadcast_in_dim3A_84 : vector<1x64xf32> to vector<2000x64xf32>
    %add3A_86 = arith.addf %mul3A_83, %add3A_85 : vector<2000x64xf32>
    %add3A_87 = arith.addf %add3A_86, %get3A_25 : vector<2000x64xf32>
    %max3A_88 = arith.constant 0.000000e+00 : f32
    %max3A_89 = vector.broadcast %max3A_88 : f32 to vector<2000x64xf32>
    %max3A_90 = arith.maximumf %add3A_87, %max3A_89 : vector<2000x64xf32>
    %swap3A = arith.constant 0 : index
    %swap3A_91 = arith.constant 0 : index
    %swap3A_92 = vector.load %arg14[%swap3A, %swap3A_91] : memref<2000x64xf32, #tpu.memory_space<vmem>>, vector<2000x64xf32>
    tpu.vector_store %arg14[%swap3A, %swap3A_91], %max3A_90 {strides = array<i32>} : memref<2000x64xf32, #tpu.memory_space<vmem>>, vector<2000x64xf32>,
    %get3A_93 = arith.constant 0 : index
    %get3A_94 = arith.constant 0 : index
    %get3A_95 = vector.load %arg11[%get3A_93, %get3A_94] : memref<64x64xf32, #tpu.memory_space<vmem>>, vector<64x64xf32>
    %dot_general3A_96 = arith.constant dense<0.000000e+00> : vector<2000x64xf32>
    %dot_general3A_97 = tpu.matmul %max3A_90, %get3A_95, %dot_general3A_96 {dimension_numbers = #tpu.dot_dimension_numbers<[1], [0], [0], [1], [0, 0, 1, 1], [], []>, precision = #tpu.contract_precision<fp32>, transpose_lhs_hint = false} : vector<2000x64xf32>, vector<64x64xf32>, vector<2000x64xf32> -> vector<2000x64xf32>
    %get3A_98 = arith.constant 0 : index
    %get3A_99 = arith.constant 0 : index
    %get3A_100 = vector.load %arg12[%get3A_98, %get3A_99] : memref<64x80xf32, #tpu.memory_space<vmem>>, vector<64x80xf32>
    %dot_general3A_101 = arith.constant dense<0.000000e+00> : vector<2000x80xf32>
    %dot_general3A_102 = tpu.matmul %dot_general3A_97, %get3A_100, %dot_general3A_101 {dimension_numbers = #tpu.dot_dimension_numbers<[1], [0], [0], [1], [0, 0, 1, 1], [], []>, precision = #tpu.contract_precision<fp32>, transpose_lhs_hint = false} : vector<2000x64xf32>, vector<64x80xf32>, vector<2000x80xf32> -> vector<2000x80xf32>
    %swap3A_103 = arith.constant 0 : index
    %swap3A_104 = arith.constant 0 : index
    %swap3A_105 = vector.load %arg15[%swap3A_103, %swap3A_104] : memref<2000x80xf32, #tpu.memory_space<vmem>>, vector<2000x80xf32>
    tpu.vector_store %arg15[%swap3A_103, %swap3A_104], %dot_general3A_102 {strides = array<i32>} : memref<2000x80xf32, #tpu.memory_space<vmem>>, vector<2000x80xf32>,
    %get3A_106 = arith.constant 0 : index
    %get3A_107 = arith.constant 0 : index
    %get3A_108 = vector.load %arg13[%get3A_106, %get3A_107] : memref<64x16xf32, #tpu.memory_space<vmem>>, vector<64x16xf32>
    %dot_general3A_109 = arith.constant dense<0.000000e+00> : vector<2000x16xf32>
    %dot_general3A_110 = tpu.matmul %dot_general3A_97, %get3A_108, %dot_general3A_109 {dimension_numbers = #tpu.dot_dimension_numbers<[1], [0], [0], [1], [0, 0, 1, 1], [], []>, precision = #tpu.contract_precision<fp32>, transpose_lhs_hint = false} : vector<2000x64xf32>, vector<64x16xf32>, vector<2000x16xf32> -> vector<2000x16xf32>
    %swap3A_111 = arith.constant 0 : index
    %swap3A_112 = arith.constant 0 : index
    %swap3A_113 = vector.load %arg16[%swap3A_111, %swap3A_112] : memref<2000x16xf32, #tpu.memory_space<vmem>>, vector<2000x16xf32>
    tpu.vector_store %arg16[%swap3A_111, %swap3A_112], %dot_general3A_110 {strides = array<i32>} : memref<2000x16xf32, #tpu.memory_space<vmem>>, vector<2000x16xf32>,
    return
  }
  func.func @transform_0(%arg0: i32) -> (i32, i32) {
    %c0_i32 = arith.constant 0 : i32
    %c0_i32_0 = arith.constant 0 : i32
    return %arg0, %c0_i32 : i32, i32
  }
  func.func @transform_1(%arg0: i32) -> (i32, i32) {
    %c0_i32 = arith.constant 0 : i32
    %c0_i32_0 = arith.constant 0 : i32
    return %arg0, %c0_i32 : i32, i32
  }
  func.func @transform_2(%arg0: i32) -> (i32, i32) {
    %c0_i32 = arith.constant 0 : i32
    %c0_i32_0 = arith.constant 0 : i32
    return %arg0, %c0_i32 : i32, i32
  }
  func.func @transform_3(%arg0: i32) -> (i32, i32) {
    %c0_i32 = arith.constant 0 : i32
    %c0_i32_0 = arith.constant 0 : i32
    return %arg0, %c0_i32 : i32, i32
  }
  func.func @transform_4(%arg0: i32) -> (i32, i32) {
    %c0_i32 = arith.constant 0 : i32
    %c0_i32_0 = arith.constant 0 : i32
    %c0_i32_1 = arith.constant 0 : i32
    return %c0_i32, %c0_i32_0 : i32, i32
  }
  func.func @transform_5(%arg0: i32) -> (i32, i32) {
    %c0_i32 = arith.constant 0 : i32
    %c0_i32_0 = arith.constant 0 : i32
    %c0_i32_1 = arith.constant 0 : i32
    return %c0_i32, %c0_i32_0 : i32, i32
  }
  func.func @transform_6(%arg0: i32) -> i32 {
    %c0_i32 = arith.constant 0 : i32
    %c0_i32_0 = arith.constant 0 : i32
    return %c0_i32 : i32
  }
  func.func @transform_7(%arg0: i32) -> i32 {
    %c0_i32 = arith.constant 0 : i32
    %c0_i32_0 = arith.constant 0 : i32
    return %c0_i32 : i32
  }
  func.func @transform_8(%arg0: i32) -> i32 {
    %c0_i32 = arith.constant 0 : i32
    %c0_i32_0 = arith.constant 0 : i32
    return %c0_i32 : i32
  }
  func.func @transform_9(%arg0: i32) -> (i32, i32) {
    %c0_i32 = arith.constant 0 : i32
    %c0_i32_0 = arith.constant 0 : i32
    return %arg0, %c0_i32 : i32, i32
  }
  func.func @transform_10(%arg0: i32) -> (i32, i32) {
    %c0_i32 = arith.constant 0 : i32
    %c0_i32_0 = arith.constant 0 : i32
    %c0_i32_1 = arith.constant 0 : i32
    return %c0_i32, %c0_i32_0 : i32, i32
  }
  func.func @transform_11(%arg0: i32) -> (i32, i32) {
    %c0_i32 = arith.constant 0 : i32
    %c0_i32_0 = arith.constant 0 : i32
    %c0_i32_1 = arith.constant 0 : i32
    return %c0_i32, %c0_i32_0 : i32, i32
  }
  func.func @transform_12(%arg0: i32) -> (i32, i32) {
    %c0_i32 = arith.constant 0 : i32
    %c0_i32_0 = arith.constant 0 : i32
    %c0_i32_1 = arith.constant 0 : i32
    return %c0_i32, %c0_i32_0 : i32, i32
  }
  func.func @transform_13(%arg0: i32) -> (i32, i32) {
    %c0_i32 = arith.constant 0 : i32
    %c0_i32_0 = arith.constant 0 : i32
    return %arg0, %c0_i32 : i32, i32
  }
  func.func @transform_14(%arg0: i32) -> (i32, i32) {
    %c0_i32 = arith.constant 0 : i32
    %c0_i32_0 = arith.constant 0 : i32
    return %arg0, %c0_i32 : i32, i32
  }
  func.func @transform_15(%arg0: i32) -> (i32, i32) {
    %c0_i32 = arith.constant 0 : i32
    %c0_i32_0 = arith.constant 0 : i32
    return %arg0, %c0_i32 : i32, i32
  }
}

module attributes {stable_mosaic.version = 14 : i64} {
  func.func @_combine1_body(%arg0: i32, %arg1: memref<2000x80xf32, #tpu.memory_space<vmem>>, %arg2: memref<2000x80xf32, #tpu.memory_space<vmem>>, %arg3: memref<2000x80xf32, #tpu.memory_space<vmem>>, %arg4: memref<2000x16xf32, #tpu.memory_space<vmem>>, %arg5: memref<1x4xf32, #tpu.memory_space<vmem>>, %arg6: memref<4x64xf32, #tpu.memory_space<vmem>>, %arg7: memref<64xf32, #tpu.memory_space<vmem>>, %arg8: memref<64xf32, #tpu.memory_space<vmem>>, %arg9: memref<64xf32, #tpu.memory_space<vmem>>, %arg10: memref<2000x64xf32, #tpu.memory_space<vmem>>, %arg11: memref<64x128xf32, #tpu.memory_space<vmem>>, %arg12: memref<128xf32, #tpu.memory_space<vmem>>, %arg13: memref<2000x128xf32, #tpu.memory_space<vmem>>) attributes {dimension_semantics = [#tpu.dimension_semantics<arbitrary>], iteration_bounds = array<i64: 10>, scalar_prefetch = 0 : i64, scratch_operands = 0 : i64, tpu.core_type = #tpu.core_type<tc>, window_params = [{transform_indices = @transform_0, window_bounds = array<i64: 2000, 80>}, {transform_indices = @transform_1, window_bounds = array<i64: 2000, 80>}, {transform_indices = @transform_2, window_bounds = array<i64: 2000, 80>}, {transform_indices = @transform_3, window_bounds = array<i64: 2000, 16>}, {pipeline_mode = #tpu.pipeline_mode<synchronous>, transform_indices = @transform_4, window_bounds = array<i64: 1, 4>}, {pipeline_mode = #tpu.pipeline_mode<synchronous>, transform_indices = @transform_5, window_bounds = array<i64: 4, 64>}, {pipeline_mode = #tpu.pipeline_mode<synchronous>, transform_indices = @transform_6, window_bounds = array<i64: 64>}, {pipeline_mode = #tpu.pipeline_mode<synchronous>, transform_indices = @transform_7, window_bounds = array<i64: 64>}, {pipeline_mode = #tpu.pipeline_mode<synchronous>, transform_indices = @transform_8, window_bounds = array<i64: 64>}, {transform_indices = @transform_9, window_bounds = array<i64: 2000, 64>}, {pipeline_mode = #tpu.pipeline_mode<synchronous>, transform_indices = @transform_10, window_bounds = array<i64: 64, 128>}, {pipeline_mode = #tpu.pipeline_mode<synchronous>, transform_indices = @transform_11, window_bounds = array<i64: 128>}, {transform_indices = @transform_12, window_bounds = array<i64: 2000, 128>}]} {
    %get3A = arith.constant 0 : index
    %get3A_0 = arith.constant 0 : index
    %get3A_1 = vector.load %arg1[%get3A, %get3A_0] : memref<2000x80xf32, #tpu.memory_space<vmem>>, vector<2000x80xf32>
    %get3A_2 = arith.constant 0 : index
    %get3A_3 = arith.constant 0 : index
    %get3A_4 = vector.load %arg2[%get3A_2, %get3A_3] : memref<2000x80xf32, #tpu.memory_space<vmem>>, vector<2000x80xf32>
    %get3A_5 = arith.constant 0 : index
    %get3A_6 = arith.constant 0 : index
    %get3A_7 = vector.load %arg3[%get3A_5, %get3A_6] : memref<2000x80xf32, #tpu.memory_space<vmem>>, vector<2000x80xf32>
    %get3A_8 = arith.constant 0 : index
    %get3A_9 = arith.constant 0 : index
    %get3A_10 = vector.load %arg4[%get3A_8, %get3A_9] : memref<2000x16xf32, #tpu.memory_space<vmem>>, vector<2000x16xf32>
    %get3A_11 = arith.constant 0 : index
    %get3A_12 = arith.constant 0 : index
    %get3A_13 = vector.load %arg5[%get3A_11, %get3A_12] : memref<1x4xf32, #tpu.memory_space<vmem>>, vector<1x4xf32>
    %get3A_14 = arith.constant 0 : index
    %get3A_15 = arith.constant 0 : index
    %get3A_16 = vector.load %arg6[%get3A_14, %get3A_15] : memref<4x64xf32, #tpu.memory_space<vmem>>, vector<4x64xf32>
    %get3A_17 = arith.constant 0 : index
    %get3A_18 = vector.load %arg7[%get3A_17] : memref<64xf32, #tpu.memory_space<vmem>>, vector<64xf32>
    %get3A_19 = arith.constant 0 : index
    %get3A_20 = vector.load %arg8[%get3A_19] : memref<64xf32, #tpu.memory_space<vmem>>, vector<64xf32>
    %get3A_21 = arith.constant 0 : index
    %get3A_22 = vector.load %arg9[%get3A_21] : memref<64xf32, #tpu.memory_space<vmem>>, vector<64xf32>
    %get3A_23 = arith.constant 0 : index
    %get3A_24 = arith.constant 0 : index
    %get3A_25 = vector.load %arg10[%get3A_23, %get3A_24] : memref<2000x64xf32, #tpu.memory_space<vmem>>, vector<2000x64xf32>
    %slice3A = vector.extract_strided_slice %get3A_1 {offsets = [0, 0], sizes = [2000, 64], strides = [1, 1]} : vector<2000x80xf32> to vector<2000x64xf32>
    %slice3A_26 = vector.extract_strided_slice %get3A_4 {offsets = [0, 0], sizes = [2000, 64], strides = [1, 1]} : vector<2000x80xf32> to vector<2000x64xf32>
    %add3A = arith.addf %slice3A, %slice3A_26 : vector<2000x64xf32>
    %slice3A_27 = vector.extract_strided_slice %get3A_1 {offsets = [0, 64], sizes = [2000, 4], strides = [1, 1]} : vector<2000x80xf32> to vector<2000x4xf32>
    %slice3A_28 = vector.extract_strided_slice %get3A_4 {offsets = [0, 64], sizes = [2000, 4], strides = [1, 1]} : vector<2000x80xf32> to vector<2000x4xf32>
    %add3A_29 = arith.addf %slice3A_27, %slice3A_28 : vector<2000x4xf32>
    %slice3A_30 = vector.extract_strided_slice %get3A_1 {offsets = [0, 68], sizes = [2000, 1], strides = [1, 1]} : vector<2000x80xf32> to vector<2000x1xf32>
    %slice3A_31 = vector.extract_strided_slice %get3A_4 {offsets = [0, 68], sizes = [2000, 1], strides = [1, 1]} : vector<2000x80xf32> to vector<2000x1xf32>
    %add3A_32 = arith.addf %slice3A_30, %slice3A_31 : vector<2000x1xf32>
    %slice3A_33 = vector.extract_strided_slice %get3A_1 {offsets = [0, 69], sizes = [2000, 1], strides = [1, 1]} : vector<2000x80xf32> to vector<2000x1xf32>
    %slice3A_34 = vector.extract_strided_slice %get3A_4 {offsets = [0, 69], sizes = [2000, 1], strides = [1, 1]} : vector<2000x80xf32> to vector<2000x1xf32>
    %add3A_35 = arith.addf %slice3A_33, %slice3A_34 : vector<2000x1xf32>
    %max3A = arith.constant 1.000000e+00 : f32
    %max3A_36 = vector.broadcast %max3A : f32 to vector<2000x1xf32>
    %max3A_37 = arith.maximumf %add3A_32, %max3A_36 : vector<2000x1xf32>
    %div3A = arith.divf %add3A_35, %max3A_37 : vector<2000x1xf32>
    %slice3A_38 = vector.extract_strided_slice %get3A_7 {offsets = [0, 64], sizes = [2000, 4], strides = [1, 1]} : vector<2000x80xf32> to vector<2000x4xf32>
    %slice3A_39 = vector.extract_strided_slice %get3A_10 {offsets = [0, 0], sizes = [2000, 4], strides = [1, 1]} : vector<2000x16xf32> to vector<2000x4xf32>
    %add3A_40 = arith.addf %slice3A_38, %slice3A_39 : vector<2000x4xf32>
    %mul3A = vector.broadcast %div3A : vector<2000x1xf32> to vector<2000x4xf32>
    %mul3A_41 = vector.broadcast %get3A_13 : vector<1x4xf32> to vector<2000x4xf32>
    %mul3A_42 = arith.mulf %mul3A, %mul3A_41 : vector<2000x4xf32>
    %add3A_43 = arith.addf %add3A_40, %mul3A_42 : vector<2000x4xf32>
    %gt3A = arith.constant 0.000000e+00 : f32
    %gt3A_44 = vector.broadcast %gt3A : f32 to vector<2000x4xf32>
    %gt3A_45 = arith.cmpf ogt, %add3A_43, %gt3A_44 : vector<2000x4xf32>
    %mul3A_46 = arith.constant 2.000000e-01 : f32
    %mul3A_47 = vector.broadcast %mul3A_46 : f32 to vector<2000x4xf32>
    %mul3A_48 = arith.mulf %mul3A_47, %add3A_43 : vector<2000x4xf32>
    %select_n3A = arith.select %gt3A_45, %add3A_43, %mul3A_48 : vector<2000x4xi1>, vector<2000x4xf32>
    %exp3A = math.exp %select_n3A : vector<2000x4xf32>
    %add3A_49 = arith.addf %add3A_29, %exp3A : vector<2000x4xf32>
    %dot_general3A = arith.constant dense<0.000000e+00> : vector<2000x64xf32>
    %dot_general3A_50 = tpu.matmul %add3A_49, %get3A_16, %dot_general3A {dimension_numbers = #tpu.dot_dimension_numbers<[1], [0], [0], [1], [0, 0, 1, 1], [], []>, precision = #tpu.contract_precision<fp32>, transpose_lhs_hint = false} : vector<2000x4xf32>, vector<4x64xf32>, vector<2000x64xf32> -> vector<2000x64xf32>
    %slice3A_51 = vector.extract_strided_slice %get3A_7 {offsets = [0, 0], sizes = [2000, 64], strides = [1, 1]} : vector<2000x80xf32> to vector<2000x64xf32>
    %dot_general3A_52 = arith.constant dense<0.000000e+00> : vector<2000x64xf32>
    %dot_general3A_53 = tpu.matmul %exp3A, %get3A_16, %dot_general3A_52 {dimension_numbers = #tpu.dot_dimension_numbers<[1], [0], [0], [1], [0, 0, 1, 1], [], []>, precision = #tpu.contract_precision<fp32>, transpose_lhs_hint = false} : vector<2000x4xf32>, vector<4x64xf32>, vector<2000x64xf32> -> vector<2000x64xf32>
    %mul3A_54 = arith.mulf %slice3A_51, %dot_general3A_53 : vector<2000x64xf32>
    %add3A_55 = arith.addf %add3A, %mul3A_54 : vector<2000x64xf32>
    %add3A_56 = arith.constant 1.000000e-16 : f32
    %add3A_57 = vector.broadcast %add3A_56 : f32 to vector<2000x64xf32>
    %add3A_58 = arith.addf %dot_general3A_50, %add3A_57 : vector<2000x64xf32>
    %div3A_59 = arith.divf %add3A_55, %add3A_58 : vector<2000x64xf32>
    %broadcast_in_dim3A = vector.shape_cast %get3A_18 : vector<64xf32> to vector<1x64xf32>
    %add3A_60 = vector.broadcast %broadcast_in_dim3A : vector<1x64xf32> to vector<2000x64xf32>
    %add3A_61 = arith.addf %div3A_59, %add3A_60 : vector<2000x64xf32>
    %reduce_sum3A = arith.constant dense<0.000000e+00> : vector<2000xf32>
    %reduce_sum3A_62 = vector.multi_reduction <add>, %add3A_61, %reduce_sum3A [1] : vector<2000x64xf32> to vector<2000xf32>
    %broadcast_in_dim3A_63 = vector.shape_cast %reduce_sum3A_62 : vector<2000xf32> to vector<2000x1xf32>
    %div3A_64 = arith.constant 6.400000e+01 : f32
    %div3A_65 = vector.broadcast %div3A_64 : f32 to vector<2000x1xf32>
    %div3A_66 = arith.divf %broadcast_in_dim3A_63, %div3A_65 : vector<2000x1xf32>
    %sub3A = vector.broadcast %div3A_66 : vector<2000x1xf32> to vector<2000x64xf32>
    %sub3A_67 = arith.subf %add3A_61, %sub3A : vector<2000x64xf32>
    %integer_pow3A = arith.mulf %sub3A_67, %sub3A_67 : vector<2000x64xf32>
    %reduce_sum3A_68 = arith.constant dense<0.000000e+00> : vector<2000xf32>
    %reduce_sum3A_69 = vector.multi_reduction <add>, %integer_pow3A, %reduce_sum3A_68 [1] : vector<2000x64xf32> to vector<2000xf32>
    %broadcast_in_dim3A_70 = vector.shape_cast %reduce_sum3A_69 : vector<2000xf32> to vector<2000x1xf32>
    %div3A_71 = arith.constant 6.400000e+01 : f32
    %div3A_72 = vector.broadcast %div3A_71 : f32 to vector<2000x1xf32>
    %div3A_73 = arith.divf %broadcast_in_dim3A_70, %div3A_72 : vector<2000x1xf32>
    %sub3A_74 = vector.broadcast %div3A_66 : vector<2000x1xf32> to vector<2000x64xf32>
    %sub3A_75 = arith.subf %add3A_61, %sub3A_74 : vector<2000x64xf32>
    %add3A_76 = arith.constant 9.99999974E-6 : f32
    %add3A_77 = vector.broadcast %add3A_76 : f32 to vector<2000x1xf32>
    %add3A_78 = arith.addf %div3A_73, %add3A_77 : vector<2000x1xf32>
    %sqrt3A = math.sqrt %add3A_78 : vector<2000x1xf32>
    %div3A_79 = vector.broadcast %sqrt3A : vector<2000x1xf32> to vector<2000x64xf32>
    %div3A_80 = arith.divf %sub3A_75, %div3A_79 : vector<2000x64xf32>
    %broadcast_in_dim3A_81 = vector.shape_cast %get3A_20 : vector<64xf32> to vector<1x64xf32>
    %mul3A_82 = vector.broadcast %broadcast_in_dim3A_81 : vector<1x64xf32> to vector<2000x64xf32>
    %mul3A_83 = arith.mulf %div3A_80, %mul3A_82 : vector<2000x64xf32>
    %broadcast_in_dim3A_84 = vector.shape_cast %get3A_22 : vector<64xf32> to vector<1x64xf32>
    %add3A_85 = vector.broadcast %broadcast_in_dim3A_84 : vector<1x64xf32> to vector<2000x64xf32>
    %add3A_86 = arith.addf %mul3A_83, %add3A_85 : vector<2000x64xf32>
    %add3A_87 = arith.addf %add3A_86, %get3A_25 : vector<2000x64xf32>
    %max3A_88 = arith.constant 0.000000e+00 : f32
    %max3A_89 = vector.broadcast %max3A_88 : f32 to vector<2000x64xf32>
    %max3A_90 = arith.maximumf %add3A_87, %max3A_89 : vector<2000x64xf32>
    %get3A_91 = arith.constant 0 : index
    %get3A_92 = arith.constant 0 : index
    %get3A_93 = vector.load %arg11[%get3A_91, %get3A_92] : memref<64x128xf32, #tpu.memory_space<vmem>>, vector<64x128xf32>
    %dot_general3A_94 = arith.constant dense<0.000000e+00> : vector<2000x128xf32>
    %dot_general3A_95 = tpu.matmul %max3A_90, %get3A_93, %dot_general3A_94 {dimension_numbers = #tpu.dot_dimension_numbers<[1], [0], [0], [1], [0, 0, 1, 1], [], []>, precision = #tpu.contract_precision<fp32>, transpose_lhs_hint = false} : vector<2000x64xf32>, vector<64x128xf32>, vector<2000x128xf32> -> vector<2000x128xf32>
    %get3A_96 = arith.constant 0 : index
    %get3A_97 = vector.load %arg12[%get3A_96] : memref<128xf32, #tpu.memory_space<vmem>>, vector<128xf32>
    %broadcast_in_dim3A_98 = vector.shape_cast %get3A_97 : vector<128xf32> to vector<1x128xf32>
    %add3A_99 = vector.broadcast %broadcast_in_dim3A_98 : vector<1x128xf32> to vector<2000x128xf32>
    %add3A_100 = arith.addf %dot_general3A_95, %add3A_99 : vector<2000x128xf32>
    %swap3A = arith.constant 0 : index
    %swap3A_101 = arith.constant 0 : index
    %swap3A_102 = vector.load %arg13[%swap3A, %swap3A_101] : memref<2000x128xf32, #tpu.memory_space<vmem>>, vector<2000x128xf32>
    tpu.vector_store %arg13[%swap3A, %swap3A_101], %add3A_100 {strides = array<i32>} : memref<2000x128xf32, #tpu.memory_space<vmem>>, vector<2000x128xf32>,
    return
  }
  func.func @transform_0(%arg0: i32) -> (i32, i32) {
    %c0_i32 = arith.constant 0 : i32
    %c0_i32_0 = arith.constant 0 : i32
    return %arg0, %c0_i32 : i32, i32
  }
  func.func @transform_1(%arg0: i32) -> (i32, i32) {
    %c0_i32 = arith.constant 0 : i32
    %c0_i32_0 = arith.constant 0 : i32
    return %arg0, %c0_i32 : i32, i32
  }
  func.func @transform_2(%arg0: i32) -> (i32, i32) {
    %c0_i32 = arith.constant 0 : i32
    %c0_i32_0 = arith.constant 0 : i32
    return %arg0, %c0_i32 : i32, i32
  }
  func.func @transform_3(%arg0: i32) -> (i32, i32) {
    %c0_i32 = arith.constant 0 : i32
    %c0_i32_0 = arith.constant 0 : i32
    return %arg0, %c0_i32 : i32, i32
  }
  func.func @transform_4(%arg0: i32) -> (i32, i32) {
    %c0_i32 = arith.constant 0 : i32
    %c0_i32_0 = arith.constant 0 : i32
    %c0_i32_1 = arith.constant 0 : i32
    return %c0_i32, %c0_i32_0 : i32, i32
  }
  func.func @transform_5(%arg0: i32) -> (i32, i32) {
    %c0_i32 = arith.constant 0 : i32
    %c0_i32_0 = arith.constant 0 : i32
    %c0_i32_1 = arith.constant 0 : i32
    return %c0_i32, %c0_i32_0 : i32, i32
  }
  func.func @transform_6(%arg0: i32) -> i32 {
    %c0_i32 = arith.constant 0 : i32
    %c0_i32_0 = arith.constant 0 : i32
    return %c0_i32 : i32
  }
  func.func @transform_7(%arg0: i32) -> i32 {
    %c0_i32 = arith.constant 0 : i32
    %c0_i32_0 = arith.constant 0 : i32
    return %c0_i32 : i32
  }
  func.func @transform_8(%arg0: i32) -> i32 {
    %c0_i32 = arith.constant 0 : i32
    %c0_i32_0 = arith.constant 0 : i32
    return %c0_i32 : i32
  }
  func.func @transform_9(%arg0: i32) -> (i32, i32) {
    %c0_i32 = arith.constant 0 : i32
    %c0_i32_0 = arith.constant 0 : i32
    return %arg0, %c0_i32 : i32, i32
  }
  func.func @transform_10(%arg0: i32) -> (i32, i32) {
    %c0_i32 = arith.constant 0 : i32
    %c0_i32_0 = arith.constant 0 : i32
    %c0_i32_1 = arith.constant 0 : i32
    return %c0_i32, %c0_i32_0 : i32, i32
  }
  func.func @transform_11(%arg0: i32) -> i32 {
    %c0_i32 = arith.constant 0 : i32
    %c0_i32_0 = arith.constant 0 : i32
    return %c0_i32 : i32
  }
  func.func @transform_12(%arg0: i32) -> (i32, i32) {
    %c0_i32 = arith.constant 0 : i32
    %c0_i32_0 = arith.constant 0 : i32
    return %arg0, %c0_i32 : i32, i32
  }
}

</mosaic_0001>

<sc_bundles>
// kernel: kernel.10.cloned.1.call-start
scs
__scs_entry_jumppad:
0x0: {  	(pc) =	sbr.rel $0x88, $3  }
0x1: {  	(tag) =	ssettag $0x0;
	lr =	simm.s32 $0x1  }
0x2: {  	[smem:$0x3F8A] =	sst lr;
	_ =	strace $0xD0000000  }
0x3: {  	_ = 	snop  }
0x4: {  	_ = 	snop  }
0x5: {  	_ = 	snop  }
0x6: {  	_ = 	snop  }
0x7: {  	_ = 	snop  }
__scs_overlays_trampoline_lowered:
0x8: {  	[smem:$0x3F99] =	sst s0  }
0x9: {  	[smem:$0x3F9A] =	sst s1  }
0xa: {  	[smem:$0x3F9B] =	sst s2  }
0xb: {  	[smem:$0x3F9C] =	sst s3  }
0xc: {  	[smem:$0x3F9D] =	sst s4  }
0xd: {  	[smem:$0x3F9E] =	sst s5  }
0xe: {  	[smem:$0x3F9F] =	sst s6  }
0xf: {  	[smem:$0x3FA0] =	sst s7  }
0x10: {  	[smem:$0x3FA1] =	sst s8  }
0x11: {  	[smem:$0x3FA2] =	sst s9;
	s0 =	simm.s32 @!p0 $0x0  }
0x12: {  	s1 =	sld [smem:$0x3F88];
	s0 =	simm.s32 @p0 $0x1  }
0x13: {  	[smem:$0x3FA3] =	sst s0;
	s0 =	simm.s32 @!p1 $0x0  }
0x14: {  	s2 =	sld [smem:$0x3F87];
	s0 =	simm.s32 @p1 $0x1  }
0x15: {  	[smem:$0x3FA4] =	sst s0;
	s0 =	simm.s32 @!p2 $0x0  }
0x16: {  	s3 =	sld [smem:$0x3FDB];
	s0 =	simm.s32 @p2 $0x1  }
0x17: {  	s4 =	simm.s32 $0x1BF5;
	[smem:$0x3FA6] =	sst s0  }
0x18: {  	s0 =	sld [smem:$0x3F89];
	_ =	swait.ge [sflag:s4], $0x0  }
0x19: {  	s7 =	sld [smem:$0x3F8A]  }
0x1a: {  	s8 =	sadd.s32 $0xFFFFE003, lr  }
0x1b: {  	s9 =	sadd.s32 $0xFFFFFEF7, lr;
	s5 =	simm.s32 $0xFFFFFFFF;
	p2 =	slt.u32 s8, $0xFFFFF086  }
0x1c: {  	p1 =	slt.u32 s9, $0xF7A;
	s5 =	simm.s32 @!p2 $0x0  }
0x1d: {  	s5 =	simm.s32 @p1 $0x1;
	p0 =	seq.s32 s7, s2  }
0x1e: {  	s7 =	smul.u32 @!p0 $0xF7A, s2;
	p2 =	seq.s32 @!p0 s5, $0x0  }
0x1f: {  	s9 =	smul.u32 $0xF7A, s1;
	s8 =	simm.s32 @!p0 $0x1BF5;
	p2 =	por !p2, p0  }
0x20: {  	[sflag:s8] =	ssyncset.s32 @!p0 $0xFFFFF086;
	s6 =	sadd.s32 @!p0 s3, s7;
	s7 =	simm.s32 @!p0 $0x108  }
0x21: {  	s3 =	sadd.s32 s3, s9;
	s6 =	sadd.s32 @!p0 $0x88, s6;
	s7 =	simm.s32 @p2 $0x1082  }
0x22: {  	[simem:s7], [sflag:s8] =	dma.local @!p0 [hbm:s6], $0xF7A  }
0x23: {  	s9 =	sor.u32 $0xD0000000, s2;
	s6 =	simm.s32 $0x108;
	_ =	swait.ge @!p0 [sflag:s8], $0x0  }
0x24: {  	s3 =	sadd.s32 $0x88, s3;
	s6 =	simm.s32 @!p1 $0x1082;
	[sflag:s4] =	ssyncset.s32 $0xFFFFF086  }
0x25: {  	[simem:s6], [sflag:s4] =	dma.local [hbm:s3], $0xF7A  }
0x26: {  	[smem:$0x3F8A] =	sst s1;
	(tag) =	ssettag s2;
	_ =	strace s9  }
0x27: {  	s1 =	sld [smem:$0x3F9A]  }
0x28: {  	s2 =	sld [smem:$0x3F9B]  }
0x29: {  	s4 =	sld [smem:$0x3F9D]  }
0x2a: {  	p0 =	seq.s32 s5, $0x0;
	s5 =	sld [smem:$0x3F9E]  }
0x2b: {  	s6 =	sld [smem:$0x3F9F]  }
0x2c: {  	s7 =	sld [smem:$0x3FA0]  }
0x2d: {  	s3 =	simm.s32 $0x108;
	s8 =	sld [smem:$0x3FA1]  }
0x2e: {  	s3 =	simm.s32 @!p0 $0x1082;
	s9 =	sld [smem:$0x3FA2]  }
0x2f: {  	lr =	sadd.s32 s0, s3;
	s0 =	sld [smem:$0x3F99]  }
0x30: {  	s3 =	sld [smem:$0x3F9C]  }
0x31: {  	[smem:$0x3FA5] =	sst s10  }
0x32: {  	s10 =	sld [smem:$0x3FA3];
	_ =	sdelay $0x3  }
0x33: {  	p0 =	seq.s32 s10, $0x1;
	s10 =	sld [smem:$0x3FA5];
	_ =	sdelay $0x3  }
0x34: {  	[smem:$0x3FA5] =	sst s10  }
0x35: {  	s10 =	sld [smem:$0x3FA4];
	_ =	sdelay $0x3  }
0x36: {  	p1 =	seq.s32 s10, $0x1;
	s10 =	sld [smem:$0x3FA5];
	_ =	sdelay $0x3  }
0x37: {  	[smem:$0x3FA5] =	sst s10  }
0x38: {  	s10 =	sld [smem:$0x3FA6]  }
0x39: {  	_ = 	snop;
	(pc) =	sbr.ind lr, $3  }
0x3a: {  	_ = 	snop  }
0x3b: {  	_ = 	snop  }
0x3c: {  	p2 =	seq.s32 s10, $0x1;
	s10 =	sld [smem:$0x3FA5]  }
0x3d: {  	_ =	shalt  }
0x3e: {  	_ =	shalt  }
0x3f: {  	_ =	shalt  }
0x40: {  	_ =	shalt  }
0x41: {  	_ =	shalt  }
0x42: {  	_ =	shalt  }
0x43: {  	_ =	shalt  }
0x44: {  	_ =	shalt  }
0x45: {  	_ =	shalt  }
0x46: {  	_ =	shalt  }
0x47: {  	_ =	shalt  }
0x48: {  	_ =	shalt  }
0x49: {  	_ =	shalt  }
0x4a: {  	_ =	shalt  }
0x4b: {  	_ =	shalt  }
0x4c: {  	_ =	shalt  }
0x4d: {  	_ =	shalt  }
0x4e: {  	_ =	shalt  }
0x4f: {  	_ =	shalt  }
0x50: {  	_ =	shalt  }
0x51: {  	_ =	shalt  }
0x52: {  	_ =	shalt  }
0x53: {  	_ =	shalt  }
0x54: {  	_ =	shalt  }
0x55: {  	_ =	shalt  }
0x56: {  	_ =	shalt  }
0x57: {  	_ =	shalt  }
0x58: {  	_ =	shalt  }
0x59: {  	_ =	shalt  }
0x5a: {  	_ =	shalt  }
0x5b: {  	_ =	shalt  }
0x5c: {  	_ =	shalt  }
0x5d: {  	_ =	shalt  }
0x5e: {  	_ =	shalt  }
0x5f: {  	_ =	shalt  }
0x60: {  	_ =	shalt  }
0x61: {  	_ =	shalt  }
0x62: {  	_ =	shalt  }
0x63: {  	_ =	shalt  }
0x64: {  	_ =	shalt  }
0x65: {  	_ =	shalt  }
0x66: {  	_ =	shalt  }
0x67: {  	_ =	shalt  }
0x68: {  	_ =	shalt  }
0x69: {  	_ =	shalt  }
0x6a: {  	_ =	shalt  }
0x6b: {  	_ =	shalt  }
0x6c: {  	_ =	shalt  }
0x6d: {  	_ =	shalt  }
0x6e: {  	_ =	shalt  }
0x6f: {  	_ =	shalt  }
0x70: {  	_ =	shalt  }
0x71: {  	_ =	shalt  }
0x72: {  	_ =	shalt  }
0x73: {  	_ =	shalt  }
0x74: {  	_ =	shalt  }
0x75: {  	_ =	shalt  }
0x76: {  	_ =	shalt  }
0x77: {  	_ =	shalt  }
0x78: {  	_ =	shalt  }
0x79: {  	_ =	shalt  }
0x7a: {  	_ =	shalt  }
0x7b: {  	_ =	shalt  }
0x7c: {  	_ =	shalt  }
0x7d: {  	_ =	shalt  }
0x7e: {  	_ =	shalt  }
0x7f: {  	_ =	shalt  }
0x80: {  	_ =	shalt  }
0x81: {  	_ =	shalt  }
0x82: {  	_ =	shalt  }
0x83: {  	_ =	shalt  }
0x84: {  	_ =	shalt  }
0x85: {  	_ =	shalt  }
0x86: {  	_ =	shalt  }
0x87: {  	_ =	shalt  }
.Lfunc_end0:
.L_simem_size_0:
called_computation.1_lowered:
.L_overlay_start_0:
0x88: {  	s2 =	sld [smem:$0x3FD9]  }
0x89: {  	s3 =	sld [smem:$0x3FFE];
	_ =	sdelay $0x1  }
0x8a: {  	s1 =	srdreg.scid  }
0x8b: {  	s0 =	sand.u32 $0x1, s1  }
0x8c: {  	s17 =	sshll.u32 s0, $0xA;
	s2 =	sadd.s32 s3, s2  }
0x8d: {  	s2 =	sadd.s32 s2, s17  }
0x8e: {  	[smem:$0x3FB1] =	sst s2  }
0x8f: {  	_ = 	snop  }
0x90: {  	s2 =	sld [smem:$0x3FD0];
	(tm) =	ssettm $0x1  }
0x91: {  	s18 =	sld [smem:$0x3FFB];
	_ =	sdelay $0x3  }
0x92: {  	_ =	strace s18  }
0x93: {  	s3 =	sld [smem:$0x3FFC];
	_ =	sdelay $0x3  }
0x94: {  	_ =	strace s3  }
0x95: {  	s3 =	sld [smem:$0x3FFD];
	_ =	sdelay $0x3  }
0x96: {  	_ =	strace s3  }
0x97: {  	_ =	strace $0x8FFFFFFF  }
0x98: {  	s19 =	sld [smem:$0x3FDB];
	_ =	sdelay $0x1  }
0x99: {  	s4 =	simm.s32 $_scs_section_size  }
0x9a: {  	s5 =	simm.s32 $_size__tile_overlayer_lowered;
	s6 =	simm.s32 $_tile_overlayer_lowered  }
0x9b: {  	s22 =	simm.s32 $0x1BFF;
	s21 =	sshll.u32 s6, $0x1;
	s3 =	sadd.s32 s4, s19  }
0x9c: {  	s7 =	simm.s32 $0x0;
	s20 =	sshll.u32 s5, $0x1;
	s5 =	sadd.s32 s21, s3  }
0x9d: {  	[timem:s7], [sflag:s22] =	dma.local [hbm:s5], s20  }
0x9e: {  	_ =	swait.ge [sflag:s22], s20  }
0x9f: {  	s4 =	ssub.s32 $0x0, s20;
	[sflag:s22] =	ssyncset.done $0x0  }
0xa0: {  	[sflag:s22] =	ssyncadd.s32 s4;
	_ =	sdelay $0x1  }
0xa1: {  	s23 =	simm.s32 $0x1B8B  }
0xa2: {  	_ =	swait.ge [sflag:s23], $0x1  }
0xa3: {  	[sflag:s23] =	ssyncset.done $0x0  }
0xa4: {  	s25 =	simm.s32 $0x1B8E;
	s24 =	sld [smem:$0x3FFE];
	[sflag:s23] =	ssyncadd.s32 $0xFFFFFFFF  }
0xa5: {  	s26 =	simm.s32 $execute0_lowered;
	[smem:$0x3FD2] =	sst s25  }
0xa6: {  	s5 =	sshll.u32 s26, $0x1;
	_ =	strace $0x80000049;
	[dreg:$0x1] =	wrdreg $0xFFFFFFFF  }
0xa7: {  	s28 =	simm.s32 $_size_execute0_lowered;
	s3 =	sadd.s32 s3, s5;
	[dreg:$0x0] =	wrdreg $0x0  }
0xa8: {  	s5 =	sshll.u32 s28, $0x1;
	[dreg:$0x2] =	wrdreg s3  }
0xa9: {  	[dreg:$0x3] =	wrdreg s5  }
0xaa: {  	[dreg:$0x4] =	wrdreg $0xC0  }
0xab: {  	_ =	task [dreg:s7], $0x5FFFF  }
0xac: {  	[dreg:$0x1] =	wrdreg $0xFFFFFFFF  }
0xad: {  	[dreg:$0x0] =	wrdreg $0x60  }
0xae: {  	[dreg:$0x2] =	wrdreg s24  }
0xaf: {  	[dreg:$0x3] =	wrdreg s2  }
0xb0: {  	[dreg:$0x4] =	wrdreg $0x1F000  }
0xb1: {  	[dreg:$0x5] =	wrdreg $0x9  }
0xb2: {  	_ =	task.clear_ibuf [dreg:s7], $0x6FFFF;
	_ =	strace $0x90000049  }
0xb3: {  	s29 =	simm.s32 $0x9;
	_ =	strace $0x8000004B  }
0xb4: {  	_ =	swait.ge [sflag:s29], $0x1  }
0xb5: {  	[sflag:s29] =	ssyncadd.s32 $0xFFFFFFFF  }
0xb6: {  	_ =	strace $0x9000004B  }
0xb7: {  	_ =	sfence  }
0xb8: {  	s30 =	sld [smem:$0x0];
	_ =	sdelay $0x2  }
0xb9: {  	s31 =	sshll.u32 s1, $0xD;
	s1 =	sshrl.u32 s1, $0x2  }
0xba: {  	s3 =	sand.u32 $0x4000, s31;
	s1 =	sadd.s32 s1, s30  }
0xbb: {  	s0 =	sor.u32 s3, s0;
	s1 =	sshll.u32 s1, $0x11  }
0xbc: {  	s0 =	sor.u32 s1, s0  }
0xbd: {  	s0 =	sadd.s32 $0x8F2B, s0  }
0xbe: {  	[sflag:s0] =	ssyncadd.remote.s32 $0x1  }
0xbf: {  	_ =	sfence.sel $0xFFFF  }
0xc0: {  	[dreg:$0x0] =	wrdreg $0xFFFFFFFF;
	(pc) =	sbr.abs _section_cstart, $3  }
0xc1: {  	[dreg:$0x1] =	wrdreg $0xFFFFFFFF  }
0xc2: {  	_ =	task.clear_ibuf [dreg:s7], $0x2FFFF;
	_ =	strace $0x9FFFFFFF  }
0xc3: {  	(tm) =	ssettm $0x7FFFFFFF  }
tec
execute0_lowered:
.L_overlay_start_1:
0x0: {  	(tag) =	ssettag $0x1  }
0x1: {  	v0 =	vimm.s32 $0x43424140;
	vm0 =	vcmask $0xF00;
	vm14 =	vcmask $0x1F10  }
0x2: {  	vm11 =	vcmask $0x3330;
	v10 =	vlaneseq.u32;
	vm9 =	vcmask $0x3734  }
0x3: {  	v4 =	vimm.s32 $0x33323130;
	vm6 =	vcmask $0x300;
	vm8 =	vcmask $0x704  }
0x4: {  	v8 =	vimm.s32 $0x3020100;
	vm7 =	vcmask $0xB08;
	vm15 =	vcmask $0xF0C  }
0x5: {  	v9 =	vimm.s32 $0x13121110;
	vm10 =	vcmask $0x1714;
	vm2 =	vcmask $0x1B18  }
0x6: {  	vm5 =	vcmask $0x1F1C;
	v3 =	vunpack.c.0.s8.s32 v0;
	v0 =	vimm.s32 $0x93929190  }
0x7: {  	vm13 =	vcmask $0x2320;
	v5 =	vunpack.c.0.s8.s32 v0;
	v0 =	vimm.s32 $0xE3E2E1E0  }
0x8: {  	vm12 =	vcmask $0x2724;
	v1 =	vand.u32 $0xFF, v3;
	v6 =	vunpack.c.0.s8.s32 v0  }
0x9: {  	v11 =	vimm.s32 $0x53525150;
	v0 =	vnsel vm0, $0x133, v1;
	v1 =	vand.u32 $0xFF, v5  }
0xa: {  	vm0 =	vcmask $0x2F20;
	v0 =	vsel vm14, v1, v0;
	v1 =	vand.u32 $0xFF, v6  }
0xb: {  	vm4 =	vcmask $0x2B28;
	v12 =	vimm.s32 $0x83828180;
	v0 =	vsel vm0, v1, v0  }
0xc: {  	v13 =	vimm.s32 $0xF3F2F1F0;
	v2 =	vand.u32 $0x3, v10;
	v0 =	vsel vm11, $0x130, v0  }
0xd: {  	vm0 =	vcmask $0x3B38;
	v1 =	vimm.s32 $0x23222120;
	v0 =	vsel vm9, $0x131, v0  }
0xe: {  	[tilespmem:$0x1FF60] =	vst v2;
	v2 =	vsel vm0, $0x132, v0;
	v0 =	vunpack.c.0.s8.s32 v1;
	v1 =	vimm.s32 $0x273  }
0xf: {  	v14 =	vimm.s32 $0xC3C2C1C0;
	v15 =	vimm.s32 $0xD3D2D1D0;
	v7 =	vsel vm6, $0x180, v1  }
0x10: {  	vm3 =	vcmask $0x2F2C;
	v4 =	vunpack.c.0.s8.s32 v4;
	v7 =	vsel vm8, $0x181, v7  }
0x11: {  	v8 =	vunpack.c.0.s8.s32 v8;
	v9 =	vunpack.c.0.s8.s32 v9;
	v7 =	vsel vm7, $0x182, v7  }
0x12: {  	v11 =	vunpack.c.0.s8.s32 v11;
	vm0 =	vcmask $0x1310;
	v7 =	vsel vm15, $0x183, v7  }
0x13: {  	v12 =	vunpack.c.0.s8.s32 v12;
	v13 =	vunpack.c.0.s8.s32 v13;
	v7 =	vsel vm0, $0x1D0, v7  }
0x14: {  	v0 =	vsel vm14, v4, v0;
	v4 =	vsel vm10, $0x1D1, v7;
	v7 =	vsel vm14, v9, v8  }
0x15: {  	v14 =	vunpack.c.0.s8.s32 v14;
	v15 =	vunpack.c.0.s8.s32 v15;
	v0 =	vcombine.low v7, v0  }
0x16: {  	v3 =	vsel vm14, v11, v3;
	v11 =	vimm.s32 $0xB3B2B1B0;
	v4 =	vsel vm2, $0x1D2, v4  }
0x17: {  	vm1 =	vmmov vm5;
	v11 =	vunpack.c.0.s8.s32 v11;
	[tilespmem:$0x1FF70] =	vst v0;
	v0 =	vsel vm5, $0x1D3, v4  }
0x18: {  	v5 =	vsel vm14, v5, v12;
	v1 =	vsel vm6, $0x240, v1;
	v0 =	vsel vm13, $0x220, v0  }
0x19: {  	v8 =	vimm.s32 $0x63626160;
	v7 =	vsel vm12, $0x221, v0;
	v0 =	vimm.s32 $0x3B3  }
0x1a: {  	v9 =	vimm.s32 $0x73727170;
	v4 =	vshrl.u32 v10, $0x2;
	v10 =	vsel vm6, $0x2C0, v0  }
0x1b: {  	v8 =	vunpack.c.0.s8.s32 v8;
	v9 =	vunpack.c.0.s8.s32 v9;
	v10 =	vsel vm8, $0x2C1, v10  }
0x1c: {  	v12 =	vsel vm14, v15, v14;
	v1 =	vsel vm8, $0x241, v1;
	v10 =	vsel vm7, $0x2C2, v10  }
0x1d: {  	v8 =	vsel vm14, v9, v8;
	v9 =	vsel vm15, $0x2C3, v10;
	v10 =	vimm.s32 $0xA3A2A1A0  }
0x1e: {  	v7 =	vsel vm4, $0x222, v7;
	v9 =	vsel vm0, $0x310, v9;
	v10 =	vunpack.c.0.s8.s32 v10  }
0x1f: {  	v1 =	vsel vm7, $0x242, v1;
	v7 =	vsel vm3, $0x223, v7;
	v9 =	vsel vm10, $0x311, v9  }
0x20: {  	v10 =	vsel vm14, v11, v10;
	v11 =	vsel vm14, v13, v6;
	v6 =	vsel vm2, $0x312, v9  }
0x21: {  	v3 =	vcombine.low v3, v8;
	v7 =	vsel vm11, $0x270, v7;
	v6 =	vsel vm5, $0x313, v6  }
0x22: {  	v8 =	vor.u32 $0x4, v4;
	v7 =	vsel vm9, $0x271, v7;
	v6 =	vsel vm13, $0x360, v6  }
0x23: {  	v9 =	vimm.s32 $0x4F3;
	vm5 =	vcmask $0x3B38;
	v13 =	vsel vm12, $0x361, v6  }
0x24: {  	v9 =	vsel vm6, $0x400, v9;
	v6 =	vsel vm5, $0x272, v7;
	v7 =	vsel vm4, $0x362, v13  }
0x25: {  	v20 =	vor.u32 $0x14, v4;
	[tilespmem:$0x1FF80] =	vst v3;
	v9 =	vsel vm8, $0x401, v9;
	v3 =	vsel vm3, $0x363, v7  }
0x26: {  	v5 =	vcombine.low v5, v10;
	v9 =	vsel vm7, $0x402, v9;
	v3 =	vsel vm11, $0x3B0, v3  }
0x27: {  	v23 =	vor.u32 $0x18, v4;
	v7 =	vsel vm15, $0x403, v9;
	v3 =	vsel vm9, $0x3B1, v3  }
0x28: {  	[tilespmem:$0x1FF90] =	vst v8;
	v7 =	vsel vm0, $0x450, v7;
	v9 =	vsel vm5, $0x3B2, v3;
	v3 =	vand.u32 $0xFF, v5  }
0x29: {  	v26 =	vor.u32 $0x1C, v4;
	v7 =	vsel vm10, $0x451, v7;
	v5 =	vor.u32 $0x8, v4;
	[tilespmem:$0x1FFA0] =	vst v3  }
0x2a: {  	v8 =	vcombine.low v12, v11;
	v3 =	vsel vm2, $0x452, v7;
	[tilespmem:$0x1FFB0] =	vst v5;
	v5 =	vimm.s32 $0x633  }
0x2b: {  	v7 =	vimm.s32 $0x133;
	v3 =	vsel vm1, $0x453, v3;
	v5 =	vsel vm6, $0x540, v5  }
0x2c: {  	v7 =	vsel vm6, $0x100, v7;
	v3 =	vsel vm13, $0x4A0, v3;
	v5 =	vsel vm8, $0x541, v5  }
0x2d: {  	v7 =	vsel vm8, $0x101, v7;
	v3 =	vsel vm12, $0x4A1, v3;
	v5 =	vsel vm7, $0x542, v5  }
0x2e: {  	v7 =	vsel vm7, $0x102, v7;
	v3 =	vsel vm4, $0x4A2, v3;
	v5 =	vsel vm15, $0x543, v5  }
0x2f: {  	v7 =	vsel vm15, $0x103, v7;
	v3 =	vsel vm3, $0x4A3, v3;
	v5 =	vsel vm0, $0x590, v5  }
0x30: {  	v7 =	vsel vm0, $0x110, v7;
	v3 =	vsel vm11, $0x4F0, v3;
	v5 =	vsel vm10, $0x591, v5  }
0x31: {  	v7 =	vsel vm10, $0x111, v7;
	v3 =	vsel vm9, $0x4F1, v3;
	v5 =	vsel vm2, $0x592, v5  }
0x32: {  	v12 =	vsel vm5, $0x4F2, v3;
	v3 =	vsel vm1, $0x593, v5;
	v5 =	vsel vm2, $0x112, v7  }
0x33: {  	vm14 =	vmmov vm12;
	v3 =	vsel vm13, $0x5E0, v3;
	v5 =	vsel vm1, $0x113, v5  }
0x34: {  	v7 =	vand.u32 $0xFF, v8;
	v3 =	vsel vm14, $0x5E1, v3;
	v5 =	vsel vm13, $0x120, v5  }
0x35: {  	[tilespmem:$0x1FFC0] =	vst v7;
	v7 =	vor.u32 $0xC, v4;
	v3 =	vsel vm4, $0x5E2, v3;
	v5 =	vsel vm14, $0x121, v5  }
0x36: {  	[tilespmem:$0x1FFD0] =	vst v7;
	v7 =	vimm.s32 $0x773;
	v3 =	vsel vm3, $0x5E3, v3;
	v5 =	vsel vm4, $0x122, v5  }
0x37: {  	v7 =	vsel vm6, $0x680, v7;
	v3 =	vsel vm11, $0x630, v3;
	v5 =	vsel vm3, $0x123, v5  }
0x38: {  	v7 =	vsel vm8, $0x681, v7;
	v3 =	vsel vm9, $0x631, v3;
	v5 =	vsel vm11, $0x130, v5  }
0x39: {  	v7 =	vsel vm7, $0x682, v7;
	v15 =	vsel vm5, $0x632, v3;
	v3 =	vsel vm9, $0x131, v5  }
0x3a: {  	v29 =	vor.u32 $0x20, v4;
	v5 =	vsel vm15, $0x683, v7;
	v3 =	vsel vm5, $0x132, v3  }
0x3b: {  	v32 =	vor.u32 $0x24, v4;
	[tilespmem:$0x1FFE0] =	vst v3;
	v3 =	vsel vm0, $0x6D0, v5;
	v5 =	vimm.s32 $0x173  }
0x3c: {  	v7 =	vor.u32 $0x10, v4;
	v3 =	vsel vm10, $0x6D1, v3;
	v5 =	vsel vm6, $0x140, v5  }
0x3d: {  	[tilespmem:$0x1FFF0] =	vst v7;
	v7 =	vimm.s32 $0x8B3;
	v3 =	vsel vm2, $0x6D2, v3;
	v5 =	vsel vm8, $0x141, v5  }
0x3e: {  	v7 =	vsel vm6, $0x7C0, v7;
	v3 =	vsel vm1, $0x6D3, v3;
	v5 =	vsel vm7, $0x142, v5  }
0x3f: {  	v7 =	vsel vm8, $0x7C1, v7;
	v3 =	vsel vm13, $0x720, v3;
	v5 =	vsel vm15, $0x143, v5  }
0x40: {  	v7 =	vsel vm7, $0x7C2, v7;
	v3 =	vsel vm14, $0x721, v3;
	v5 =	vsel vm0, $0x150, v5  }
0x41: {  	v7 =	vsel vm15, $0x7C3, v7;
	v3 =	vsel vm4, $0x722, v3;
	v5 =	vsel vm10, $0x151, v5  }
0x42: {  	v7 =	vsel vm0, $0x810, v7;
	v3 =	vsel vm3, $0x723, v3;
	v5 =	vsel vm2, $0x152, v5  }
0x43: {  	v7 =	vsel vm10, $0x811, v7;
	v3 =	vsel vm11, $0x770, v3;
	v5 =	vsel vm1, $0x153, v5  }
0x44: {  	v7 =	vsel vm2, $0x812, v7;
	v3 =	vsel vm9, $0x771, v3;
	v5 =	vsel vm13, $0x160, v5  }
0x45: {  	v18 =	vsel vm5, $0x772, v3;
	v3 =	vsel vm14, $0x161, v5;
	v5 =	vsel vm1, $0x813, v7  }
0x46: {  	v7 =	vimm.s32 $0x1B3;
	v3 =	vsel vm4, $0x162, v3;
	v5 =	vsel vm13, $0x860, v5  }
0x47: {  	v7 =	vsel vm6, $0x180, v7;
	v3 =	vsel vm3, $0x163, v3;
	v5 =	vsel vm14, $0x861, v5  }
0x48: {  	v7 =	vsel vm8, $0x181, v7;
	v3 =	vsel vm11, $0x170, v3;
	v5 =	vsel vm4, $0x862, v5  }
0x49: {  	v7 =	vsel vm7, $0x182, v7;
	v3 =	vsel vm9, $0x171, v3;
	v5 =	vsel vm3, $0x863, v5  }
0x4a: {  	v19 =	vsel vm5, $0x172, v3;
	v3 =	vsel vm11, $0x8B0, v5;
	v5 =	vsel vm15, $0x183, v7  }
0x4b: {  	vm12 =	vmmov vm15;
	v3 =	vsel vm9, $0x8B1, v3;
	v5 =	vsel vm0, $0x190, v5  }
0x4c: {  	v21 =	vsel vm5, $0x8B2, v3;
	v3 =	vsel vm10, $0x191, v5;
	v5 =	vimm.s32 $0x9F3  }
0x4d: {  	v7 =	vimm.s32 $0x1F3;
	v3 =	vsel vm2, $0x192, v3;
	v5 =	vsel vm6, $0x900, v5  }
0x4e: {  	v7 =	vsel vm6, $0x1C0, v7;
	v3 =	vsel vm1, $0x193, v3;
	v5 =	vsel vm8, $0x901, v5  }
0x4f: {  	v7 =	vsel vm8, $0x1C1, v7;
	v3 =	vsel vm13, $0x1A0, v3;
	v5 =	vsel vm7, $0x902, v5  }
0x50: {  	v7 =	vsel vm7, $0x1C2, v7;
	v3 =	vsel vm14, $0x1A1, v3;
	v5 =	vsel vm15, $0x903, v5  }
0x51: {  	v7 =	vsel vm15, $0x1C3, v7;
	v3 =	vsel vm4, $0x1A2, v3;
	v5 =	vsel vm0, $0x950, v5  }
0x52: {  	v7 =	vsel vm0, $0x1D0, v7;
	v3 =	vsel vm3, $0x1A3, v3;
	v5 =	vsel vm10, $0x951, v5  }
0x53: {  	v7 =	vsel vm10, $0x1D1, v7;
	v3 =	vsel vm11, $0x1B0, v3;
	v5 =	vsel vm2, $0x952, v5  }
0x54: {  	v7 =	vsel vm2, $0x1D2, v7;
	v3 =	vsel vm9, $0x1B1, v3;
	v5 =	vsel vm1, $0x953, v5  }
0x55: {  	v22 =	vsel vm5, $0x1B2, v3;
	v3 =	vsel vm13, $0x9A0, v5;
	v5 =	vsel vm1, $0x1D3, v7  }
0x56: {  	vm15 =	vmmov vm11;
	v3 =	vsel vm14, $0x9A1, v3;
	v5 =	vsel vm13, $0x1E0, v5  }
0x57: {  	v7 =	vimm.s32 $0xB33;
	v3 =	vsel vm4, $0x9A2, v3;
	v5 =	vsel vm14, $0x1E1, v5  }
0x58: {  	v7 =	vsel vm6, $0xA40, v7;
	v3 =	vsel vm3, $0x9A3, v3;
	v5 =	vsel vm4, $0x1E2, v5  }
0x59: {  	v7 =	vsel vm8, $0xA41, v7;
	v3 =	vsel vm11, $0x9F0, v3;
	v5 =	vsel vm3, $0x1E3, v5  }
0x5a: {  	v7 =	vsel vm7, $0xA42, v7;
	v3 =	vsel vm9, $0x9F1, v3;
	v5 =	vsel vm11, $0x1F0, v5  }
0x5b: {  	v24 =	vsel vm5, $0x9F2, v3;
	v3 =	vsel vm9, $0x1F1, v5;
	v5 =	vsel vm12, $0xA43, v7  }
0x5c: {  	v25 =	vsel vm5, $0x1F2, v3;
	v3 =	vsel vm0, $0xA90, v5;
	v5 =	vimm.s32 $0x233  }
0x5d: {  	vm11 =	vmmov vm9;
	v3 =	vsel vm10, $0xA91, v3;
	v5 =	vsel vm6, $0x200, v5  }
0x5e: {  	v7 =	vimm.s32 $0xC73;
	v3 =	vsel vm2, $0xA92, v3;
	v5 =	vsel vm8, $0x201, v5  }
0x5f: {  	v7 =	vsel vm6, $0xB80, v7;
	v3 =	vsel vm1, $0xA93, v3;
	v5 =	vsel vm7, $0x202, v5  }
0x60: {  	v7 =	vsel vm8, $0xB81, v7;
	v3 =	vsel vm13, $0xAE0, v3;
	v5 =	vsel vm12, $0x203, v5  }
0x61: {  	v7 =	vsel vm7, $0xB82, v7;
	v3 =	vsel vm14, $0xAE1, v3;
	v5 =	vsel vm0, $0x210, v5  }
0x62: {  	v7 =	vsel vm12, $0xB83, v7;
	v3 =	vsel vm4, $0xAE2, v3;
	v5 =	vsel vm10, $0x211, v5  }
0x63: {  	v7 =	vsel vm0, $0xBD0, v7;
	v3 =	vsel vm3, $0xAE3, v3;
	v5 =	vsel vm2, $0x212, v5  }
0x64: {  	v7 =	vsel vm10, $0xBD1, v7;
	v3 =	vsel vm15, $0xB30, v3;
	v5 =	vsel vm1, $0x213, v5  }
0x65: {  	v7 =	vsel vm2, $0xBD2, v7;
	v3 =	vsel vm11, $0xB31, v3;
	v5 =	vsel vm13, $0x220, v5  }
0x66: {  	v27 =	vsel vm5, $0xB32, v3;
	v3 =	vsel vm14, $0x221, v5;
	v5 =	vsel vm1, $0xBD3, v7  }
0x67: {  	v35 =	vor.u32 $0x28, v4;
	v3 =	vsel vm4, $0x222, v3;
	v5 =	vsel vm13, $0xC20, v5  }
0x68: {  	v38 =	vor.u32 $0x2C, v4;
	v3 =	vsel vm3, $0x223, v3;
	v5 =	vsel vm14, $0xC21, v5  }
0x69: {  	v0 =	vsel vm6, $0x380, v0;
	v3 =	vsel vm15, $0x230, v3;
	v5 =	vsel vm4, $0xC22, v5  }
0x6a: {  	v1 =	vsel vm12, $0x243, v1;
	v3 =	vsel vm11, $0x231, v3;
	v5 =	vsel vm3, $0xC23, v5  }
0x6b: {  	v1 =	vsel vm0, $0x250, v1;
	v28 =	vsel vm5, $0x232, v3;
	v3 =	vsel vm15, $0xC70, v5  }
0x6c: {  	v0 =	vsel vm8, $0x381, v0;
	v1 =	vsel vm10, $0x251, v1;
	v3 =	vsel vm11, $0xC71, v3  }
0x6d: {  	v1 =	vsel vm2, $0x252, v1;
	v30 =	vsel vm5, $0xC72, v3;
	v3 =	vimm.s32 $0xDB3  }
0x6e: {  	v1 =	vsel vm1, $0x253, v1;
	v5 =	vimm.s32 $0x2B3;
	v3 =	vsel vm6, $0xCC0, v3  }
0x6f: {  	v1 =	vsel vm13, $0x260, v1;
	v5 =	vsel vm6, $0x280, v5;
	v3 =	vsel vm8, $0xCC1, v3  }
0x70: {  	v1 =	vsel vm14, $0x261, v1;
	v5 =	vsel vm8, $0x281, v5;
	v3 =	vsel vm7, $0xCC2, v3  }
0x71: {  	v1 =	vsel vm4, $0x262, v1;
	v5 =	vsel vm7, $0x282, v5;
	v3 =	vsel vm12, $0xCC3, v3  }
0x72: {  	v1 =	vsel vm3, $0x263, v1;
	v5 =	vsel vm12, $0x283, v5;
	v3 =	vsel vm0, $0xD10, v3  }
0x73: {  	v1 =	vsel vm15, $0x270, v1;
	v5 =	vsel vm0, $0x290, v5;
	v3 =	vsel vm10, $0xD11, v3  }
0x74: {  	v1 =	vsel vm11, $0x271, v1;
	v5 =	vsel vm10, $0x291, v5;
	v3 =	vsel vm2, $0xD12, v3  }
0x75: {  	v31 =	vsel vm5, $0x272, v1;
	v1 =	vsel vm1, $0xD13, v3;
	v3 =	vsel vm2, $0x292, v5  }
0x76: {  	v0 =	vsel vm7, $0x382, v0;
	v1 =	vsel vm13, $0xD60, v1;
	v3 =	vsel vm1, $0x293, v3  }
0x77: {  	v5 =	vimm.s32 $0xEF3;
	v1 =	vsel vm14, $0xD61, v1;
	v3 =	vsel vm13, $0x2A0, v3  }
0x78: {  	v5 =	vsel vm6, $0xE00, v5;
	v1 =	vsel vm4, $0xD62, v1;
	v3 =	vsel vm14, $0x2A1, v3  }
0x79: {  	v5 =	vsel vm8, $0xE01, v5;
	v1 =	vsel vm3, $0xD63, v1;
	v3 =	vsel vm4, $0x2A2, v3  }
0x7a: {  	v5 =	vsel vm7, $0xE02, v5;
	v1 =	vsel vm15, $0xDB0, v1;
	v3 =	vsel vm3, $0x2A3, v3  }
0x7b: {  	v5 =	vsel vm12, $0xE03, v5;
	v1 =	vsel vm11, $0xDB1, v1;
	v3 =	vsel vm15, $0x2B0, v3  }
0x7c: {  	v33 =	vsel vm5, $0xDB2, v1;
	v1 =	vsel vm11, $0x2B1, v3;
	v3 =	vsel vm0, $0xE50, v5  }
0x7d: {  	v34 =	vsel vm5, $0x2B2, v1;
	v1 =	vsel vm10, $0xE51, v3;
	v3 =	vimm.s32 $0x2F3  }
0x7e: {  	v10 =	vor.u32 $0x48, v4;
	v1 =	vsel vm2, $0xE52, v1;
	v3 =	vsel vm6, $0x2C0, v3  }
0x7f: {  	v5 =	vimm.s32 $0x1033;
	v1 =	vsel vm1, $0xE53, v1;
	v3 =	vsel vm8, $0x2C1, v3  }
0x80: {  	v5 =	vsel vm6, $0xF40, v5;
	v1 =	vsel vm13, $0xEA0, v1;
	v3 =	vsel vm7, $0x2C2, v3  }
0x81: {  	v5 =	vsel vm8, $0xF41, v5;
	v1 =	vsel vm14, $0xEA1, v1;
	v3 =	vsel vm12, $0x2C3, v3  }
0x82: {  	v5 =	vsel vm7, $0xF42, v5;
	v1 =	vsel vm4, $0xEA2, v1;
	v3 =	vsel vm0, $0x2D0, v3  }
0x83: {  	v5 =	vsel vm12, $0xF43, v5;
	v1 =	vsel vm3, $0xEA3, v1;
	v3 =	vsel vm10, $0x2D1, v3  }
0x84: {  	v5 =	vsel vm0, $0xF90, v5;
	v1 =	vsel vm15, $0xEF0, v1;
	v3 =	vsel vm2, $0x2D2, v3  }
0x85: {  	v5 =	vsel vm10, $0xF91, v5;
	v1 =	vsel vm11, $0xEF1, v1;
	v3 =	vsel vm1, $0x2D3, v3  }
0x86: {  	v36 =	vsel vm5, $0xEF2, v1;
	v1 =	vsel vm13, $0x2E0, v3;
	v3 =	vsel vm2, $0xF92, v5  }
0x87: {  	v5 =	vimm.s32 $0x333;
	v1 =	vsel vm14, $0x2E1, v1;
	v3 =	vsel vm1, $0xF93, v3  }
0x88: {  	v5 =	vsel vm6, $0x300, v5;
	v1 =	vsel vm4, $0x2E2, v1;
	v3 =	vsel vm13, $0xFE0, v3  }
0x89: {  	v5 =	vsel vm8, $0x301, v5;
	v1 =	vsel vm3, $0x2E3, v1;
	v3 =	vsel vm14, $0xFE1, v3  }
0x8a: {  	v5 =	vsel vm7, $0x302, v5;
	v1 =	vsel vm15, $0x2F0, v1;
	v3 =	vsel vm4, $0xFE2, v3  }
0x8b: {  	v5 =	vsel vm12, $0x303, v5;
	v1 =	vsel vm11, $0x2F1, v1;
	v3 =	vsel vm3, $0xFE3, v3  }
0x8c: {  	v37 =	vsel vm5, $0x2F2, v1;
	v1 =	vsel vm15, $0x1030, v3;
	v3 =	vsel vm0, $0x310, v5  }
0x8d: {  	v0 =	vsel vm12, $0x383, v0;
	v1 =	vsel vm11, $0x1031, v1;
	v3 =	vsel vm10, $0x311, v3  }
0x8e: {  	v39 =	vsel vm5, $0x1032, v1;
	v1 =	vsel vm2, $0x312, v3;
	v3 =	vimm.s32 $0x1173  }
0x8f: {  	v5 =	vimm.s32 $0x373;
	v1 =	vsel vm1, $0x313, v1;
	v3 =	vsel vm6, $0x1080, v3  }
0x90: {  	v5 =	vsel vm6, $0x340, v5;
	v1 =	vsel vm13, $0x320, v1;
	v3 =	vsel vm8, $0x1081, v3  }
0x91: {  	v5 =	vsel vm8, $0x341, v5;
	v1 =	vsel vm14, $0x321, v1;
	v3 =	vsel vm7, $0x1082, v3  }
0x92: {  	v5 =	vsel vm7, $0x342, v5;
	v1 =	vsel vm4, $0x322, v1;
	v3 =	vsel vm12, $0x1083, v3  }
0x93: {  	v5 =	vsel vm12, $0x343, v5;
	v1 =	vsel vm3, $0x323, v1;
	v3 =	vsel vm0, $0x10D0, v3  }
0x94: {  	v5 =	vsel vm0, $0x350, v5;
	v1 =	vsel vm15, $0x330, v1;
	v3 =	vsel vm10, $0x10D1, v3  }
0x95: {  	v5 =	vsel vm10, $0x351, v5;
	v1 =	vsel vm11, $0x331, v1;
	v3 =	vsel vm2, $0x10D2, v3  }
0x96: {  	v40 =	vsel vm5, $0x332, v1;
	v1 =	vsel vm1, $0x10D3, v3;
	v3 =	vsel vm2, $0x352, v5  }
0x97: {  	v5 =	vimm.s32 $0x12B3;
	v1 =	vsel vm13, $0x1120, v1;
	v3 =	vsel vm1, $0x353, v3  }
0x98: {  	v5 =	vsel vm6, $0x11C0, v5;
	v1 =	vsel vm14, $0x1121, v1;
	v3 =	vsel vm13, $0x360, v3  }
0x99: {  	v5 =	vsel vm8, $0x11C1, v5;
	v1 =	vsel vm4, $0x1122, v1;
	v3 =	vsel vm14, $0x361, v3  }
0x9a: {  	v5 =	vsel vm7, $0x11C2, v5;
	v1 =	vsel vm3, $0x1123, v1;
	v3 =	vsel vm4, $0x362, v3  }
0x9b: {  	v5 =	vsel vm12, $0x11C3, v5;
	v1 =	vsel vm15, $0x1170, v1;
	v3 =	vsel vm3, $0x363, v3  }
0x9c: {  	v5 =	vsel vm0, $0x1210, v5;
	v1 =	vsel vm11, $0x1171, v1;
	v3 =	vsel vm15, $0x370, v3  }
0x9d: {  	v41 =	vsel vm5, $0x1172, v1;
	v1 =	vsel vm11, $0x371, v3;
	v3 =	vsel vm10, $0x1211, v5  }
0x9e: {  	v0 =	vsel vm0, $0x390, v0;
	v42 =	vsel vm5, $0x372, v1;
	v1 =	vsel vm2, $0x1212, v3  }
0x9f: {  	v0 =	vsel vm10, $0x391, v0;
	v3 =	vimm.s32 $0x13F3;
	v1 =	vsel vm1, $0x1213, v1  }
0xa0: {  	v0 =	vsel vm2, $0x392, v0;
	v3 =	vsel vm6, $0x1300, v3;
	v1 =	vsel vm13, $0x1260, v1  }
0xa1: {  	v0 =	vsel vm1, $0x393, v0;
	v3 =	vsel vm8, $0x1301, v3;
	v1 =	vsel vm14, $0x1261, v1  }
0xa2: {  	v8 =	vor.u32 $0x44, v4;
	v3 =	vsel vm7, $0x1302, v3;
	v1 =	vsel vm4, $0x1262, v1  }
0xa3: {  	v0 =	vsel vm13, $0x3A0, v0;
	v3 =	vsel vm12, $0x1303, v3;
	v1 =	vsel vm3, $0x1263, v1  }
0xa4: {  	v0 =	vsel vm14, $0x3A1, v0;
	v3 =	vsel vm0, $0x1350, v3;
	v1 =	vsel vm15, $0x12B0, v1  }
0xa5: {  	v0 =	vsel vm4, $0x3A2, v0;
	v3 =	vsel vm10, $0x1351, v3;
	v1 =	vsel vm11, $0x12B1, v1  }
0xa6: {  	v0 =	vsel vm3, $0x3A3, v0;
	v43 =	vsel vm5, $0x12B2, v1;
	v1 =	vsel vm2, $0x1352, v3  }
0xa7: {  	v0 =	vsel vm15, $0x3B0, v0;
	v3 =	vimm.s32 $0x3F3;
	v1 =	vsel vm1, $0x1353, v1  }
0xa8: {  	vm9 =	vmmov vm5;
	v3 =	vsel vm6, $0x3C0, v3;
	v1 =	vsel vm13, $0x13A0, v1  }
0xa9: {  	v0 =	vsel vm11, $0x3B1, v0;
	v3 =	vsel vm8, $0x3C1, v3;
	v1 =	vsel vm14, $0x13A1, v1  }
0xaa: {  	v44 =	vsel vm5, $0x3B2, v0;
	v3 =	vsel vm7, $0x3C2, v3;
	v1 =	vsel vm4, $0x13A2, v1  }
0xab: {  	v7 =	vor.u32 $0x40, v4;
	v3 =	vsel vm12, $0x3C3, v3;
	v1 =	vsel vm3, $0x13A3, v1  }
0xac: {  	v5 =	vimm.s32 $0x95944544;
	v0 =	vsel vm15, $0x13F0, v1;
	v1 =	vsel vm0, $0x3D0, v3  }
0xad: {  	v3 =	vimm.s32 $0x1533;
	v0 =	vsel vm11, $0x13F1, v0;
	v1 =	vsel vm10, $0x3D1, v1  }
0xae: {  	v45 =	vsel vm5, $0x13F2, v0;
	v0 =	vsel vm2, $0x3D2, v1;
	v1 =	vsel vm6, $0x1440, v3  }
0xaf: {  	v3 =	vimm.s32 $0x433;
	v0 =	vsel vm1, $0x3D3, v0;
	v1 =	vsel vm8, $0x1441, v1  }
0xb0: {  	v3 =	vsel vm6, $0x400, v3;
	v0 =	vsel vm13, $0x3E0, v0;
	v1 =	vsel vm7, $0x1442, v1  }
0xb1: {  	v3 =	vsel vm8, $0x401, v3;
	v0 =	vsel vm14, $0x3E1, v0;
	v1 =	vsel vm12, $0x1443, v1  }
0xb2: {  	v3 =	vsel vm7, $0x402, v3;
	v0 =	vsel vm4, $0x3E2, v0;
	v1 =	vsel vm0, $0x1490, v1  }
0xb3: {  	v3 =	vsel vm12, $0x403, v3;
	v0 =	vsel vm3, $0x3E3, v0;
	v1 =	vsel vm10, $0x1491, v1  }
0xb4: {  	v3 =	vsel vm0, $0x410, v3;
	v0 =	vsel vm15, $0x3F0, v0;
	v1 =	vsel vm2, $0x1492, v1  }
0xb5: {  	v3 =	vsel vm10, $0x411, v3;
	v0 =	vsel vm11, $0x3F1, v0;
	v1 =	vsel vm1, $0x1493, v1  }
0xb6: {  	v46 =	vsel vm5, $0x3F2, v0;
	v0 =	vsel vm13, $0x14E0, v1;
	v1 =	vsel vm2, $0x412, v3  }
0xb7: {  	v3 =	vimm.s32 $0x1673;
	v0 =	vsel vm14, $0x14E1, v0;
	v1 =	vsel vm1, $0x413, v1  }
0xb8: {  	v3 =	vsel vm6, $0x1580, v3;
	v0 =	vsel vm4, $0x14E2, v0;
	v1 =	vsel vm13, $0x420, v1  }
0xb9: {  	v3 =	vsel vm8, $0x1581, v3;
	v0 =	vsel vm3, $0x14E3, v0;
	v1 =	vsel vm14, $0x421, v1  }
0xba: {  	v3 =	vsel vm7, $0x1582, v3;
	v0 =	vsel vm15, $0x1530, v0;
	v1 =	vsel vm4, $0x422, v1  }
0xbb: {  	v3 =	vsel vm12, $0x1583, v3;
	v0 =	vsel vm11, $0x1531, v0;
	v1 =	vsel vm3, $0x423, v1  }
0xbc: {  	v47 =	vsel vm5, $0x1532, v0;
	v0 =	vsel vm15, $0x430, v1;
	v1 =	vsel vm0, $0x15D0, v3  }
0xbd: {  	v3 =	vimm.s32 $0x473;
	v0 =	vsel vm11, $0x431, v0;
	v1 =	vsel vm10, $0x15D1, v1  }
0xbe: {  	v48 =	vsel vm5, $0x432, v0;
	v0 =	vsel vm2, $0x15D2, v1;
	v1 =	vsel vm6, $0x440, v3  }
0xbf: {  	v3 =	vimm.s32 $0x17B3;
	v0 =	vsel vm1, $0x15D3, v0;
	v1 =	vsel vm8, $0x441, v1  }
0xc0: {  	v3 =	vsel vm6, $0x16C0, v3;
	v0 =	vsel vm13, $0x1620, v0;
	v1 =	vsel vm7, $0x442, v1  }
0xc1: {  	v3 =	vsel vm8, $0x16C1, v3;
	v0 =	vsel vm14, $0x1621, v0;
	v1 =	vsel vm12, $0x443, v1  }
0xc2: {  	v3 =	vsel vm7, $0x16C2, v3;
	v0 =	vsel vm4, $0x1622, v0;
	v1 =	vsel vm0, $0x450, v1  }
0xc3: {  	v3 =	vsel vm12, $0x16C3, v3;
	v0 =	vsel vm3, $0x1623, v0;
	v1 =	vsel vm10, $0x451, v1  }
0xc4: {  	v3 =	vsel vm0, $0x1710, v3;
	v0 =	vsel vm15, $0x1670, v0;
	v1 =	vsel vm2, $0x452, v1  }
0xc5: {  	v3 =	vsel vm10, $0x1711, v3;
	v0 =	vsel vm11, $0x1671, v0;
	v1 =	vsel vm1, $0x453, v1  }
0xc6: {  	v49 =	vsel vm5, $0x1672, v0;
	v0 =	vsel vm13, $0x460, v1;
	v1 =	vsel vm2, $0x1712, v3  }
0xc7: {  	v3 =	vimm.s32 $0x4B3;
	v0 =	vsel vm14, $0x461, v0;
	v1 =	vsel vm1, $0x1713, v1  }
0xc8: {  	v3 =	vsel vm6, $0x480, v3;
	v0 =	vsel vm4, $0x462, v0;
	v1 =	vsel vm13, $0x1760, v1  }
0xc9: {  	v3 =	vsel vm8, $0x481, v3;
	v0 =	vsel vm3, $0x463, v0;
	v1 =	vsel vm14, $0x1761, v1  }
0xca: {  	v3 =	vsel vm7, $0x482, v3;
	v0 =	vsel vm15, $0x470, v0;
	v1 =	vsel vm4, $0x1762, v1  }
0xcb: {  	v3 =	vsel vm12, $0x483, v3;
	v0 =	vsel vm11, $0x471, v0;
	v1 =	vsel vm3, $0x1763, v1  }
0xcc: {  	v50 =	vsel vm5, $0x472, v0;
	v0 =	vsel vm15, $0x17B0, v1;
	v1 =	vsel vm0, $0x490, v3  }
0xcd: {  	v5 =	vunpack.c.0.s8.s32 v5;
	v3 =	vimm.s32 $0x18F3;
	v1 =	vsel vm10, $0x491, v1  }
0xce: {  	v0 =	vsel vm11, $0x17B1, v0;
	v3 =	vsel vm6, $0x1800, v3;
	v1 =	vsel vm2, $0x492, v1  }
0xcf: {  	v3 =	vsel vm8, $0x1801, v3;
	v51 =	vsel vm5, $0x17B2, v0;
	v1 =	vsel vm1, $0x493, v1  }
0xd0: {  	vm5 =	vcmask $0xF00;
	v0 =	vsel vm13, $0x4A0, v1;
	v1 =	vsel vm7, $0x1802, v3  }
0xd1: {  	v3 =	vand.u32 $0xFF, v5;
	v0 =	vsel vm14, $0x4A1, v0;
	v1 =	vsel vm12, $0x1803, v1  }
0xd2: {  	v3 =	vnsel vm5, $0x275, v3;
	v0 =	vsel vm4, $0x4A2, v0;
	v1 =	vsel vm0, $0x1850, v1  }
0xd3: {  	v3 =	vsel vm0, $0xE4, v3;
	v0 =	vsel vm3, $0x4A3, v0;
	v1 =	vsel vm10, $0x1851, v1  }
0xd4: {  	v3 =	vsel vm10, $0xE5, v3;
	v0 =	vsel vm15, $0x4B0, v0;
	v1 =	vsel vm2, $0x1852, v1  }
0xd5: {  	v3 =	vsel vm2, $0x134, v3;
	v0 =	vsel vm11, $0x4B1, v0;
	v1 =	vsel vm1, $0x1853, v1  }
0xd6: {  	v52 =	vsel vm9, $0x4B2, v0;
	v0 =	vsel vm13, $0x18A0, v1;
	v1 =	vsel vm1, $0x135, v3  }
0xd7: {  	v5 =	vor.u32 $0x38, v4;
	v0 =	vsel vm14, $0x18A1, v0;
	v1 =	vsel vm13, $0x184, v1  }
0xd8: {  	vm5 =	vmmov vm15;
	v0 =	vsel vm4, $0x18A2, v0;
	v1 =	vsel vm14, $0x185, v1  }
0xd9: {  	vm15 =	vmor vm6, vm7;
	v0 =	vsel vm3, $0x18A3, v0;
	v1 =	vsel vm4, $0x1D4, v1  }
0xda: {  	vm15 =	vmor vm15, vm0;
	v0 =	vsel vm5, $0x18F0, v0;
	v1 =	vsel vm3, $0x1D5, v1  }
0xdb: {  	vm15 =	vmor vm15, vm2;
	v0 =	vsel vm11, $0x18F1, v0;
	v1 =	vsel vm5, $0x224, v1  }
0xdc: {  	v3 =	vimm.s32 $0x9F5;
	v53 =	vsel vm9, $0x18F2, v0;
	v0 =	vsel vm11, $0x225, v1  }
0xdd: {  	vm15 =	vmor vm15, vm13;
	v54 =	vsel vm9, $0x274, v0;
	v0 =	vimm.s32 $0x4F5  }
0xde: {  	v3 =	vsel vm6, $0x7C4, v3;
	vm15 =	vmor vm15, vm4;
	v0 =	vsel vm6, $0x2C4, v0  }
0xdf: {  	v3 =	vsel vm8, $0x7C5, v3;
	v1 =	vimm.s32 $0x775;
	v0 =	vsel vm8, $0x2C5, v0  }
0xe0: {  	vm15 =	vmor vm15, vm5;
	v1 =	vsel vm6, $0x544, v1;
	v0 =	vsel vm7, $0x314, v0  }
0xe1: {  	v3 =	vsel vm7, $0x814, v3;
	v1 =	vsel vm8, $0x545, v1;
	v0 =	vsel vm12, $0x315, v0  }
0xe2: {  	vm15 =	vmor vm15, vm9;
	v1 =	vsel vm7, $0x594, v1;
	v0 =	vsel vm0, $0x364, v0  }
0xe3: {  	v3 =	vsel vm12, $0x815, v3;
	v1 =	vsel vm12, $0x595, v1;
	v0 =	vsel vm10, $0x365, v0  }
0xe4: {  	v3 =	vsel vm0, $0x864, v3;
	v1 =	vsel vm0, $0x5E4, v1;
	v0 =	vsel vm2, $0x3B4, v0  }
0xe5: {  	v3 =	vsel vm10, $0x865, v3;
	v1 =	vsel vm10, $0x5E5, v1;
	v0 =	vsel vm1, $0x3B5, v0  }
0xe6: {  	v3 =	vsel vm2, $0x8B4, v3;
	v1 =	vsel vm2, $0x634, v1;
	v0 =	vsel vm13, $0x404, v0  }
0xe7: {  	v3 =	vsel vm1, $0x8B5, v3;
	v1 =	vsel vm1, $0x635, v1;
	v0 =	vsel vm14, $0x405, v0  }
0xe8: {  	v3 =	vsel vm13, $0x904, v3;
	v1 =	vsel vm13, $0x684, v1;
	v0 =	vsel vm4, $0x454, v0  }
0xe9: {  	v3 =	vsel vm14, $0x905, v3;
	v1 =	vsel vm14, $0x685, v1;
	v0 =	vsel vm3, $0x455, v0  }
0xea: {  	v3 =	vsel vm4, $0x954, v3;
	v1 =	vsel vm4, $0x6D4, v1;
	v0 =	vsel vm5, $0x4A4, v0  }
0xeb: {  	v3 =	vsel vm3, $0x955, v3;
	v1 =	vsel vm3, $0x6D5, v1;
	v0 =	vsel vm11, $0x4A5, v0  }
0xec: {  	v3 =	vsel vm5, $0x9A4, v3;
	v1 =	vsel vm5, $0x724, v1;
	v55 =	vsel vm9, $0x4F4, v0  }
0xed: {  	v0 =	vsel vm11, $0x725, v1;
	v1 =	vsel vm11, $0x9A5, v3;
	v3 =	vimm.s32 $0x1175  }
0xee: {  	v56 =	vsel vm9, $0x774, v0;
	v57 =	vsel vm9, $0x9F4, v1;
	v0 =	vimm.s32 $0xC75  }
0xef: {  	v1 =	vimm.s32 $0xEF5;
	v3 =	vsel vm6, $0xF44, v3;
	v0 =	vsel vm6, $0xA44, v0  }
0xf0: {  	v1 =	vsel vm6, $0xCC4, v1;
	v3 =	vsel vm8, $0xF45, v3;
	v0 =	vsel vm8, $0xA45, v0  }
0xf1: {  	v1 =	vsel vm8, $0xCC5, v1;
	v3 =	vsel vm7, $0xF94, v3;
	v0 =	vsel vm7, $0xA94, v0  }
0xf2: {  	v1 =	vsel vm7, $0xD14, v1;
	v3 =	vsel vm12, $0xF95, v3;
	v0 =	vsel vm12, $0xA95, v0  }
0xf3: {  	v1 =	vsel vm12, $0xD15, v1;
	v3 =	vsel vm0, $0xFE4, v3;
	v0 =	vsel vm0, $0xAE4, v0  }
0xf4: {  	v1 =	vsel vm0, $0xD64, v1;
	v3 =	vsel vm10, $0xFE5, v3;
	v0 =	vsel vm10, $0xAE5, v0  }
0xf5: {  	v1 =	vsel vm10, $0xD65, v1;
	v3 =	vsel vm2, $0x1034, v3;
	v0 =	vsel vm2, $0xB34, v0  }
0xf6: {  	v1 =	vsel vm2, $0xDB4, v1;
	v3 =	vsel vm1, $0x1035, v3;
	v0 =	vsel vm1, $0xB35, v0  }
0xf7: {  	v1 =	vsel vm1, $0xDB5, v1;
	v3 =	vsel vm13, $0x1084, v3;
	v0 =	vsel vm13, $0xB84, v0  }
0xf8: {  	v1 =	vsel vm13, $0xE04, v1;
	v3 =	vsel vm14, $0x1085, v3;
	v0 =	vsel vm14, $0xB85, v0  }
0xf9: {  	v1 =	vsel vm14, $0xE05, v1;
	v3 =	vsel vm4, $0x10D4, v3;
	v0 =	vsel vm4, $0xBD4, v0  }
0xfa: {  	v1 =	vsel vm4, $0xE54, v1;
	v3 =	vsel vm3, $0x10D5, v3;
	v0 =	vsel vm3, $0xBD5, v0  }
0xfb: {  	v1 =	vsel vm3, $0xE55, v1;
	v3 =	vsel vm5, $0x1124, v3;
	v0 =	vsel vm5, $0xC24, v0  }
0xfc: {  	v1 =	vsel vm5, $0xEA4, v1;
	vm5 =	vmmov vm8;
	v0 =	vsel vm11, $0xC25, v0  }
0xfd: {  	v58 =	vsel vm9, $0xC74, v0;
	v0 =	vsel vm11, $0xEA5, v1;
	v1 =	vsel vm11, $0x1125, v3  }
0xfe: {  	v3 =	vimm.s32 $0x18F5;
	vm11 =	vmmov vm1;
	v59 =	vsel vm9, $0xEF4, v0  }
0xff: {  	v60 =	vsel vm9, $0x1174, v1;
	v0 =	vimm.s32 $0x13F5;
	v1 =	vimm.s32 $0x1675  }
0x100: {  	v3 =	vsel vm6, $0x16C4, v3;
	vm9 =	vmmov vm10;
	v0 =	vsel vm6, $0x11C4, v0  }
0x101: {  	v1 =	vsel vm6, $0x1444, v1;
	v3 =	vsel vm8, $0x16C5, v3;
	vm6 =	vmmov vm7  }
0x102: {  	v0 =	vsel vm8, $0x11C5, v0;
	v1 =	vsel vm8, $0x1445, v1;
	v3 =	vsel vm7, $0x1714, v3  }
0x103: {  	vm8 =	vmmov vm0;
	v0 =	vsel vm7, $0x1214, v0;
	v1 =	vsel vm7, $0x1494, v1  }
0x104: {  	vm7 =	vmmov vm12;
	v3 =	vsel vm12, $0x1715, v3;
	v0 =	vsel vm12, $0x1215, v0  }
0x105: {  	s11 =	rddreg [dreg:$0x0];
	v1 =	vsel vm12, $0x1495, v1;
	v3 =	vsel vm0, $0x1764, v3;
	vm12 =	vmmov vm13  }
0x106: {  	s0 =	rddreg [dreg:$0x1];
	v0 =	vsel vm0, $0x1264, v0;
	v1 =	vsel vm0, $0x14E4, v1;
	v3 =	vsel vm10, $0x1765, v3  }
0x107: {  	s2 =	rddreg [dreg:$0x2];
	vm0 =	vcmask $0x3330;
	v0 =	vsel vm10, $0x1265, v0;
	v1 =	vsel vm10, $0x14E5, v1  }
0x108: {  	s1 =	rddreg [dreg:$0x3];
	s3 =	simm.s32 $0x0;
	vm10 =	vmmov vm2;
	v3 =	vsel vm2, $0x17B4, v3;
	v0 =	vsel vm2, $0x12B4, v0  }
0x109: {  	s5 =	srdreg.scid;
	s4 =	stileid.u32;
	s18 =	simm.s32 $0x50;
	v1 =	vsel vm2, $0x1534, v1;
	v3 =	vsel vm1, $0x17B5, v3;
	v0 =	vsel vm1, $0x12B5, v0  }
0x10a: {  	s19 =	simm.s32 $0xA0;
	s20 =	simm.s32 $0xF0;
	s21 =	simm.s32 $0x19F0;
	v1 =	vsel vm1, $0x1535, v1;
	v3 =	vsel vm13, $0x1804, v3;
	vm1 =	vmmov vm0  }
0x10b: {  	s22 =	simm.s32 $0x1;
	s12 =	sand.u32 $0x1, s5;
	s5 =	sadd.s32 $0x126600, s11;
	v0 =	vsel vm13, $0x1304, v0;
	v1 =	vsel vm13, $0x1584, v1;
	vm13 =	vmmov vm14  }
0x10c: {  	s23 =	simm.s32 $0x0;
	[smem:$0x7FF] =	sst s3;
	s6 =	sadd.s32 $0x14DE00, s11;
	v3 =	vsel vm14, $0x1805, v3;
	v0 =	vsel vm14, $0x1305, v0;
	v1 =	vsel vm14, $0x1585, v1  }
0x10d: {  	s13 =	smul.u32 $0x19000, s4;
	s7 =	sadd.s32 $0x13A400, s11;
	s8 =	sadd.s32 $0x1400, s11;
	vm14 =	vmmov vm4;
	v3 =	vsel vm4, $0x1854, v3;
	v0 =	vsel vm4, $0x1354, v0  }
0x10e: {  	s9 =	smul.u32 $0x190000, s12;
	s15 =	ssub.s32 $0x2, s12;
	s30 =	sshll.u32 s12, $0x4;
	v1 =	vsel vm4, $0x15D4, v1;
	vm4 =	vmmov vm3;
	v3 =	vsel vm3, $0x1855, v3  }
0x10f: {  	s31 =	sshll.u32 s4, $0x6;
	s29 =	sshrl.u32 s15, $0x1;
	s16 =	sor.u32 s4, s30;
	v0 =	vsel vm3, $0x1355, v0;
	v1 =	vsel vm3, $0x15D5, v1;
	vm3 =	vcmask $0x3734  }
0x110: {  	s17 =	sadd.s32 s13, s2;
	s10 =	sadd.s32 s13, s9;
	s9 =	sadd.s32 $0x32200, s11;
	v3 =	vsel vm0, $0x18A4, v3;
	v0 =	vsel vm0, $0x13A4, v0;
	v1 =	vsel vm0, $0x1624, v1  }
0x111: {  	s15 =	ssub.s32 s15, s29;
	s12 =	smul.u32 $0x4E20, s16;
	s14 =	sshrl.u32 s10, $0x3;
	vm0 =	vcmask $0x3B38;
	vm2 =	vmmov vm3;
	v0 =	vsel vm3, $0x13A5, v0  }
0x112: {  	s16 =	simm.s32 $0x2;
	s10 =	sadd.s32 $0x13A000, s11;
	s14 =	sadd.s32 s14, s11;
	v61 =	vsel vm0, $0x13F4, v0;
	v0 =	vsel vm3, $0x1625, v1;
	v1 =	vsel vm3, $0x18A5, v3  }
0x113: {  	s11 =	sor.u32 $0x1C02, s31;
	s13 =	sadd.s32 $0x3C000, s14;
	s14 =	smax.u32 s15, $0x1;
	vm3 =	vmmov vm0;
	v3 =	vor.u32 $0x3C, v4;
	v62 =	vsel vm0, $0x1674, v0  }
0x114: {  	s15 =	sshrl.u32 s17, $0x3;
	s17 =	simm.s32 $0x1EF0;
	_ =	strace $0x8000004A;
	v63 =	vsel vm0, $0x18F4, v1;
	v1 =	vor.u32 $0x30, v4;
	v0 =	vor.u32 $0x34, v4  }
.LBB2_1:
0x115: {  	[spmem:s15], [sflag:s11] =	dma.local [hbm:s0], $0x3200  }
0x116: {  	_ =	swait.ge [sflag:s16], $0x3200  }
0x117: {  	[sflag:s16] =	ssyncset.done $0x0  }
0x118: {  	[sflag:s16] =	ssyncadd.s32 $0xFFFFCE00  }
0x119: {  	[tilespmem:s17], [sflag:$0x2] =	stream.linear.gather [hbm4b:s10+s3], $0x10, $0x38;
	[tilespmem:$0x1AF00] =	vst v63  }
0x11a: {  	_ =	swait.ge [sflag:s16], $0x10  }
0x11b: {  	[sflag:s16] =	ssyncset.done $0x0  }
0x11c: {  	[sflag:s16] =	ssyncadd.s32 $0xFFFFFFF0  }
0x11d: {  	[bflag:$0x0] =	sbarrier.arrive $0xFFFF  }
0x11e: {  	v11 =	vld [tilespmem:$0x1FF60];
	_ =	sdelay $0x7  }
0x11f: {  	s24 =	simm.s32 $0x0;
	v11 =	vld.idx.msk [tilespmem:v11+s17+$0x0], $0xffff  }
.LBB2_2:
0x120: {  	s25 =	smul.u32 $0x50, s24;
	_ =	sdelay $0x1  }
0x121: {  	s25 =	sadd.s32 s12, s25  }
0x122: {  	s26 =	sshrl.u32 s25, $0x3  }
0x123: {  	s31 =	simm.s32 $0x0;
	s28 =	sadd.s32 s5, s26  }
0x124: {  	[tilespmem:s31], [sflag:$0x2] =	stream.linear.gather [hbm4b:s28+s31], $0x50, $0x38;
	[tilespmem:$0x1AF00] =	vst v63  }
0x125: {  	_ =	swait.ge [sflag:s16], $0x50  }
0x126: {  	[sflag:s16] =	ssyncset.done $0x0  }
0x127: {  	s28 =	sadd.s32 s6, s26;
	[sflag:s16] =	ssyncadd.s32 $0xFFFFFFB0  }
0x128: {  	[tilespmem:s18], [sflag:$0x2] =	stream.linear.gather [hbm4b:s28+s31], $0x50, $0x38;
	[tilespmem:$0x1AF00] =	vst v63  }
0x129: {  	_ =	swait.ge [sflag:s16], $0x50  }
0x12a: {  	[sflag:s16] =	ssyncset.done $0x0  }
0x12b: {  	s26 =	sadd.s32 s7, s26;
	[sflag:s16] =	ssyncadd.s32 $0xFFFFFFB0  }
0x12c: {  	[tilespmem:s19], [sflag:$0x2] =	stream.linear.gather [hbm4b:s26+s31], $0x50, $0x38;
	[tilespmem:$0x1AF00] =	vst v63  }
0x12d: {  	_ =	swait.ge [sflag:s16], $0x50  }
0x12e: {  	[sflag:s16] =	ssyncset.done $0x0  }
0x12f: {  	[sflag:s16] =	ssyncadd.s32 $0xFFFFFFB0  }
0x130: {  	[tilespmem:s20], [sflag:$0x1] =	stream.indirect.gather [hbm4b:s8+s18], $0x50, s31, s18, $0xb8;
	[tilespmem:$0x1AF00] =	vst v63  }
0x131: {  	_ = 	snop  }
0x132: {  	[tilespmem:s21], [sflag:$0x1] =	stream.indirect.gather [hbm4b:s9+s18], $0x10, s18, s18, $0xb8;
	[tilespmem:$0x1AF00] =	vst v63  }
0x133: {  	_ =	swait.ge [sflag:s22], $0x1900  }
0x134: {  	[sflag:s22] =	ssyncset.done $0x0  }
0x135: {  	[sflag:s22] =	ssyncadd.s32 $0xFFFFE700  }
0x136: {  	_ =	swait.ge [sflag:s22], $0x500  }
0x137: {  	v14 =	vld [tilespmem:$0x1FF70];
	_ =	sdelay $0x3  }
0x138: {  	[sflag:s22] =	ssyncset.done $0x0  }
0x139: {  	[sflag:s22] =	ssyncadd.s32 $0xFFFFFB00  }
0x13a: {  	v13 =	vld.idx.msk [tilespmem:v2+s20+$0x0], $0xffff  }
0x13b: {  	v16 =	vld.idx.msk [tilespmem:v4+s19+$0x0], $0xffff  }
0x13c: {  	v14 =	vld.idx.msk [tilespmem:v14+s21+$0x0], $0xffff;
	_ =	sdelay $0x4  }
0x13d: {  	v13 =	vadd.f32 v14, v13;
	v14 =	vmul.f32 v16, v11;
	_ =	sdelay $0x1  }
0x13e: {  	v13 =	vadd.f32 v14, v13;
	_ =	sdelay $0x1  }
0x13f: {  	v14 =	vmul.f32 $2.000000030e-01, v13  }
0x140: {  	vm0 =	vgt.f32 v13, $0.0e+00  }
0x141: {  	v13 =	vsel vm0, v13, v14  }
0x142: {  	v13 =	vmul.f32 $1.442695020e+00, v13;
	_ =	sdelay $0x1  }
0x143: {  	(erf) = vpow2.f32 v13;
	_ =	sdelay $0x3  }
0x144: {  	v14 =	vld [tilespmem:$0x1FF80]  }
0x145: {  	v16 =	vld [tilespmem:$0x1FF90];
	_ =	sdelay $0x3  }
0x146: {  	v13 =	vpop (erf)  }
0x147: {  	[tilespmem:v2+s20+$0x0] =	vst.idx.msk $0xffff, v13  }
0x148: {  	v13 =	vld.idx.msk [tilespmem:v6+s20+$0x0], $0xffff  }
0x149: {  	v14 =	vld.idx.msk [tilespmem:v14+s21+$0x0], $0xffff  }
0x14a: {  	v16 =	vld.idx.msk [tilespmem:v16+s19+$0x0], $0xffff;
	_ =	sdelay $0x4  }
0x14b: {  	v13 =	vadd.f32 v14, v13;
	v14 =	vmul.f32 v16, v11;
	_ =	sdelay $0x1  }
0x14c: {  	v13 =	vadd.f32 v14, v13;
	_ =	sdelay $0x1  }
0x14d: {  	v14 =	vmul.f32 $2.000000030e-01, v13  }
0x14e: {  	vm0 =	vgt.f32 v13, $0.0e+00  }
0x14f: {  	v13 =	vsel vm0, v13, v14  }
0x150: {  	v13 =	vmul.f32 $1.442695020e+00, v13;
	_ =	sdelay $0x1  }
0x151: {  	(erf) = vpow2.f32 v13;
	_ =	sdelay $0x3  }
0x152: {  	v14 =	vld [tilespmem:$0x1FFA0]  }
0x153: {  	v16 =	vld [tilespmem:$0x1FFB0];
	_ =	sdelay $0x3  }
0x154: {  	v13 =	vpop (erf)  }
0x155: {  	[tilespmem:v6+s20+$0x0] =	vst.idx.msk $0xffff, v13  }
0x156: {  	v13 =	vld.idx.msk [tilespmem:v9+s20+$0x0], $0xffff  }
0x157: {  	v14 =	vld.idx.msk [tilespmem:v14+s21+$0x0], $0xffff  }
0x158: {  	v16 =	vld.idx.msk [tilespmem:v16+s19+$0x0], $0xffff;
	_ =	sdelay $0x4  }
0x159: {  	v13 =	vadd.f32 v14, v13;
	v14 =	vmul.f32 v16, v11;
	_ =	sdelay $0x1  }
0x15a: {  	v13 =	vadd.f32 v14, v13;
	_ =	sdelay $0x1  }
0x15b: {  	v14 =	vmul.f32 $2.000000030e-01, v13  }
0x15c: {  	vm0 =	vgt.f32 v13, $0.0e+00  }
0x15d: {  	v13 =	vsel vm0, v13, v14  }
0x15e: {  	v13 =	vmul.f32 $1.442695020e+00, v13;
	_ =	sdelay $0x1  }
0x15f: {  	(erf) = vpow2.f32 v13;
	_ =	sdelay $0x3  }
0x160: {  	v14 =	vld [tilespmem:$0x1FFC0]  }
0x161: {  	v16 =	vld [tilespmem:$0x1FFD0];
	_ =	sdelay $0x3  }
0x162: {  	v13 =	vpop (erf)  }
0x163: {  	[tilespmem:v9+s20+$0x0] =	vst.idx.msk $0xffff, v13  }
0x164: {  	v13 =	vld.idx.msk [tilespmem:v12+s20+$0x0], $0xffff  }
0x165: {  	v14 =	vld.idx.msk [tilespmem:v14+s21+$0x0], $0xffff  }
0x166: {  	v16 =	vld.idx.msk [tilespmem:v16+s19+$0x0], $0xffff;
	_ =	sdelay $0x4  }
0x167: {  	v13 =	vadd.f32 v14, v13;
	v14 =	vmul.f32 v16, v11;
	_ =	sdelay $0x1  }
0x168: {  	v13 =	vadd.f32 v14, v13;
	_ =	sdelay $0x1  }
0x169: {  	v14 =	vmul.f32 $2.000000030e-01, v13  }
0x16a: {  	vm0 =	vgt.f32 v13, $0.0e+00  }
0x16b: {  	v13 =	vsel vm0, v13, v14  }
0x16c: {  	v13 =	vmul.f32 $1.442695020e+00, v13;
	_ =	sdelay $0x1  }
0x16d: {  	(erf) = vpow2.f32 v13;
	_ =	sdelay $0x3  }
0x16e: {  	v14 =	vld [tilespmem:$0x1FFE0]  }
0x16f: {  	v16 =	vld [tilespmem:$0x1FFF0];
	_ =	sdelay $0x3  }
0x170: {  	v13 =	vpop (erf)  }
0x171: {  	[tilespmem:v12+s20+$0x0] =	vst.idx.msk $0xffff, v13  }
0x172: {  	v13 =	vld.idx.msk [tilespmem:v15+s20+$0x0], $0xffff  }
0x173: {  	v14 =	vld.idx.msk [tilespmem:v14+s21+$0x0], $0xffff  }
0x174: {  	v16 =	vld.idx.msk [tilespmem:v16+s19+$0x0], $0xffff;
	_ =	sdelay $0x4  }
0x175: {  	v13 =	vadd.f32 v14, v13;
	v14 =	vmul.f32 v16, v11;
	_ =	sdelay $0x1  }
0x176: {  	v13 =	vadd.f32 v14, v13;
	_ =	sdelay $0x1  }
0x177: {  	v14 =	vmul.f32 $2.000000030e-01, v13  }
0x178: {  	vm0 =	vgt.f32 v13, $0.0e+00  }
0x179: {  	v13 =	vsel vm0, v13, v14  }
0x17a: {  	v13 =	vmul.f32 $1.442695020e+00, v13;
	_ =	sdelay $0x1  }
0x17b: {  	(erf) = vpow2.f32 v13;
	_ =	sdelay $0x8  }
0x17c: {  	v13 =	vpop (erf)  }
0x17d: {  	[tilespmem:v15+s20+$0x0] =	vst.idx.msk $0xffff, v13  }
0x17e: {  	v13 =	vld.idx.msk [tilespmem:v18+s20+$0x0], $0xffff  }
0x17f: {  	v14 =	vld.idx.msk [tilespmem:v19+s21+$0x0], $0xffff  }
0x180: {  	v16 =	vld.idx.msk [tilespmem:v20+s19+$0x0], $0xffff;
	_ =	sdelay $0x4  }
0x181: {  	v13 =	vadd.f32 v14, v13;
	v14 =	vmul.f32 v16, v11;
	_ =	sdelay $0x1  }
0x182: {  	v13 =	vadd.f32 v14, v13;
	_ =	sdelay $0x1  }
0x183: {  	v14 =	vmul.f32 $2.000000030e-01, v13  }
0x184: {  	vm0 =	vgt.f32 v13, $0.0e+00  }
0x185: {  	v13 =	vsel vm0, v13, v14  }
0x186: {  	v13 =	vmul.f32 $1.442695020e+00, v13;
	_ =	sdelay $0x1  }
0x187: {  	(erf) = vpow2.f32 v13;
	_ =	sdelay $0x8  }
0x188: {  	v13 =	vpop (erf)  }
0x189: {  	[tilespmem:v18+s20+$0x0] =	vst.idx.msk $0xffff, v13  }
0x18a: {  	v13 =	vld.idx.msk [tilespmem:v21+s20+$0x0], $0xffff  }
0x18b: {  	v14 =	vld.idx.msk [tilespmem:v22+s21+$0x0], $0xffff  }
0x18c: {  	v16 =	vld.idx.msk [tilespmem:v23+s19+$0x0], $0xffff;
	_ =	sdelay $0x4  }
0x18d: {  	v13 =	vadd.f32 v14, v13;
	v14 =	vmul.f32 v16, v11;
	_ =	sdelay $0x1  }
0x18e: {  	v13 =	vadd.f32 v14, v13;
	_ =	sdelay $0x1  }
0x18f: {  	v14 =	vmul.f32 $2.000000030e-01, v13  }
0x190: {  	vm0 =	vgt.f32 v13, $0.0e+00  }
0x191: {  	v13 =	vsel vm0, v13, v14  }
0x192: {  	v13 =	vmul.f32 $1.442695020e+00, v13;
	_ =	sdelay $0x1  }
0x193: {  	(erf) = vpow2.f32 v13;
	_ =	sdelay $0x8  }
0x194: {  	v13 =	vpop (erf)  }
0x195: {  	[tilespmem:v21+s20+$0x0] =	vst.idx.msk $0xffff, v13  }
0x196: {  	v13 =	vld.idx.msk [tilespmem:v24+s20+$0x0], $0xffff  }
0x197: {  	v14 =	vld.idx.msk [tilespmem:v25+s21+$0x0], $0xffff  }
0x198: {  	v16 =	vld.idx.msk [tilespmem:v26+s19+$0x0], $0xffff;
	_ =	sdelay $0x4  }
0x199: {  	v13 =	vadd.f32 v14, v13;
	v14 =	vmul.f32 v16, v11;
	_ =	sdelay $0x1  }
0x19a: {  	v13 =	vadd.f32 v14, v13;
	_ =	sdelay $0x1  }
0x19b: {  	v14 =	vmul.f32 $2.000000030e-01, v13  }
0x19c: {  	vm0 =	vgt.f32 v13, $0.0e+00  }
0x19d: {  	v13 =	vsel vm0, v13, v14  }
0x19e: {  	v13 =	vmul.f32 $1.442695020e+00, v13;
	_ =	sdelay $0x1  }
0x19f: {  	(erf) = vpow2.f32 v13;
	_ =	sdelay $0x8  }
0x1a0: {  	v13 =	vpop (erf)  }
0x1a1: {  	[tilespmem:v24+s20+$0x0] =	vst.idx.msk $0xffff, v13  }
0x1a2: {  	v13 =	vld.idx.msk [tilespmem:v27+s20+$0x0], $0xffff  }
0x1a3: {  	v14 =	vld.idx.msk [tilespmem:v28+s21+$0x0], $0xffff  }
0x1a4: {  	v16 =	vld.idx.msk [tilespmem:v29+s19+$0x0], $0xffff;
	_ =	sdelay $0x4  }
0x1a5: {  	v13 =	vadd.f32 v14, v13;
	v14 =	vmul.f32 v16, v11;
	_ =	sdelay $0x1  }
0x1a6: {  	v13 =	vadd.f32 v14, v13;
	_ =	sdelay $0x1  }
0x1a7: {  	v14 =	vmul.f32 $2.000000030e-01, v13  }
0x1a8: {  	vm0 =	vgt.f32 v13, $0.0e+00  }
0x1a9: {  	v13 =	vsel vm0, v13, v14  }
0x1aa: {  	v13 =	vmul.f32 $1.442695020e+00, v13;
	_ =	sdelay $0x1  }
0x1ab: {  	(erf) = vpow2.f32 v13;
	_ =	sdelay $0x8  }
0x1ac: {  	v13 =	vpop (erf)  }
0x1ad: {  	[tilespmem:v27+s20+$0x0] =	vst.idx.msk $0xffff, v13  }
0x1ae: {  	v13 =	vld.idx.msk [tilespmem:v30+s20+$0x0], $0xffff  }
0x1af: {  	v14 =	vld.idx.msk [tilespmem:v31+s21+$0x0], $0xffff  }
0x1b0: {  	v16 =	vld.idx.msk [tilespmem:v32+s19+$0x0], $0xffff;
	_ =	sdelay $0x4  }
0x1b1: {  	v13 =	vadd.f32 v14, v13;
	v14 =	vmul.f32 v16, v11;
	_ =	sdelay $0x1  }
0x1b2: {  	v13 =	vadd.f32 v14, v13;
	_ =	sdelay $0x1  }
0x1b3: {  	v14 =	vmul.f32 $2.000000030e-01, v13  }
0x1b4: {  	vm0 =	vgt.f32 v13, $0.0e+00  }
0x1b5: {  	v13 =	vsel vm0, v13, v14  }
0x1b6: {  	v13 =	vmul.f32 $1.442695020e+00, v13;
	_ =	sdelay $0x1  }
0x1b7: {  	(erf) = vpow2.f32 v13;
	_ =	sdelay $0x8  }
0x1b8: {  	v13 =	vpop (erf)  }
0x1b9: {  	[tilespmem:v30+s20+$0x0] =	vst.idx.msk $0xffff, v13  }
0x1ba: {  	v13 =	vld.idx.msk [tilespmem:v33+s20+$0x0], $0xffff  }
0x1bb: {  	v14 =	vld.idx.msk [tilespmem:v34+s21+$0x0], $0xffff  }
0x1bc: {  	v16 =	vld.idx.msk [tilespmem:v35+s19+$0x0], $0xffff;
	_ =	sdelay $0x4  }
0x1bd: {  	v13 =	vadd.f32 v14, v13;
	v14 =	vmul.f32 v16, v11;
	_ =	sdelay $0x1  }
0x1be: {  	v13 =	vadd.f32 v14, v13;
	_ =	sdelay $0x1  }
0x1bf: {  	v14 =	vmul.f32 $2.000000030e-01, v13  }
0x1c0: {  	vm0 =	vgt.f32 v13, $0.0e+00  }
0x1c1: {  	v13 =	vsel vm0, v13, v14  }
0x1c2: {  	v13 =	vmul.f32 $1.442695020e+00, v13;
	_ =	sdelay $0x1  }
0x1c3: {  	(erf) = vpow2.f32 v13;
	_ =	sdelay $0x8  }
0x1c4: {  	v13 =	vpop (erf)  }
0x1c5: {  	[tilespmem:v33+s20+$0x0] =	vst.idx.msk $0xffff, v13  }
0x1c6: {  	v13 =	vld.idx.msk [tilespmem:v36+s20+$0x0], $0xffff  }
0x1c7: {  	v14 =	vld.idx.msk [tilespmem:v37+s21+$0x0], $0xffff  }
0x1c8: {  	v16 =	vld.idx.msk [tilespmem:v38+s19+$0x0], $0xffff;
	_ =	sdelay $0x4  }
0x1c9: {  	v13 =	vadd.f32 v14, v13;
	v14 =	vmul.f32 v16, v11;
	_ =	sdelay $0x1  }
0x1ca: {  	v13 =	vadd.f32 v14, v13;
	_ =	sdelay $0x1  }
0x1cb: {  	v14 =	vmul.f32 $2.000000030e-01, v13  }
0x1cc: {  	vm0 =	vgt.f32 v13, $0.0e+00  }
0x1cd: {  	v13 =	vsel vm0, v13, v14  }
0x1ce: {  	v13 =	vmul.f32 $1.442695020e+00, v13;
	_ =	sdelay $0x1  }
0x1cf: {  	(erf) = vpow2.f32 v13;
	_ =	sdelay $0x8  }
0x1d0: {  	v13 =	vpop (erf)  }
0x1d1: {  	[tilespmem:v36+s20+$0x0] =	vst.idx.msk $0xffff, v13  }
0x1d2: {  	v13 =	vld.idx.msk [tilespmem:v39+s20+$0x0], $0xffff  }
0x1d3: {  	v14 =	vld.idx.msk [tilespmem:v40+s21+$0x0], $0xffff  }
0x1d4: {  	v16 =	vld.idx.msk [tilespmem:v1+s19+$0x0], $0xffff;
	_ =	sdelay $0x4  }
0x1d5: {  	v13 =	vadd.f32 v14, v13;
	v14 =	vmul.f32 v16, v11;
	_ =	sdelay $0x1  }
0x1d6: {  	v13 =	vadd.f32 v14, v13;
	_ =	sdelay $0x1  }
0x1d7: {  	v14 =	vmul.f32 $2.000000030e-01, v13  }
0x1d8: {  	vm0 =	vgt.f32 v13, $0.0e+00  }
0x1d9: {  	v13 =	vsel vm0, v13, v14  }
0x1da: {  	v13 =	vmul.f32 $1.442695020e+00, v13;
	_ =	sdelay $0x1  }
0x1db: {  	(erf) = vpow2.f32 v13;
	_ =	sdelay $0x8  }
0x1dc: {  	v13 =	vpop (erf)  }
0x1dd: {  	[tilespmem:v39+s20+$0x0] =	vst.idx.msk $0xffff, v13  }
0x1de: {  	v13 =	vld.idx.msk [tilespmem:v41+s20+$0x0], $0xffff  }
0x1df: {  	v14 =	vld.idx.msk [tilespmem:v42+s21+$0x0], $0xffff  }
0x1e0: {  	v16 =	vld.idx.msk [tilespmem:v0+s19+$0x0], $0xffff;
	_ =	sdelay $0x4  }
0x1e1: {  	v13 =	vadd.f32 v14, v13;
	v14 =	vmul.f32 v16, v11;
	_ =	sdelay $0x1  }
0x1e2: {  	v13 =	vadd.f32 v14, v13;
	_ =	sdelay $0x1  }
0x1e3: {  	v14 =	vmul.f32 $2.000000030e-01, v13  }
0x1e4: {  	vm0 =	vgt.f32 v13, $0.0e+00  }
0x1e5: {  	v13 =	vsel vm0, v13, v14  }
0x1e6: {  	v13 =	vmul.f32 $1.442695020e+00, v13;
	_ =	sdelay $0x1  }
0x1e7: {  	(erf) = vpow2.f32 v13;
	_ =	sdelay $0x8  }
0x1e8: {  	v13 =	vpop (erf)  }
0x1e9: {  	[tilespmem:v41+s20+$0x0] =	vst.idx.msk $0xffff, v13  }
0x1ea: {  	v13 =	vld.idx.msk [tilespmem:v43+s20+$0x0], $0xffff  }
0x1eb: {  	v14 =	vld.idx.msk [tilespmem:v44+s21+$0x0], $0xffff  }
0x1ec: {  	v16 =	vld.idx.msk [tilespmem:v5+s19+$0x0], $0xffff;
	_ =	sdelay $0x4  }
0x1ed: {  	v13 =	vadd.f32 v14, v13;
	v14 =	vmul.f32 v16, v11;
	_ =	sdelay $0x1  }
0x1ee: {  	v13 =	vadd.f32 v14, v13;
	_ =	sdelay $0x1  }
0x1ef: {  	v14 =	vmul.f32 $2.000000030e-01, v13  }
0x1f0: {  	vm0 =	vgt.f32 v13, $0.0e+00  }
0x1f1: {  	v13 =	vsel vm0, v13, v14  }
0x1f2: {  	v13 =	vmul.f32 $1.442695020e+00, v13;
	_ =	sdelay $0x1  }
0x1f3: {  	(erf) = vpow2.f32 v13;
	_ =	sdelay $0x8  }
0x1f4: {  	v13 =	vpop (erf)  }
0x1f5: {  	[tilespmem:v43+s20+$0x0] =	vst.idx.msk $0xffff, v13  }
0x1f6: {  	v13 =	vld.idx.msk [tilespmem:v45+s20+$0x0], $0xffff  }
0x1f7: {  	v14 =	vld.idx.msk [tilespmem:v46+s21+$0x0], $0xffff  }
0x1f8: {  	v16 =	vld.idx.msk [tilespmem:v3+s19+$0x0], $0xffff;
	_ =	sdelay $0x4  }
0x1f9: {  	v13 =	vadd.f32 v14, v13;
	v14 =	vmul.f32 v16, v11;
	_ =	sdelay $0x1  }
0x1fa: {  	v13 =	vadd.f32 v14, v13;
	_ =	sdelay $0x1  }
0x1fb: {  	v14 =	vmul.f32 $2.000000030e-01, v13  }
0x1fc: {  	vm0 =	vgt.f32 v13, $0.0e+00  }
0x1fd: {  	v13 =	vsel vm0, v13, v14  }
0x1fe: {  	v13 =	vmul.f32 $1.442695020e+00, v13;
	_ =	sdelay $0x1  }
0x1ff: {  	(erf) = vpow2.f32 v13;
	_ =	sdelay $0x8  }
0x200: {  	v13 =	vpop (erf)  }
0x201: {  	[tilespmem:v45+s20+$0x0] =	vst.idx.msk $0xffff, v13  }
0x202: {  	v13 =	vld.idx.msk [tilespmem:v47+s20+$0x0], $0xffff  }
0x203: {  	v14 =	vld.idx.msk [tilespmem:v48+s21+$0x0], $0xffff  }
0x204: {  	v16 =	vld.idx.msk [tilespmem:v7+s19+$0x0], $0xffff;
	_ =	sdelay $0x4  }
0x205: {  	v13 =	vadd.f32 v14, v13;
	v14 =	vmul.f32 v16, v11;
	_ =	sdelay $0x1  }
0x206: {  	v13 =	vadd.f32 v14, v13;
	_ =	sdelay $0x1  }
0x207: {  	v14 =	vmul.f32 $2.000000030e-01, v13  }
0x208: {  	vm0 =	vgt.f32 v13, $0.0e+00  }
0x209: {  	v13 =	vsel vm0, v13, v14  }
0x20a: {  	v13 =	vmul.f32 $1.442695020e+00, v13;
	_ =	sdelay $0x1  }
0x20b: {  	(erf) = vpow2.f32 v13;
	_ =	sdelay $0x8  }
0x20c: {  	v13 =	vpop (erf)  }
0x20d: {  	[tilespmem:v47+s20+$0x0] =	vst.idx.msk $0xffff, v13  }
0x20e: {  	v13 =	vld.idx.msk [tilespmem:v49+s20+$0x0], $0xffff  }
0x20f: {  	v14 =	vld.idx.msk [tilespmem:v50+s21+$0x0], $0xffff  }
0x210: {  	v16 =	vld.idx.msk [tilespmem:v8+s19+$0x0], $0xffff;
	_ =	sdelay $0x4  }
0x211: {  	v13 =	vadd.f32 v14, v13;
	v14 =	vmul.f32 v16, v11;
	_ =	sdelay $0x1  }
0x212: {  	v13 =	vadd.f32 v14, v13;
	_ =	sdelay $0x1  }
0x213: {  	v14 =	vmul.f32 $2.000000030e-01, v13  }
0x214: {  	vm0 =	vgt.f32 v13, $0.0e+00  }
0x215: {  	v13 =	vsel vm0, v13, v14  }
0x216: {  	v13 =	vmul.f32 $1.442695020e+00, v13;
	_ =	sdelay $0x1  }
0x217: {  	(erf) = vpow2.f32 v13;
	_ =	sdelay $0x8  }
0x218: {  	v13 =	vpop (erf)  }
0x219: {  	[tilespmem:v49+s20+$0x0] =	vst.idx.msk $0xffff, v13  }
0x21a: {  	v13 =	vld.idx.msk [tilespmem:v51+s20+$0x0], $0xffff  }
0x21b: {  	v14 =	vld.idx.msk [tilespmem:v52+s21+$0x0], $0xffff  }
0x21c: {  	v16 =	vld.idx.msk [tilespmem:v10+s19+$0x0], $0xffff;
	_ =	sdelay $0x4  }
0x21d: {  	v13 =	vadd.f32 v14, v13;
	v14 =	vmul.f32 v16, v11;
	_ =	sdelay $0x1  }
0x21e: {  	vm0 =	vcmask $0x300;
	v13 =	vadd.f32 v14, v13;
	v14 =	vimm.s32 $0x4F3  }
0x21f: {  	v14 =	vsel vm0, $0x4C0, v14  }
0x220: {  	v14 =	vsel vm5, $0x4C1, v14;
	v16 =	vmul.f32 $2.000000030e-01, v13  }
0x221: {  	vm0 =	vgt.f32 v13, $0.0e+00;
	v14 =	vsel vm6, $0x4C2, v14  }
0x222: {  	v14 =	vsel vm7, $0x4C3, v14;
	v13 =	vsel vm0, v13, v16  }
0x223: {  	v14 =	vsel vm8, $0x4D0, v14;
	v13 =	vmul.f32 $1.442695020e+00, v13  }
0x224: {  	v14 =	vsel vm9, $0x4D1, v14  }
0x225: {  	v14 =	vsel vm10, $0x4D2, v14;
	(erf) = vpow2.f32 v13  }
0x226: {  	v13 =	vsel vm11, $0x4D3, v14  }
0x227: {  	v13 =	vsel vm12, $0x4E0, v13  }
0x228: {  	v13 =	vsel vm13, $0x4E1, v13  }
0x229: {  	v13 =	vsel vm14, $0x4E2, v13  }
0x22a: {  	v13 =	vsel vm4, $0x4E3, v13  }
0x22b: {  	v13 =	vsel vm1, $0x4F0, v13  }
0x22c: {  	v14 =	vor.u32 $0x4C, v4;
	v13 =	vsel vm2, $0x4F1, v13  }
0x22d: {  	v13 =	vsel vm3, $0x4F2, v13  }
0x22e: {  	v16 =	vpop (erf)  }
0x22f: {  	[tilespmem:v51+s20+$0x0] =	vst.idx.msk $0xffff, v16  }
0x230: {  	v16 =	vld.idx.msk [tilespmem:v53+s20+$0x0], $0xffff  }
0x231: {  	v14 =	vld.idx.msk [tilespmem:v14+s19+$0x0], $0xffff  }
0x232: {  	v13 =	vld.idx.msk [tilespmem:v13+s21+$0x0], $0xffff;
	_ =	sdelay $0x4  }
0x233: {  	v14 =	vmul.f32 v14, v11;
	v13 =	vadd.f32 v13, v16;
	_ =	sdelay $0x1  }
0x234: {  	v13 =	vadd.f32 v14, v13;
	_ =	sdelay $0x1  }
0x235: {  	v14 =	vmul.f32 $2.000000030e-01, v13  }
0x236: {  	vm0 =	vgt.f32 v13, $0.0e+00  }
0x237: {  	v13 =	vsel vm0, v13, v14  }
0x238: {  	v13 =	vmul.f32 $1.442695020e+00, v13;
	_ =	sdelay $0x1  }
0x239: {  	(erf) = vpow2.f32 v13;
	_ =	sdelay $0x4  }
0x23a: {  	v13 =	vlaneseq.u32  }
0x23b: {  	v13 =	vshrl.u32 v13, $0x1;
	_ =	sdelay $0x2  }
0x23c: {  	v14 =	vpop (erf)  }
0x23d: {  	[tilespmem:v53+s20+$0x0] =	vst.idx.msk $0xffff, v14  }
0x23e: {  	v14 =	vld.idx.msk [tilespmem:v13+s19+$0x0], $0xffff;
	_ =	sdelay $0x1  }
0x23f: {  	v16 =	vor.u32 $0x8, v13;
	_ =	sdelay $0x2  }
0x240: {  	v14 =	vsel vm15, $0x3F800000, v14  }
0x241: {  	[tilespmem:v54+s20+$0x0] =	vst.idx.msk $0xffff, v14  }
0x242: {  	v14 =	vld.idx.msk [tilespmem:v16+s19+$0x0], $0xffff;
	_ =	sdelay $0x1  }
0x243: {  	v16 =	vor.u32 $0x10, v13;
	_ =	sdelay $0x2  }
0x244: {  	v14 =	vsel vm15, $0x3F800000, v14  }
0x245: {  	[tilespmem:v55+s20+$0x0] =	vst.idx.msk $0xffff, v14  }
0x246: {  	v14 =	vld.idx.msk [tilespmem:v16+s19+$0x0], $0xffff;
	_ =	sdelay $0x1  }
0x247: {  	v16 =	vor.u32 $0x18, v13;
	_ =	sdelay $0x2  }
0x248: {  	v14 =	vsel vm15, $0x3F800000, v14  }
0x249: {  	[tilespmem:v56+s20+$0x0] =	vst.idx.msk $0xffff, v14  }
0x24a: {  	v14 =	vld.idx.msk [tilespmem:v16+s19+$0x0], $0xffff;
	_ =	sdelay $0x1  }
0x24b: {  	v16 =	vor.u32 $0x20, v13;
	_ =	sdelay $0x2  }
0x24c: {  	v14 =	vsel vm15, $0x3F800000, v14  }
0x24d: {  	[tilespmem:v57+s20+$0x0] =	vst.idx.msk $0xffff, v14  }
0x24e: {  	v14 =	vld.idx.msk [tilespmem:v16+s19+$0x0], $0xffff;
	_ =	sdelay $0x1  }
0x24f: {  	v16 =	vor.u32 $0x28, v13;
	_ =	sdelay $0x2  }
0x250: {  	v14 =	vsel vm15, $0x3F800000, v14  }
0x251: {  	[tilespmem:v58+s20+$0x0] =	vst.idx.msk $0xffff, v14  }
0x252: {  	v14 =	vld.idx.msk [tilespmem:v16+s19+$0x0], $0xffff;
	_ =	sdelay $0x1  }
0x253: {  	v16 =	vor.u32 $0x30, v13;
	_ =	sdelay $0x2  }
0x254: {  	v14 =	vsel vm15, $0x3F800000, v14  }
0x255: {  	[tilespmem:v59+s20+$0x0] =	vst.idx.msk $0xffff, v14  }
0x256: {  	v14 =	vld.idx.msk [tilespmem:v16+s19+$0x0], $0xffff;
	_ =	sdelay $0x1  }
0x257: {  	v16 =	vor.u32 $0x38, v13;
	_ =	sdelay $0x2  }
0x258: {  	v14 =	vsel vm15, $0x3F800000, v14  }
0x259: {  	[tilespmem:v60+s20+$0x0] =	vst.idx.msk $0xffff, v14  }
0x25a: {  	v14 =	vld.idx.msk [tilespmem:v16+s19+$0x0], $0xffff;
	_ =	sdelay $0x1  }
0x25b: {  	v16 =	vor.u32 $0x40, v13;
	_ =	sdelay $0x2  }
0x25c: {  	v14 =	vsel vm15, $0x3F800000, v14  }
0x25d: {  	[tilespmem:v61+s20+$0x0] =	vst.idx.msk $0xffff, v14  }
0x25e: {  	v14 =	vld.idx.msk [tilespmem:v16+s19+$0x0], $0xffff;
	_ =	sdelay $0x1  }
0x25f: {  	v13 =	vor.u32 $0x48, v13;
	_ =	sdelay $0x1  }
0x260: {  	v16 =	vmov s31  }
0x261: {  	v16 =	vmul.u32 $0x50, v16;
	v14 =	vsel vm15, $0x3F800000, v14  }
0x262: {  	[tilespmem:v62+s20+$0x0] =	vst.idx.msk $0xffff, v14  }
0x263: {  	v14 =	vadd.s32 $0x40, v16;
	v13 =	vld.idx.msk [tilespmem:v13+s19+$0x0], $0xffff  }
0x264: {  	v14 =	vbroadcast v14, $0x0;
	_ =	sdelay $0x3  }
0x265: {  	v13 =	vsel vm15, $0x3F800000, v13  }
0x266: {  	[tilespmem:v63+s20+$0x0] =	vst.idx.msk $0xffff, v13  }
0x267: {  	s25 =	simm.s32 $0x190;
	v13 =	vld.idx.msk [tilespmem:v14+s20+$0x0], $0xffff  }
0x268: {  	v14 =	vld [tilespmem:s25+$0xFFFFFF60]  }
0x269: {  	v17 =	vadd.s32 $0x41, v16  }
0x26a: {  	v17 =	vbroadcast v17, $0x0;
	_ =	sdelay $0x2  }
0x26b: {  	v13 =	vmul.f32 v14, v13;
	_ =	sdelay $0x1  }
0x26c: {  	v14 =	vld [tilespmem:s25+$0xFFFFFF70];
	[tilespmem:s25+$0xFFFFFF60] =	vst v13  }
0x26d: {  	v13 =	vld.idx.msk [tilespmem:v17+s20+$0x0], $0xffff  }
0x26e: {  	v17 =	vadd.s32 $0x42, v16  }
0x26f: {  	v17 =	vbroadcast v17, $0x0;
	_ =	sdelay $0x2  }
0x270: {  	v13 =	vmul.f32 v14, v13;
	_ =	sdelay $0x1  }
0x271: {  	v14 =	vld [tilespmem:s25+$0xFFFFFF80];
	[tilespmem:s25+$0xFFFFFF70] =	vst v13  }
0x272: {  	v13 =	vld.idx.msk [tilespmem:v17+s20+$0x0], $0xffff  }
0x273: {  	v16 =	vadd.s32 $0x43, v16  }
0x274: {  	v16 =	vbroadcast v16, $0x0;
	_ =	sdelay $0x2  }
0x275: {  	v13 =	vmul.f32 v14, v13  }
0x276: {  	s29 =	simm.s32 $0x1  }
0x277: {  	[tilespmem:s25+$0xFFFFFF80] =	vst v13;
	v13 =	vmov s29  }
0x278: {  	v14 =	vld.idx.msk [tilespmem:v16+s20+$0x0], $0xffff;
	v13 =	vmul.u32 $0x50, v13  }
0x279: {  	v16 =	vld [tilespmem:s25+$0xFFFFFF90]  }
0x27a: {  	v17 =	vadd.s32 $0x40, v13  }
0x27b: {  	v17 =	vbroadcast v17, $0x0;
	_ =	sdelay $0x2  }
0x27c: {  	v14 =	vmul.f32 v16, v14;
	_ =	sdelay $0x1  }
0x27d: {  	v16 =	vld [tilespmem:s25+$0xFFFFFFB0];
	[tilespmem:s25+$0xFFFFFF90] =	vst v14  }
0x27e: {  	v14 =	vld.idx.msk [tilespmem:v17+s20+$0x0], $0xffff  }
0x27f: {  	v17 =	vadd.s32 $0x41, v13  }
0x280: {  	v17 =	vbroadcast v17, $0x0;
	_ =	sdelay $0x2  }
0x281: {  	v14 =	vmul.f32 v16, v14;
	_ =	sdelay $0x1  }
0x282: {  	v16 =	vld [tilespmem:s25+$0xFFFFFFC0];
	[tilespmem:s25+$0xFFFFFFB0] =	vst v14  }
0x283: {  	v14 =	vld.idx.msk [tilespmem:v17+s20+$0x0], $0xffff  }
0x284: {  	v17 =	vadd.s32 $0x42, v13  }
0x285: {  	v17 =	vbroadcast v17, $0x0;
	_ =	sdelay $0x2  }
0x286: {  	v14 =	vmul.f32 v16, v14;
	_ =	sdelay $0x1  }
0x287: {  	v16 =	vld [tilespmem:s25+$0xFFFFFFD0];
	[tilespmem:s25+$0xFFFFFFC0] =	vst v14  }
0x288: {  	v14 =	vld.idx.msk [tilespmem:v17+s20+$0x0], $0xffff;
	_ =	sdelay $0x1  }
0x289: {  	v13 =	vadd.s32 $0x43, v13  }
0x28a: {  	v13 =	vbroadcast v13, $0x0;
	_ =	sdelay $0x1  }
0x28b: {  	v14 =	vmul.f32 v16, v14  }
0x28c: {  	s30 =	simm.s32 $0x2  }
0x28d: {  	[tilespmem:s25+$0xFFFFFFD0] =	vst v14;
	v14 =	vmov s30  }
0x28e: {  	v16 =	vld [tilespmem:s25+$0xFFFFFFE0];
	v14 =	vmul.u32 $0x50, v14  }
0x28f: {  	v13 =	vld.idx.msk [tilespmem:v13+s20+$0x0], $0xffff  }
0x290: {  	v17 =	vadd.s32 $0x40, v14  }
0x291: {  	v17 =	vbroadcast v17, $0x0;
	_ =	sdelay $0x2  }
0x292: {  	v13 =	vmul.f32 v16, v13;
	_ =	sdelay $0x1  }
0x293: {  	v16 =	vld [tilespmem:s25+$0x0];
	[tilespmem:s25+$0xFFFFFFE0] =	vst v13  }
0x294: {  	v13 =	vld.idx.msk [tilespmem:v17+s20+$0x0], $0xffff  }
0x295: {  	v17 =	vadd.s32 $0x41, v14  }
0x296: {  	v17 =	vbroadcast v17, $0x0;
	_ =	sdelay $0x2  }
0x297: {  	v13 =	vmul.f32 v16, v13;
	_ =	sdelay $0x1  }
0x298: {  	v16 =	vld [tilespmem:s25+$0x10];
	[tilespmem:s25+$0x0] =	vst v13  }
0x299: {  	v13 =	vld.idx.msk [tilespmem:v17+s20+$0x0], $0xffff  }
0x29a: {  	v17 =	vadd.s32 $0x42, v14  }
0x29b: {  	v17 =	vbroadcast v17, $0x0;
	_ =	sdelay $0x2  }
0x29c: {  	v13 =	vmul.f32 v16, v13;
	_ =	sdelay $0x1  }
0x29d: {  	v16 =	vld [tilespmem:s25+$0x20];
	[tilespmem:s25+$0x10] =	vst v13  }
0x29e: {  	v13 =	vld.idx.msk [tilespmem:v17+s20+$0x0], $0xffff;
	_ =	sdelay $0x1  }
0x29f: {  	v14 =	vadd.s32 $0x43, v14  }
0x2a0: {  	v14 =	vbroadcast v14, $0x0;
	_ =	sdelay $0x1  }
0x2a1: {  	v13 =	vmul.f32 v16, v13  }
0x2a2: {  	s31 =	simm.s32 $0x3  }
0x2a3: {  	[tilespmem:s25+$0x20] =	vst v13;
	v13 =	vmov s31  }
0x2a4: {  	v16 =	vld [tilespmem:s25+$0x30];
	v13 =	vmul.u32 $0x50, v13  }
0x2a5: {  	v14 =	vld.idx.msk [tilespmem:v14+s20+$0x0], $0xffff  }
0x2a6: {  	v17 =	vadd.s32 $0x40, v13  }
0x2a7: {  	v17 =	vbroadcast v17, $0x0;
	_ =	sdelay $0x2  }
0x2a8: {  	v14 =	vmul.f32 v16, v14;
	_ =	sdelay $0x1  }
0x2a9: {  	v16 =	vld [tilespmem:s25+$0x50];
	[tilespmem:s25+$0x30] =	vst v14  }
0x2aa: {  	v14 =	vld.idx.msk [tilespmem:v17+s20+$0x0], $0xffff  }
0x2ab: {  	v17 =	vadd.s32 $0x41, v13  }
0x2ac: {  	v17 =	vbroadcast v17, $0x0;
	_ =	sdelay $0x2  }
0x2ad: {  	v14 =	vmul.f32 v16, v14;
	_ =	sdelay $0x1  }
0x2ae: {  	v16 =	vld [tilespmem:s25+$0x60];
	[tilespmem:s25+$0x50] =	vst v14  }
0x2af: {  	v14 =	vld.idx.msk [tilespmem:v17+s20+$0x0], $0xffff  }
0x2b0: {  	v17 =	vadd.s32 $0x42, v13  }
0x2b1: {  	v17 =	vbroadcast v17, $0x0;
	_ =	sdelay $0x2  }
0x2b2: {  	v14 =	vmul.f32 v16, v14;
	_ =	sdelay $0x1  }
0x2b3: {  	v16 =	vld [tilespmem:s25+$0x70];
	[tilespmem:s25+$0x60] =	vst v14  }
0x2b4: {  	v14 =	vld.idx.msk [tilespmem:v17+s20+$0x0], $0xffff  }
0x2b5: {  	v13 =	vadd.s32 $0x43, v13  }
0x2b6: {  	v13 =	vbroadcast v13, $0x0;
	_ =	sdelay $0x2  }
0x2b7: {  	v14 =	vmul.f32 v16, v14  }
0x2b8: {  	s28 =	simm.s32 $0x4;
	s26 =	simm.s32 $0x0  }
.LBB2_3:
0x2b9: {  	v16 =	vmov s28;
	s26 =	sadd.s32 $0x10, s26;
	[tilespmem:s25+$0x70] =	vst v14  }
0x2ba: {  	v14 =	vmul.u32 $0x50, v16;
	p0 =	slt.u32 s26, $0x130;
	v13 =	vld.idx.msk [tilespmem:v13+s20+$0x0], $0xffff  }
0x2bb: {  	v16 =	vld [tilespmem:s25+$0x80]  }
0x2bc: {  	v17 =	vadd.s32 $0x40, v14  }
0x2bd: {  	v17 =	vbroadcast v17, $0x0;
	_ =	sdelay $0x2  }
0x2be: {  	v13 =	vmul.f32 v16, v13;
	_ =	sdelay $0x1  }
0x2bf: {  	[tilespmem:s25+$0x80] =	vst v13  }
0x2c0: {  	s25 =	sadd.s32 $0x140, s25;
	v13 =	vld.idx.msk [tilespmem:v17+s20+$0x0], $0xffff  }
0x2c1: {  	v16 =	vld [tilespmem:s25+$0xFFFFFF60]  }
0x2c2: {  	v17 =	vadd.s32 $0x41, v14  }
0x2c3: {  	v17 =	vbroadcast v17, $0x0;
	_ =	sdelay $0x2  }
0x2c4: {  	v13 =	vmul.f32 v16, v13;
	_ =	sdelay $0x1  }
0x2c5: {  	[tilespmem:s25+$0xFFFFFF60] =	vst v13  }
0x2c6: {  	v13 =	vld.idx.msk [tilespmem:v17+s20+$0x0], $0xffff  }
0x2c7: {  	v16 =	vld [tilespmem:s25+$0xFFFFFF70]  }
0x2c8: {  	v17 =	vadd.s32 $0x42, v14  }
0x2c9: {  	v17 =	vbroadcast v17, $0x0;
	_ =	sdelay $0x2  }
0x2ca: {  	v13 =	vmul.f32 v16, v13;
	_ =	sdelay $0x1  }
0x2cb: {  	[tilespmem:s25+$0xFFFFFF70] =	vst v13  }
0x2cc: {  	v13 =	vld.idx.msk [tilespmem:v17+s20+$0x0], $0xffff  }
0x2cd: {  	v16 =	vld [tilespmem:s25+$0xFFFFFF80]  }
0x2ce: {  	v14 =	vadd.s32 $0x43, v14  }
0x2cf: {  	v14 =	vbroadcast v14, $0x0;
	_ =	sdelay $0x2  }
0x2d0: {  	v13 =	vmul.f32 v16, v13  }
0x2d1: {  	s29 =	sadd.s32 $0x1, s28  }
0x2d2: {  	[tilespmem:s25+$0xFFFFFF80] =	vst v13;
	v13 =	vmov s29  }
0x2d3: {  	v14 =	vld.idx.msk [tilespmem:v14+s20+$0x0], $0xffff;
	v13 =	vmul.u32 $0x50, v13  }
0x2d4: {  	v16 =	vld [tilespmem:s25+$0xFFFFFF90]  }
0x2d5: {  	v17 =	vadd.s32 $0x40, v13  }
0x2d6: {  	v17 =	vbroadcast v17, $0x0;
	_ =	sdelay $0x2  }
0x2d7: {  	v14 =	vmul.f32 v16, v14;
	_ =	sdelay $0x1  }
0x2d8: {  	[tilespmem:s25+$0xFFFFFF90] =	vst v14  }
0x2d9: {  	v14 =	vld.idx.msk [tilespmem:v17+s20+$0x0], $0xffff  }
0x2da: {  	v16 =	vld [tilespmem:s25+$0xFFFFFFB0]  }
0x2db: {  	v17 =	vadd.s32 $0x41, v13  }
0x2dc: {  	v17 =	vbroadcast v17, $0x0;
	_ =	sdelay $0x2  }
0x2dd: {  	v14 =	vmul.f32 v16, v14;
	_ =	sdelay $0x1  }
0x2de: {  	[tilespmem:s25+$0xFFFFFFB0] =	vst v14  }
0x2df: {  	v14 =	vld.idx.msk [tilespmem:v17+s20+$0x0], $0xffff  }
0x2e0: {  	v16 =	vld [tilespmem:s25+$0xFFFFFFC0]  }
0x2e1: {  	v17 =	vadd.s32 $0x42, v13  }
0x2e2: {  	v17 =	vbroadcast v17, $0x0;
	_ =	sdelay $0x2  }
0x2e3: {  	v14 =	vmul.f32 v16, v14;
	_ =	sdelay $0x1  }
0x2e4: {  	[tilespmem:s25+$0xFFFFFFC0] =	vst v14  }
0x2e5: {  	v14 =	vld.idx.msk [tilespmem:v17+s20+$0x0], $0xffff  }
0x2e6: {  	v16 =	vld [tilespmem:s25+$0xFFFFFFD0]  }
0x2e7: {  	v13 =	vadd.s32 $0x43, v13  }
0x2e8: {  	v13 =	vbroadcast v13, $0x0;
	_ =	sdelay $0x2  }
0x2e9: {  	v14 =	vmul.f32 v16, v14  }
0x2ea: {  	s29 =	sadd.s32 $0x2, s28  }
0x2eb: {  	[tilespmem:s25+$0xFFFFFFD0] =	vst v14;
	v14 =	vmov s29  }
0x2ec: {  	v13 =	vld.idx.msk [tilespmem:v13+s20+$0x0], $0xffff;
	v14 =	vmul.u32 $0x50, v14  }
0x2ed: {  	v16 =	vld [tilespmem:s25+$0xFFFFFFE0]  }
0x2ee: {  	v17 =	vadd.s32 $0x40, v14  }
0x2ef: {  	v17 =	vbroadcast v17, $0x0;
	_ =	sdelay $0x2  }
0x2f0: {  	v13 =	vmul.f32 v16, v13;
	_ =	sdelay $0x1  }
0x2f1: {  	[tilespmem:s25+$0xFFFFFFE0] =	vst v13  }
0x2f2: {  	v13 =	vld.idx.msk [tilespmem:v17+s20+$0x0], $0xffff  }
0x2f3: {  	v16 =	vld [tilespmem:s25+$0x0]  }
0x2f4: {  	v17 =	vadd.s32 $0x41, v14  }
0x2f5: {  	v17 =	vbroadcast v17, $0x0;
	_ =	sdelay $0x2  }
0x2f6: {  	v13 =	vmul.f32 v16, v13;
	_ =	sdelay $0x1  }
0x2f7: {  	[tilespmem:s25+$0x0] =	vst v13  }
0x2f8: {  	v13 =	vld.idx.msk [tilespmem:v17+s20+$0x0], $0xffff  }
0x2f9: {  	v16 =	vld [tilespmem:s25+$0x10]  }
0x2fa: {  	v17 =	vadd.s32 $0x42, v14  }
0x2fb: {  	v17 =	vbroadcast v17, $0x0;
	_ =	sdelay $0x2  }
0x2fc: {  	v13 =	vmul.f32 v16, v13;
	_ =	sdelay $0x1  }
0x2fd: {  	[tilespmem:s25+$0x10] =	vst v13  }
0x2fe: {  	v13 =	vld.idx.msk [tilespmem:v17+s20+$0x0], $0xffff  }
0x2ff: {  	v16 =	vld [tilespmem:s25+$0x20]  }
0x300: {  	v14 =	vadd.s32 $0x43, v14  }
0x301: {  	v14 =	vbroadcast v14, $0x0;
	_ =	sdelay $0x2  }
0x302: {  	v13 =	vmul.f32 v16, v13  }
0x303: {  	s29 =	sadd.s32 $0x3, s28  }
0x304: {  	[tilespmem:s25+$0x20] =	vst v13;
	v13 =	vmov s29  }
0x305: {  	v14 =	vld.idx.msk [tilespmem:v14+s20+$0x0], $0xffff;
	v13 =	vmul.u32 $0x50, v13  }
0x306: {  	v16 =	vld [tilespmem:s25+$0x30]  }
0x307: {  	v17 =	vadd.s32 $0x40, v13  }
0x308: {  	v17 =	vbroadcast v17, $0x0;
	_ =	sdelay $0x2  }
0x309: {  	v14 =	vmul.f32 v16, v14;
	_ =	sdelay $0x1  }
0x30a: {  	[tilespmem:s25+$0x30] =	vst v14  }
0x30b: {  	v14 =	vld.idx.msk [tilespmem:v17+s20+$0x0], $0xffff  }
0x30c: {  	v16 =	vld [tilespmem:s25+$0x50]  }
0x30d: {  	v17 =	vadd.s32 $0x41, v13  }
0x30e: {  	v17 =	vbroadcast v17, $0x0;
	_ =	sdelay $0x2  }
0x30f: {  	v14 =	vmul.f32 v16, v14;
	_ =	sdelay $0x1  }
0x310: {  	[tilespmem:s25+$0x50] =	vst v14  }
0x311: {  	v14 =	vld.idx.msk [tilespmem:v17+s20+$0x0], $0xffff  }
0x312: {  	v16 =	vld [tilespmem:s25+$0x60]  }
0x313: {  	v17 =	vadd.s32 $0x42, v13  }
0x314: {  	v17 =	vbroadcast v17, $0x0;
	_ =	sdelay $0x2  }
0x315: {  	v14 =	vmul.f32 v16, v14;
	_ =	sdelay $0x1  }
0x316: {  	[tilespmem:s25+$0x60] =	vst v14  }
0x317: {  	v14 =	vld.idx.msk [tilespmem:v17+s20+$0x0], $0xffff  }
0x318: {  	v16 =	vld [tilespmem:s25+$0x70]  }
0x319: {  	v13 =	vadd.s32 $0x43, v13  }
.Ltmp0:
0x31a: {  	v13 =	vbroadcast v13, $0x0;
	(pc) =	sbr.rel @p0 .LBB2_3-.Ltmp0, $3  }
0x31b: {  	_ =	sdelay $0x1  }
0x31c: {  	v14 =	vmul.f32 v16, v14  }
0x31d: {  	s28 =	sadd.s32 $0x4, s28  }
0x31e: {  	_ =	sdelay $0x2  }
0x31f: {  	[tilespmem:s25+$0x70] =	vst v14;
	v14 =	vld [tilespmem:s25+$0x80]  }
0x320: {  	v13 =	vld.idx.msk [tilespmem:v13+s20+$0x0], $0xffff;
	_ =	sdelay $0x4  }
0x321: {  	s24 =	sadd.s32 $0x1, s24;
	v13 =	vmul.f32 v14, v13  }
0x322: {  	p0 =	sne.s32 s24, $0xFA  }
.Ltmp1:
0x323: {  	[tilespmem:s25+$0x80] =	vst v13;
	(pc) =	sbr.rel @p0 .LBB2_2-.Ltmp1, $4  }
0x324: {  	[spmem:s2] =	stream.indirect.scatter.add.f32 [tilespmem:s20], [sflag:$0x2], $0x50, s18, s18, $0xb8;
	[tilespmem:$0x1AF00] =	vst v63  }
0x325: {  	_ =	swait.ge [sflag:s16], $0x1900  }
0x326: {  	[sflag:s16] =	ssyncset.done $0x0  }
0x327: {  	[sflag:s16] =	ssyncadd.s32 $0xFFFFE700  }
0x328: {  	s23 =	sadd.s32 $0x1, s23  }
0x329: {  	p0 =	sne.s32 s23, s14  }
.Ltmp2:
0x32a: {  	[bflag:$0x0] =	sbarrier.arrive $0xFFFF;
	(pc) =	sbr.rel @p0 .LBB2_1-.Ltmp2, $4  }
0x32b: {  	[hbm:s13], [sflag:s11] =	dma.local [spmem:s15], $0x3200  }
0x32c: {  	_ =	swait.ge [sflag:s16], $0x3200  }
0x32d: {  	[sflag:s16] =	ssyncset.done $0x0  }
0x32e: {  	[sflag:s16] =	ssyncadd.s32 $0xFFFFCE00  }
0x32f: {  	_ =	sfence.sel $0x180000  }
0x330: {  	[bflag:$0x0] =	sbarrier.arrive $0xFFFF  }
0x331: {  	p0 =	sne.s32 s4, $0x0;
	_ =	strace $0x9000004A  }
0x332: {  	s0 =	sadd.s32 @!p0 $0x100000, s1;
	[bflag:$0x2] =	sbarrier.arrive $0xFFFF  }
0x333: {  	[sflag:s0] =	ssyncadd.tile.s32 @!p0 $0x1;
	_ =	shalt  }
.Lfunc_end2:
_tile_overlayer_lowered:
.L_overlay_start_2:
0x334: {  	(tag) =	ssettag $0x2  }
0x335: {  	s0 =	rddreg [dreg:$0x0];
	s2 =	stileid.u32  }
0x336: {  	s1 =	rddreg [dreg:$0x1];
	p0 =	sne.s32 s2, $0x0  }
0x337: {  	s3 =	rddreg [dreg:$0x2];
	[bflag:$0x3] =	sbarrier.arrive $0xFFFF;
	s2 =	simm.s32 @!p0 $0x1C02  }
0x338: {  	[timem:s3], [sflag:s2] =	dma.local @!p0 [hbm:s0], s1  }
0x339: {  	s0 =	simm.s32 @!p0 $0x2  }
0x33a: {  	_ =	swait.ge @!p0 [sflag:s0], s1  }
0x33b: {  	s1 =	ssub.s32 @!p0 $0x0, s1;
	[sflag:s0] =	ssyncset.done @!p0 $0x0  }
0x33c: {  	[sflag:s0] =	ssyncadd.s32 @!p0 s1  }
0x33d: {  	[bflag:$0x3] =	sbarrier.arrive $0xFFFF  }
0x33e: {  	_ =	shalt  }

// kernel: kernel.7.cloned.1.call-start
scs
__scs_entry_jumppad:
0x0: {  	(pc) =	sbr.rel $0x88, $3  }
0x1: {  	(tag) =	ssettag $0x0;
	lr =	simm.s32 $0x1  }
0x2: {  	[smem:$0x3F8A] =	sst lr;
	_ =	strace $0xD0000000  }
0x3: {  	_ = 	snop  }
0x4: {  	_ = 	snop  }
0x5: {  	_ = 	snop  }
0x6: {  	_ = 	snop  }
0x7: {  	_ = 	snop  }
__scs_overlays_trampoline_lowered:
0x8: {  	[smem:$0x3F99] =	sst s0  }
0x9: {  	[smem:$0x3F9A] =	sst s1  }
0xa: {  	[smem:$0x3F9B] =	sst s2  }
0xb: {  	[smem:$0x3F9C] =	sst s3  }
0xc: {  	[smem:$0x3F9D] =	sst s4  }
0xd: {  	[smem:$0x3F9E] =	sst s5  }
0xe: {  	[smem:$0x3F9F] =	sst s6  }
0xf: {  	[smem:$0x3FA0] =	sst s7  }
0x10: {  	[smem:$0x3FA1] =	sst s8  }
0x11: {  	[smem:$0x3FA2] =	sst s9;
	s0 =	simm.s32 @!p0 $0x0  }
0x12: {  	s1 =	sld [smem:$0x3F88];
	s0 =	simm.s32 @p0 $0x1  }
0x13: {  	[smem:$0x3FA3] =	sst s0;
	s0 =	simm.s32 @!p1 $0x0  }
0x14: {  	s2 =	sld [smem:$0x3F87];
	s0 =	simm.s32 @p1 $0x1  }
0x15: {  	[smem:$0x3FA4] =	sst s0;
	s0 =	simm.s32 @!p2 $0x0  }
0x16: {  	s3 =	sld [smem:$0x3FDB];
	s0 =	simm.s32 @p2 $0x1  }
0x17: {  	s4 =	simm.s32 $0x1BF5;
	[smem:$0x3FA6] =	sst s0  }
0x18: {  	s0 =	sld [smem:$0x3F89];
	_ =	swait.ge [sflag:s4], $0x0  }
0x19: {  	s7 =	sld [smem:$0x3F8A]  }
0x1a: {  	s8 =	sadd.s32 $0xFFFFE003, lr  }
0x1b: {  	s9 =	sadd.s32 $0xFFFFFEF7, lr;
	s5 =	simm.s32 $0xFFFFFFFF;
	p2 =	slt.u32 s8, $0xFFFFF086  }
0x1c: {  	p1 =	slt.u32 s9, $0xF7A;
	s5 =	simm.s32 @!p2 $0x0  }
0x1d: {  	s5 =	simm.s32 @p1 $0x1;
	p0 =	seq.s32 s7, s2  }
0x1e: {  	s7 =	smul.u32 @!p0 $0xF7A, s2;
	p2 =	seq.s32 @!p0 s5, $0x0  }
0x1f: {  	s9 =	smul.u32 $0xF7A, s1;
	s8 =	simm.s32 @!p0 $0x1BF5;
	p2 =	por !p2, p0  }
0x20: {  	[sflag:s8] =	ssyncset.s32 @!p0 $0xFFFFF086;
	s6 =	sadd.s32 @!p0 s3, s7;
	s7 =	simm.s32 @!p0 $0x108  }
0x21: {  	s3 =	sadd.s32 s3, s9;
	s6 =	sadd.s32 @!p0 $0x88, s6;
	s7 =	simm.s32 @p2 $0x1082  }
0x22: {  	[simem:s7], [sflag:s8] =	dma.local @!p0 [hbm:s6], $0xF7A  }
0x23: {  	s9 =	sor.u32 $0xD0000000, s2;
	s6 =	simm.s32 $0x108;
	_ =	swait.ge @!p0 [sflag:s8], $0x0  }
0x24: {  	s3 =	sadd.s32 $0x88, s3;
	s6 =	simm.s32 @!p1 $0x1082;
	[sflag:s4] =	ssyncset.s32 $0xFFFFF086  }
0x25: {  	[simem:s6], [sflag:s4] =	dma.local [hbm:s3], $0xF7A  }
0x26: {  	[smem:$0x3F8A] =	sst s1;
	(tag) =	ssettag s2;
	_ =	strace s9  }
0x27: {  	s1 =	sld [smem:$0x3F9A]  }
0x28: {  	s2 =	sld [smem:$0x3F9B]  }
0x29: {  	s4 =	sld [smem:$0x3F9D]  }
0x2a: {  	p0 =	seq.s32 s5, $0x0;
	s5 =	sld [smem:$0x3F9E]  }
0x2b: {  	s6 =	sld [smem:$0x3F9F]  }
0x2c: {  	s7 =	sld [smem:$0x3FA0]  }
0x2d: {  	s3 =	simm.s32 $0x108;
	s8 =	sld [smem:$0x3FA1]  }
0x2e: {  	s3 =	simm.s32 @!p0 $0x1082;
	s9 =	sld [smem:$0x3FA2]  }
0x2f: {  	lr =	sadd.s32 s0, s3;
	s0 =	sld [smem:$0x3F99]  }
0x30: {  	s3 =	sld [smem:$0x3F9C]  }
0x31: {  	[smem:$0x3FA5] =	sst s10  }
0x32: {  	s10 =	sld [smem:$0x3FA3];
	_ =	sdelay $0x3  }
0x33: {  	p0 =	seq.s32 s10, $0x1;
	s10 =	sld [smem:$0x3FA5];
	_ =	sdelay $0x3  }
0x34: {  	[smem:$0x3FA5] =	sst s10  }
0x35: {  	s10 =	sld [smem:$0x3FA4];
	_ =	sdelay $0x3  }
0x36: {  	p1 =	seq.s32 s10, $0x1;
	s10 =	sld [smem:$0x3FA5];
	_ =	sdelay $0x3  }
0x37: {  	[smem:$0x3FA5] =	sst s10  }
0x38: {  	s10 =	sld [smem:$0x3FA6]  }
0x39: {  	_ = 	snop;
	(pc) =	sbr.ind lr, $3  }
0x3a: {  	_ = 	snop  }
0x3b: {  	_ = 	snop  }
0x3c: {  	p2 =	seq.s32 s10, $0x1;
	s10 =	sld [smem:$0x3FA5]  }
0x3d: {  	_ =	shalt  }
0x3e: {  	_ =	shalt  }
0x3f: {  	_ =	shalt  }
0x40: {  	_ =	shalt  }
0x41: {  	_ =	shalt  }
0x42: {  	_ =	shalt  }
0x43: {  	_ =	shalt  }
0x44: {  	_ =	shalt  }
0x45: {  	_ =	shalt  }
0x46: {  	_ =	shalt  }
0x47: {  	_ =	shalt  }
0x48: {  	_ =	shalt  }
0x49: {  	_ =	shalt  }
0x4a: {  	_ =	shalt  }
0x4b: {  	_ =	shalt  }
0x4c: {  	_ =	shalt  }
0x4d: {  	_ =	shalt  }
0x4e: {  	_ =	shalt  }
0x4f: {  	_ =	shalt  }
0x50: {  	_ =	shalt  }
0x51: {  	_ =	shalt  }
0x52: {  	_ =	shalt  }
0x53: {  	_ =	shalt  }
0x54: {  	_ =	shalt  }
0x55: {  	_ =	shalt  }
0x56: {  	_ =	shalt  }
0x57: {  	_ =	shalt  }
0x58: {  	_ =	shalt  }
0x59: {  	_ =	shalt  }
0x5a: {  	_ =	shalt  }
0x5b: {  	_ =	shalt  }
0x5c: {  	_ =	shalt  }
0x5d: {  	_ =	shalt  }
0x5e: {  	_ =	shalt  }
0x5f: {  	_ =	shalt  }
0x60: {  	_ =	shalt  }
0x61: {  	_ =	shalt  }
0x62: {  	_ =	shalt  }
0x63: {  	_ =	shalt  }
0x64: {  	_ =	shalt  }
0x65: {  	_ =	shalt  }
0x66: {  	_ =	shalt  }
0x67: {  	_ =	shalt  }
0x68: {  	_ =	shalt  }
0x69: {  	_ =	shalt  }
0x6a: {  	_ =	shalt  }
0x6b: {  	_ =	shalt  }
0x6c: {  	_ =	shalt  }
0x6d: {  	_ =	shalt  }
0x6e: {  	_ =	shalt  }
0x6f: {  	_ =	shalt  }
0x70: {  	_ =	shalt  }
0x71: {  	_ =	shalt  }
0x72: {  	_ =	shalt  }
0x73: {  	_ =	shalt  }
0x74: {  	_ =	shalt  }
0x75: {  	_ =	shalt  }
0x76: {  	_ =	shalt  }
0x77: {  	_ =	shalt  }
0x78: {  	_ =	shalt  }
0x79: {  	_ =	shalt  }
0x7a: {  	_ =	shalt  }
0x7b: {  	_ =	shalt  }
0x7c: {  	_ =	shalt  }
0x7d: {  	_ =	shalt  }
0x7e: {  	_ =	shalt  }
0x7f: {  	_ =	shalt  }
0x80: {  	_ =	shalt  }
0x81: {  	_ =	shalt  }
0x82: {  	_ =	shalt  }
0x83: {  	_ =	shalt  }
0x84: {  	_ =	shalt  }
0x85: {  	_ =	shalt  }
0x86: {  	_ =	shalt  }
0x87: {  	_ =	shalt  }
.Lfunc_end0:
.L_simem_size_0:
called_computation_lowered:
.L_overlay_start_0:
0x88: {  	s2 =	sld [smem:$0x3FD9]  }
0x89: {  	s3 =	sld [smem:$0x3FFE];
	_ =	sdelay $0x1  }
0x8a: {  	s1 =	srdreg.scid  }
0x8b: {  	s0 =	sand.u32 $0x1, s1  }
0x8c: {  	s17 =	sshll.u32 s0, $0xA;
	s2 =	sadd.s32 s3, s2  }
0x8d: {  	s2 =	sadd.s32 s2, s17  }
0x8e: {  	[smem:$0x3FB1] =	sst s2  }
0x8f: {  	_ = 	snop  }
0x90: {  	s2 =	sld [smem:$0x3FD0];
	(tm) =	ssettm $0x1  }
0x91: {  	s18 =	sld [smem:$0x3FFB];
	_ =	sdelay $0x3  }
0x92: {  	_ =	strace s18  }
0x93: {  	s3 =	sld [smem:$0x3FFC];
	_ =	sdelay $0x3  }
0x94: {  	_ =	strace s3  }
0x95: {  	s3 =	sld [smem:$0x3FFD];
	_ =	sdelay $0x3  }
0x96: {  	_ =	strace s3  }
0x97: {  	_ =	strace $0x8FFFFFFF  }
0x98: {  	s19 =	sld [smem:$0x3FDB];
	_ =	sdelay $0x1  }
0x99: {  	s4 =	simm.s32 $_scs_section_size  }
0x9a: {  	s5 =	simm.s32 $_size__tile_overlayer_lowered;
	s6 =	simm.s32 $_tile_overlayer_lowered  }
0x9b: {  	s22 =	simm.s32 $0x1BFF;
	s21 =	sshll.u32 s6, $0x1;
	s3 =	sadd.s32 s4, s19  }
0x9c: {  	s7 =	simm.s32 $0x0;
	s20 =	sshll.u32 s5, $0x1;
	s5 =	sadd.s32 s21, s3  }
0x9d: {  	[timem:s7], [sflag:s22] =	dma.local [hbm:s5], s20  }
0x9e: {  	_ =	swait.ge [sflag:s22], s20  }
0x9f: {  	s4 =	ssub.s32 $0x0, s20;
	[sflag:s22] =	ssyncset.done $0x0  }
0xa0: {  	[sflag:s22] =	ssyncadd.s32 s4;
	_ =	sdelay $0x1  }
0xa1: {  	s23 =	simm.s32 $0x1B8B  }
0xa2: {  	_ =	swait.ge [sflag:s23], $0x1  }
0xa3: {  	[sflag:s23] =	ssyncset.done $0x0  }
0xa4: {  	s25 =	simm.s32 $0x1B8E;
	s24 =	sld [smem:$0x3FFE];
	[sflag:s23] =	ssyncadd.s32 $0xFFFFFFFF  }
0xa5: {  	s26 =	simm.s32 $execute0_lowered;
	[smem:$0x3FD2] =	sst s25  }
0xa6: {  	s5 =	sshll.u32 s26, $0x1;
	_ =	strace $0x80000046;
	[dreg:$0x1] =	wrdreg $0xFFFFFFFF  }
0xa7: {  	s28 =	simm.s32 $_size_execute0_lowered;
	s3 =	sadd.s32 s3, s5;
	[dreg:$0x0] =	wrdreg $0x0  }
0xa8: {  	s5 =	sshll.u32 s28, $0x1;
	[dreg:$0x2] =	wrdreg s3  }
0xa9: {  	[dreg:$0x3] =	wrdreg s5  }
0xaa: {  	[dreg:$0x4] =	wrdreg $0xC0  }
0xab: {  	_ =	task [dreg:s7], $0x5FFFF  }
0xac: {  	[dreg:$0x1] =	wrdreg $0xFFFFFFFF  }
0xad: {  	[dreg:$0x0] =	wrdreg $0x60  }
0xae: {  	[dreg:$0x2] =	wrdreg s24  }
0xaf: {  	[dreg:$0x3] =	wrdreg s2  }
0xb0: {  	[dreg:$0x4] =	wrdreg $0x1F000  }
0xb1: {  	[dreg:$0x5] =	wrdreg $0x9  }
0xb2: {  	_ =	task.clear_ibuf [dreg:s7], $0x6FFFF;
	_ =	strace $0x90000046  }
0xb3: {  	s29 =	simm.s32 $0x9;
	_ =	strace $0x80000048  }
0xb4: {  	_ =	swait.ge [sflag:s29], $0x1  }
0xb5: {  	[sflag:s29] =	ssyncadd.s32 $0xFFFFFFFF  }
0xb6: {  	_ =	strace $0x90000048  }
0xb7: {  	_ =	sfence  }
0xb8: {  	s30 =	sld [smem:$0x0];
	_ =	sdelay $0x2  }
0xb9: {  	s31 =	sshll.u32 s1, $0xD;
	s1 =	sshrl.u32 s1, $0x2  }
0xba: {  	s3 =	sand.u32 $0x4000, s31;
	s1 =	sadd.s32 s1, s30  }
0xbb: {  	s0 =	sor.u32 s3, s0;
	s1 =	sshll.u32 s1, $0x11  }
0xbc: {  	s0 =	sor.u32 s1, s0  }
0xbd: {  	s0 =	sadd.s32 $0x8F2B, s0  }
0xbe: {  	[sflag:s0] =	ssyncadd.remote.s32 $0x1  }
0xbf: {  	_ =	sfence.sel $0xFFFF  }
0xc0: {  	[dreg:$0x0] =	wrdreg $0xFFFFFFFF;
	(pc) =	sbr.abs _section_cstart, $3  }
0xc1: {  	[dreg:$0x1] =	wrdreg $0xFFFFFFFF  }
0xc2: {  	_ =	task.clear_ibuf [dreg:s7], $0x2FFFF;
	_ =	strace $0x9FFFFFFF  }
0xc3: {  	(tm) =	ssettm $0x7FFFFFFF  }
tec
execute0_lowered:
.L_overlay_start_1:
0x0: {  	(tag) =	ssettag $0x1  }
0x1: {  	v0 =	vimm.s32 $0x43424140;
	vm0 =	vcmask $0xF00;
	vm14 =	vcmask $0x1F10  }
0x2: {  	vm11 =	vcmask $0x3330;
	v10 =	vlaneseq.u32;
	vm9 =	vcmask $0x3734  }
0x3: {  	v4 =	vimm.s32 $0x33323130;
	vm6 =	vcmask $0x300;
	vm8 =	vcmask $0x704  }
0x4: {  	v8 =	vimm.s32 $0x3020100;
	vm7 =	vcmask $0xB08;
	vm15 =	vcmask $0xF0C  }
0x5: {  	v9 =	vimm.s32 $0x13121110;
	vm10 =	vcmask $0x1714;
	vm2 =	vcmask $0x1B18  }
0x6: {  	vm5 =	vcmask $0x1F1C;
	v3 =	vunpack.c.0.s8.s32 v0;
	v0 =	vimm.s32 $0x93929190  }
0x7: {  	vm13 =	vcmask $0x2320;
	v5 =	vunpack.c.0.s8.s32 v0;
	v0 =	vimm.s32 $0xE3E2E1E0  }
0x8: {  	vm12 =	vcmask $0x2724;
	v1 =	vand.u32 $0xFF, v3;
	v6 =	vunpack.c.0.s8.s32 v0  }
0x9: {  	v11 =	vimm.s32 $0x53525150;
	v0 =	vnsel vm0, $0x133, v1;
	v1 =	vand.u32 $0xFF, v5  }
0xa: {  	vm0 =	vcmask $0x2F20;
	v0 =	vsel vm14, v1, v0;
	v1 =	vand.u32 $0xFF, v6  }
0xb: {  	vm4 =	vcmask $0x2B28;
	v12 =	vimm.s32 $0x83828180;
	v0 =	vsel vm0, v1, v0  }
0xc: {  	v13 =	vimm.s32 $0xF3F2F1F0;
	v2 =	vand.u32 $0x3, v10;
	v0 =	vsel vm11, $0x130, v0  }
0xd: {  	vm0 =	vcmask $0x3B38;
	v1 =	vimm.s32 $0x23222120;
	v0 =	vsel vm9, $0x131, v0  }
0xe: {  	[tilespmem:$0x1FF60] =	vst v2;
	v2 =	vsel vm0, $0x132, v0;
	v0 =	vunpack.c.0.s8.s32 v1;
	v1 =	vimm.s32 $0x273  }
0xf: {  	v14 =	vimm.s32 $0xC3C2C1C0;
	v15 =	vimm.s32 $0xD3D2D1D0;
	v7 =	vsel vm6, $0x180, v1  }
0x10: {  	vm3 =	vcmask $0x2F2C;
	v4 =	vunpack.c.0.s8.s32 v4;
	v7 =	vsel vm8, $0x181, v7  }
0x11: {  	v8 =	vunpack.c.0.s8.s32 v8;
	v9 =	vunpack.c.0.s8.s32 v9;
	v7 =	vsel vm7, $0x182, v7  }
0x12: {  	v11 =	vunpack.c.0.s8.s32 v11;
	vm0 =	vcmask $0x1310;
	v7 =	vsel vm15, $0x183, v7  }
0x13: {  	v12 =	vunpack.c.0.s8.s32 v12;
	v13 =	vunpack.c.0.s8.s32 v13;
	v7 =	vsel vm0, $0x1D0, v7  }
0x14: {  	v0 =	vsel vm14, v4, v0;
	v4 =	vsel vm10, $0x1D1, v7;
	v7 =	vsel vm14, v9, v8  }
0x15: {  	v14 =	vunpack.c.0.s8.s32 v14;
	v15 =	vunpack.c.0.s8.s32 v15;
	v0 =	vcombine.low v7, v0  }
0x16: {  	v3 =	vsel vm14, v11, v3;
	v11 =	vimm.s32 $0xB3B2B1B0;
	v4 =	vsel vm2, $0x1D2, v4  }
0x17: {  	vm1 =	vmmov vm5;
	v11 =	vunpack.c.0.s8.s32 v11;
	[tilespmem:$0x1FF70] =	vst v0;
	v0 =	vsel vm5, $0x1D3, v4  }
0x18: {  	v5 =	vsel vm14, v5, v12;
	v1 =	vsel vm6, $0x240, v1;
	v0 =	vsel vm13, $0x220, v0  }
0x19: {  	v8 =	vimm.s32 $0x63626160;
	v7 =	vsel vm12, $0x221, v0;
	v0 =	vimm.s32 $0x3B3  }
0x1a: {  	v9 =	vimm.s32 $0x73727170;
	v4 =	vshrl.u32 v10, $0x2;
	v10 =	vsel vm6, $0x2C0, v0  }
0x1b: {  	v8 =	vunpack.c.0.s8.s32 v8;
	v9 =	vunpack.c.0.s8.s32 v9;
	v10 =	vsel vm8, $0x2C1, v10  }
0x1c: {  	v12 =	vsel vm14, v15, v14;
	v1 =	vsel vm8, $0x241, v1;
	v10 =	vsel vm7, $0x2C2, v10  }
0x1d: {  	v8 =	vsel vm14, v9, v8;
	v9 =	vsel vm15, $0x2C3, v10;
	v10 =	vimm.s32 $0xA3A2A1A0  }
0x1e: {  	v7 =	vsel vm4, $0x222, v7;
	v9 =	vsel vm0, $0x310, v9;
	v10 =	vunpack.c.0.s8.s32 v10  }
0x1f: {  	v1 =	vsel vm7, $0x242, v1;
	v7 =	vsel vm3, $0x223, v7;
	v9 =	vsel vm10, $0x311, v9  }
0x20: {  	v10 =	vsel vm14, v11, v10;
	v11 =	vsel vm14, v13, v6;
	v6 =	vsel vm2, $0x312, v9  }
0x21: {  	v3 =	vcombine.low v3, v8;
	v7 =	vsel vm11, $0x270, v7;
	v6 =	vsel vm5, $0x313, v6  }
0x22: {  	v8 =	vor.u32 $0x4, v4;
	v7 =	vsel vm9, $0x271, v7;
	v6 =	vsel vm13, $0x360, v6  }
0x23: {  	v9 =	vimm.s32 $0x4F3;
	vm5 =	vcmask $0x3B38;
	v13 =	vsel vm12, $0x361, v6  }
0x24: {  	v9 =	vsel vm6, $0x400, v9;
	v6 =	vsel vm5, $0x272, v7;
	v7 =	vsel vm4, $0x362, v13  }
0x25: {  	v20 =	vor.u32 $0x14, v4;
	[tilespmem:$0x1FF80] =	vst v3;
	v9 =	vsel vm8, $0x401, v9;
	v3 =	vsel vm3, $0x363, v7  }
0x26: {  	v5 =	vcombine.low v5, v10;
	v9 =	vsel vm7, $0x402, v9;
	v3 =	vsel vm11, $0x3B0, v3  }
0x27: {  	v23 =	vor.u32 $0x18, v4;
	v7 =	vsel vm15, $0x403, v9;
	v3 =	vsel vm9, $0x3B1, v3  }
0x28: {  	[tilespmem:$0x1FF90] =	vst v8;
	v7 =	vsel vm0, $0x450, v7;
	v9 =	vsel vm5, $0x3B2, v3;
	v3 =	vand.u32 $0xFF, v5  }
0x29: {  	v26 =	vor.u32 $0x1C, v4;
	v7 =	vsel vm10, $0x451, v7;
	v5 =	vor.u32 $0x8, v4;
	[tilespmem:$0x1FFA0] =	vst v3  }
0x2a: {  	v8 =	vcombine.low v12, v11;
	v3 =	vsel vm2, $0x452, v7;
	[tilespmem:$0x1FFB0] =	vst v5;
	v5 =	vimm.s32 $0x633  }
0x2b: {  	v7 =	vimm.s32 $0x133;
	v3 =	vsel vm1, $0x453, v3;
	v5 =	vsel vm6, $0x540, v5  }
0x2c: {  	v7 =	vsel vm6, $0x100, v7;
	v3 =	vsel vm13, $0x4A0, v3;
	v5 =	vsel vm8, $0x541, v5  }
0x2d: {  	v7 =	vsel vm8, $0x101, v7;
	v3 =	vsel vm12, $0x4A1, v3;
	v5 =	vsel vm7, $0x542, v5  }
0x2e: {  	v7 =	vsel vm7, $0x102, v7;
	v3 =	vsel vm4, $0x4A2, v3;
	v5 =	vsel vm15, $0x543, v5  }
0x2f: {  	v7 =	vsel vm15, $0x103, v7;
	v3 =	vsel vm3, $0x4A3, v3;
	v5 =	vsel vm0, $0x590, v5  }
0x30: {  	v7 =	vsel vm0, $0x110, v7;
	v3 =	vsel vm11, $0x4F0, v3;
	v5 =	vsel vm10, $0x591, v5  }
0x31: {  	v7 =	vsel vm10, $0x111, v7;
	v3 =	vsel vm9, $0x4F1, v3;
	v5 =	vsel vm2, $0x592, v5  }
0x32: {  	v12 =	vsel vm5, $0x4F2, v3;
	v3 =	vsel vm1, $0x593, v5;
	v5 =	vsel vm2, $0x112, v7  }
0x33: {  	vm14 =	vmmov vm12;
	v3 =	vsel vm13, $0x5E0, v3;
	v5 =	vsel vm1, $0x113, v5  }
0x34: {  	v7 =	vand.u32 $0xFF, v8;
	v3 =	vsel vm14, $0x5E1, v3;
	v5 =	vsel vm13, $0x120, v5  }
0x35: {  	[tilespmem:$0x1FFC0] =	vst v7;
	v7 =	vor.u32 $0xC, v4;
	v3 =	vsel vm4, $0x5E2, v3;
	v5 =	vsel vm14, $0x121, v5  }
0x36: {  	[tilespmem:$0x1FFD0] =	vst v7;
	v7 =	vimm.s32 $0x773;
	v3 =	vsel vm3, $0x5E3, v3;
	v5 =	vsel vm4, $0x122, v5  }
0x37: {  	v7 =	vsel vm6, $0x680, v7;
	v3 =	vsel vm11, $0x630, v3;
	v5 =	vsel vm3, $0x123, v5  }
0x38: {  	v7 =	vsel vm8, $0x681, v7;
	v3 =	vsel vm9, $0x631, v3;
	v5 =	vsel vm11, $0x130, v5  }
0x39: {  	v7 =	vsel vm7, $0x682, v7;
	v15 =	vsel vm5, $0x632, v3;
	v3 =	vsel vm9, $0x131, v5  }
0x3a: {  	v29 =	vor.u32 $0x20, v4;
	v5 =	vsel vm15, $0x683, v7;
	v3 =	vsel vm5, $0x132, v3  }
0x3b: {  	v32 =	vor.u32 $0x24, v4;
	[tilespmem:$0x1FFE0] =	vst v3;
	v3 =	vsel vm0, $0x6D0, v5;
	v5 =	vimm.s32 $0x173  }
0x3c: {  	v7 =	vor.u32 $0x10, v4;
	v3 =	vsel vm10, $0x6D1, v3;
	v5 =	vsel vm6, $0x140, v5  }
0x3d: {  	[tilespmem:$0x1FFF0] =	vst v7;
	v7 =	vimm.s32 $0x8B3;
	v3 =	vsel vm2, $0x6D2, v3;
	v5 =	vsel vm8, $0x141, v5  }
0x3e: {  	v7 =	vsel vm6, $0x7C0, v7;
	v3 =	vsel vm1, $0x6D3, v3;
	v5 =	vsel vm7, $0x142, v5  }
0x3f: {  	v7 =	vsel vm8, $0x7C1, v7;
	v3 =	vsel vm13, $0x720, v3;
	v5 =	vsel vm15, $0x143, v5  }
0x40: {  	v7 =	vsel vm7, $0x7C2, v7;
	v3 =	vsel vm14, $0x721, v3;
	v5 =	vsel vm0, $0x150, v5  }
0x41: {  	v7 =	vsel vm15, $0x7C3, v7;
	v3 =	vsel vm4, $0x722, v3;
	v5 =	vsel vm10, $0x151, v5  }
0x42: {  	v7 =	vsel vm0, $0x810, v7;
	v3 =	vsel vm3, $0x723, v3;
	v5 =	vsel vm2, $0x152, v5  }
0x43: {  	v7 =	vsel vm10, $0x811, v7;
	v3 =	vsel vm11, $0x770, v3;
	v5 =	vsel vm1, $0x153, v5  }
0x44: {  	v7 =	vsel vm2, $0x812, v7;
	v3 =	vsel vm9, $0x771, v3;
	v5 =	vsel vm13, $0x160, v5  }
0x45: {  	v18 =	vsel vm5, $0x772, v3;
	v3 =	vsel vm14, $0x161, v5;
	v5 =	vsel vm1, $0x813, v7  }
0x46: {  	v7 =	vimm.s32 $0x1B3;
	v3 =	vsel vm4, $0x162, v3;
	v5 =	vsel vm13, $0x860, v5  }
0x47: {  	v7 =	vsel vm6, $0x180, v7;
	v3 =	vsel vm3, $0x163, v3;
	v5 =	vsel vm14, $0x861, v5  }
0x48: {  	v7 =	vsel vm8, $0x181, v7;
	v3 =	vsel vm11, $0x170, v3;
	v5 =	vsel vm4, $0x862, v5  }
0x49: {  	v7 =	vsel vm7, $0x182, v7;
	v3 =	vsel vm9, $0x171, v3;
	v5 =	vsel vm3, $0x863, v5  }
0x4a: {  	v19 =	vsel vm5, $0x172, v3;
	v3 =	vsel vm11, $0x8B0, v5;
	v5 =	vsel vm15, $0x183, v7  }
0x4b: {  	vm12 =	vmmov vm15;
	v3 =	vsel vm9, $0x8B1, v3;
	v5 =	vsel vm0, $0x190, v5  }
0x4c: {  	v21 =	vsel vm5, $0x8B2, v3;
	v3 =	vsel vm10, $0x191, v5;
	v5 =	vimm.s32 $0x9F3  }
0x4d: {  	v7 =	vimm.s32 $0x1F3;
	v3 =	vsel vm2, $0x192, v3;
	v5 =	vsel vm6, $0x900, v5  }
0x4e: {  	v7 =	vsel vm6, $0x1C0, v7;
	v3 =	vsel vm1, $0x193, v3;
	v5 =	vsel vm8, $0x901, v5  }
0x4f: {  	v7 =	vsel vm8, $0x1C1, v7;
	v3 =	vsel vm13, $0x1A0, v3;
	v5 =	vsel vm7, $0x902, v5  }
0x50: {  	v7 =	vsel vm7, $0x1C2, v7;
	v3 =	vsel vm14, $0x1A1, v3;
	v5 =	vsel vm15, $0x903, v5  }
0x51: {  	v7 =	vsel vm15, $0x1C3, v7;
	v3 =	vsel vm4, $0x1A2, v3;
	v5 =	vsel vm0, $0x950, v5  }
0x52: {  	v7 =	vsel vm0, $0x1D0, v7;
	v3 =	vsel vm3, $0x1A3, v3;
	v5 =	vsel vm10, $0x951, v5  }
0x53: {  	v7 =	vsel vm10, $0x1D1, v7;
	v3 =	vsel vm11, $0x1B0, v3;
	v5 =	vsel vm2, $0x952, v5  }
0x54: {  	v7 =	vsel vm2, $0x1D2, v7;
	v3 =	vsel vm9, $0x1B1, v3;
	v5 =	vsel vm1, $0x953, v5  }
0x55: {  	v22 =	vsel vm5, $0x1B2, v3;
	v3 =	vsel vm13, $0x9A0, v5;
	v5 =	vsel vm1, $0x1D3, v7  }
0x56: {  	vm15 =	vmmov vm11;
	v3 =	vsel vm14, $0x9A1, v3;
	v5 =	vsel vm13, $0x1E0, v5  }
0x57: {  	v7 =	vimm.s32 $0xB33;
	v3 =	vsel vm4, $0x9A2, v3;
	v5 =	vsel vm14, $0x1E1, v5  }
0x58: {  	v7 =	vsel vm6, $0xA40, v7;
	v3 =	vsel vm3, $0x9A3, v3;
	v5 =	vsel vm4, $0x1E2, v5  }
0x59: {  	v7 =	vsel vm8, $0xA41, v7;
	v3 =	vsel vm11, $0x9F0, v3;
	v5 =	vsel vm3, $0x1E3, v5  }
0x5a: {  	v7 =	vsel vm7, $0xA42, v7;
	v3 =	vsel vm9, $0x9F1, v3;
	v5 =	vsel vm11, $0x1F0, v5  }
0x5b: {  	v24 =	vsel vm5, $0x9F2, v3;
	v3 =	vsel vm9, $0x1F1, v5;
	v5 =	vsel vm12, $0xA43, v7  }
0x5c: {  	v25 =	vsel vm5, $0x1F2, v3;
	v3 =	vsel vm0, $0xA90, v5;
	v5 =	vimm.s32 $0x233  }
0x5d: {  	vm11 =	vmmov vm9;
	v3 =	vsel vm10, $0xA91, v3;
	v5 =	vsel vm6, $0x200, v5  }
0x5e: {  	v7 =	vimm.s32 $0xC73;
	v3 =	vsel vm2, $0xA92, v3;
	v5 =	vsel vm8, $0x201, v5  }
0x5f: {  	v7 =	vsel vm6, $0xB80, v7;
	v3 =	vsel vm1, $0xA93, v3;
	v5 =	vsel vm7, $0x202, v5  }
0x60: {  	v7 =	vsel vm8, $0xB81, v7;
	v3 =	vsel vm13, $0xAE0, v3;
	v5 =	vsel vm12, $0x203, v5  }
0x61: {  	v7 =	vsel vm7, $0xB82, v7;
	v3 =	vsel vm14, $0xAE1, v3;
	v5 =	vsel vm0, $0x210, v5  }
0x62: {  	v7 =	vsel vm12, $0xB83, v7;
	v3 =	vsel vm4, $0xAE2, v3;
	v5 =	vsel vm10, $0x211, v5  }
0x63: {  	v7 =	vsel vm0, $0xBD0, v7;
	v3 =	vsel vm3, $0xAE3, v3;
	v5 =	vsel vm2, $0x212, v5  }
0x64: {  	v7 =	vsel vm10, $0xBD1, v7;
	v3 =	vsel vm15, $0xB30, v3;
	v5 =	vsel vm1, $0x213, v5  }
0x65: {  	v7 =	vsel vm2, $0xBD2, v7;
	v3 =	vsel vm11, $0xB31, v3;
	v5 =	vsel vm13, $0x220, v5  }
0x66: {  	v27 =	vsel vm5, $0xB32, v3;
	v3 =	vsel vm14, $0x221, v5;
	v5 =	vsel vm1, $0xBD3, v7  }
0x67: {  	v35 =	vor.u32 $0x28, v4;
	v3 =	vsel vm4, $0x222, v3;
	v5 =	vsel vm13, $0xC20, v5  }
0x68: {  	v38 =	vor.u32 $0x2C, v4;
	v3 =	vsel vm3, $0x223, v3;
	v5 =	vsel vm14, $0xC21, v5  }
0x69: {  	v0 =	vsel vm6, $0x380, v0;
	v3 =	vsel vm15, $0x230, v3;
	v5 =	vsel vm4, $0xC22, v5  }
0x6a: {  	v1 =	vsel vm12, $0x243, v1;
	v3 =	vsel vm11, $0x231, v3;
	v5 =	vsel vm3, $0xC23, v5  }
0x6b: {  	v1 =	vsel vm0, $0x250, v1;
	v28 =	vsel vm5, $0x232, v3;
	v3 =	vsel vm15, $0xC70, v5  }
0x6c: {  	v0 =	vsel vm8, $0x381, v0;
	v1 =	vsel vm10, $0x251, v1;
	v3 =	vsel vm11, $0xC71, v3  }
0x6d: {  	v1 =	vsel vm2, $0x252, v1;
	v30 =	vsel vm5, $0xC72, v3;
	v3 =	vimm.s32 $0xDB3  }
0x6e: {  	v1 =	vsel vm1, $0x253, v1;
	v5 =	vimm.s32 $0x2B3;
	v3 =	vsel vm6, $0xCC0, v3  }
0x6f: {  	v1 =	vsel vm13, $0x260, v1;
	v5 =	vsel vm6, $0x280, v5;
	v3 =	vsel vm8, $0xCC1, v3  }
0x70: {  	v1 =	vsel vm14, $0x261, v1;
	v5 =	vsel vm8, $0x281, v5;
	v3 =	vsel vm7, $0xCC2, v3  }
0x71: {  	v1 =	vsel vm4, $0x262, v1;
	v5 =	vsel vm7, $0x282, v5;
	v3 =	vsel vm12, $0xCC3, v3  }
0x72: {  	v1 =	vsel vm3, $0x263, v1;
	v5 =	vsel vm12, $0x283, v5;
	v3 =	vsel vm0, $0xD10, v3  }
0x73: {  	v1 =	vsel vm15, $0x270, v1;
	v5 =	vsel vm0, $0x290, v5;
	v3 =	vsel vm10, $0xD11, v3  }
0x74: {  	v1 =	vsel vm11, $0x271, v1;
	v5 =	vsel vm10, $0x291, v5;
	v3 =	vsel vm2, $0xD12, v3  }
0x75: {  	v31 =	vsel vm5, $0x272, v1;
	v1 =	vsel vm1, $0xD13, v3;
	v3 =	vsel vm2, $0x292, v5  }
0x76: {  	v0 =	vsel vm7, $0x382, v0;
	v1 =	vsel vm13, $0xD60, v1;
	v3 =	vsel vm1, $0x293, v3  }
0x77: {  	v5 =	vimm.s32 $0xEF3;
	v1 =	vsel vm14, $0xD61, v1;
	v3 =	vsel vm13, $0x2A0, v3  }
0x78: {  	v5 =	vsel vm6, $0xE00, v5;
	v1 =	vsel vm4, $0xD62, v1;
	v3 =	vsel vm14, $0x2A1, v3  }
0x79: {  	v5 =	vsel vm8, $0xE01, v5;
	v1 =	vsel vm3, $0xD63, v1;
	v3 =	vsel vm4, $0x2A2, v3  }
0x7a: {  	v5 =	vsel vm7, $0xE02, v5;
	v1 =	vsel vm15, $0xDB0, v1;
	v3 =	vsel vm3, $0x2A3, v3  }
0x7b: {  	v5 =	vsel vm12, $0xE03, v5;
	v1 =	vsel vm11, $0xDB1, v1;
	v3 =	vsel vm15, $0x2B0, v3  }
0x7c: {  	v33 =	vsel vm5, $0xDB2, v1;
	v1 =	vsel vm11, $0x2B1, v3;
	v3 =	vsel vm0, $0xE50, v5  }
0x7d: {  	v34 =	vsel vm5, $0x2B2, v1;
	v1 =	vsel vm10, $0xE51, v3;
	v3 =	vimm.s32 $0x2F3  }
0x7e: {  	v10 =	vor.u32 $0x48, v4;
	v1 =	vsel vm2, $0xE52, v1;
	v3 =	vsel vm6, $0x2C0, v3  }
0x7f: {  	v5 =	vimm.s32 $0x1033;
	v1 =	vsel vm1, $0xE53, v1;
	v3 =	vsel vm8, $0x2C1, v3  }
0x80: {  	v5 =	vsel vm6, $0xF40, v5;
	v1 =	vsel vm13, $0xEA0, v1;
	v3 =	vsel vm7, $0x2C2, v3  }
0x81: {  	v5 =	vsel vm8, $0xF41, v5;
	v1 =	vsel vm14, $0xEA1, v1;
	v3 =	vsel vm12, $0x2C3, v3  }
0x82: {  	v5 =	vsel vm7, $0xF42, v5;
	v1 =	vsel vm4, $0xEA2, v1;
	v3 =	vsel vm0, $0x2D0, v3  }
0x83: {  	v5 =	vsel vm12, $0xF43, v5;
	v1 =	vsel vm3, $0xEA3, v1;
	v3 =	vsel vm10, $0x2D1, v3  }
0x84: {  	v5 =	vsel vm0, $0xF90, v5;
	v1 =	vsel vm15, $0xEF0, v1;
	v3 =	vsel vm2, $0x2D2, v3  }
0x85: {  	v5 =	vsel vm10, $0xF91, v5;
	v1 =	vsel vm11, $0xEF1, v1;
	v3 =	vsel vm1, $0x2D3, v3  }
0x86: {  	v36 =	vsel vm5, $0xEF2, v1;
	v1 =	vsel vm13, $0x2E0, v3;
	v3 =	vsel vm2, $0xF92, v5  }
0x87: {  	v5 =	vimm.s32 $0x333;
	v1 =	vsel vm14, $0x2E1, v1;
	v3 =	vsel vm1, $0xF93, v3  }
0x88: {  	v5 =	vsel vm6, $0x300, v5;
	v1 =	vsel vm4, $0x2E2, v1;
	v3 =	vsel vm13, $0xFE0, v3  }
0x89: {  	v5 =	vsel vm8, $0x301, v5;
	v1 =	vsel vm3, $0x2E3, v1;
	v3 =	vsel vm14, $0xFE1, v3  }
0x8a: {  	v5 =	vsel vm7, $0x302, v5;
	v1 =	vsel vm15, $0x2F0, v1;
	v3 =	vsel vm4, $0xFE2, v3  }
0x8b: {  	v5 =	vsel vm12, $0x303, v5;
	v1 =	vsel vm11, $0x2F1, v1;
	v3 =	vsel vm3, $0xFE3, v3  }
0x8c: {  	v37 =	vsel vm5, $0x2F2, v1;
	v1 =	vsel vm15, $0x1030, v3;
	v3 =	vsel vm0, $0x310, v5  }
0x8d: {  	v0 =	vsel vm12, $0x383, v0;
	v1 =	vsel vm11, $0x1031, v1;
	v3 =	vsel vm10, $0x311, v3  }
0x8e: {  	v39 =	vsel vm5, $0x1032, v1;
	v1 =	vsel vm2, $0x312, v3;
	v3 =	vimm.s32 $0x1173  }
0x8f: {  	v5 =	vimm.s32 $0x373;
	v1 =	vsel vm1, $0x313, v1;
	v3 =	vsel vm6, $0x1080, v3  }
0x90: {  	v5 =	vsel vm6, $0x340, v5;
	v1 =	vsel vm13, $0x320, v1;
	v3 =	vsel vm8, $0x1081, v3  }
0x91: {  	v5 =	vsel vm8, $0x341, v5;
	v1 =	vsel vm14, $0x321, v1;
	v3 =	vsel vm7, $0x1082, v3  }
0x92: {  	v5 =	vsel vm7, $0x342, v5;
	v1 =	vsel vm4, $0x322, v1;
	v3 =	vsel vm12, $0x1083, v3  }
0x93: {  	v5 =	vsel vm12, $0x343, v5;
	v1 =	vsel vm3, $0x323, v1;
	v3 =	vsel vm0, $0x10D0, v3  }
0x94: {  	v5 =	vsel vm0, $0x350, v5;
	v1 =	vsel vm15, $0x330, v1;
	v3 =	vsel vm10, $0x10D1, v3  }
0x95: {  	v5 =	vsel vm10, $0x351, v5;
	v1 =	vsel vm11, $0x331, v1;
	v3 =	vsel vm2, $0x10D2, v3  }
0x96: {  	v40 =	vsel vm5, $0x332, v1;
	v1 =	vsel vm1, $0x10D3, v3;
	v3 =	vsel vm2, $0x352, v5  }
0x97: {  	v5 =	vimm.s32 $0x12B3;
	v1 =	vsel vm13, $0x1120, v1;
	v3 =	vsel vm1, $0x353, v3  }
0x98: {  	v5 =	vsel vm6, $0x11C0, v5;
	v1 =	vsel vm14, $0x1121, v1;
	v3 =	vsel vm13, $0x360, v3  }
0x99: {  	v5 =	vsel vm8, $0x11C1, v5;
	v1 =	vsel vm4, $0x1122, v1;
	v3 =	vsel vm14, $0x361, v3  }
0x9a: {  	v5 =	vsel vm7, $0x11C2, v5;
	v1 =	vsel vm3, $0x1123, v1;
	v3 =	vsel vm4, $0x362, v3  }
0x9b: {  	v5 =	vsel vm12, $0x11C3, v5;
	v1 =	vsel vm15, $0x1170, v1;
	v3 =	vsel vm3, $0x363, v3  }
0x9c: {  	v5 =	vsel vm0, $0x1210, v5;
	v1 =	vsel vm11, $0x1171, v1;
	v3 =	vsel vm15, $0x370, v3  }
0x9d: {  	v41 =	vsel vm5, $0x1172, v1;
	v1 =	vsel vm11, $0x371, v3;
	v3 =	vsel vm10, $0x1211, v5  }
0x9e: {  	v0 =	vsel vm0, $0x390, v0;
	v42 =	vsel vm5, $0x372, v1;
	v1 =	vsel vm2, $0x1212, v3  }
0x9f: {  	v0 =	vsel vm10, $0x391, v0;
	v3 =	vimm.s32 $0x13F3;
	v1 =	vsel vm1, $0x1213, v1  }
0xa0: {  	v0 =	vsel vm2, $0x392, v0;
	v3 =	vsel vm6, $0x1300, v3;
	v1 =	vsel vm13, $0x1260, v1  }
0xa1: {  	v0 =	vsel vm1, $0x393, v0;
	v3 =	vsel vm8, $0x1301, v3;
	v1 =	vsel vm14, $0x1261, v1  }
0xa2: {  	v8 =	vor.u32 $0x44, v4;
	v3 =	vsel vm7, $0x1302, v3;
	v1 =	vsel vm4, $0x1262, v1  }
0xa3: {  	v0 =	vsel vm13, $0x3A0, v0;
	v3 =	vsel vm12, $0x1303, v3;
	v1 =	vsel vm3, $0x1263, v1  }
0xa4: {  	v0 =	vsel vm14, $0x3A1, v0;
	v3 =	vsel vm0, $0x1350, v3;
	v1 =	vsel vm15, $0x12B0, v1  }
0xa5: {  	v0 =	vsel vm4, $0x3A2, v0;
	v3 =	vsel vm10, $0x1351, v3;
	v1 =	vsel vm11, $0x12B1, v1  }
0xa6: {  	v0 =	vsel vm3, $0x3A3, v0;
	v43 =	vsel vm5, $0x12B2, v1;
	v1 =	vsel vm2, $0x1352, v3  }
0xa7: {  	v0 =	vsel vm15, $0x3B0, v0;
	v3 =	vimm.s32 $0x3F3;
	v1 =	vsel vm1, $0x1353, v1  }
0xa8: {  	vm9 =	vmmov vm5;
	v3 =	vsel vm6, $0x3C0, v3;
	v1 =	vsel vm13, $0x13A0, v1  }
0xa9: {  	v0 =	vsel vm11, $0x3B1, v0;
	v3 =	vsel vm8, $0x3C1, v3;
	v1 =	vsel vm14, $0x13A1, v1  }
0xaa: {  	v44 =	vsel vm5, $0x3B2, v0;
	v3 =	vsel vm7, $0x3C2, v3;
	v1 =	vsel vm4, $0x13A2, v1  }
0xab: {  	v7 =	vor.u32 $0x40, v4;
	v3 =	vsel vm12, $0x3C3, v3;
	v1 =	vsel vm3, $0x13A3, v1  }
0xac: {  	v5 =	vimm.s32 $0x95944544;
	v0 =	vsel vm15, $0x13F0, v1;
	v1 =	vsel vm0, $0x3D0, v3  }
0xad: {  	v3 =	vimm.s32 $0x1533;
	v0 =	vsel vm11, $0x13F1, v0;
	v1 =	vsel vm10, $0x3D1, v1  }
0xae: {  	v45 =	vsel vm5, $0x13F2, v0;
	v0 =	vsel vm2, $0x3D2, v1;
	v1 =	vsel vm6, $0x1440, v3  }
0xaf: {  	v3 =	vimm.s32 $0x433;
	v0 =	vsel vm1, $0x3D3, v0;
	v1 =	vsel vm8, $0x1441, v1  }
0xb0: {  	v3 =	vsel vm6, $0x400, v3;
	v0 =	vsel vm13, $0x3E0, v0;
	v1 =	vsel vm7, $0x1442, v1  }
0xb1: {  	v3 =	vsel vm8, $0x401, v3;
	v0 =	vsel vm14, $0x3E1, v0;
	v1 =	vsel vm12, $0x1443, v1  }
0xb2: {  	v3 =	vsel vm7, $0x402, v3;
	v0 =	vsel vm4, $0x3E2, v0;
	v1 =	vsel vm0, $0x1490, v1  }
0xb3: {  	v3 =	vsel vm12, $0x403, v3;
	v0 =	vsel vm3, $0x3E3, v0;
	v1 =	vsel vm10, $0x1491, v1  }
0xb4: {  	v3 =	vsel vm0, $0x410, v3;
	v0 =	vsel vm15, $0x3F0, v0;
	v1 =	vsel vm2, $0x1492, v1  }
0xb5: {  	v3 =	vsel vm10, $0x411, v3;
	v0 =	vsel vm11, $0x3F1, v0;
	v1 =	vsel vm1, $0x1493, v1  }
0xb6: {  	v46 =	vsel vm5, $0x3F2, v0;
	v0 =	vsel vm13, $0x14E0, v1;
	v1 =	vsel vm2, $0x412, v3  }
0xb7: {  	v3 =	vimm.s32 $0x1673;
	v0 =	vsel vm14, $0x14E1, v0;
	v1 =	vsel vm1, $0x413, v1  }
0xb8: {  	v3 =	vsel vm6, $0x1580, v3;
	v0 =	vsel vm4, $0x14E2, v0;
	v1 =	vsel vm13, $0x420, v1  }
0xb9: {  	v3 =	vsel vm8, $0x1581, v3;
	v0 =	vsel vm3, $0x14E3, v0;
	v1 =	vsel vm14, $0x421, v1  }
0xba: {  	v3 =	vsel vm7, $0x1582, v3;
	v0 =	vsel vm15, $0x1530, v0;
	v1 =	vsel vm4, $0x422, v1  }
0xbb: {  	v3 =	vsel vm12, $0x1583, v3;
	v0 =	vsel vm11, $0x1531, v0;
	v1 =	vsel vm3, $0x423, v1  }
0xbc: {  	v47 =	vsel vm5, $0x1532, v0;
	v0 =	vsel vm15, $0x430, v1;
	v1 =	vsel vm0, $0x15D0, v3  }
0xbd: {  	v3 =	vimm.s32 $0x473;
	v0 =	vsel vm11, $0x431, v0;
	v1 =	vsel vm10, $0x15D1, v1  }
0xbe: {  	v48 =	vsel vm5, $0x432, v0;
	v0 =	vsel vm2, $0x15D2, v1;
	v1 =	vsel vm6, $0x440, v3  }
0xbf: {  	v3 =	vimm.s32 $0x17B3;
	v0 =	vsel vm1, $0x15D3, v0;
	v1 =	vsel vm8, $0x441, v1  }
0xc0: {  	v3 =	vsel vm6, $0x16C0, v3;
	v0 =	vsel vm13, $0x1620, v0;
	v1 =	vsel vm7, $0x442, v1  }
0xc1: {  	v3 =	vsel vm8, $0x16C1, v3;
	v0 =	vsel vm14, $0x1621, v0;
	v1 =	vsel vm12, $0x443, v1  }
0xc2: {  	v3 =	vsel vm7, $0x16C2, v3;
	v0 =	vsel vm4, $0x1622, v0;
	v1 =	vsel vm0, $0x450, v1  }
0xc3: {  	v3 =	vsel vm12, $0x16C3, v3;
	v0 =	vsel vm3, $0x1623, v0;
	v1 =	vsel vm10, $0x451, v1  }
0xc4: {  	v3 =	vsel vm0, $0x1710, v3;
	v0 =	vsel vm15, $0x1670, v0;
	v1 =	vsel vm2, $0x452, v1  }
0xc5: {  	v3 =	vsel vm10, $0x1711, v3;
	v0 =	vsel vm11, $0x1671, v0;
	v1 =	vsel vm1, $0x453, v1  }
0xc6: {  	v49 =	vsel vm5, $0x1672, v0;
	v0 =	vsel vm13, $0x460, v1;
	v1 =	vsel vm2, $0x1712, v3  }
0xc7: {  	v3 =	vimm.s32 $0x4B3;
	v0 =	vsel vm14, $0x461, v0;
	v1 =	vsel vm1, $0x1713, v1  }
0xc8: {  	v3 =	vsel vm6, $0x480, v3;
	v0 =	vsel vm4, $0x462, v0;
	v1 =	vsel vm13, $0x1760, v1  }
0xc9: {  	v3 =	vsel vm8, $0x481, v3;
	v0 =	vsel vm3, $0x463, v0;
	v1 =	vsel vm14, $0x1761, v1  }
0xca: {  	v3 =	vsel vm7, $0x482, v3;
	v0 =	vsel vm15, $0x470, v0;
	v1 =	vsel vm4, $0x1762, v1  }
0xcb: {  	v3 =	vsel vm12, $0x483, v3;
	v0 =	vsel vm11, $0x471, v0;
	v1 =	vsel vm3, $0x1763, v1  }
0xcc: {  	v50 =	vsel vm5, $0x472, v0;
	v0 =	vsel vm15, $0x17B0, v1;
	v1 =	vsel vm0, $0x490, v3  }
0xcd: {  	v5 =	vunpack.c.0.s8.s32 v5;
	v3 =	vimm.s32 $0x18F3;
	v1 =	vsel vm10, $0x491, v1  }
0xce: {  	v0 =	vsel vm11, $0x17B1, v0;
	v3 =	vsel vm6, $0x1800, v3;
	v1 =	vsel vm2, $0x492, v1  }
0xcf: {  	v3 =	vsel vm8, $0x1801, v3;
	v51 =	vsel vm5, $0x17B2, v0;
	v1 =	vsel vm1, $0x493, v1  }
0xd0: {  	vm5 =	vcmask $0xF00;
	v0 =	vsel vm13, $0x4A0, v1;
	v1 =	vsel vm7, $0x1802, v3  }
0xd1: {  	v3 =	vand.u32 $0xFF, v5;
	v0 =	vsel vm14, $0x4A1, v0;
	v1 =	vsel vm12, $0x1803, v1  }
0xd2: {  	v3 =	vnsel vm5, $0x275, v3;
	v0 =	vsel vm4, $0x4A2, v0;
	v1 =	vsel vm0, $0x1850, v1  }
0xd3: {  	v3 =	vsel vm0, $0xE4, v3;
	v0 =	vsel vm3, $0x4A3, v0;
	v1 =	vsel vm10, $0x1851, v1  }
0xd4: {  	v3 =	vsel vm10, $0xE5, v3;
	v0 =	vsel vm15, $0x4B0, v0;
	v1 =	vsel vm2, $0x1852, v1  }
0xd5: {  	v3 =	vsel vm2, $0x134, v3;
	v0 =	vsel vm11, $0x4B1, v0;
	v1 =	vsel vm1, $0x1853, v1  }
0xd6: {  	v52 =	vsel vm9, $0x4B2, v0;
	v0 =	vsel vm13, $0x18A0, v1;
	v1 =	vsel vm1, $0x135, v3  }
0xd7: {  	v5 =	vor.u32 $0x38, v4;
	v0 =	vsel vm14, $0x18A1, v0;
	v1 =	vsel vm13, $0x184, v1  }
0xd8: {  	vm5 =	vmmov vm15;
	v0 =	vsel vm4, $0x18A2, v0;
	v1 =	vsel vm14, $0x185, v1  }
0xd9: {  	vm15 =	vmor vm6, vm7;
	v0 =	vsel vm3, $0x18A3, v0;
	v1 =	vsel vm4, $0x1D4, v1  }
0xda: {  	vm15 =	vmor vm15, vm0;
	v0 =	vsel vm5, $0x18F0, v0;
	v1 =	vsel vm3, $0x1D5, v1  }
0xdb: {  	vm15 =	vmor vm15, vm2;
	v0 =	vsel vm11, $0x18F1, v0;
	v1 =	vsel vm5, $0x224, v1  }
0xdc: {  	v3 =	vimm.s32 $0x9F5;
	v53 =	vsel vm9, $0x18F2, v0;
	v0 =	vsel vm11, $0x225, v1  }
0xdd: {  	vm15 =	vmor vm15, vm13;
	v54 =	vsel vm9, $0x274, v0;
	v0 =	vimm.s32 $0x4F5  }
0xde: {  	v3 =	vsel vm6, $0x7C4, v3;
	vm15 =	vmor vm15, vm4;
	v0 =	vsel vm6, $0x2C4, v0  }
0xdf: {  	v3 =	vsel vm8, $0x7C5, v3;
	v1 =	vimm.s32 $0x775;
	v0 =	vsel vm8, $0x2C5, v0  }
0xe0: {  	vm15 =	vmor vm15, vm5;
	v1 =	vsel vm6, $0x544, v1;
	v0 =	vsel vm7, $0x314, v0  }
0xe1: {  	v3 =	vsel vm7, $0x814, v3;
	v1 =	vsel vm8, $0x545, v1;
	v0 =	vsel vm12, $0x315, v0  }
0xe2: {  	vm15 =	vmor vm15, vm9;
	v1 =	vsel vm7, $0x594, v1;
	v0 =	vsel vm0, $0x364, v0  }
0xe3: {  	v3 =	vsel vm12, $0x815, v3;
	v1 =	vsel vm12, $0x595, v1;
	v0 =	vsel vm10, $0x365, v0  }
0xe4: {  	v3 =	vsel vm0, $0x864, v3;
	v1 =	vsel vm0, $0x5E4, v1;
	v0 =	vsel vm2, $0x3B4, v0  }
0xe5: {  	v3 =	vsel vm10, $0x865, v3;
	v1 =	vsel vm10, $0x5E5, v1;
	v0 =	vsel vm1, $0x3B5, v0  }
0xe6: {  	v3 =	vsel vm2, $0x8B4, v3;
	v1 =	vsel vm2, $0x634, v1;
	v0 =	vsel vm13, $0x404, v0  }
0xe7: {  	v3 =	vsel vm1, $0x8B5, v3;
	v1 =	vsel vm1, $0x635, v1;
	v0 =	vsel vm14, $0x405, v0  }
0xe8: {  	v3 =	vsel vm13, $0x904, v3;
	v1 =	vsel vm13, $0x684, v1;
	v0 =	vsel vm4, $0x454, v0  }
0xe9: {  	v3 =	vsel vm14, $0x905, v3;
	v1 =	vsel vm14, $0x685, v1;
	v0 =	vsel vm3, $0x455, v0  }
0xea: {  	v3 =	vsel vm4, $0x954, v3;
	v1 =	vsel vm4, $0x6D4, v1;
	v0 =	vsel vm5, $0x4A4, v0  }
0xeb: {  	v3 =	vsel vm3, $0x955, v3;
	v1 =	vsel vm3, $0x6D5, v1;
	v0 =	vsel vm11, $0x4A5, v0  }
0xec: {  	v3 =	vsel vm5, $0x9A4, v3;
	v1 =	vsel vm5, $0x724, v1;
	v55 =	vsel vm9, $0x4F4, v0  }
0xed: {  	v0 =	vsel vm11, $0x725, v1;
	v1 =	vsel vm11, $0x9A5, v3;
	v3 =	vimm.s32 $0x1175  }
0xee: {  	v56 =	vsel vm9, $0x774, v0;
	v57 =	vsel vm9, $0x9F4, v1;
	v0 =	vimm.s32 $0xC75  }
0xef: {  	v1 =	vimm.s32 $0xEF5;
	v3 =	vsel vm6, $0xF44, v3;
	v0 =	vsel vm6, $0xA44, v0  }
0xf0: {  	v1 =	vsel vm6, $0xCC4, v1;
	v3 =	vsel vm8, $0xF45, v3;
	v0 =	vsel vm8, $0xA45, v0  }
0xf1: {  	v1 =	vsel vm8, $0xCC5, v1;
	v3 =	vsel vm7, $0xF94, v3;
	v0 =	vsel vm7, $0xA94, v0  }
0xf2: {  	v1 =	vsel vm7, $0xD14, v1;
	v3 =	vsel vm12, $0xF95, v3;
	v0 =	vsel vm12, $0xA95, v0  }
0xf3: {  	v1 =	vsel vm12, $0xD15, v1;
	v3 =	vsel vm0, $0xFE4, v3;
	v0 =	vsel vm0, $0xAE4, v0  }
0xf4: {  	v1 =	vsel vm0, $0xD64, v1;
	v3 =	vsel vm10, $0xFE5, v3;
	v0 =	vsel vm10, $0xAE5, v0  }
0xf5: {  	v1 =	vsel vm10, $0xD65, v1;
	v3 =	vsel vm2, $0x1034, v3;
	v0 =	vsel vm2, $0xB34, v0  }
0xf6: {  	v1 =	vsel vm2, $0xDB4, v1;
	v3 =	vsel vm1, $0x1035, v3;
	v0 =	vsel vm1, $0xB35, v0  }
0xf7: {  	v1 =	vsel vm1, $0xDB5, v1;
	v3 =	vsel vm13, $0x1084, v3;
	v0 =	vsel vm13, $0xB84, v0  }
0xf8: {  	v1 =	vsel vm13, $0xE04, v1;
	v3 =	vsel vm14, $0x1085, v3;
	v0 =	vsel vm14, $0xB85, v0  }
0xf9: {  	v1 =	vsel vm14, $0xE05, v1;
	v3 =	vsel vm4, $0x10D4, v3;
	v0 =	vsel vm4, $0xBD4, v0  }
0xfa: {  	v1 =	vsel vm4, $0xE54, v1;
	v3 =	vsel vm3, $0x10D5, v3;
	v0 =	vsel vm3, $0xBD5, v0  }
0xfb: {  	v1 =	vsel vm3, $0xE55, v1;
	v3 =	vsel vm5, $0x1124, v3;
	v0 =	vsel vm5, $0xC24, v0  }
0xfc: {  	v1 =	vsel vm5, $0xEA4, v1;
	vm5 =	vmmov vm8;
	v0 =	vsel vm11, $0xC25, v0  }
0xfd: {  	v58 =	vsel vm9, $0xC74, v0;
	v0 =	vsel vm11, $0xEA5, v1;
	v1 =	vsel vm11, $0x1125, v3  }
0xfe: {  	v3 =	vimm.s32 $0x18F5;
	vm11 =	vmmov vm1;
	v59 =	vsel vm9, $0xEF4, v0  }
0xff: {  	v60 =	vsel vm9, $0x1174, v1;
	v0 =	vimm.s32 $0x13F5;
	v1 =	vimm.s32 $0x1675  }
0x100: {  	v3 =	vsel vm6, $0x16C4, v3;
	vm9 =	vmmov vm10;
	v0 =	vsel vm6, $0x11C4, v0  }
0x101: {  	v1 =	vsel vm6, $0x1444, v1;
	v3 =	vsel vm8, $0x16C5, v3;
	vm6 =	vmmov vm7  }
0x102: {  	v0 =	vsel vm8, $0x11C5, v0;
	v1 =	vsel vm8, $0x1445, v1;
	v3 =	vsel vm7, $0x1714, v3  }
0x103: {  	vm8 =	vmmov vm0;
	v0 =	vsel vm7, $0x1214, v0;
	v1 =	vsel vm7, $0x1494, v1  }
0x104: {  	vm7 =	vmmov vm12;
	v3 =	vsel vm12, $0x1715, v3;
	v0 =	vsel vm12, $0x1215, v0  }
0x105: {  	s11 =	rddreg [dreg:$0x0];
	v1 =	vsel vm12, $0x1495, v1;
	v3 =	vsel vm0, $0x1764, v3;
	vm12 =	vmmov vm13  }
0x106: {  	s0 =	rddreg [dreg:$0x1];
	v0 =	vsel vm0, $0x1264, v0;
	v1 =	vsel vm0, $0x14E4, v1;
	v3 =	vsel vm10, $0x1765, v3  }
0x107: {  	s2 =	rddreg [dreg:$0x2];
	vm0 =	vcmask $0x3330;
	v0 =	vsel vm10, $0x1265, v0;
	v1 =	vsel vm10, $0x14E5, v1  }
0x108: {  	s1 =	rddreg [dreg:$0x3];
	s3 =	simm.s32 $0x0;
	vm10 =	vmmov vm2;
	v3 =	vsel vm2, $0x17B4, v3;
	v0 =	vsel vm2, $0x12B4, v0  }
0x109: {  	s5 =	srdreg.scid;
	s4 =	stileid.u32;
	s18 =	simm.s32 $0x50;
	v1 =	vsel vm2, $0x1534, v1;
	v3 =	vsel vm1, $0x17B5, v3;
	v0 =	vsel vm1, $0x12B5, v0  }
0x10a: {  	s19 =	simm.s32 $0xA0;
	s20 =	simm.s32 $0xF0;
	s21 =	simm.s32 $0x19F0;
	v1 =	vsel vm1, $0x1535, v1;
	v3 =	vsel vm13, $0x1804, v3;
	vm1 =	vmmov vm0  }
0x10b: {  	s22 =	simm.s32 $0x1;
	s12 =	sand.u32 $0x1, s5;
	s5 =	sadd.s32 $0x126600, s11;
	v0 =	vsel vm13, $0x1304, v0;
	v1 =	vsel vm13, $0x1584, v1;
	vm13 =	vmmov vm14  }
0x10c: {  	s23 =	simm.s32 $0x0;
	[smem:$0x7FF] =	sst s3;
	s6 =	sadd.s32 $0x14DE00, s11;
	v3 =	vsel vm14, $0x1805, v3;
	v0 =	vsel vm14, $0x1305, v0;
	v1 =	vsel vm14, $0x1585, v1  }
0x10d: {  	s13 =	smul.u32 $0x19000, s4;
	s7 =	sadd.s32 $0x13A400, s11;
	s8 =	sadd.s32 $0xEBA00, s11;
	vm14 =	vmmov vm4;
	v3 =	vsel vm4, $0x1854, v3;
	v0 =	vsel vm4, $0x1354, v0  }
0x10e: {  	s9 =	smul.u32 $0x190000, s12;
	s15 =	ssub.s32 $0x2, s12;
	s30 =	sshll.u32 s12, $0x4;
	v1 =	vsel vm4, $0x15D4, v1;
	vm4 =	vmmov vm3;
	v3 =	vsel vm3, $0x1855, v3  }
0x10f: {  	s31 =	sshll.u32 s4, $0x6;
	s29 =	sshrl.u32 s15, $0x1;
	s16 =	sor.u32 s4, s30;
	v0 =	vsel vm3, $0x1355, v0;
	v1 =	vsel vm3, $0x15D5, v1;
	vm3 =	vcmask $0x3734  }
0x110: {  	s17 =	sadd.s32 s13, s2;
	s10 =	sadd.s32 s13, s9;
	s9 =	sadd.s32 $0x11C800, s11;
	v3 =	vsel vm0, $0x18A4, v3;
	v0 =	vsel vm0, $0x13A4, v0;
	v1 =	vsel vm0, $0x1624, v1  }
0x111: {  	s15 =	ssub.s32 s15, s29;
	s12 =	smul.u32 $0x4E20, s16;
	s14 =	sshrl.u32 s10, $0x3;
	vm0 =	vcmask $0x3B38;
	vm2 =	vmmov vm3;
	v0 =	vsel vm3, $0x13A5, v0  }
0x112: {  	s16 =	simm.s32 $0x2;
	s10 =	sadd.s32 $0x13A200, s11;
	s14 =	sadd.s32 s14, s11;
	v61 =	vsel vm0, $0x13F4, v0;
	v0 =	vsel vm3, $0x1625, v1;
	v1 =	vsel vm3, $0x18A5, v3  }
0x113: {  	s11 =	sor.u32 $0x1C02, s31;
	s13 =	sadd.s32 $0x161800, s14;
	s14 =	smax.u32 s15, $0x1;
	vm3 =	vmmov vm0;
	v3 =	vor.u32 $0x3C, v4;
	v62 =	vsel vm0, $0x1674, v0  }
0x114: {  	s15 =	sshrl.u32 s17, $0x3;
	s17 =	simm.s32 $0x1EF0;
	_ =	strace $0x80000047;
	v63 =	vsel vm0, $0x18F4, v1;
	v1 =	vor.u32 $0x30, v4;
	v0 =	vor.u32 $0x34, v4  }
.LBB2_1:
0x115: {  	[spmem:s15], [sflag:s11] =	dma.local [hbm:s0], $0x3200  }
0x116: {  	_ =	swait.ge [sflag:s16], $0x3200  }
0x117: {  	[sflag:s16] =	ssyncset.done $0x0  }
0x118: {  	[sflag:s16] =	ssyncadd.s32 $0xFFFFCE00  }
0x119: {  	[tilespmem:s17], [sflag:$0x2] =	stream.linear.gather [hbm4b:s10+s3], $0x10, $0x38;
	[tilespmem:$0x1AF00] =	vst v63  }
0x11a: {  	_ =	swait.ge [sflag:s16], $0x10  }
0x11b: {  	[sflag:s16] =	ssyncset.done $0x0  }
0x11c: {  	[sflag:s16] =	ssyncadd.s32 $0xFFFFFFF0  }
0x11d: {  	[bflag:$0x0] =	sbarrier.arrive $0xFFFF  }
0x11e: {  	v11 =	vld [tilespmem:$0x1FF60];
	_ =	sdelay $0x7  }
0x11f: {  	s24 =	simm.s32 $0x0;
	v11 =	vld.idx.msk [tilespmem:v11+s17+$0x0], $0xffff  }
.LBB2_2:
0x120: {  	s25 =	smul.u32 $0x50, s24;
	_ =	sdelay $0x1  }
0x121: {  	s25 =	sadd.s32 s12, s25  }
0x122: {  	s26 =	sshrl.u32 s25, $0x3  }
0x123: {  	s31 =	simm.s32 $0x0;
	s28 =	sadd.s32 s5, s26  }
0x124: {  	[tilespmem:s31], [sflag:$0x2] =	stream.linear.gather [hbm4b:s28+s31], $0x50, $0x38;
	[tilespmem:$0x1AF00] =	vst v63  }
0x125: {  	_ =	swait.ge [sflag:s16], $0x50  }
0x126: {  	[sflag:s16] =	ssyncset.done $0x0  }
0x127: {  	s28 =	sadd.s32 s6, s26;
	[sflag:s16] =	ssyncadd.s32 $0xFFFFFFB0  }
0x128: {  	[tilespmem:s18], [sflag:$0x2] =	stream.linear.gather [hbm4b:s28+s31], $0x50, $0x38;
	[tilespmem:$0x1AF00] =	vst v63  }
0x129: {  	_ =	swait.ge [sflag:s16], $0x50  }
0x12a: {  	[sflag:s16] =	ssyncset.done $0x0  }
0x12b: {  	s26 =	sadd.s32 s7, s26;
	[sflag:s16] =	ssyncadd.s32 $0xFFFFFFB0  }
0x12c: {  	[tilespmem:s19], [sflag:$0x2] =	stream.linear.gather [hbm4b:s26+s31], $0x50, $0x38;
	[tilespmem:$0x1AF00] =	vst v63  }
0x12d: {  	_ =	swait.ge [sflag:s16], $0x50  }
0x12e: {  	[sflag:s16] =	ssyncset.done $0x0  }
0x12f: {  	[sflag:s16] =	ssyncadd.s32 $0xFFFFFFB0  }
0x130: {  	[tilespmem:s20], [sflag:$0x1] =	stream.indirect.gather [hbm4b:s8+s18], $0x50, s31, s18, $0xb8;
	[tilespmem:$0x1AF00] =	vst v63  }
0x131: {  	_ = 	snop  }
0x132: {  	[tilespmem:s21], [sflag:$0x1] =	stream.indirect.gather [hbm4b:s9+s18], $0x10, s18, s18, $0xb8;
	[tilespmem:$0x1AF00] =	vst v63  }
0x133: {  	_ =	swait.ge [sflag:s22], $0x1900  }
0x134: {  	[sflag:s22] =	ssyncset.done $0x0  }
0x135: {  	[sflag:s22] =	ssyncadd.s32 $0xFFFFE700  }
0x136: {  	_ =	swait.ge [sflag:s22], $0x500  }
0x137: {  	v14 =	vld [tilespmem:$0x1FF70];
	_ =	sdelay $0x3  }
0x138: {  	[sflag:s22] =	ssyncset.done $0x0  }
0x139: {  	[sflag:s22] =	ssyncadd.s32 $0xFFFFFB00  }
0x13a: {  	v13 =	vld.idx.msk [tilespmem:v2+s20+$0x0], $0xffff  }
0x13b: {  	v16 =	vld.idx.msk [tilespmem:v4+s19+$0x0], $0xffff  }
0x13c: {  	v14 =	vld.idx.msk [tilespmem:v14+s21+$0x0], $0xffff;
	_ =	sdelay $0x4  }
0x13d: {  	v13 =	vadd.f32 v14, v13;
	v14 =	vmul.f32 v16, v11;
	_ =	sdelay $0x1  }
0x13e: {  	v13 =	vadd.f32 v14, v13;
	_ =	sdelay $0x1  }
0x13f: {  	v14 =	vmul.f32 $2.000000030e-01, v13  }
0x140: {  	vm0 =	vgt.f32 v13, $0.0e+00  }
0x141: {  	v13 =	vsel vm0, v13, v14  }
0x142: {  	v13 =	vmul.f32 $1.442695020e+00, v13;
	_ =	sdelay $0x1  }
0x143: {  	(erf) = vpow2.f32 v13;
	_ =	sdelay $0x3  }
0x144: {  	v14 =	vld [tilespmem:$0x1FF80]  }
0x145: {  	v16 =	vld [tilespmem:$0x1FF90];
	_ =	sdelay $0x3  }
0x146: {  	v13 =	vpop (erf)  }
0x147: {  	[tilespmem:v2+s20+$0x0] =	vst.idx.msk $0xffff, v13  }
0x148: {  	v13 =	vld.idx.msk [tilespmem:v6+s20+$0x0], $0xffff  }
0x149: {  	v14 =	vld.idx.msk [tilespmem:v14+s21+$0x0], $0xffff  }
0x14a: {  	v16 =	vld.idx.msk [tilespmem:v16+s19+$0x0], $0xffff;
	_ =	sdelay $0x4  }
0x14b: {  	v13 =	vadd.f32 v14, v13;
	v14 =	vmul.f32 v16, v11;
	_ =	sdelay $0x1  }
0x14c: {  	v13 =	vadd.f32 v14, v13;
	_ =	sdelay $0x1  }
0x14d: {  	v14 =	vmul.f32 $2.000000030e-01, v13  }
0x14e: {  	vm0 =	vgt.f32 v13, $0.0e+00  }
0x14f: {  	v13 =	vsel vm0, v13, v14  }
0x150: {  	v13 =	vmul.f32 $1.442695020e+00, v13;
	_ =	sdelay $0x1  }
0x151: {  	(erf) = vpow2.f32 v13;
	_ =	sdelay $0x3  }
0x152: {  	v14 =	vld [tilespmem:$0x1FFA0]  }
0x153: {  	v16 =	vld [tilespmem:$0x1FFB0];
	_ =	sdelay $0x3  }
0x154: {  	v13 =	vpop (erf)  }
0x155: {  	[tilespmem:v6+s20+$0x0] =	vst.idx.msk $0xffff, v13  }
0x156: {  	v13 =	vld.idx.msk [tilespmem:v9+s20+$0x0], $0xffff  }
0x157: {  	v14 =	vld.idx.msk [tilespmem:v14+s21+$0x0], $0xffff  }
0x158: {  	v16 =	vld.idx.msk [tilespmem:v16+s19+$0x0], $0xffff;
	_ =	sdelay $0x4  }
0x159: {  	v13 =	vadd.f32 v14, v13;
	v14 =	vmul.f32 v16, v11;
	_ =	sdelay $0x1  }
0x15a: {  	v13 =	vadd.f32 v14, v13;
	_ =	sdelay $0x1  }
0x15b: {  	v14 =	vmul.f32 $2.000000030e-01, v13  }
0x15c: {  	vm0 =	vgt.f32 v13, $0.0e+00  }
0x15d: {  	v13 =	vsel vm0, v13, v14  }
0x15e: {  	v13 =	vmul.f32 $1.442695020e+00, v13;
	_ =	sdelay $0x1  }
0x15f: {  	(erf) = vpow2.f32 v13;
	_ =	sdelay $0x3  }
0x160: {  	v14 =	vld [tilespmem:$0x1FFC0]  }
0x161: {  	v16 =	vld [tilespmem:$0x1FFD0];
	_ =	sdelay $0x3  }
0x162: {  	v13 =	vpop (erf)  }
0x163: {  	[tilespmem:v9+s20+$0x0] =	vst.idx.msk $0xffff, v13  }
0x164: {  	v13 =	vld.idx.msk [tilespmem:v12+s20+$0x0], $0xffff  }
0x165: {  	v14 =	vld.idx.msk [tilespmem:v14+s21+$0x0], $0xffff  }
0x166: {  	v16 =	vld.idx.msk [tilespmem:v16+s19+$0x0], $0xffff;
	_ =	sdelay $0x4  }
0x167: {  	v13 =	vadd.f32 v14, v13;
	v14 =	vmul.f32 v16, v11;
	_ =	sdelay $0x1  }
0x168: {  	v13 =	vadd.f32 v14, v13;
	_ =	sdelay $0x1  }
0x169: {  	v14 =	vmul.f32 $2.000000030e-01, v13  }
0x16a: {  	vm0 =	vgt.f32 v13, $0.0e+00  }
0x16b: {  	v13 =	vsel vm0, v13, v14  }
0x16c: {  	v13 =	vmul.f32 $1.442695020e+00, v13;
	_ =	sdelay $0x1  }
0x16d: {  	(erf) = vpow2.f32 v13;
	_ =	sdelay $0x3  }
0x16e: {  	v14 =	vld [tilespmem:$0x1FFE0]  }
0x16f: {  	v16 =	vld [tilespmem:$0x1FFF0];
	_ =	sdelay $0x3  }
0x170: {  	v13 =	vpop (erf)  }
0x171: {  	[tilespmem:v12+s20+$0x0] =	vst.idx.msk $0xffff, v13  }
0x172: {  	v13 =	vld.idx.msk [tilespmem:v15+s20+$0x0], $0xffff  }
0x173: {  	v14 =	vld.idx.msk [tilespmem:v14+s21+$0x0], $0xffff  }
0x174: {  	v16 =	vld.idx.msk [tilespmem:v16+s19+$0x0], $0xffff;
	_ =	sdelay $0x4  }
0x175: {  	v13 =	vadd.f32 v14, v13;
	v14 =	vmul.f32 v16, v11;
	_ =	sdelay $0x1  }
0x176: {  	v13 =	vadd.f32 v14, v13;
	_ =	sdelay $0x1  }
0x177: {  	v14 =	vmul.f32 $2.000000030e-01, v13  }
0x178: {  	vm0 =	vgt.f32 v13, $0.0e+00  }
0x179: {  	v13 =	vsel vm0, v13, v14  }
0x17a: {  	v13 =	vmul.f32 $1.442695020e+00, v13;
	_ =	sdelay $0x1  }
0x17b: {  	(erf) = vpow2.f32 v13;
	_ =	sdelay $0x8  }
0x17c: {  	v13 =	vpop (erf)  }
0x17d: {  	[tilespmem:v15+s20+$0x0] =	vst.idx.msk $0xffff, v13  }
0x17e: {  	v13 =	vld.idx.msk [tilespmem:v18+s20+$0x0], $0xffff  }
0x17f: {  	v14 =	vld.idx.msk [tilespmem:v19+s21+$0x0], $0xffff  }
0x180: {  	v16 =	vld.idx.msk [tilespmem:v20+s19+$0x0], $0xffff;
	_ =	sdelay $0x4  }
0x181: {  	v13 =	vadd.f32 v14, v13;
	v14 =	vmul.f32 v16, v11;
	_ =	sdelay $0x1  }
0x182: {  	v13 =	vadd.f32 v14, v13;
	_ =	sdelay $0x1  }
0x183: {  	v14 =	vmul.f32 $2.000000030e-01, v13  }
0x184: {  	vm0 =	vgt.f32 v13, $0.0e+00  }
0x185: {  	v13 =	vsel vm0, v13, v14  }
0x186: {  	v13 =	vmul.f32 $1.442695020e+00, v13;
	_ =	sdelay $0x1  }
0x187: {  	(erf) = vpow2.f32 v13;
	_ =	sdelay $0x8  }
0x188: {  	v13 =	vpop (erf)  }
0x189: {  	[tilespmem:v18+s20+$0x0] =	vst.idx.msk $0xffff, v13  }
0x18a: {  	v13 =	vld.idx.msk [tilespmem:v21+s20+$0x0], $0xffff  }
0x18b: {  	v14 =	vld.idx.msk [tilespmem:v22+s21+$0x0], $0xffff  }
0x18c: {  	v16 =	vld.idx.msk [tilespmem:v23+s19+$0x0], $0xffff;
	_ =	sdelay $0x4  }
0x18d: {  	v13 =	vadd.f32 v14, v13;
	v14 =	vmul.f32 v16, v11;
	_ =	sdelay $0x1  }
0x18e: {  	v13 =	vadd.f32 v14, v13;
	_ =	sdelay $0x1  }
0x18f: {  	v14 =	vmul.f32 $2.000000030e-01, v13  }
0x190: {  	vm0 =	vgt.f32 v13, $0.0e+00  }
0x191: {  	v13 =	vsel vm0, v13, v14  }
0x192: {  	v13 =	vmul.f32 $1.442695020e+00, v13;
	_ =	sdelay $0x1  }
0x193: {  	(erf) = vpow2.f32 v13;
	_ =	sdelay $0x8  }
0x194: {  	v13 =	vpop (erf)  }
0x195: {  	[tilespmem:v21+s20+$0x0] =	vst.idx.msk $0xffff, v13  }
0x196: {  	v13 =	vld.idx.msk [tilespmem:v24+s20+$0x0], $0xffff  }
0x197: {  	v14 =	vld.idx.msk [tilespmem:v25+s21+$0x0], $0xffff  }
0x198: {  	v16 =	vld.idx.msk [tilespmem:v26+s19+$0x0], $0xffff;
	_ =	sdelay $0x4  }
0x199: {  	v13 =	vadd.f32 v14, v13;
	v14 =	vmul.f32 v16, v11;
	_ =	sdelay $0x1  }
0x19a: {  	v13 =	vadd.f32 v14, v13;
	_ =	sdelay $0x1  }
0x19b: {  	v14 =	vmul.f32 $2.000000030e-01, v13  }
0x19c: {  	vm0 =	vgt.f32 v13, $0.0e+00  }
0x19d: {  	v13 =	vsel vm0, v13, v14  }
0x19e: {  	v13 =	vmul.f32 $1.442695020e+00, v13;
	_ =	sdelay $0x1  }
0x19f: {  	(erf) = vpow2.f32 v13;
	_ =	sdelay $0x8  }
0x1a0: {  	v13 =	vpop (erf)  }
0x1a1: {  	[tilespmem:v24+s20+$0x0] =	vst.idx.msk $0xffff, v13  }
0x1a2: {  	v13 =	vld.idx.msk [tilespmem:v27+s20+$0x0], $0xffff  }
0x1a3: {  	v14 =	vld.idx.msk [tilespmem:v28+s21+$0x0], $0xffff  }
0x1a4: {  	v16 =	vld.idx.msk [tilespmem:v29+s19+$0x0], $0xffff;
	_ =	sdelay $0x4  }
0x1a5: {  	v13 =	vadd.f32 v14, v13;
	v14 =	vmul.f32 v16, v11;
	_ =	sdelay $0x1  }
0x1a6: {  	v13 =	vadd.f32 v14, v13;
	_ =	sdelay $0x1  }
0x1a7: {  	v14 =	vmul.f32 $2.000000030e-01, v13  }
0x1a8: {  	vm0 =	vgt.f32 v13, $0.0e+00  }
0x1a9: {  	v13 =	vsel vm0, v13, v14  }
0x1aa: {  	v13 =	vmul.f32 $1.442695020e+00, v13;
	_ =	sdelay $0x1  }
0x1ab: {  	(erf) = vpow2.f32 v13;
	_ =	sdelay $0x8  }
0x1ac: {  	v13 =	vpop (erf)  }
0x1ad: {  	[tilespmem:v27+s20+$0x0] =	vst.idx.msk $0xffff, v13  }
0x1ae: {  	v13 =	vld.idx.msk [tilespmem:v30+s20+$0x0], $0xffff  }
0x1af: {  	v14 =	vld.idx.msk [tilespmem:v31+s21+$0x0], $0xffff  }
0x1b0: {  	v16 =	vld.idx.msk [tilespmem:v32+s19+$0x0], $0xffff;
	_ =	sdelay $0x4  }
0x1b1: {  	v13 =	vadd.f32 v14, v13;
	v14 =	vmul.f32 v16, v11;
	_ =	sdelay $0x1  }
0x1b2: {  	v13 =	vadd.f32 v14, v13;
	_ =	sdelay $0x1  }
0x1b3: {  	v14 =	vmul.f32 $2.000000030e-01, v13  }
0x1b4: {  	vm0 =	vgt.f32 v13, $0.0e+00  }
0x1b5: {  	v13 =	vsel vm0, v13, v14  }
0x1b6: {  	v13 =	vmul.f32 $1.442695020e+00, v13;
	_ =	sdelay $0x1  }
0x1b7: {  	(erf) = vpow2.f32 v13;
	_ =	sdelay $0x8  }
0x1b8: {  	v13 =	vpop (erf)  }
0x1b9: {  	[tilespmem:v30+s20+$0x0] =	vst.idx.msk $0xffff, v13  }
0x1ba: {  	v13 =	vld.idx.msk [tilespmem:v33+s20+$0x0], $0xffff  }
0x1bb: {  	v14 =	vld.idx.msk [tilespmem:v34+s21+$0x0], $0xffff  }
0x1bc: {  	v16 =	vld.idx.msk [tilespmem:v35+s19+$0x0], $0xffff;
	_ =	sdelay $0x4  }
0x1bd: {  	v13 =	vadd.f32 v14, v13;
	v14 =	vmul.f32 v16, v11;
	_ =	sdelay $0x1  }
0x1be: {  	v13 =	vadd.f32 v14, v13;
	_ =	sdelay $0x1  }
0x1bf: {  	v14 =	vmul.f32 $2.000000030e-01, v13  }
0x1c0: {  	vm0 =	vgt.f32 v13, $0.0e+00  }
0x1c1: {  	v13 =	vsel vm0, v13, v14  }
0x1c2: {  	v13 =	vmul.f32 $1.442695020e+00, v13;
	_ =	sdelay $0x1  }
0x1c3: {  	(erf) = vpow2.f32 v13;
	_ =	sdelay $0x8  }
0x1c4: {  	v13 =	vpop (erf)  }
0x1c5: {  	[tilespmem:v33+s20+$0x0] =	vst.idx.msk $0xffff, v13  }
0x1c6: {  	v13 =	vld.idx.msk [tilespmem:v36+s20+$0x0], $0xffff  }
0x1c7: {  	v14 =	vld.idx.msk [tilespmem:v37+s21+$0x0], $0xffff  }
0x1c8: {  	v16 =	vld.idx.msk [tilespmem:v38+s19+$0x0], $0xffff;
	_ =	sdelay $0x4  }
0x1c9: {  	v13 =	vadd.f32 v14, v13;
	v14 =	vmul.f32 v16, v11;
	_ =	sdelay $0x1  }
0x1ca: {  	v13 =	vadd.f32 v14, v13;
	_ =	sdelay $0x1  }
0x1cb: {  	v14 =	vmul.f32 $2.000000030e-01, v13  }
0x1cc: {  	vm0 =	vgt.f32 v13, $0.0e+00  }
0x1cd: {  	v13 =	vsel vm0, v13, v14  }
0x1ce: {  	v13 =	vmul.f32 $1.442695020e+00, v13;
	_ =	sdelay $0x1  }
0x1cf: {  	(erf) = vpow2.f32 v13;
	_ =	sdelay $0x8  }
0x1d0: {  	v13 =	vpop (erf)  }
0x1d1: {  	[tilespmem:v36+s20+$0x0] =	vst.idx.msk $0xffff, v13  }
0x1d2: {  	v13 =	vld.idx.msk [tilespmem:v39+s20+$0x0], $0xffff  }
0x1d3: {  	v14 =	vld.idx.msk [tilespmem:v40+s21+$0x0], $0xffff  }
0x1d4: {  	v16 =	vld.idx.msk [tilespmem:v1+s19+$0x0], $0xffff;
	_ =	sdelay $0x4  }
0x1d5: {  	v13 =	vadd.f32 v14, v13;
	v14 =	vmul.f32 v16, v11;
	_ =	sdelay $0x1  }
0x1d6: {  	v13 =	vadd.f32 v14, v13;
	_ =	sdelay $0x1  }
0x1d7: {  	v14 =	vmul.f32 $2.000000030e-01, v13  }
0x1d8: {  	vm0 =	vgt.f32 v13, $0.0e+00  }
0x1d9: {  	v13 =	vsel vm0, v13, v14  }
0x1da: {  	v13 =	vmul.f32 $1.442695020e+00, v13;
	_ =	sdelay $0x1  }
0x1db: {  	(erf) = vpow2.f32 v13;
	_ =	sdelay $0x8  }
0x1dc: {  	v13 =	vpop (erf)  }
0x1dd: {  	[tilespmem:v39+s20+$0x0] =	vst.idx.msk $0xffff, v13  }
0x1de: {  	v13 =	vld.idx.msk [tilespmem:v41+s20+$0x0], $0xffff  }
0x1df: {  	v14 =	vld.idx.msk [tilespmem:v42+s21+$0x0], $0xffff  }
0x1e0: {  	v16 =	vld.idx.msk [tilespmem:v0+s19+$0x0], $0xffff;
	_ =	sdelay $0x4  }
0x1e1: {  	v13 =	vadd.f32 v14, v13;
	v14 =	vmul.f32 v16, v11;
	_ =	sdelay $0x1  }
0x1e2: {  	v13 =	vadd.f32 v14, v13;
	_ =	sdelay $0x1  }
0x1e3: {  	v14 =	vmul.f32 $2.000000030e-01, v13  }
0x1e4: {  	vm0 =	vgt.f32 v13, $0.0e+00  }
0x1e5: {  	v13 =	vsel vm0, v13, v14  }
0x1e6: {  	v13 =	vmul.f32 $1.442695020e+00, v13;
	_ =	sdelay $0x1  }
0x1e7: {  	(erf) = vpow2.f32 v13;
	_ =	sdelay $0x8  }
0x1e8: {  	v13 =	vpop (erf)  }
0x1e9: {  	[tilespmem:v41+s20+$0x0] =	vst.idx.msk $0xffff, v13  }
0x1ea: {  	v13 =	vld.idx.msk [tilespmem:v43+s20+$0x0], $0xffff  }
0x1eb: {  	v14 =	vld.idx.msk [tilespmem:v44+s21+$0x0], $0xffff  }
0x1ec: {  	v16 =	vld.idx.msk [tilespmem:v5+s19+$0x0], $0xffff;
	_ =	sdelay $0x4  }
0x1ed: {  	v13 =	vadd.f32 v14, v13;
	v14 =	vmul.f32 v16, v11;
	_ =	sdelay $0x1  }
0x1ee: {  	v13 =	vadd.f32 v14, v13;
	_ =	sdelay $0x1  }
0x1ef: {  	v14 =	vmul.f32 $2.000000030e-01, v13  }
0x1f0: {  	vm0 =	vgt.f32 v13, $0.0e+00  }
0x1f1: {  	v13 =	vsel vm0, v13, v14  }
0x1f2: {  	v13 =	vmul.f32 $1.442695020e+00, v13;
	_ =	sdelay $0x1  }
0x1f3: {  	(erf) = vpow2.f32 v13;
	_ =	sdelay $0x8  }
0x1f4: {  	v13 =	vpop (erf)  }
0x1f5: {  	[tilespmem:v43+s20+$0x0] =	vst.idx.msk $0xffff, v13  }
0x1f6: {  	v13 =	vld.idx.msk [tilespmem:v45+s20+$0x0], $0xffff  }
0x1f7: {  	v14 =	vld.idx.msk [tilespmem:v46+s21+$0x0], $0xffff  }
0x1f8: {  	v16 =	vld.idx.msk [tilespmem:v3+s19+$0x0], $0xffff;
	_ =	sdelay $0x4  }
0x1f9: {  	v13 =	vadd.f32 v14, v13;
	v14 =	vmul.f32 v16, v11;
	_ =	sdelay $0x1  }
0x1fa: {  	v13 =	vadd.f32 v14, v13;
	_ =	sdelay $0x1  }
0x1fb: {  	v14 =	vmul.f32 $2.000000030e-01, v13  }
0x1fc: {  	vm0 =	vgt.f32 v13, $0.0e+00  }
0x1fd: {  	v13 =	vsel vm0, v13, v14  }
0x1fe: {  	v13 =	vmul.f32 $1.442695020e+00, v13;
	_ =	sdelay $0x1  }
0x1ff: {  	(erf) = vpow2.f32 v13;
	_ =	sdelay $0x8  }
0x200: {  	v13 =	vpop (erf)  }
0x201: {  	[tilespmem:v45+s20+$0x0] =	vst.idx.msk $0xffff, v13  }
0x202: {  	v13 =	vld.idx.msk [tilespmem:v47+s20+$0x0], $0xffff  }
0x203: {  	v14 =	vld.idx.msk [tilespmem:v48+s21+$0x0], $0xffff  }
0x204: {  	v16 =	vld.idx.msk [tilespmem:v7+s19+$0x0], $0xffff;
	_ =	sdelay $0x4  }
0x205: {  	v13 =	vadd.f32 v14, v13;
	v14 =	vmul.f32 v16, v11;
	_ =	sdelay $0x1  }
0x206: {  	v13 =	vadd.f32 v14, v13;
	_ =	sdelay $0x1  }
0x207: {  	v14 =	vmul.f32 $2.000000030e-01, v13  }
0x208: {  	vm0 =	vgt.f32 v13, $0.0e+00  }
0x209: {  	v13 =	vsel vm0, v13, v14  }
0x20a: {  	v13 =	vmul.f32 $1.442695020e+00, v13;
	_ =	sdelay $0x1  }
0x20b: {  	(erf) = vpow2.f32 v13;
	_ =	sdelay $0x8  }
0x20c: {  	v13 =	vpop (erf)  }
0x20d: {  	[tilespmem:v47+s20+$0x0] =	vst.idx.msk $0xffff, v13  }
0x20e: {  	v13 =	vld.idx.msk [tilespmem:v49+s20+$0x0], $0xffff  }
0x20f: {  	v14 =	vld.idx.msk [tilespmem:v50+s21+$0x0], $0xffff  }
0x210: {  	v16 =	vld.idx.msk [tilespmem:v8+s19+$0x0], $0xffff;
	_ =	sdelay $0x4  }
0x211: {  	v13 =	vadd.f32 v14, v13;
	v14 =	vmul.f32 v16, v11;
	_ =	sdelay $0x1  }
0x212: {  	v13 =	vadd.f32 v14, v13;
	_ =	sdelay $0x1  }
0x213: {  	v14 =	vmul.f32 $2.000000030e-01, v13  }
0x214: {  	vm0 =	vgt.f32 v13, $0.0e+00  }
0x215: {  	v13 =	vsel vm0, v13, v14  }
0x216: {  	v13 =	vmul.f32 $1.442695020e+00, v13;
	_ =	sdelay $0x1  }
0x217: {  	(erf) = vpow2.f32 v13;
	_ =	sdelay $0x8  }
0x218: {  	v13 =	vpop (erf)  }
0x219: {  	[tilespmem:v49+s20+$0x0] =	vst.idx.msk $0xffff, v13  }
0x21a: {  	v13 =	vld.idx.msk [tilespmem:v51+s20+$0x0], $0xffff  }
0x21b: {  	v14 =	vld.idx.msk [tilespmem:v52+s21+$0x0], $0xffff  }
0x21c: {  	v16 =	vld.idx.msk [tilespmem:v10+s19+$0x0], $0xffff;
	_ =	sdelay $0x4  }
0x21d: {  	v13 =	vadd.f32 v14, v13;
	v14 =	vmul.f32 v16, v11;
	_ =	sdelay $0x1  }
0x21e: {  	vm0 =	vcmask $0x300;
	v13 =	vadd.f32 v14, v13;
	v14 =	vimm.s32 $0x4F3  }
0x21f: {  	v14 =	vsel vm0, $0x4C0, v14  }
0x220: {  	v14 =	vsel vm5, $0x4C1, v14;
	v16 =	vmul.f32 $2.000000030e-01, v13  }
0x221: {  	vm0 =	vgt.f32 v13, $0.0e+00;
	v14 =	vsel vm6, $0x4C2, v14  }
0x222: {  	v14 =	vsel vm7, $0x4C3, v14;
	v13 =	vsel vm0, v13, v16  }
0x223: {  	v14 =	vsel vm8, $0x4D0, v14;
	v13 =	vmul.f32 $1.442695020e+00, v13  }
0x224: {  	v14 =	vsel vm9, $0x4D1, v14  }
0x225: {  	v14 =	vsel vm10, $0x4D2, v14;
	(erf) = vpow2.f32 v13  }
0x226: {  	v13 =	vsel vm11, $0x4D3, v14  }
0x227: {  	v13 =	vsel vm12, $0x4E0, v13  }
0x228: {  	v13 =	vsel vm13, $0x4E1, v13  }
0x229: {  	v13 =	vsel vm14, $0x4E2, v13  }
0x22a: {  	v13 =	vsel vm4, $0x4E3, v13  }
0x22b: {  	v13 =	vsel vm1, $0x4F0, v13  }
0x22c: {  	v14 =	vor.u32 $0x4C, v4;
	v13 =	vsel vm2, $0x4F1, v13  }
0x22d: {  	v13 =	vsel vm3, $0x4F2, v13  }
0x22e: {  	v16 =	vpop (erf)  }
0x22f: {  	[tilespmem:v51+s20+$0x0] =	vst.idx.msk $0xffff, v16  }
0x230: {  	v16 =	vld.idx.msk [tilespmem:v53+s20+$0x0], $0xffff  }
0x231: {  	v14 =	vld.idx.msk [tilespmem:v14+s19+$0x0], $0xffff  }
0x232: {  	v13 =	vld.idx.msk [tilespmem:v13+s21+$0x0], $0xffff;
	_ =	sdelay $0x4  }
0x233: {  	v14 =	vmul.f32 v14, v11;
	v13 =	vadd.f32 v13, v16;
	_ =	sdelay $0x1  }
0x234: {  	v13 =	vadd.f32 v14, v13;
	_ =	sdelay $0x1  }
0x235: {  	v14 =	vmul.f32 $2.000000030e-01, v13  }
0x236: {  	vm0 =	vgt.f32 v13, $0.0e+00  }
0x237: {  	v13 =	vsel vm0, v13, v14  }
0x238: {  	v13 =	vmul.f32 $1.442695020e+00, v13;
	_ =	sdelay $0x1  }
0x239: {  	(erf) = vpow2.f32 v13;
	_ =	sdelay $0x4  }
0x23a: {  	v13 =	vlaneseq.u32  }
0x23b: {  	v13 =	vshrl.u32 v13, $0x1;
	_ =	sdelay $0x2  }
0x23c: {  	v14 =	vpop (erf)  }
0x23d: {  	[tilespmem:v53+s20+$0x0] =	vst.idx.msk $0xffff, v14  }
0x23e: {  	v14 =	vld.idx.msk [tilespmem:v13+s19+$0x0], $0xffff;
	_ =	sdelay $0x1  }
0x23f: {  	v16 =	vor.u32 $0x8, v13;
	_ =	sdelay $0x2  }
0x240: {  	v14 =	vsel vm15, $0x3F800000, v14  }
0x241: {  	[tilespmem:v54+s20+$0x0] =	vst.idx.msk $0xffff, v14  }
0x242: {  	v14 =	vld.idx.msk [tilespmem:v16+s19+$0x0], $0xffff;
	_ =	sdelay $0x1  }
0x243: {  	v16 =	vor.u32 $0x10, v13;
	_ =	sdelay $0x2  }
0x244: {  	v14 =	vsel vm15, $0x3F800000, v14  }
0x245: {  	[tilespmem:v55+s20+$0x0] =	vst.idx.msk $0xffff, v14  }
0x246: {  	v14 =	vld.idx.msk [tilespmem:v16+s19+$0x0], $0xffff;
	_ =	sdelay $0x1  }
0x247: {  	v16 =	vor.u32 $0x18, v13;
	_ =	sdelay $0x2  }
0x248: {  	v14 =	vsel vm15, $0x3F800000, v14  }
0x249: {  	[tilespmem:v56+s20+$0x0] =	vst.idx.msk $0xffff, v14  }
0x24a: {  	v14 =	vld.idx.msk [tilespmem:v16+s19+$0x0], $0xffff;
	_ =	sdelay $0x1  }
0x24b: {  	v16 =	vor.u32 $0x20, v13;
	_ =	sdelay $0x2  }
0x24c: {  	v14 =	vsel vm15, $0x3F800000, v14  }
0x24d: {  	[tilespmem:v57+s20+$0x0] =	vst.idx.msk $0xffff, v14  }
0x24e: {  	v14 =	vld.idx.msk [tilespmem:v16+s19+$0x0], $0xffff;
	_ =	sdelay $0x1  }
0x24f: {  	v16 =	vor.u32 $0x28, v13;
	_ =	sdelay $0x2  }
0x250: {  	v14 =	vsel vm15, $0x3F800000, v14  }
0x251: {  	[tilespmem:v58+s20+$0x0] =	vst.idx.msk $0xffff, v14  }
0x252: {  	v14 =	vld.idx.msk [tilespmem:v16+s19+$0x0], $0xffff;
	_ =	sdelay $0x1  }
0x253: {  	v16 =	vor.u32 $0x30, v13;
	_ =	sdelay $0x2  }
0x254: {  	v14 =	vsel vm15, $0x3F800000, v14  }
0x255: {  	[tilespmem:v59+s20+$0x0] =	vst.idx.msk $0xffff, v14  }
0x256: {  	v14 =	vld.idx.msk [tilespmem:v16+s19+$0x0], $0xffff;
	_ =	sdelay $0x1  }
0x257: {  	v16 =	vor.u32 $0x38, v13;
	_ =	sdelay $0x2  }
0x258: {  	v14 =	vsel vm15, $0x3F800000, v14  }
0x259: {  	[tilespmem:v60+s20+$0x0] =	vst.idx.msk $0xffff, v14  }
0x25a: {  	v14 =	vld.idx.msk [tilespmem:v16+s19+$0x0], $0xffff;
	_ =	sdelay $0x1  }
0x25b: {  	v16 =	vor.u32 $0x40, v13;
	_ =	sdelay $0x2  }
0x25c: {  	v14 =	vsel vm15, $0x3F800000, v14  }
0x25d: {  	[tilespmem:v61+s20+$0x0] =	vst.idx.msk $0xffff, v14  }
0x25e: {  	v14 =	vld.idx.msk [tilespmem:v16+s19+$0x0], $0xffff;
	_ =	sdelay $0x1  }
0x25f: {  	v13 =	vor.u32 $0x48, v13;
	_ =	sdelay $0x1  }
0x260: {  	v16 =	vmov s31  }
0x261: {  	v16 =	vmul.u32 $0x50, v16;
	v14 =	vsel vm15, $0x3F800000, v14  }
0x262: {  	[tilespmem:v62+s20+$0x0] =	vst.idx.msk $0xffff, v14  }
0x263: {  	v14 =	vadd.s32 $0x40, v16;
	v13 =	vld.idx.msk [tilespmem:v13+s19+$0x0], $0xffff  }
0x264: {  	v14 =	vbroadcast v14, $0x0;
	_ =	sdelay $0x3  }
0x265: {  	v13 =	vsel vm15, $0x3F800000, v13  }
0x266: {  	[tilespmem:v63+s20+$0x0] =	vst.idx.msk $0xffff, v13  }
0x267: {  	s25 =	simm.s32 $0x190;
	v13 =	vld.idx.msk [tilespmem:v14+s20+$0x0], $0xffff  }
0x268: {  	v14 =	vld [tilespmem:s25+$0xFFFFFF60]  }
0x269: {  	v17 =	vadd.s32 $0x41, v16  }
0x26a: {  	v17 =	vbroadcast v17, $0x0;
	_ =	sdelay $0x2  }
0x26b: {  	v13 =	vmul.f32 v14, v13;
	_ =	sdelay $0x1  }
0x26c: {  	v14 =	vld [tilespmem:s25+$0xFFFFFF70];
	[tilespmem:s25+$0xFFFFFF60] =	vst v13  }
0x26d: {  	v13 =	vld.idx.msk [tilespmem:v17+s20+$0x0], $0xffff  }
0x26e: {  	v17 =	vadd.s32 $0x42, v16  }
0x26f: {  	v17 =	vbroadcast v17, $0x0;
	_ =	sdelay $0x2  }
0x270: {  	v13 =	vmul.f32 v14, v13;
	_ =	sdelay $0x1  }
0x271: {  	v14 =	vld [tilespmem:s25+$0xFFFFFF80];
	[tilespmem:s25+$0xFFFFFF70] =	vst v13  }
0x272: {  	v13 =	vld.idx.msk [tilespmem:v17+s20+$0x0], $0xffff  }
0x273: {  	v16 =	vadd.s32 $0x43, v16  }
0x274: {  	v16 =	vbroadcast v16, $0x0;
	_ =	sdelay $0x2  }
0x275: {  	v13 =	vmul.f32 v14, v13  }
0x276: {  	s29 =	simm.s32 $0x1  }
0x277: {  	[tilespmem:s25+$0xFFFFFF80] =	vst v13;
	v13 =	vmov s29  }
0x278: {  	v14 =	vld.idx.msk [tilespmem:v16+s20+$0x0], $0xffff;
	v13 =	vmul.u32 $0x50, v13  }
0x279: {  	v16 =	vld [tilespmem:s25+$0xFFFFFF90]  }
0x27a: {  	v17 =	vadd.s32 $0x40, v13  }
0x27b: {  	v17 =	vbroadcast v17, $0x0;
	_ =	sdelay $0x2  }
0x27c: {  	v14 =	vmul.f32 v16, v14;
	_ =	sdelay $0x1  }
0x27d: {  	v16 =	vld [tilespmem:s25+$0xFFFFFFB0];
	[tilespmem:s25+$0xFFFFFF90] =	vst v14  }
0x27e: {  	v14 =	vld.idx.msk [tilespmem:v17+s20+$0x0], $0xffff  }
0x27f: {  	v17 =	vadd.s32 $0x41, v13  }
0x280: {  	v17 =	vbroadcast v17, $0x0;
	_ =	sdelay $0x2  }
0x281: {  	v14 =	vmul.f32 v16, v14;
	_ =	sdelay $0x1  }
0x282: {  	v16 =	vld [tilespmem:s25+$0xFFFFFFC0];
	[tilespmem:s25+$0xFFFFFFB0] =	vst v14  }
0x283: {  	v14 =	vld.idx.msk [tilespmem:v17+s20+$0x0], $0xffff  }
0x284: {  	v17 =	vadd.s32 $0x42, v13  }
0x285: {  	v17 =	vbroadcast v17, $0x0;
	_ =	sdelay $0x2  }
0x286: {  	v14 =	vmul.f32 v16, v14;
	_ =	sdelay $0x1  }
0x287: {  	v16 =	vld [tilespmem:s25+$0xFFFFFFD0];
	[tilespmem:s25+$0xFFFFFFC0] =	vst v14  }
0x288: {  	v14 =	vld.idx.msk [tilespmem:v17+s20+$0x0], $0xffff;
	_ =	sdelay $0x1  }
0x289: {  	v13 =	vadd.s32 $0x43, v13  }
0x28a: {  	v13 =	vbroadcast v13, $0x0;
	_ =	sdelay $0x1  }
0x28b: {  	v14 =	vmul.f32 v16, v14  }
0x28c: {  	s30 =	simm.s32 $0x2  }
0x28d: {  	[tilespmem:s25+$0xFFFFFFD0] =	vst v14;
	v14 =	vmov s30  }
0x28e: {  	v16 =	vld [tilespmem:s25+$0xFFFFFFE0];
	v14 =	vmul.u32 $0x50, v14  }
0x28f: {  	v13 =	vld.idx.msk [tilespmem:v13+s20+$0x0], $0xffff  }
0x290: {  	v17 =	vadd.s32 $0x40, v14  }
0x291: {  	v17 =	vbroadcast v17, $0x0;
	_ =	sdelay $0x2  }
0x292: {  	v13 =	vmul.f32 v16, v13;
	_ =	sdelay $0x1  }
0x293: {  	v16 =	vld [tilespmem:s25+$0x0];
	[tilespmem:s25+$0xFFFFFFE0] =	vst v13  }
0x294: {  	v13 =	vld.idx.msk [tilespmem:v17+s20+$0x0], $0xffff  }
0x295: {  	v17 =	vadd.s32 $0x41, v14  }
0x296: {  	v17 =	vbroadcast v17, $0x0;
	_ =	sdelay $0x2  }
0x297: {  	v13 =	vmul.f32 v16, v13;
	_ =	sdelay $0x1  }
0x298: {  	v16 =	vld [tilespmem:s25+$0x10];
	[tilespmem:s25+$0x0] =	vst v13  }
0x299: {  	v13 =	vld.idx.msk [tilespmem:v17+s20+$0x0], $0xffff  }
0x29a: {  	v17 =	vadd.s32 $0x42, v14  }
0x29b: {  	v17 =	vbroadcast v17, $0x0;
	_ =	sdelay $0x2  }
0x29c: {  	v13 =	vmul.f32 v16, v13;
	_ =	sdelay $0x1  }
0x29d: {  	v16 =	vld [tilespmem:s25+$0x20];
	[tilespmem:s25+$0x10] =	vst v13  }
0x29e: {  	v13 =	vld.idx.msk [tilespmem:v17+s20+$0x0], $0xffff;
	_ =	sdelay $0x1  }
0x29f: {  	v14 =	vadd.s32 $0x43, v14  }
0x2a0: {  	v14 =	vbroadcast v14, $0x0;
	_ =	sdelay $0x1  }
0x2a1: {  	v13 =	vmul.f32 v16, v13  }
0x2a2: {  	s31 =	simm.s32 $0x3  }
0x2a3: {  	[tilespmem:s25+$0x20] =	vst v13;
	v13 =	vmov s31  }
0x2a4: {  	v16 =	vld [tilespmem:s25+$0x30];
	v13 =	vmul.u32 $0x50, v13  }
0x2a5: {  	v14 =	vld.idx.msk [tilespmem:v14+s20+$0x0], $0xffff  }
0x2a6: {  	v17 =	vadd.s32 $0x40, v13  }
0x2a7: {  	v17 =	vbroadcast v17, $0x0;
	_ =	sdelay $0x2  }
0x2a8: {  	v14 =	vmul.f32 v16, v14;
	_ =	sdelay $0x1  }
0x2a9: {  	v16 =	vld [tilespmem:s25+$0x50];
	[tilespmem:s25+$0x30] =	vst v14  }
0x2aa: {  	v14 =	vld.idx.msk [tilespmem:v17+s20+$0x0], $0xffff  }
0x2ab: {  	v17 =	vadd.s32 $0x41, v13  }
0x2ac: {  	v17 =	vbroadcast v17, $0x0;
	_ =	sdelay $0x2  }
0x2ad: {  	v14 =	vmul.f32 v16, v14;
	_ =	sdelay $0x1  }
0x2ae: {  	v16 =	vld [tilespmem:s25+$0x60];
	[tilespmem:s25+$0x50] =	vst v14  }
0x2af: {  	v14 =	vld.idx.msk [tilespmem:v17+s20+$0x0], $0xffff  }
0x2b0: {  	v17 =	vadd.s32 $0x42, v13  }
0x2b1: {  	v17 =	vbroadcast v17, $0x0;
	_ =	sdelay $0x2  }
0x2b2: {  	v14 =	vmul.f32 v16, v14;
	_ =	sdelay $0x1  }
0x2b3: {  	v16 =	vld [tilespmem:s25+$0x70];
	[tilespmem:s25+$0x60] =	vst v14  }
0x2b4: {  	v14 =	vld.idx.msk [tilespmem:v17+s20+$0x0], $0xffff  }
0x2b5: {  	v13 =	vadd.s32 $0x43, v13  }
0x2b6: {  	v13 =	vbroadcast v13, $0x0;
	_ =	sdelay $0x2  }
0x2b7: {  	v14 =	vmul.f32 v16, v14  }
0x2b8: {  	s28 =	simm.s32 $0x4;
	s26 =	simm.s32 $0x0  }
.LBB2_3:
0x2b9: {  	v16 =	vmov s28;
	s26 =	sadd.s32 $0x10, s26;
	[tilespmem:s25+$0x70] =	vst v14  }
0x2ba: {  	v14 =	vmul.u32 $0x50, v16;
	p0 =	slt.u32 s26, $0x130;
	v13 =	vld.idx.msk [tilespmem:v13+s20+$0x0], $0xffff  }
0x2bb: {  	v16 =	vld [tilespmem:s25+$0x80]  }
0x2bc: {  	v17 =	vadd.s32 $0x40, v14  }
0x2bd: {  	v17 =	vbroadcast v17, $0x0;
	_ =	sdelay $0x2  }
0x2be: {  	v13 =	vmul.f32 v16, v13;
	_ =	sdelay $0x1  }
0x2bf: {  	[tilespmem:s25+$0x80] =	vst v13  }
0x2c0: {  	s25 =	sadd.s32 $0x140, s25;
	v13 =	vld.idx.msk [tilespmem:v17+s20+$0x0], $0xffff  }
0x2c1: {  	v16 =	vld [tilespmem:s25+$0xFFFFFF60]  }
0x2c2: {  	v17 =	vadd.s32 $0x41, v14  }
0x2c3: {  	v17 =	vbroadcast v17, $0x0;
	_ =	sdelay $0x2  }
0x2c4: {  	v13 =	vmul.f32 v16, v13;
	_ =	sdelay $0x1  }
0x2c5: {  	[tilespmem:s25+$0xFFFFFF60] =	vst v13  }
0x2c6: {  	v13 =	vld.idx.msk [tilespmem:v17+s20+$0x0], $0xffff  }
0x2c7: {  	v16 =	vld [tilespmem:s25+$0xFFFFFF70]  }
0x2c8: {  	v17 =	vadd.s32 $0x42, v14  }
0x2c9: {  	v17 =	vbroadcast v17, $0x0;
	_ =	sdelay $0x2  }
0x2ca: {  	v13 =	vmul.f32 v16, v13;
	_ =	sdelay $0x1  }
0x2cb: {  	[tilespmem:s25+$0xFFFFFF70] =	vst v13  }
0x2cc: {  	v13 =	vld.idx.msk [tilespmem:v17+s20+$0x0], $0xffff  }
0x2cd: {  	v16 =	vld [tilespmem:s25+$0xFFFFFF80]  }
0x2ce: {  	v14 =	vadd.s32 $0x43, v14  }
0x2cf: {  	v14 =	vbroadcast v14, $0x0;
	_ =	sdelay $0x2  }
0x2d0: {  	v13 =	vmul.f32 v16, v13  }
0x2d1: {  	s29 =	sadd.s32 $0x1, s28  }
0x2d2: {  	[tilespmem:s25+$0xFFFFFF80] =	vst v13;
	v13 =	vmov s29  }
0x2d3: {  	v14 =	vld.idx.msk [tilespmem:v14+s20+$0x0], $0xffff;
	v13 =	vmul.u32 $0x50, v13  }
0x2d4: {  	v16 =	vld [tilespmem:s25+$0xFFFFFF90]  }
0x2d5: {  	v17 =	vadd.s32 $0x40, v13  }
0x2d6: {  	v17 =	vbroadcast v17, $0x0;
	_ =	sdelay $0x2  }
0x2d7: {  	v14 =	vmul.f32 v16, v14;
	_ =	sdelay $0x1  }
0x2d8: {  	[tilespmem:s25+$0xFFFFFF90] =	vst v14  }
0x2d9: {  	v14 =	vld.idx.msk [tilespmem:v17+s20+$0x0], $0xffff  }
0x2da: {  	v16 =	vld [tilespmem:s25+$0xFFFFFFB0]  }
0x2db: {  	v17 =	vadd.s32 $0x41, v13  }
0x2dc: {  	v17 =	vbroadcast v17, $0x0;
	_ =	sdelay $0x2  }
0x2dd: {  	v14 =	vmul.f32 v16, v14;
	_ =	sdelay $0x1  }
0x2de: {  	[tilespmem:s25+$0xFFFFFFB0] =	vst v14  }
0x2df: {  	v14 =	vld.idx.msk [tilespmem:v17+s20+$0x0], $0xffff  }
0x2e0: {  	v16 =	vld [tilespmem:s25+$0xFFFFFFC0]  }
0x2e1: {  	v17 =	vadd.s32 $0x42, v13  }
0x2e2: {  	v17 =	vbroadcast v17, $0x0;
	_ =	sdelay $0x2  }
0x2e3: {  	v14 =	vmul.f32 v16, v14;
	_ =	sdelay $0x1  }
0x2e4: {  	[tilespmem:s25+$0xFFFFFFC0] =	vst v14  }
0x2e5: {  	v14 =	vld.idx.msk [tilespmem:v17+s20+$0x0], $0xffff  }
0x2e6: {  	v16 =	vld [tilespmem:s25+$0xFFFFFFD0]  }
0x2e7: {  	v13 =	vadd.s32 $0x43, v13  }
0x2e8: {  	v13 =	vbroadcast v13, $0x0;
	_ =	sdelay $0x2  }
0x2e9: {  	v14 =	vmul.f32 v16, v14  }
0x2ea: {  	s29 =	sadd.s32 $0x2, s28  }
0x2eb: {  	[tilespmem:s25+$0xFFFFFFD0] =	vst v14;
	v14 =	vmov s29  }
0x2ec: {  	v13 =	vld.idx.msk [tilespmem:v13+s20+$0x0], $0xffff;
	v14 =	vmul.u32 $0x50, v14  }
0x2ed: {  	v16 =	vld [tilespmem:s25+$0xFFFFFFE0]  }
0x2ee: {  	v17 =	vadd.s32 $0x40, v14  }
0x2ef: {  	v17 =	vbroadcast v17, $0x0;
	_ =	sdelay $0x2  }
0x2f0: {  	v13 =	vmul.f32 v16, v13;
	_ =	sdelay $0x1  }
0x2f1: {  	[tilespmem:s25+$0xFFFFFFE0] =	vst v13  }
0x2f2: {  	v13 =	vld.idx.msk [tilespmem:v17+s20+$0x0], $0xffff  }
0x2f3: {  	v16 =	vld [tilespmem:s25+$0x0]  }
0x2f4: {  	v17 =	vadd.s32 $0x41, v14  }
0x2f5: {  	v17 =	vbroadcast v17, $0x0;
	_ =	sdelay $0x2  }
0x2f6: {  	v13 =	vmul.f32 v16, v13;
	_ =	sdelay $0x1  }
0x2f7: {  	[tilespmem:s25+$0x0] =	vst v13  }
0x2f8: {  	v13 =	vld.idx.msk [tilespmem:v17+s20+$0x0], $0xffff  }
0x2f9: {  	v16 =	vld [tilespmem:s25+$0x10]  }
0x2fa: {  	v17 =	vadd.s32 $0x42, v14  }
0x2fb: {  	v17 =	vbroadcast v17, $0x0;
	_ =	sdelay $0x2  }
0x2fc: {  	v13 =	vmul.f32 v16, v13;
	_ =	sdelay $0x1  }
0x2fd: {  	[tilespmem:s25+$0x10] =	vst v13  }
0x2fe: {  	v13 =	vld.idx.msk [tilespmem:v17+s20+$0x0], $0xffff  }
0x2ff: {  	v16 =	vld [tilespmem:s25+$0x20]  }
0x300: {  	v14 =	vadd.s32 $0x43, v14  }
0x301: {  	v14 =	vbroadcast v14, $0x0;
	_ =	sdelay $0x2  }
0x302: {  	v13 =	vmul.f32 v16, v13  }
0x303: {  	s29 =	sadd.s32 $0x3, s28  }
0x304: {  	[tilespmem:s25+$0x20] =	vst v13;
	v13 =	vmov s29  }
0x305: {  	v14 =	vld.idx.msk [tilespmem:v14+s20+$0x0], $0xffff;
	v13 =	vmul.u32 $0x50, v13  }
0x306: {  	v16 =	vld [tilespmem:s25+$0x30]  }
0x307: {  	v17 =	vadd.s32 $0x40, v13  }
0x308: {  	v17 =	vbroadcast v17, $0x0;
	_ =	sdelay $0x2  }
0x309: {  	v14 =	vmul.f32 v16, v14;
	_ =	sdelay $0x1  }
0x30a: {  	[tilespmem:s25+$0x30] =	vst v14  }
0x30b: {  	v14 =	vld.idx.msk [tilespmem:v17+s20+$0x0], $0xffff  }
0x30c: {  	v16 =	vld [tilespmem:s25+$0x50]  }
0x30d: {  	v17 =	vadd.s32 $0x41, v13  }
0x30e: {  	v17 =	vbroadcast v17, $0x0;
	_ =	sdelay $0x2  }
0x30f: {  	v14 =	vmul.f32 v16, v14;
	_ =	sdelay $0x1  }
0x310: {  	[tilespmem:s25+$0x50] =	vst v14  }
0x311: {  	v14 =	vld.idx.msk [tilespmem:v17+s20+$0x0], $0xffff  }
0x312: {  	v16 =	vld [tilespmem:s25+$0x60]  }
0x313: {  	v17 =	vadd.s32 $0x42, v13  }
0x314: {  	v17 =	vbroadcast v17, $0x0;
	_ =	sdelay $0x2  }
0x315: {  	v14 =	vmul.f32 v16, v14;
	_ =	sdelay $0x1  }
0x316: {  	[tilespmem:s25+$0x60] =	vst v14  }
0x317: {  	v14 =	vld.idx.msk [tilespmem:v17+s20+$0x0], $0xffff  }
0x318: {  	v16 =	vld [tilespmem:s25+$0x70]  }
0x319: {  	v13 =	vadd.s32 $0x43, v13  }
.Ltmp0:
0x31a: {  	v13 =	vbroadcast v13, $0x0;
	(pc) =	sbr.rel @p0 .LBB2_3-.Ltmp0, $3  }
0x31b: {  	_ =	sdelay $0x1  }
0x31c: {  	v14 =	vmul.f32 v16, v14  }
0x31d: {  	s28 =	sadd.s32 $0x4, s28  }
0x31e: {  	_ =	sdelay $0x2  }
0x31f: {  	[tilespmem:s25+$0x70] =	vst v14;
	v14 =	vld [tilespmem:s25+$0x80]  }
0x320: {  	v13 =	vld.idx.msk [tilespmem:v13+s20+$0x0], $0xffff;
	_ =	sdelay $0x4  }
0x321: {  	s24 =	sadd.s32 $0x1, s24;
	v13 =	vmul.f32 v14, v13  }
0x322: {  	p0 =	sne.s32 s24, $0xFA  }
.Ltmp1:
0x323: {  	[tilespmem:s25+$0x80] =	vst v13;
	(pc) =	sbr.rel @p0 .LBB2_2-.Ltmp1, $4  }
0x324: {  	[spmem:s2] =	stream.indirect.scatter.add.f32 [tilespmem:s20], [sflag:$0x2], $0x50, s18, s18, $0xb8;
	[tilespmem:$0x1AF00] =	vst v63  }
0x325: {  	_ =	swait.ge [sflag:s16], $0x1900  }
0x326: {  	[sflag:s16] =	ssyncset.done $0x0  }
0x327: {  	[sflag:s16] =	ssyncadd.s32 $0xFFFFE700  }
0x328: {  	s23 =	sadd.s32 $0x1, s23  }
0x329: {  	p0 =	sne.s32 s23, s14  }
.Ltmp2:
0x32a: {  	[bflag:$0x0] =	sbarrier.arrive $0xFFFF;
	(pc) =	sbr.rel @p0 .LBB2_1-.Ltmp2, $4  }
0x32b: {  	[hbm:s13], [sflag:s11] =	dma.local [spmem:s15], $0x3200  }
0x32c: {  	_ =	swait.ge [sflag:s16], $0x3200  }
0x32d: {  	[sflag:s16] =	ssyncset.done $0x0  }
0x32e: {  	[sflag:s16] =	ssyncadd.s32 $0xFFFFCE00  }
0x32f: {  	_ =	sfence.sel $0x180000  }
0x330: {  	[bflag:$0x0] =	sbarrier.arrive $0xFFFF  }
0x331: {  	p0 =	sne.s32 s4, $0x0;
	_ =	strace $0x90000047  }
0x332: {  	s0 =	sadd.s32 @!p0 $0x100000, s1;
	[bflag:$0x2] =	sbarrier.arrive $0xFFFF  }
0x333: {  	[sflag:s0] =	ssyncadd.tile.s32 @!p0 $0x1;
	_ =	shalt  }
.Lfunc_end2:
_tile_overlayer_lowered:
.L_overlay_start_2:
0x334: {  	(tag) =	ssettag $0x2  }
0x335: {  	s0 =	rddreg [dreg:$0x0];
	s2 =	stileid.u32  }
0x336: {  	s1 =	rddreg [dreg:$0x1];
	p0 =	sne.s32 s2, $0x0  }
0x337: {  	s3 =	rddreg [dreg:$0x2];
	[bflag:$0x3] =	sbarrier.arrive $0xFFFF;
	s2 =	simm.s32 @!p0 $0x1C02  }
0x338: {  	[timem:s3], [sflag:s2] =	dma.local @!p0 [hbm:s0], s1  }
0x339: {  	s0 =	simm.s32 @!p0 $0x2  }
0x33a: {  	_ =	swait.ge @!p0 [sflag:s0], s1  }
0x33b: {  	s1 =	ssub.s32 @!p0 $0x0, s1;
	[sflag:s0] =	ssyncset.done @!p0 $0x0  }
0x33c: {  	[sflag:s0] =	ssyncadd.s32 @!p0 s1  }
0x33d: {  	[bflag:$0x3] =	sbarrier.arrive $0xFFFF  }
0x33e: {  	_ =	shalt  }

</sc_bundles>
